<compile_context>
chip_gen: v7x
topology: tpu7x:2x2x1
jax: 0.10.2.dev20260603
libtpu: 0.0.44.dev20260713+nightly
codegen_flags: <defaults>
</compile_context>

<pallas_src>
import functools

import jax
import jax.numpy as jnp
from jax import lax
from jax.experimental import pallas as pl
from jax.experimental.pallas import tpu as pltpu
from jax.experimental.pallas import tpu_sc as plsc

T, H, I, E, K = 2048, 1024, 512, 16, 2
BLK = 256
NB = (T * K) // BLK + E
NPAD = NB * BLK
NW = 32
TPW = T // NW


def _take(a, idx):
    return a.at[idx].get(mode="promise_in_bounds")


def _sc_counts(ids_flat):
    mesh = plsc.VectorSubcoreMesh(core_axis_name="c", subcore_axis_name="s")

    @functools.partial(
        pl.kernel, mesh=mesh,
        out_type=jax.ShapeDtypeStruct((NW, 16), jnp.int32),
        scratch_types=[pltpu.VMEM((2 * TPW,), jnp.int32),
                       pltpu.VMEM((16,), jnp.int32)],
    )
    def k(ids_hbm, pc_hbm, ids_v, pcrow_v):
        wid = lax.axis_index("s") * 2 + lax.axis_index("c")
        pltpu.sync_copy(ids_hbm.at[pl.ds(2 * TPW * wid, 2 * TPW)], ids_v)
        iota16 = lax.iota(jnp.int32, 16)
        zero16 = jnp.zeros((16,), jnp.int32)
        one16 = jnp.full((16,), 1, jnp.int32)
        vs = [ids_v[pl.ds(16 * j, 16)] for j in range(8)]

        def splat_sum(vv):
            s = vv
            for sh in (8, 4, 2, 1):
                s = s + _take(s, jnp.bitwise_and(iota16 + sh, 15))
            return s

        def ebody(e, pcrow):
            acc = zero16
            for v in vs:
                acc = acc + one16 - jnp.minimum(jnp.abs(v - e), 1)
            eq = one16 - jnp.minimum(jnp.abs(iota16 - e), 1)
            return pcrow + eq * splat_sum(acc)

        pcrow_v[...] = lax.fori_loop(0, E, ebody, zero16)
        pltpu.sync_copy(pcrow_v, pc_hbm.at[wid])

    return k(ids_flat)


def _sc_dispatch(x, ids_flat, pc, w0, w1):
    mesh = plsc.VectorSubcoreMesh(core_axis_name="c", subcore_axis_name="s")

    @functools.partial(
        pl.kernel, mesh=mesh,
        out_type=(jax.ShapeDtypeStruct((NPAD, H), jnp.float32),
                  jax.ShapeDtypeStruct((NPAD,), jnp.float32),
                  jax.ShapeDtypeStruct((T * K,), jnp.int32),
                  jax.ShapeDtypeStruct((NB,), jnp.int32)),
        scratch_types=[pltpu.VMEM((2 * TPW,), jnp.int32),
                       pltpu.VMEM((NW, 16), jnp.int32),
                       pltpu.VMEM((2 * TPW,), jnp.int32),
                       pltpu.VMEM((NB,), jnp.int32),
                       pltpu.VMEM((TPW,), jnp.int32),
                       pltpu.VMEM((TPW,), jnp.int32),
                       pltpu.VMEM((TPW,), jnp.float32),
                       pltpu.VMEM((TPW,), jnp.float32),
                       pltpu.VMEM((TPW, H), jnp.float32),
                       pltpu.SemaphoreType.DMA,
                       pltpu.SemaphoreType.DMA,
                       pltpu.SemaphoreType.DMA,
                       pltpu.SemaphoreType.DMA,
                       pltpu.SemaphoreType.DMA((5,))],
    )
    def k(x_hbm, ids_hbm, pc_hbm, w0_hbm, w1_hbm,
          xs_hbm, ws_hbm, dest_hbm, bexp_hbm,
          ids_v, pcs_v, destb_v, bexp_v,
          i0_v, i1_v, w0_v, w1_v, rows_v, s0, s1, s2, s3, sl):
        wid = lax.axis_index("s") * 2 + lax.axis_index("c")
        base = wid * TPW
        lc = pltpu.async_copy(w0_hbm.at[pl.ds(base, TPW)], w0_v, sl.at[2])
        ld = pltpu.async_copy(w1_hbm.at[pl.ds(base, TPW)], w1_v, sl.at[3])
        le = pltpu.async_copy(x_hbm.at[pl.ds(base, TPW)], rows_v, sl.at[4])
        pltpu.sync_copy(ids_hbm.at[pl.ds(2 * base, 2 * TPW)], ids_v)
        pltpu.sync_copy(pc_hbm, pcs_v)

        iota16 = lax.iota(jnp.int32, 16)
        zero16 = jnp.zeros((16,), jnp.int32)
        one16 = jnp.full((16,), 1, jnp.int32)
        full15 = jnp.full((16,), 15, jnp.int32)

        def cumsum16(vv):
            s = vv
            for sh in (1, 2, 4, 8):
                ge = jnp.minimum(jnp.maximum(iota16 - (sh - 1), 0), 1)
                s = s + ge * _take(s, jnp.maximum(iota16 - sh, 0))
            return s

        widv = jnp.full((16,), wid, jnp.int32)
        prefix = zero16
        total = zero16
        for j in range(NW):
            row = pcs_v[j]
            lt = jnp.minimum(jnp.maximum(widv - j, 0), 1)
            total = total + row
            prefix = prefix + lt * row
        pcounts = jnp.bitwise_and(total + (BLK - 1), -BLK)
        incl = cumsum16(pcounts)
        poffs = incl - pcounts

        run = prefix
        for j in range(8):
            v = ids_v[pl.ds(16 * j, 16)]
            base_v = _take(poffs, v) + _take(run, v)

            def ebody(e, c, _v=v):
                run_c, wcnt_c = c
                mi = one16 - jnp.minimum(jnp.abs(_v - e), 1)
                im = cumsum16(mi)
                wcnt_c = wcnt_c + mi * (im - 1)
                eq = one16 - jnp.minimum(jnp.abs(iota16 - e), 1)
                run_c = run_c + eq * _take(im, full15)
                return (run_c, wcnt_c)

            run, wcnt = lax.fori_loop(0, E, ebody, (run, zero16))
            destb_v[pl.ds(16 * j, 16)] = base_v + wcnt
        wd = pltpu.async_copy(destb_v, dest_hbm.at[pl.ds(2 * base, 2 * TPW)],
                              sl.at[0])

        lo = jnp.minimum(jnp.maximum(jnp.full((16,), 8, jnp.int32)
                                     - iota16, 0), 1)
        hi = one16 - lo
        for r in range(4):
            a1 = destb_v[pl.ds(32 * r, 16)]
            b1 = destb_v[pl.ds(32 * r + 16, 16)]
            ev = (lo * _take(a1, jnp.minimum(2 * iota16, 15))
                  + hi * _take(b1, jnp.maximum(2 * (iota16 - 8), 0)))
            od = (lo * _take(a1, jnp.minimum(2 * iota16 + 1, 15))
                  + hi * _take(b1, jnp.maximum(2 * (iota16 - 8) + 1, 0)))
            i0_v[pl.ds(16 * r, 16)] = ev
            i1_v[pl.ds(16 * r, 16)] = od

        for jj in range(NB // 16):
            bv = (iota16 + 16 * jj) * BLK

            def bbody(e, cnt, _bv=bv):
                ub = _take(incl, jnp.full((16,), e, jnp.int32))
                return cnt + jnp.minimum(jnp.maximum(_bv - ub + 1, 0), 1)

            bexp_v[pl.ds(16 * jj, 16)] = jnp.minimum(
                lax.fori_loop(0, E, bbody, zero16), E - 1)
        wb = pltpu.async_copy(bexp_v, bexp_hbm, sl.at[1])

        lc.wait()
        ld.wait()
        le.wait()
        c0 = pltpu.async_copy(rows_v, xs_hbm.at[i0_v], s0)
        c1 = pltpu.async_copy(rows_v, xs_hbm.at[i1_v], s1)
        c2 = pltpu.async_copy(w0_v, ws_hbm.at[i0_v], s2)
        c3 = pltpu.async_copy(w1_v, ws_hbm.at[i1_v], s3)
        c0.wait()
        c1.wait()
        c2.wait()
        c3.wait()
        wd.wait()
        wb.wait()

    return k(x, ids_flat, pc, w0, w1)


def _tc_moe(xs, w13, w2, wsort, blk_expert):

    def body(be_ref, xs_ref, w13_ref, w2_ref, ws_ref, out_ref):
        xsb = xs_ref[...].astype(jnp.bfloat16)
        h = lax.dot_general(xsb, w13_ref[0].astype(jnp.bfloat16),
                            (((1,), (0,)), ((), ())),
                            preferred_element_type=jnp.float32)
        gate = h[:, :I]
        up = h[:, I:]
        act = gate * jax.nn.sigmoid(gate) * up
        o = lax.dot_general(act.astype(jnp.bfloat16),
                            w2_ref[0].astype(jnp.bfloat16),
                            (((1,), (0,)), ((), ())),
                            preferred_element_type=jnp.float32)
        out_ref[...] = o * ws_ref[...]

    grid_spec = pltpu.PrefetchScalarGridSpec(
        num_scalar_prefetch=1,
        grid=(NB,),
        in_specs=[
            pl.BlockSpec((BLK, H), lambda b, be: (b, 0)),
            pl.BlockSpec((1, H, 2 * I), lambda b, be: (be[b], 0, 0)),
            pl.BlockSpec((1, I, H), lambda b, be: (be[b], 0, 0)),
            pl.BlockSpec((BLK, 1), lambda b, be: (b, 0)),
        ],
        out_specs=pl.BlockSpec((BLK, H), lambda b, be: (b, 0)),
    )
    return pl.pallas_call(
        body, grid_spec=grid_spec,
        out_shape=jax.ShapeDtypeStruct((NPAD, H), jnp.float32),
    )(blk_expert, xs, w13, w2, wsort)


def _sc_combine(ys, dest):
    mesh = plsc.VectorSubcoreMesh(core_axis_name="c", subcore_axis_name="s")
    CH = 32
    nch = TPW // CH

    @functools.partial(
        pl.kernel, mesh=mesh,
        out_type=jax.ShapeDtypeStruct((T, H), jnp.float32),
        scratch_types=[pltpu.VMEM((2 * TPW,), jnp.int32),
                       pltpu.VMEM((2 * CH, H), jnp.float32),
                       pltpu.VMEM((CH, H), jnp.float32),
                       pltpu.SemaphoreType.DMA,
                       pltpu.SemaphoreType.DMA((2,))],
    )
    def k(ys_hbm, d_hbm, out_hbm, idx_v, pair_v, out_v, sg, sw):
        wid = lax.axis_index("s") * 2 + lax.axis_index("c")
        base = wid * TPW
        pltpu.sync_copy(d_hbm.at[pl.ds(2 * base, 2 * TPW)], idx_v)

        def add_pairs():
            def row(r, rc):
                @plsc.parallel_loop(0, H // 16, unroll=8)
                def col(c):
                    sl = pl.ds(c * 16, 16)
                    out_v[r, sl] = pair_v[2 * r, sl] + pair_v[2 * r + 1, sl]
                return rc

            lax.fori_loop(0, CH, row, 0)

        g = pltpu.async_copy(ys_hbm.at[idx_v.at[pl.ds(0, 2 * CH)]], pair_v, sg)
        g.wait()
        add_pairs()
        wb0 = pltpu.async_copy(out_v, out_hbm.at[pl.ds(base, CH)], sw.at[0])
        g = pltpu.async_copy(ys_hbm.at[idx_v.at[pl.ds(2 * CH, 2 * CH)]],
                             pair_v, sg)
        g.wait()
        wb0.wait()
        add_pairs()
        wb1 = pltpu.async_copy(out_v, out_hbm.at[pl.ds(base + CH, CH)],
                               sw.at[1])
        wb1.wait()

    return k(ys, dest)


def kernel(x, topk_weights, topk_ids, w13, w2):
    ids_flat = topk_ids.reshape(-1).astype(jnp.int32)
    w = topk_weights.astype(jnp.float32)
    pc = _sc_counts(ids_flat)
    xs, wsort, dest, blk_expert = _sc_dispatch(x, ids_flat, pc,
                                               w[:, 0], w[:, 1])
    ys = _tc_moe(xs, w13, w2, wsort.reshape(NPAD, 1), blk_expert)
    return _sc_combine(ys, dest)

# --- scband reference (transcript-rebuilt; emitter-appended) ---
"""Pipeline reference for scband-fused-mo-e-37752762532030 (READ-ONLY COPY).

The authoritative reference and input builder live on the scoring server;
editing this copy changes nothing except your own understanding.
"""

import jax, jax.numpy as jnp
import numpy as np

T, H, I, E, K = 2048, 1024, 512, 16, 2


def setup_inputs(seed: int = 0) -> dict:
    key = jax.random.key(seed)
    k1, k2, k3, k4, k5 = jax.random.split(key, 5)
    x = jax.random.normal(k1, (T, H), dtype=jnp.float32)
    topk_weights = jax.random.uniform(k2, (T, K), dtype=jnp.float32)
    topk_ids = jax.random.randint(k3, (T, K), 0, E).astype(jnp.int64)
    # w13: fused gate+up projection per expert, stored [E, H, 2*I] (post process_weights_after_loading transpose)
    w13 = jax.random.normal(k4, (E, H, 2 * I), dtype=jnp.float32) * 0.02
    # w2: down projection per expert, stored [E, I, H]
    w2 = jax.random.normal(k5, (E, I, H), dtype=jnp.float32) * 0.02
    return {"x": x, "topk_weights": topk_weights, "topk_ids": topk_ids, "w13": w13, "w2": w2}


def _silu(v):
    return v * jax.nn.sigmoid(v)


def reference(x, topk_weights, topk_ids, w13, w2):
    # Single-device faithful rendering of moe_infer_fusion:
    #   npu_moe_init_routing_v2 : expand tokens x top_k and sort by expert id
    #   npu_grouped_matmul(w13) : per-expert GEMM for fused gate/up
    #   npu_swiglu              : silu(gate) * up
    #   npu_grouped_matmul(w2)  : per-expert down projection
    #   index_select(unsort)    : restore original expanded-row order
    #   finalize (combine)      : weighted sum over top_k using topk_weights
    Tn, Hn = x.shape
    Kn = topk_ids.shape[1]
    En = w13.shape[0]
    ids = topk_ids.reshape(-1)                              # [T*K]
    order = jnp.argsort(ids, stable=True)                   # sort expanded rows by expert
    sorted_ids = ids[order]
    src_token = order // Kn                                  # source token for each sorted expanded row

    expanded_x = x[src_token]                                # gather: tokens sorted by expert
    out_sorted = jnp.zeros((Tn * Kn, Hn), dtype=x.dtype)
    for e in range(En):
        mask = (sorted_ids == e)[:, None]
        h = expanded_x @ w13[e]                              # [T*K, 2*I] grouped matmul 1
        gate, up = jnp.split(h, 2, axis=-1)
        act = _silu(gate) * up                               # swiglu
        out_e = act @ w2[e]                                  # [T*K, H] grouped matmul 2
        out_sorted = jnp.where(mask, out_e, out_sorted)      # select rows of this expert in sorted layout

    unsort = jnp.argsort(order)                              # index_select(gathered_idxs argsort)
    expert_out = out_sorted[unsort].reshape(Tn, Kn, Hn)      # expanded-row original order
    combined = jnp.sum(expert_out * topk_weights[..., None].astype(x.dtype), axis=1)
    return combined

if __name__ == "__main__":
    import jax
    _d = setup_inputs()
    print(jax.jit(kernel)(*tuple(_d.values())))

</pallas_src>

<mosaic_0001>
#map = affine_map<(d0, d1) -> (0, 0)>
#map1 = affine_map<(d0, d1) -> (0)>
module attributes {stable_mosaic.version = 14 : i64} {
  func.func @k(%arg0: i32, %arg1: i32, %arg2: memref<8192x1024xf32, #tpu.memory_space<hbm>>, %arg3: memref<4096xi32, #tpu.memory_space<hbm>>, %arg4: memref<2048x1024xf32, #tpu.memory_space<hbm>>, %arg5: memref<128xi32, #tpu.memory_space<vmem>>, %arg6: memref<64x1024xf32, #tpu.memory_space<vmem>>, %arg7: memref<32x1024xf32, #tpu.memory_space<vmem>>, %arg8: memref<!tpu.dma_semaphore, #tpu.memory_space<semaphore_mem>>, %arg9: memref<2x!tpu.dma_semaphore, #tpu.memory_space<semaphore_mem>>) attributes {dimension_semantics = [#tpu.dimension_semantics<core_parallel>, #tpu.dimension_semantics<subcore_parallel>], iteration_bounds = array<i64: 2, 16>, scalar_prefetch = 0 : i64, scratch_operands = 5 : i64, tpu.core_type = #tpu.core_type<sc_vector_subcore>, window_params = [{transform_indices = #map}, {transform_indices = #map1}, {transform_indices = #map}]} {
    %mul3A = arith.constant 2 : i32
    %mul3A_0 = arith.muli %arg1, %mul3A : i32
    %add3A = arith.addi %mul3A_0, %arg0 : i32
    %mul3A_1 = arith.constant 64 : i32
    %mul3A_2 = arith.muli %add3A, %mul3A_1 : i32
    %mul3A_3 = arith.constant 2 : i32
    %mul3A_4 = arith.muli %mul3A_3, %mul3A_2 : i32
    "tpu.region"() ({
      %run_scoped3A = tpu.sem_alloc : memref<!tpu.dma_semaphore, #tpu.memory_space<semaphore_mem>>
      %dma_start3A_64 = tpu.memref_slice %arg3[%mul3A_4] : memref<4096xi32, #tpu.memory_space<hbm>> -> memref<128xi32, #tpu.memory_space<hbm>>
      %dma_start3A_65 = tpu.memref_slice %arg3[%mul3A_4] : memref<4096xi32, #tpu.memory_space<hbm>> -> memref<128xi32, #tpu.memory_space<hbm>>
      tpu.enqueue_dma source(%dma_start3A_65 : memref<128xi32, #tpu.memory_space<hbm>>) target(%arg5 : memref<128xi32, #tpu.memory_space<vmem>>) target_semaphore(%run_scoped3A : memref<!tpu.dma_semaphore, #tpu.memory_space<semaphore_mem>>)
      %dma_wait3A_66 = tpu.memref_slice %arg3[%mul3A_4] : memref<4096xi32, #tpu.memory_space<hbm>> -> memref<128xi32, #tpu.memory_space<hbm>>
      %dma_wait3A_67 = tpu.memref_slice %arg3[%mul3A_4] : memref<4096xi32, #tpu.memory_space<hbm>> -> memref<128xi32, #tpu.memory_space<hbm>>
      tpu.wait_dma2 semaphore(%run_scoped3A : memref<!tpu.dma_semaphore, #tpu.memory_space<semaphore_mem>>) src(%dma_wait3A_67 : memref<128xi32, #tpu.memory_space<hbm>>) dst(%arg5 : memref<128xi32, #tpu.memory_space<vmem>>)
      tpu.yield
    }) : () -> ()
    %dma_start3A = arith.constant 0 : i32
    %dma_start3A_5 = tpu.memref_slice %arg5[%dma_start3A] : memref<128xi32, #tpu.memory_space<vmem>> -> memref<64xi32, #tpu.memory_space<vmem>>
    %dma_start3A_6 = arith.constant 0 : i32
    %dma_start3A_7 = arith.constant 0 : i32
    %dma_start3A_8 = tpu.memref_slice %arg2[%dma_start3A_6, %dma_start3A_7] : memref<8192x1024xf32, #tpu.memory_space<hbm>> -> memref<8192x1024xf32, #tpu.memory_space<hbm>>
    tpu.enqueue_indirect_dma source(%dma_start3A_8 : memref<8192x1024xf32, #tpu.memory_space<hbm>>) target(%arg6 : memref<64x1024xf32, #tpu.memory_space<vmem>>) offsets(%dma_start3A_5 : memref<64xi32, #tpu.memory_space<vmem>>) semaphore(%arg8 : memref<!tpu.dma_semaphore, #tpu.memory_space<semaphore_mem>>)
    %dma_wait3A = arith.constant 0 : i32
    %dma_wait3A_9 = tpu.memref_slice %arg5[%dma_wait3A] : memref<128xi32, #tpu.memory_space<vmem>> -> memref<64xi32, #tpu.memory_space<vmem>>
    %dma_wait3A_10 = arith.constant 0 : i32
    %dma_wait3A_11 = arith.constant 0 : i32
    %dma_wait3A_12 = tpu.memref_slice %arg2[%dma_wait3A_10, %dma_wait3A_11] : memref<8192x1024xf32, #tpu.memory_space<hbm>> -> memref<8192x1024xf32, #tpu.memory_space<hbm>>
    tpu.wait_indirect_dma semaphore(%arg8 : memref<!tpu.dma_semaphore, #tpu.memory_space<semaphore_mem>>) src(%dma_wait3A_12 : memref<8192x1024xf32, #tpu.memory_space<hbm>>) dst(%arg6 : memref<64x1024xf32, #tpu.memory_space<vmem>>)
    %scan3A = arith.constant 0 : i32
    %scan3A_13 = arith.constant 0 : i32
    %scan3A_14 = arith.constant 32 : i32
    %scan3A_15 = arith.addi %scan3A_13, %scan3A_14 : i32
    %scan3A_16 = arith.constant 1 : i32
    scf.for %scan3A_64 = %scan3A_13 to %scan3A_15 step %scan3A_16  : i32 {
      %parallel_loop3A = arith.constant 0 : i32
      %parallel_loop3A_65 = arith.constant 64 : i32
      %parallel_loop3A_66 = arith.constant 1 : i32
      scf.for %parallel_loop3A_67 = %parallel_loop3A to %parallel_loop3A_65 step %parallel_loop3A_66  : i32 {
        %parallel_loop3A_68 = arith.constant 16 : i32
        %parallel_loop3A_69 = arith.muli %parallel_loop3A_67, %parallel_loop3A_68 : i32
        %parallel_loop3A_70 = arith.constant 2 : i32
        %parallel_loop3A_71 = arith.muli %parallel_loop3A_70, %scan3A_64 : i32
        %parallel_loop3A_72 = arith.index_cast %parallel_loop3A_71 : i32 to index
        %parallel_loop3A_73 = arith.index_cast %parallel_loop3A_69 : i32 to index
        %parallel_loop3A_74 = tpu.vector_load %arg6[%parallel_loop3A_72, %parallel_loop3A_73] {strides = array<i32>} : memref<64x1024xf32, #tpu.memory_space<vmem>>, vector<1x16xf32>,
        %parallel_loop3A_75 = vector.shape_cast %parallel_loop3A_74 : vector<1x16xf32> to vector<16xf32>
        %parallel_loop3A_76 = arith.constant 2 : i32
        %parallel_loop3A_77 = arith.muli %parallel_loop3A_76, %scan3A_64 : i32
        %parallel_loop3A_78 = arith.constant 1 : i32
        %parallel_loop3A_79 = arith.addi %parallel_loop3A_77, %parallel_loop3A_78 : i32
        %parallel_loop3A_80 = arith.index_cast %parallel_loop3A_79 : i32 to index
        %parallel_loop3A_81 = arith.index_cast %parallel_loop3A_69 : i32 to index
        %parallel_loop3A_82 = tpu.vector_load %arg6[%parallel_loop3A_80, %parallel_loop3A_81] {strides = array<i32>} : memref<64x1024xf32, #tpu.memory_space<vmem>>, vector<1x16xf32>,
        %parallel_loop3A_83 = vector.shape_cast %parallel_loop3A_82 : vector<1x16xf32> to vector<16xf32>
        %parallel_loop3A_84 = arith.addf %parallel_loop3A_75, %parallel_loop3A_83 : vector<16xf32>
        %parallel_loop3A_85 = arith.index_cast %scan3A_64 : i32 to index
        %parallel_loop3A_86 = arith.index_cast %parallel_loop3A_69 : i32 to index
        %parallel_loop3A_87 = tpu.vector_load %arg7[%parallel_loop3A_85, %parallel_loop3A_86] {strides = array<i32>} : memref<32x1024xf32, #tpu.memory_space<vmem>>, vector<1x16xf32>,
        %parallel_loop3A_88 = vector.shape_cast %parallel_loop3A_87 : vector<1x16xf32> to vector<16xf32>
        %parallel_loop3A_89 = vector.shape_cast %parallel_loop3A_84 : vector<16xf32> to vector<1x16xf32>
        tpu.vector_store %arg7[%parallel_loop3A_85, %parallel_loop3A_86], %parallel_loop3A_89 {strides = array<i32>} : memref<32x1024xf32, #tpu.memory_space<vmem>>, vector<1x16xf32>,
      } {sc.loop_unroll_factor = 8 : i64, sc.parallel_access}
    }
    %scan3A_17 = arith.constant 32 : i32
    %dma_start3A_18 = arith.constant 0 : i32
    %dma_start3A_19 = arith.constant 0 : i32
    %dma_start3A_20 = tpu.memref_slice %arg4[%mul3A_2, %dma_start3A_19] : memref<2048x1024xf32, #tpu.memory_space<hbm>> -> memref<32x1024xf32, #tpu.memory_space<hbm>>
    %dma_start3A_21 = tpu.memref_slice %arg9[%dma_start3A_18] : memref<2x!tpu.dma_semaphore, #tpu.memory_space<semaphore_mem>> -> memref<1x!tpu.dma_semaphore, #tpu.memory_space<semaphore_mem>>
    %dma_start3A_22 = tpu.memref_squeeze %dma_start3A_21 : memref<1x!tpu.dma_semaphore, #tpu.memory_space<semaphore_mem>> -> memref<!tpu.dma_semaphore, #tpu.memory_space<semaphore_mem>>
    %dma_start3A_23 = arith.constant 0 : i32
    %dma_start3A_24 = tpu.memref_slice %arg4[%mul3A_2, %dma_start3A_23] : memref<2048x1024xf32, #tpu.memory_space<hbm>> -> memref<32x1024xf32, #tpu.memory_space<hbm>>
    tpu.enqueue_dma source(%arg7 : memref<32x1024xf32, #tpu.memory_space<vmem>>) target(%dma_start3A_24 : memref<32x1024xf32, #tpu.memory_space<hbm>>) target_semaphore(%dma_start3A_22 : memref<!tpu.dma_semaphore, #tpu.memory_space<semaphore_mem>>)
    %dma_start3A_25 = arith.constant 64 : i32
    %dma_start3A_26 = tpu.memref_slice %arg5[%dma_start3A_25] : memref<128xi32, #tpu.memory_space<vmem>> -> memref<64xi32, #tpu.memory_space<vmem>>
    %dma_start3A_27 = arith.constant 0 : i32
    %dma_start3A_28 = arith.constant 0 : i32
    %dma_start3A_29 = tpu.memref_slice %arg2[%dma_start3A_27, %dma_start3A_28] : memref<8192x1024xf32, #tpu.memory_space<hbm>> -> memref<8192x1024xf32, #tpu.memory_space<hbm>>
    tpu.enqueue_indirect_dma source(%dma_start3A_29 : memref<8192x1024xf32, #tpu.memory_space<hbm>>) target(%arg6 : memref<64x1024xf32, #tpu.memory_space<vmem>>) offsets(%dma_start3A_26 : memref<64xi32, #tpu.memory_space<vmem>>) semaphore(%arg8 : memref<!tpu.dma_semaphore, #tpu.memory_space<semaphore_mem>>)
    %dma_wait3A_30 = arith.constant 64 : i32
    %dma_wait3A_31 = tpu.memref_slice %arg5[%dma_wait3A_30] : memref<128xi32, #tpu.memory_space<vmem>> -> memref<64xi32, #tpu.memory_space<vmem>>
    %dma_wait3A_32 = arith.constant 0 : i32
    %dma_wait3A_33 = arith.constant 0 : i32
    %dma_wait3A_34 = tpu.memref_slice %arg2[%dma_wait3A_32, %dma_wait3A_33] : memref<8192x1024xf32, #tpu.memory_space<hbm>> -> memref<8192x1024xf32, #tpu.memory_space<hbm>>
    tpu.wait_indirect_dma semaphore(%arg8 : memref<!tpu.dma_semaphore, #tpu.memory_space<semaphore_mem>>) src(%dma_wait3A_34 : memref<8192x1024xf32, #tpu.memory_space<hbm>>) dst(%arg6 : memref<64x1024xf32, #tpu.memory_space<vmem>>)
    %dma_wait3A_35 = arith.constant 0 : i32
    %dma_wait3A_36 = arith.constant 0 : i32
    %dma_wait3A_37 = tpu.memref_slice %arg4[%mul3A_2, %dma_wait3A_36] : memref<2048x1024xf32, #tpu.memory_space<hbm>> -> memref<32x1024xf32, #tpu.memory_space<hbm>>
    %dma_wait3A_38 = tpu.memref_slice %arg9[%dma_wait3A_35] : memref<2x!tpu.dma_semaphore, #tpu.memory_space<semaphore_mem>> -> memref<1x!tpu.dma_semaphore, #tpu.memory_space<semaphore_mem>>
    %dma_wait3A_39 = tpu.memref_squeeze %dma_wait3A_38 : memref<1x!tpu.dma_semaphore, #tpu.memory_space<semaphore_mem>> -> memref<!tpu.dma_semaphore, #tpu.memory_space<semaphore_mem>>
    %dma_wait3A_40 = arith.constant 0 : i32
    %dma_wait3A_41 = tpu.memref_slice %arg4[%mul3A_2, %dma_wait3A_40] : memref<2048x1024xf32, #tpu.memory_space<hbm>> -> memref<32x1024xf32, #tpu.memory_space<hbm>>
    tpu.wait_dma2 semaphore(%dma_wait3A_39 : memref<!tpu.dma_semaphore, #tpu.memory_space<semaphore_mem>>) src(%arg7 : memref<32x1024xf32, #tpu.memory_space<vmem>>) dst(%dma_wait3A_41 : memref<32x1024xf32, #tpu.memory_space<hbm>>)
    %scan3A_42 = arith.constant 0 : i32
    %scan3A_43 = arith.constant 0 : i32
    %scan3A_44 = arith.constant 32 : i32
    %scan3A_45 = arith.addi %scan3A_43, %scan3A_44 : i32
    %scan3A_46 = arith.constant 1 : i32
    scf.for %scan3A_64 = %scan3A_43 to %scan3A_45 step %scan3A_46  : i32 {
      %parallel_loop3A = arith.constant 0 : i32
      %parallel_loop3A_65 = arith.constant 64 : i32
      %parallel_loop3A_66 = arith.constant 1 : i32
      scf.for %parallel_loop3A_67 = %parallel_loop3A to %parallel_loop3A_65 step %parallel_loop3A_66  : i32 {
        %parallel_loop3A_68 = arith.constant 16 : i32
        %parallel_loop3A_69 = arith.muli %parallel_loop3A_67, %parallel_loop3A_68 : i32
        %parallel_loop3A_70 = arith.constant 2 : i32
        %parallel_loop3A_71 = arith.muli %parallel_loop3A_70, %scan3A_64 : i32
        %parallel_loop3A_72 = arith.index_cast %parallel_loop3A_71 : i32 to index
        %parallel_loop3A_73 = arith.index_cast %parallel_loop3A_69 : i32 to index
        %parallel_loop3A_74 = tpu.vector_load %arg6[%parallel_loop3A_72, %parallel_loop3A_73] {strides = array<i32>} : memref<64x1024xf32, #tpu.memory_space<vmem>>, vector<1x16xf32>,
        %parallel_loop3A_75 = vector.shape_cast %parallel_loop3A_74 : vector<1x16xf32> to vector<16xf32>
        %parallel_loop3A_76 = arith.constant 2 : i32
        %parallel_loop3A_77 = arith.muli %parallel_loop3A_76, %scan3A_64 : i32
        %parallel_loop3A_78 = arith.constant 1 : i32
        %parallel_loop3A_79 = arith.addi %parallel_loop3A_77, %parallel_loop3A_78 : i32
        %parallel_loop3A_80 = arith.index_cast %parallel_loop3A_79 : i32 to index
        %parallel_loop3A_81 = arith.index_cast %parallel_loop3A_69 : i32 to index
        %parallel_loop3A_82 = tpu.vector_load %arg6[%parallel_loop3A_80, %parallel_loop3A_81] {strides = array<i32>} : memref<64x1024xf32, #tpu.memory_space<vmem>>, vector<1x16xf32>,
        %parallel_loop3A_83 = vector.shape_cast %parallel_loop3A_82 : vector<1x16xf32> to vector<16xf32>
        %parallel_loop3A_84 = arith.addf %parallel_loop3A_75, %parallel_loop3A_83 : vector<16xf32>
        %parallel_loop3A_85 = arith.index_cast %scan3A_64 : i32 to index
        %parallel_loop3A_86 = arith.index_cast %parallel_loop3A_69 : i32 to index
        %parallel_loop3A_87 = tpu.vector_load %arg7[%parallel_loop3A_85, %parallel_loop3A_86] {strides = array<i32>} : memref<32x1024xf32, #tpu.memory_space<vmem>>, vector<1x16xf32>,
        %parallel_loop3A_88 = vector.shape_cast %parallel_loop3A_87 : vector<1x16xf32> to vector<16xf32>
        %parallel_loop3A_89 = vector.shape_cast %parallel_loop3A_84 : vector<16xf32> to vector<1x16xf32>
        tpu.vector_store %arg7[%parallel_loop3A_85, %parallel_loop3A_86], %parallel_loop3A_89 {strides = array<i32>} : memref<32x1024xf32, #tpu.memory_space<vmem>>, vector<1x16xf32>,
      } {sc.loop_unroll_factor = 8 : i64, sc.parallel_access}
    }
    %scan3A_47 = arith.constant 32 : i32
    %add3A_48 = arith.constant 32 : i32
    %add3A_49 = arith.addi %mul3A_2, %add3A_48 : i32
    %dma_start3A_50 = arith.constant 1 : i32
    %dma_start3A_51 = arith.constant 0 : i32
    %dma_start3A_52 = tpu.memref_slice %arg4[%add3A_49, %dma_start3A_51] : memref<2048x1024xf32, #tpu.memory_space<hbm>> -> memref<32x1024xf32, #tpu.memory_space<hbm>>
    %dma_start3A_53 = tpu.memref_slice %arg9[%dma_start3A_50] : memref<2x!tpu.dma_semaphore, #tpu.memory_space<semaphore_mem>> -> memref<1x!tpu.dma_semaphore, #tpu.memory_space<semaphore_mem>>
    %dma_start3A_54 = tpu.memref_squeeze %dma_start3A_53 : memref<1x!tpu.dma_semaphore, #tpu.memory_space<semaphore_mem>> -> memref<!tpu.dma_semaphore, #tpu.memory_space<semaphore_mem>>
    %dma_start3A_55 = arith.constant 0 : i32
    %dma_start3A_56 = tpu.memref_slice %arg4[%add3A_49, %dma_start3A_55] : memref<2048x1024xf32, #tpu.memory_space<hbm>> -> memref<32x1024xf32, #tpu.memory_space<hbm>>
    tpu.enqueue_dma source(%arg7 : memref<32x1024xf32, #tpu.memory_space<vmem>>) target(%dma_start3A_56 : memref<32x1024xf32, #tpu.memory_space<hbm>>) target_semaphore(%dma_start3A_54 : memref<!tpu.dma_semaphore, #tpu.memory_space<semaphore_mem>>)
    %dma_wait3A_57 = arith.constant 1 : i32
    %dma_wait3A_58 = arith.constant 0 : i32
    %dma_wait3A_59 = tpu.memref_slice %arg4[%add3A_49, %dma_wait3A_58] : memref<2048x1024xf32, #tpu.memory_space<hbm>> -> memref<32x1024xf32, #tpu.memory_space<hbm>>
    %dma_wait3A_60 = tpu.memref_slice %arg9[%dma_wait3A_57] : memref<2x!tpu.dma_semaphore, #tpu.memory_space<semaphore_mem>> -> memref<1x!tpu.dma_semaphore, #tpu.memory_space<semaphore_mem>>
    %dma_wait3A_61 = tpu.memref_squeeze %dma_wait3A_60 : memref<1x!tpu.dma_semaphore, #tpu.memory_space<semaphore_mem>> -> memref<!tpu.dma_semaphore, #tpu.memory_space<semaphore_mem>>
    %dma_wait3A_62 = arith.constant 0 : i32
    %dma_wait3A_63 = tpu.memref_slice %arg4[%add3A_49, %dma_wait3A_62] : memref<2048x1024xf32, #tpu.memory_space<hbm>> -> memref<32x1024xf32, #tpu.memory_space<hbm>>
    tpu.wait_dma2 semaphore(%dma_wait3A_61 : memref<!tpu.dma_semaphore, #tpu.memory_space<semaphore_mem>>) src(%arg7 : memref<32x1024xf32, #tpu.memory_space<vmem>>) dst(%dma_wait3A_63 : memref<32x1024xf32, #tpu.memory_space<hbm>>)
    return
  }
}

#map = affine_map<(d0, d1) -> (0, 0)>
#map1 = affine_map<(d0, d1) -> (0)>
module attributes {stable_mosaic.version = 14 : i64} {
  func.func @k(%arg0: i32, %arg1: i32, %arg2: memref<2048x1024xf32, #tpu.memory_space<hbm>>, %arg3: memref<4096xi32, #tpu.memory_space<hbm>>, %arg4: memref<32x16xi32, #tpu.memory_space<hbm>>, %arg5: memref<2048xf32, #tpu.memory_space<hbm>>, %arg6: memref<2048xf32, #tpu.memory_space<hbm>>, %arg7: memref<8192x1024xf32, #tpu.memory_space<hbm>>, %arg8: memref<8192xf32, #tpu.memory_space<hbm>>, %arg9: memref<4096xi32, #tpu.memory_space<hbm>>, %arg10: memref<32xi32, #tpu.memory_space<hbm>>, %arg11: memref<128xi32, #tpu.memory_space<vmem>>, %arg12: memref<32x16xi32, #tpu.memory_space<vmem>>, %arg13: memref<128xi32, #tpu.memory_space<vmem>>, %arg14: memref<32xi32, #tpu.memory_space<vmem>>, %arg15: memref<64xi32, #tpu.memory_space<vmem>>, %arg16: memref<64xi32, #tpu.memory_space<vmem>>, %arg17: memref<64xf32, #tpu.memory_space<vmem>>, %arg18: memref<64xf32, #tpu.memory_space<vmem>>, %arg19: memref<64x1024xf32, #tpu.memory_space<vmem>>, %arg20: memref<!tpu.dma_semaphore, #tpu.memory_space<semaphore_mem>>, %arg21: memref<!tpu.dma_semaphore, #tpu.memory_space<semaphore_mem>>, %arg22: memref<!tpu.dma_semaphore, #tpu.memory_space<semaphore_mem>>, %arg23: memref<!tpu.dma_semaphore, #tpu.memory_space<semaphore_mem>>, %arg24: memref<5x!tpu.dma_semaphore, #tpu.memory_space<semaphore_mem>>) attributes {dimension_semantics = [#tpu.dimension_semantics<core_parallel>, #tpu.dimension_semantics<subcore_parallel>], iteration_bounds = array<i64: 2, 16>, scalar_prefetch = 0 : i64, scratch_operands = 14 : i64, tpu.core_type = #tpu.core_type<sc_vector_subcore>, window_params = [{transform_indices = #map}, {transform_indices = #map1}, {transform_indices = #map}, {transform_indices = #map1}, {transform_indices = #map1}, {transform_indices = #map}, {transform_indices = #map1}, {transform_indices = #map1}, {transform_indices = #map1}]} {
    %mul3A = arith.constant 2 : i32
    %mul3A_0 = arith.muli %arg1, %mul3A : i32
    %add3A = arith.addi %mul3A_0, %arg0 : i32
    %mul3A_1 = arith.constant 64 : i32
    %mul3A_2 = arith.muli %add3A, %mul3A_1 : i32
    %dma_start3A = arith.constant 2 : i32
    %dma_start3A_3 = tpu.memref_slice %arg5[%mul3A_2] : memref<2048xf32, #tpu.memory_space<hbm>> -> memref<64xf32, #tpu.memory_space<hbm>>
    %dma_start3A_4 = tpu.memref_slice %arg24[%dma_start3A] : memref<5x!tpu.dma_semaphore, #tpu.memory_space<semaphore_mem>> -> memref<1x!tpu.dma_semaphore, #tpu.memory_space<semaphore_mem>>
    %dma_start3A_5 = tpu.memref_squeeze %dma_start3A_4 : memref<1x!tpu.dma_semaphore, #tpu.memory_space<semaphore_mem>> -> memref<!tpu.dma_semaphore, #tpu.memory_space<semaphore_mem>>
    %dma_start3A_6 = tpu.memref_slice %arg5[%mul3A_2] : memref<2048xf32, #tpu.memory_space<hbm>> -> memref<64xf32, #tpu.memory_space<hbm>>
    tpu.enqueue_dma source(%dma_start3A_6 : memref<64xf32, #tpu.memory_space<hbm>>) target(%arg17 : memref<64xf32, #tpu.memory_space<vmem>>) target_semaphore(%dma_start3A_5 : memref<!tpu.dma_semaphore, #tpu.memory_space<semaphore_mem>>)
    %dma_start3A_7 = arith.constant 3 : i32
    %dma_start3A_8 = tpu.memref_slice %arg6[%mul3A_2] : memref<2048xf32, #tpu.memory_space<hbm>> -> memref<64xf32, #tpu.memory_space<hbm>>
    %dma_start3A_9 = tpu.memref_slice %arg24[%dma_start3A_7] : memref<5x!tpu.dma_semaphore, #tpu.memory_space<semaphore_mem>> -> memref<1x!tpu.dma_semaphore, #tpu.memory_space<semaphore_mem>>
    %dma_start3A_10 = tpu.memref_squeeze %dma_start3A_9 : memref<1x!tpu.dma_semaphore, #tpu.memory_space<semaphore_mem>> -> memref<!tpu.dma_semaphore, #tpu.memory_space<semaphore_mem>>
    %dma_start3A_11 = tpu.memref_slice %arg6[%mul3A_2] : memref<2048xf32, #tpu.memory_space<hbm>> -> memref<64xf32, #tpu.memory_space<hbm>>
    tpu.enqueue_dma source(%dma_start3A_11 : memref<64xf32, #tpu.memory_space<hbm>>) target(%arg18 : memref<64xf32, #tpu.memory_space<vmem>>) target_semaphore(%dma_start3A_10 : memref<!tpu.dma_semaphore, #tpu.memory_space<semaphore_mem>>)
    %dma_start3A_12 = arith.constant 4 : i32
    %dma_start3A_13 = arith.constant 0 : i32
    %dma_start3A_14 = tpu.memref_slice %arg2[%mul3A_2, %dma_start3A_13] : memref<2048x1024xf32, #tpu.memory_space<hbm>> -> memref<64x1024xf32, #tpu.memory_space<hbm>>
    %dma_start3A_15 = tpu.memref_slice %arg24[%dma_start3A_12] : memref<5x!tpu.dma_semaphore, #tpu.memory_space<semaphore_mem>> -> memref<1x!tpu.dma_semaphore, #tpu.memory_space<semaphore_mem>>
    %dma_start3A_16 = tpu.memref_squeeze %dma_start3A_15 : memref<1x!tpu.dma_semaphore, #tpu.memory_space<semaphore_mem>> -> memref<!tpu.dma_semaphore, #tpu.memory_space<semaphore_mem>>
    %dma_start3A_17 = arith.constant 0 : i32
    %dma_start3A_18 = tpu.memref_slice %arg2[%mul3A_2, %dma_start3A_17] : memref<2048x1024xf32, #tpu.memory_space<hbm>> -> memref<64x1024xf32, #tpu.memory_space<hbm>>
    tpu.enqueue_dma source(%dma_start3A_18 : memref<64x1024xf32, #tpu.memory_space<hbm>>) target(%arg19 : memref<64x1024xf32, #tpu.memory_space<vmem>>) target_semaphore(%dma_start3A_16 : memref<!tpu.dma_semaphore, #tpu.memory_space<semaphore_mem>>)
    %mul3A_19 = arith.constant 2 : i32
    %mul3A_20 = arith.muli %mul3A_19, %mul3A_2 : i32
    "tpu.region"() ({
      %run_scoped3A = tpu.sem_alloc : memref<!tpu.dma_semaphore, #tpu.memory_space<semaphore_mem>>
      %dma_start3A_1442 = tpu.memref_slice %arg3[%mul3A_20] : memref<4096xi32, #tpu.memory_space<hbm>> -> memref<128xi32, #tpu.memory_space<hbm>>
      %dma_start3A_1443 = tpu.memref_slice %arg3[%mul3A_20] : memref<4096xi32, #tpu.memory_space<hbm>> -> memref<128xi32, #tpu.memory_space<hbm>>
      tpu.enqueue_dma source(%dma_start3A_1443 : memref<128xi32, #tpu.memory_space<hbm>>) target(%arg11 : memref<128xi32, #tpu.memory_space<vmem>>) target_semaphore(%run_scoped3A : memref<!tpu.dma_semaphore, #tpu.memory_space<semaphore_mem>>)
      %dma_wait3A_1444 = tpu.memref_slice %arg3[%mul3A_20] : memref<4096xi32, #tpu.memory_space<hbm>> -> memref<128xi32, #tpu.memory_space<hbm>>
      %dma_wait3A_1445 = tpu.memref_slice %arg3[%mul3A_20] : memref<4096xi32, #tpu.memory_space<hbm>> -> memref<128xi32, #tpu.memory_space<hbm>>
      tpu.wait_dma2 semaphore(%run_scoped3A : memref<!tpu.dma_semaphore, #tpu.memory_space<semaphore_mem>>) src(%dma_wait3A_1445 : memref<128xi32, #tpu.memory_space<hbm>>) dst(%arg11 : memref<128xi32, #tpu.memory_space<vmem>>)
      tpu.yield
    }) : () -> ()
    "tpu.region"() ({
      %run_scoped3A = tpu.sem_alloc : memref<!tpu.dma_semaphore, #tpu.memory_space<semaphore_mem>>
      tpu.enqueue_dma source(%arg4 : memref<32x16xi32, #tpu.memory_space<hbm>>) target(%arg12 : memref<32x16xi32, #tpu.memory_space<vmem>>) target_semaphore(%run_scoped3A : memref<!tpu.dma_semaphore, #tpu.memory_space<semaphore_mem>>)
      tpu.wait_dma2 semaphore(%run_scoped3A : memref<!tpu.dma_semaphore, #tpu.memory_space<semaphore_mem>>) src(%arg4 : memref<32x16xi32, #tpu.memory_space<hbm>>) dst(%arg12 : memref<32x16xi32, #tpu.memory_space<vmem>>)
      tpu.yield
    }) : () -> ()
    %iota3A = tpu.iota {dimensions = array<i32: 0>} : vector<16xi32>
    %broadcast_in_dim3A = arith.constant 0 : i32
    %broadcast_in_dim3A_21 = vector.broadcast %broadcast_in_dim3A : i32 to vector<16xi32>
    %broadcast_in_dim3A_22 = arith.constant 1 : i32
    %broadcast_in_dim3A_23 = vector.broadcast %broadcast_in_dim3A_22 : i32 to vector<16xi32>
    %broadcast_in_dim3A_24 = arith.constant 15 : i32
    %broadcast_in_dim3A_25 = vector.broadcast %broadcast_in_dim3A_24 : i32 to vector<16xi32>
    %broadcast_in_dim3A_26 = vector.broadcast %add3A : i32 to vector<16xi32>
    %get3A = arith.constant 0 : i32
    %get3A_27 = arith.index_cast %get3A : i32 to index
    %get3A_28 = arith.constant 0 : index
    %get3A_29 = tpu.vector_load %arg12[%get3A_27, %get3A_28] {strides = array<i32>} : memref<32x16xi32, #tpu.memory_space<vmem>>, vector<1x16xi32>,
    %get3A_30 = vector.shape_cast %get3A_29 : vector<1x16xi32> to vector<16xi32>
    %sub3A = arith.constant 0 : i32
    %sub3A_31 = vector.broadcast %sub3A : i32 to vector<16xi32>
    %sub3A_32 = arith.subi %broadcast_in_dim3A_26, %sub3A_31 : vector<16xi32>
    %max3A = arith.constant 0 : i32
    %max3A_33 = vector.broadcast %max3A : i32 to vector<16xi32>
    %max3A_34 = arith.maxsi %sub3A_32, %max3A_33 : vector<16xi32>
    %min3A = arith.constant 1 : i32
    %min3A_35 = vector.broadcast %min3A : i32 to vector<16xi32>
    %min3A_36 = arith.minsi %max3A_34, %min3A_35 : vector<16xi32>
    %add3A_37 = arith.addi %broadcast_in_dim3A_21, %get3A_30 : vector<16xi32>
    %mul3A_38 = arith.muli %min3A_36, %get3A_30 : vector<16xi32>
    %add3A_39 = arith.addi %broadcast_in_dim3A_21, %mul3A_38 : vector<16xi32>
    %get3A_40 = arith.constant 1 : i32
    %get3A_41 = arith.index_cast %get3A_40 : i32 to index
    %get3A_42 = arith.constant 0 : index
    %get3A_43 = tpu.vector_load %arg12[%get3A_41, %get3A_42] {strides = array<i32>} : memref<32x16xi32, #tpu.memory_space<vmem>>, vector<1x16xi32>,
    %get3A_44 = vector.shape_cast %get3A_43 : vector<1x16xi32> to vector<16xi32>
    %sub3A_45 = arith.constant 1 : i32
    %sub3A_46 = vector.broadcast %sub3A_45 : i32 to vector<16xi32>
    %sub3A_47 = arith.subi %broadcast_in_dim3A_26, %sub3A_46 : vector<16xi32>
    %max3A_48 = arith.constant 0 : i32
    %max3A_49 = vector.broadcast %max3A_48 : i32 to vector<16xi32>
    %max3A_50 = arith.maxsi %sub3A_47, %max3A_49 : vector<16xi32>
    %min3A_51 = arith.constant 1 : i32
    %min3A_52 = vector.broadcast %min3A_51 : i32 to vector<16xi32>
    %min3A_53 = arith.minsi %max3A_50, %min3A_52 : vector<16xi32>
    %add3A_54 = arith.addi %add3A_37, %get3A_44 : vector<16xi32>
    %mul3A_55 = arith.muli %min3A_53, %get3A_44 : vector<16xi32>
    %add3A_56 = arith.addi %add3A_39, %mul3A_55 : vector<16xi32>
    %get3A_57 = arith.constant 2 : i32
    %get3A_58 = arith.index_cast %get3A_57 : i32 to index
    %get3A_59 = arith.constant 0 : index
    %get3A_60 = tpu.vector_load %arg12[%get3A_58, %get3A_59] {strides = array<i32>} : memref<32x16xi32, #tpu.memory_space<vmem>>, vector<1x16xi32>,
    %get3A_61 = vector.shape_cast %get3A_60 : vector<1x16xi32> to vector<16xi32>
    %sub3A_62 = arith.constant 2 : i32
    %sub3A_63 = vector.broadcast %sub3A_62 : i32 to vector<16xi32>
    %sub3A_64 = arith.subi %broadcast_in_dim3A_26, %sub3A_63 : vector<16xi32>
    %max3A_65 = arith.constant 0 : i32
    %max3A_66 = vector.broadcast %max3A_65 : i32 to vector<16xi32>
    %max3A_67 = arith.maxsi %sub3A_64, %max3A_66 : vector<16xi32>
    %min3A_68 = arith.constant 1 : i32
    %min3A_69 = vector.broadcast %min3A_68 : i32 to vector<16xi32>
    %min3A_70 = arith.minsi %max3A_67, %min3A_69 : vector<16xi32>
    %add3A_71 = arith.addi %add3A_54, %get3A_61 : vector<16xi32>
    %mul3A_72 = arith.muli %min3A_70, %get3A_61 : vector<16xi32>
    %add3A_73 = arith.addi %add3A_56, %mul3A_72 : vector<16xi32>
    %get3A_74 = arith.constant 3 : i32
    %get3A_75 = arith.index_cast %get3A_74 : i32 to index
    %get3A_76 = arith.constant 0 : index
    %get3A_77 = tpu.vector_load %arg12[%get3A_75, %get3A_76] {strides = array<i32>} : memref<32x16xi32, #tpu.memory_space<vmem>>, vector<1x16xi32>,
    %get3A_78 = vector.shape_cast %get3A_77 : vector<1x16xi32> to vector<16xi32>
    %sub3A_79 = arith.constant 3 : i32
    %sub3A_80 = vector.broadcast %sub3A_79 : i32 to vector<16xi32>
    %sub3A_81 = arith.subi %broadcast_in_dim3A_26, %sub3A_80 : vector<16xi32>
    %max3A_82 = arith.constant 0 : i32
    %max3A_83 = vector.broadcast %max3A_82 : i32 to vector<16xi32>
    %max3A_84 = arith.maxsi %sub3A_81, %max3A_83 : vector<16xi32>
    %min3A_85 = arith.constant 1 : i32
    %min3A_86 = vector.broadcast %min3A_85 : i32 to vector<16xi32>
    %min3A_87 = arith.minsi %max3A_84, %min3A_86 : vector<16xi32>
    %add3A_88 = arith.addi %add3A_71, %get3A_78 : vector<16xi32>
    %mul3A_89 = arith.muli %min3A_87, %get3A_78 : vector<16xi32>
    %add3A_90 = arith.addi %add3A_73, %mul3A_89 : vector<16xi32>
    %get3A_91 = arith.constant 4 : i32
    %get3A_92 = arith.index_cast %get3A_91 : i32 to index
    %get3A_93 = arith.constant 0 : index
    %get3A_94 = tpu.vector_load %arg12[%get3A_92, %get3A_93] {strides = array<i32>} : memref<32x16xi32, #tpu.memory_space<vmem>>, vector<1x16xi32>,
    %get3A_95 = vector.shape_cast %get3A_94 : vector<1x16xi32> to vector<16xi32>
    %sub3A_96 = arith.constant 4 : i32
    %sub3A_97 = vector.broadcast %sub3A_96 : i32 to vector<16xi32>
    %sub3A_98 = arith.subi %broadcast_in_dim3A_26, %sub3A_97 : vector<16xi32>
    %max3A_99 = arith.constant 0 : i32
    %max3A_100 = vector.broadcast %max3A_99 : i32 to vector<16xi32>
    %max3A_101 = arith.maxsi %sub3A_98, %max3A_100 : vector<16xi32>
    %min3A_102 = arith.constant 1 : i32
    %min3A_103 = vector.broadcast %min3A_102 : i32 to vector<16xi32>
    %min3A_104 = arith.minsi %max3A_101, %min3A_103 : vector<16xi32>
    %add3A_105 = arith.addi %add3A_88, %get3A_95 : vector<16xi32>
    %mul3A_106 = arith.muli %min3A_104, %get3A_95 : vector<16xi32>
    %add3A_107 = arith.addi %add3A_90, %mul3A_106 : vector<16xi32>
    %get3A_108 = arith.constant 5 : i32
    %get3A_109 = arith.index_cast %get3A_108 : i32 to index
    %get3A_110 = arith.constant 0 : index
    %get3A_111 = tpu.vector_load %arg12[%get3A_109, %get3A_110] {strides = array<i32>} : memref<32x16xi32, #tpu.memory_space<vmem>>, vector<1x16xi32>,
    %get3A_112 = vector.shape_cast %get3A_111 : vector<1x16xi32> to vector<16xi32>
    %sub3A_113 = arith.constant 5 : i32
    %sub3A_114 = vector.broadcast %sub3A_113 : i32 to vector<16xi32>
    %sub3A_115 = arith.subi %broadcast_in_dim3A_26, %sub3A_114 : vector<16xi32>
    %max3A_116 = arith.constant 0 : i32
    %max3A_117 = vector.broadcast %max3A_116 : i32 to vector<16xi32>
    %max3A_118 = arith.maxsi %sub3A_115, %max3A_117 : vector<16xi32>
    %min3A_119 = arith.constant 1 : i32
    %min3A_120 = vector.broadcast %min3A_119 : i32 to vector<16xi32>
    %min3A_121 = arith.minsi %max3A_118, %min3A_120 : vector<16xi32>
    %add3A_122 = arith.addi %add3A_105, %get3A_112 : vector<16xi32>
    %mul3A_123 = arith.muli %min3A_121, %get3A_112 : vector<16xi32>
    %add3A_124 = arith.addi %add3A_107, %mul3A_123 : vector<16xi32>
    %get3A_125 = arith.constant 6 : i32
    %get3A_126 = arith.index_cast %get3A_125 : i32 to index
    %get3A_127 = arith.constant 0 : index
    %get3A_128 = tpu.vector_load %arg12[%get3A_126, %get3A_127] {strides = array<i32>} : memref<32x16xi32, #tpu.memory_space<vmem>>, vector<1x16xi32>,
    %get3A_129 = vector.shape_cast %get3A_128 : vector<1x16xi32> to vector<16xi32>
    %sub3A_130 = arith.constant 6 : i32
    %sub3A_131 = vector.broadcast %sub3A_130 : i32 to vector<16xi32>
    %sub3A_132 = arith.subi %broadcast_in_dim3A_26, %sub3A_131 : vector<16xi32>
    %max3A_133 = arith.constant 0 : i32
    %max3A_134 = vector.broadcast %max3A_133 : i32 to vector<16xi32>
    %max3A_135 = arith.maxsi %sub3A_132, %max3A_134 : vector<16xi32>
    %min3A_136 = arith.constant 1 : i32
    %min3A_137 = vector.broadcast %min3A_136 : i32 to vector<16xi32>
    %min3A_138 = arith.minsi %max3A_135, %min3A_137 : vector<16xi32>
    %add3A_139 = arith.addi %add3A_122, %get3A_129 : vector<16xi32>
    %mul3A_140 = arith.muli %min3A_138, %get3A_129 : vector<16xi32>
    %add3A_141 = arith.addi %add3A_124, %mul3A_140 : vector<16xi32>
    %get3A_142 = arith.constant 7 : i32
    %get3A_143 = arith.index_cast %get3A_142 : i32 to index
    %get3A_144 = arith.constant 0 : index
    %get3A_145 = tpu.vector_load %arg12[%get3A_143, %get3A_144] {strides = array<i32>} : memref<32x16xi32, #tpu.memory_space<vmem>>, vector<1x16xi32>,
    %get3A_146 = vector.shape_cast %get3A_145 : vector<1x16xi32> to vector<16xi32>
    %sub3A_147 = arith.constant 7 : i32
    %sub3A_148 = vector.broadcast %sub3A_147 : i32 to vector<16xi32>
    %sub3A_149 = arith.subi %broadcast_in_dim3A_26, %sub3A_148 : vector<16xi32>
    %max3A_150 = arith.constant 0 : i32
    %max3A_151 = vector.broadcast %max3A_150 : i32 to vector<16xi32>
    %max3A_152 = arith.maxsi %sub3A_149, %max3A_151 : vector<16xi32>
    %min3A_153 = arith.constant 1 : i32
    %min3A_154 = vector.broadcast %min3A_153 : i32 to vector<16xi32>
    %min3A_155 = arith.minsi %max3A_152, %min3A_154 : vector<16xi32>
    %add3A_156 = arith.addi %add3A_139, %get3A_146 : vector<16xi32>
    %mul3A_157 = arith.muli %min3A_155, %get3A_146 : vector<16xi32>
    %add3A_158 = arith.addi %add3A_141, %mul3A_157 : vector<16xi32>
    %get3A_159 = arith.constant 8 : i32
    %get3A_160 = arith.index_cast %get3A_159 : i32 to index
    %get3A_161 = arith.constant 0 : index
    %get3A_162 = tpu.vector_load %arg12[%get3A_160, %get3A_161] {strides = array<i32>} : memref<32x16xi32, #tpu.memory_space<vmem>>, vector<1x16xi32>,
    %get3A_163 = vector.shape_cast %get3A_162 : vector<1x16xi32> to vector<16xi32>
    %sub3A_164 = arith.constant 8 : i32
    %sub3A_165 = vector.broadcast %sub3A_164 : i32 to vector<16xi32>
    %sub3A_166 = arith.subi %broadcast_in_dim3A_26, %sub3A_165 : vector<16xi32>
    %max3A_167 = arith.constant 0 : i32
    %max3A_168 = vector.broadcast %max3A_167 : i32 to vector<16xi32>
    %max3A_169 = arith.maxsi %sub3A_166, %max3A_168 : vector<16xi32>
    %min3A_170 = arith.constant 1 : i32
    %min3A_171 = vector.broadcast %min3A_170 : i32 to vector<16xi32>
    %min3A_172 = arith.minsi %max3A_169, %min3A_171 : vector<16xi32>
    %add3A_173 = arith.addi %add3A_156, %get3A_163 : vector<16xi32>
    %mul3A_174 = arith.muli %min3A_172, %get3A_163 : vector<16xi32>
    %add3A_175 = arith.addi %add3A_158, %mul3A_174 : vector<16xi32>
    %get3A_176 = arith.constant 9 : i32
    %get3A_177 = arith.index_cast %get3A_176 : i32 to index
    %get3A_178 = arith.constant 0 : index
    %get3A_179 = tpu.vector_load %arg12[%get3A_177, %get3A_178] {strides = array<i32>} : memref<32x16xi32, #tpu.memory_space<vmem>>, vector<1x16xi32>,
    %get3A_180 = vector.shape_cast %get3A_179 : vector<1x16xi32> to vector<16xi32>
    %sub3A_181 = arith.constant 9 : i32
    %sub3A_182 = vector.broadcast %sub3A_181 : i32 to vector<16xi32>
    %sub3A_183 = arith.subi %broadcast_in_dim3A_26, %sub3A_182 : vector<16xi32>
    %max3A_184 = arith.constant 0 : i32
    %max3A_185 = vector.broadcast %max3A_184 : i32 to vector<16xi32>
    %max3A_186 = arith.maxsi %sub3A_183, %max3A_185 : vector<16xi32>
    %min3A_187 = arith.constant 1 : i32
    %min3A_188 = vector.broadcast %min3A_187 : i32 to vector<16xi32>
    %min3A_189 = arith.minsi %max3A_186, %min3A_188 : vector<16xi32>
    %add3A_190 = arith.addi %add3A_173, %get3A_180 : vector<16xi32>
    %mul3A_191 = arith.muli %min3A_189, %get3A_180 : vector<16xi32>
    %add3A_192 = arith.addi %add3A_175, %mul3A_191 : vector<16xi32>
    %get3A_193 = arith.constant 10 : i32
    %get3A_194 = arith.index_cast %get3A_193 : i32 to index
    %get3A_195 = arith.constant 0 : index
    %get3A_196 = tpu.vector_load %arg12[%get3A_194, %get3A_195] {strides = array<i32>} : memref<32x16xi32, #tpu.memory_space<vmem>>, vector<1x16xi32>,
    %get3A_197 = vector.shape_cast %get3A_196 : vector<1x16xi32> to vector<16xi32>
    %sub3A_198 = arith.constant 10 : i32
    %sub3A_199 = vector.broadcast %sub3A_198 : i32 to vector<16xi32>
    %sub3A_200 = arith.subi %broadcast_in_dim3A_26, %sub3A_199 : vector<16xi32>
    %max3A_201 = arith.constant 0 : i32
    %max3A_202 = vector.broadcast %max3A_201 : i32 to vector<16xi32>
    %max3A_203 = arith.maxsi %sub3A_200, %max3A_202 : vector<16xi32>
    %min3A_204 = arith.constant 1 : i32
    %min3A_205 = vector.broadcast %min3A_204 : i32 to vector<16xi32>
    %min3A_206 = arith.minsi %max3A_203, %min3A_205 : vector<16xi32>
    %add3A_207 = arith.addi %add3A_190, %get3A_197 : vector<16xi32>
    %mul3A_208 = arith.muli %min3A_206, %get3A_197 : vector<16xi32>
    %add3A_209 = arith.addi %add3A_192, %mul3A_208 : vector<16xi32>
    %get3A_210 = arith.constant 11 : i32
    %get3A_211 = arith.index_cast %get3A_210 : i32 to index
    %get3A_212 = arith.constant 0 : index
    %get3A_213 = tpu.vector_load %arg12[%get3A_211, %get3A_212] {strides = array<i32>} : memref<32x16xi32, #tpu.memory_space<vmem>>, vector<1x16xi32>,
    %get3A_214 = vector.shape_cast %get3A_213 : vector<1x16xi32> to vector<16xi32>
    %sub3A_215 = arith.constant 11 : i32
    %sub3A_216 = vector.broadcast %sub3A_215 : i32 to vector<16xi32>
    %sub3A_217 = arith.subi %broadcast_in_dim3A_26, %sub3A_216 : vector<16xi32>
    %max3A_218 = arith.constant 0 : i32
    %max3A_219 = vector.broadcast %max3A_218 : i32 to vector<16xi32>
    %max3A_220 = arith.maxsi %sub3A_217, %max3A_219 : vector<16xi32>
    %min3A_221 = arith.constant 1 : i32
    %min3A_222 = vector.broadcast %min3A_221 : i32 to vector<16xi32>
    %min3A_223 = arith.minsi %max3A_220, %min3A_222 : vector<16xi32>
    %add3A_224 = arith.addi %add3A_207, %get3A_214 : vector<16xi32>
    %mul3A_225 = arith.muli %min3A_223, %get3A_214 : vector<16xi32>
    %add3A_226 = arith.addi %add3A_209, %mul3A_225 : vector<16xi32>
    %get3A_227 = arith.constant 12 : i32
    %get3A_228 = arith.index_cast %get3A_227 : i32 to index
    %get3A_229 = arith.constant 0 : index
    %get3A_230 = tpu.vector_load %arg12[%get3A_228, %get3A_229] {strides = array<i32>} : memref<32x16xi32, #tpu.memory_space<vmem>>, vector<1x16xi32>,
    %get3A_231 = vector.shape_cast %get3A_230 : vector<1x16xi32> to vector<16xi32>
    %sub3A_232 = arith.constant 12 : i32
    %sub3A_233 = vector.broadcast %sub3A_232 : i32 to vector<16xi32>
    %sub3A_234 = arith.subi %broadcast_in_dim3A_26, %sub3A_233 : vector<16xi32>
    %max3A_235 = arith.constant 0 : i32
    %max3A_236 = vector.broadcast %max3A_235 : i32 to vector<16xi32>
    %max3A_237 = arith.maxsi %sub3A_234, %max3A_236 : vector<16xi32>
    %min3A_238 = arith.constant 1 : i32
    %min3A_239 = vector.broadcast %min3A_238 : i32 to vector<16xi32>
    %min3A_240 = arith.minsi %max3A_237, %min3A_239 : vector<16xi32>
    %add3A_241 = arith.addi %add3A_224, %get3A_231 : vector<16xi32>
    %mul3A_242 = arith.muli %min3A_240, %get3A_231 : vector<16xi32>
    %add3A_243 = arith.addi %add3A_226, %mul3A_242 : vector<16xi32>
    %get3A_244 = arith.constant 13 : i32
    %get3A_245 = arith.index_cast %get3A_244 : i32 to index
    %get3A_246 = arith.constant 0 : index
    %get3A_247 = tpu.vector_load %arg12[%get3A_245, %get3A_246] {strides = array<i32>} : memref<32x16xi32, #tpu.memory_space<vmem>>, vector<1x16xi32>,
    %get3A_248 = vector.shape_cast %get3A_247 : vector<1x16xi32> to vector<16xi32>
    %sub3A_249 = arith.constant 13 : i32
    %sub3A_250 = vector.broadcast %sub3A_249 : i32 to vector<16xi32>
    %sub3A_251 = arith.subi %broadcast_in_dim3A_26, %sub3A_250 : vector<16xi32>
    %max3A_252 = arith.constant 0 : i32
    %max3A_253 = vector.broadcast %max3A_252 : i32 to vector<16xi32>
    %max3A_254 = arith.maxsi %sub3A_251, %max3A_253 : vector<16xi32>
    %min3A_255 = arith.constant 1 : i32
    %min3A_256 = vector.broadcast %min3A_255 : i32 to vector<16xi32>
    %min3A_257 = arith.minsi %max3A_254, %min3A_256 : vector<16xi32>
    %add3A_258 = arith.addi %add3A_241, %get3A_248 : vector<16xi32>
    %mul3A_259 = arith.muli %min3A_257, %get3A_248 : vector<16xi32>
    %add3A_260 = arith.addi %add3A_243, %mul3A_259 : vector<16xi32>
    %get3A_261 = arith.constant 14 : i32
    %get3A_262 = arith.index_cast %get3A_261 : i32 to index
    %get3A_263 = arith.constant 0 : index
    %get3A_264 = tpu.vector_load %arg12[%get3A_262, %get3A_263] {strides = array<i32>} : memref<32x16xi32, #tpu.memory_space<vmem>>, vector<1x16xi32>,
    %get3A_265 = vector.shape_cast %get3A_264 : vector<1x16xi32> to vector<16xi32>
    %sub3A_266 = arith.constant 14 : i32
    %sub3A_267 = vector.broadcast %sub3A_266 : i32 to vector<16xi32>
    %sub3A_268 = arith.subi %broadcast_in_dim3A_26, %sub3A_267 : vector<16xi32>
    %max3A_269 = arith.constant 0 : i32
    %max3A_270 = vector.broadcast %max3A_269 : i32 to vector<16xi32>
    %max3A_271 = arith.maxsi %sub3A_268, %max3A_270 : vector<16xi32>
    %min3A_272 = arith.constant 1 : i32
    %min3A_273 = vector.broadcast %min3A_272 : i32 to vector<16xi32>
    %min3A_274 = arith.minsi %max3A_271, %min3A_273 : vector<16xi32>
    %add3A_275 = arith.addi %add3A_258, %get3A_265 : vector<16xi32>
    %mul3A_276 = arith.muli %min3A_274, %get3A_265 : vector<16xi32>
    %add3A_277 = arith.addi %add3A_260, %mul3A_276 : vector<16xi32>
    %get3A_278 = arith.constant 15 : i32
    %get3A_279 = arith.index_cast %get3A_278 : i32 to index
    %get3A_280 = arith.constant 0 : index
    %get3A_281 = tpu.vector_load %arg12[%get3A_279, %get3A_280] {strides = array<i32>} : memref<32x16xi32, #tpu.memory_space<vmem>>, vector<1x16xi32>,
    %get3A_282 = vector.shape_cast %get3A_281 : vector<1x16xi32> to vector<16xi32>
    %sub3A_283 = arith.constant 15 : i32
    %sub3A_284 = vector.broadcast %sub3A_283 : i32 to vector<16xi32>
    %sub3A_285 = arith.subi %broadcast_in_dim3A_26, %sub3A_284 : vector<16xi32>
    %max3A_286 = arith.constant 0 : i32
    %max3A_287 = vector.broadcast %max3A_286 : i32 to vector<16xi32>
    %max3A_288 = arith.maxsi %sub3A_285, %max3A_287 : vector<16xi32>
    %min3A_289 = arith.constant 1 : i32
    %min3A_290 = vector.broadcast %min3A_289 : i32 to vector<16xi32>
    %min3A_291 = arith.minsi %max3A_288, %min3A_290 : vector<16xi32>
    %add3A_292 = arith.addi %add3A_275, %get3A_282 : vector<16xi32>
    %mul3A_293 = arith.muli %min3A_291, %get3A_282 : vector<16xi32>
    %add3A_294 = arith.addi %add3A_277, %mul3A_293 : vector<16xi32>
    %get3A_295 = arith.constant 16 : i32
    %get3A_296 = arith.index_cast %get3A_295 : i32 to index
    %get3A_297 = arith.constant 0 : index
    %get3A_298 = tpu.vector_load %arg12[%get3A_296, %get3A_297] {strides = array<i32>} : memref<32x16xi32, #tpu.memory_space<vmem>>, vector<1x16xi32>,
    %get3A_299 = vector.shape_cast %get3A_298 : vector<1x16xi32> to vector<16xi32>
    %sub3A_300 = arith.constant 16 : i32
    %sub3A_301 = vector.broadcast %sub3A_300 : i32 to vector<16xi32>
    %sub3A_302 = arith.subi %broadcast_in_dim3A_26, %sub3A_301 : vector<16xi32>
    %max3A_303 = arith.constant 0 : i32
    %max3A_304 = vector.broadcast %max3A_303 : i32 to vector<16xi32>
    %max3A_305 = arith.maxsi %sub3A_302, %max3A_304 : vector<16xi32>
    %min3A_306 = arith.constant 1 : i32
    %min3A_307 = vector.broadcast %min3A_306 : i32 to vector<16xi32>
    %min3A_308 = arith.minsi %max3A_305, %min3A_307 : vector<16xi32>
    %add3A_309 = arith.addi %add3A_292, %get3A_299 : vector<16xi32>
    %mul3A_310 = arith.muli %min3A_308, %get3A_299 : vector<16xi32>
    %add3A_311 = arith.addi %add3A_294, %mul3A_310 : vector<16xi32>
    %get3A_312 = arith.constant 17 : i32
    %get3A_313 = arith.index_cast %get3A_312 : i32 to index
    %get3A_314 = arith.constant 0 : index
    %get3A_315 = tpu.vector_load %arg12[%get3A_313, %get3A_314] {strides = array<i32>} : memref<32x16xi32, #tpu.memory_space<vmem>>, vector<1x16xi32>,
    %get3A_316 = vector.shape_cast %get3A_315 : vector<1x16xi32> to vector<16xi32>
    %sub3A_317 = arith.constant 17 : i32
    %sub3A_318 = vector.broadcast %sub3A_317 : i32 to vector<16xi32>
    %sub3A_319 = arith.subi %broadcast_in_dim3A_26, %sub3A_318 : vector<16xi32>
    %max3A_320 = arith.constant 0 : i32
    %max3A_321 = vector.broadcast %max3A_320 : i32 to vector<16xi32>
    %max3A_322 = arith.maxsi %sub3A_319, %max3A_321 : vector<16xi32>
    %min3A_323 = arith.constant 1 : i32
    %min3A_324 = vector.broadcast %min3A_323 : i32 to vector<16xi32>
    %min3A_325 = arith.minsi %max3A_322, %min3A_324 : vector<16xi32>
    %add3A_326 = arith.addi %add3A_309, %get3A_316 : vector<16xi32>
    %mul3A_327 = arith.muli %min3A_325, %get3A_316 : vector<16xi32>
    %add3A_328 = arith.addi %add3A_311, %mul3A_327 : vector<16xi32>
    %get3A_329 = arith.constant 18 : i32
    %get3A_330 = arith.index_cast %get3A_329 : i32 to index
    %get3A_331 = arith.constant 0 : index
    %get3A_332 = tpu.vector_load %arg12[%get3A_330, %get3A_331] {strides = array<i32>} : memref<32x16xi32, #tpu.memory_space<vmem>>, vector<1x16xi32>,
    %get3A_333 = vector.shape_cast %get3A_332 : vector<1x16xi32> to vector<16xi32>
    %sub3A_334 = arith.constant 18 : i32
    %sub3A_335 = vector.broadcast %sub3A_334 : i32 to vector<16xi32>
    %sub3A_336 = arith.subi %broadcast_in_dim3A_26, %sub3A_335 : vector<16xi32>
    %max3A_337 = arith.constant 0 : i32
    %max3A_338 = vector.broadcast %max3A_337 : i32 to vector<16xi32>
    %max3A_339 = arith.maxsi %sub3A_336, %max3A_338 : vector<16xi32>
    %min3A_340 = arith.constant 1 : i32
    %min3A_341 = vector.broadcast %min3A_340 : i32 to vector<16xi32>
    %min3A_342 = arith.minsi %max3A_339, %min3A_341 : vector<16xi32>
    %add3A_343 = arith.addi %add3A_326, %get3A_333 : vector<16xi32>
    %mul3A_344 = arith.muli %min3A_342, %get3A_333 : vector<16xi32>
    %add3A_345 = arith.addi %add3A_328, %mul3A_344 : vector<16xi32>
    %get3A_346 = arith.constant 19 : i32
    %get3A_347 = arith.index_cast %get3A_346 : i32 to index
    %get3A_348 = arith.constant 0 : index
    %get3A_349 = tpu.vector_load %arg12[%get3A_347, %get3A_348] {strides = array<i32>} : memref<32x16xi32, #tpu.memory_space<vmem>>, vector<1x16xi32>,
    %get3A_350 = vector.shape_cast %get3A_349 : vector<1x16xi32> to vector<16xi32>
    %sub3A_351 = arith.constant 19 : i32
    %sub3A_352 = vector.broadcast %sub3A_351 : i32 to vector<16xi32>
    %sub3A_353 = arith.subi %broadcast_in_dim3A_26, %sub3A_352 : vector<16xi32>
    %max3A_354 = arith.constant 0 : i32
    %max3A_355 = vector.broadcast %max3A_354 : i32 to vector<16xi32>
    %max3A_356 = arith.maxsi %sub3A_353, %max3A_355 : vector<16xi32>
    %min3A_357 = arith.constant 1 : i32
    %min3A_358 = vector.broadcast %min3A_357 : i32 to vector<16xi32>
    %min3A_359 = arith.minsi %max3A_356, %min3A_358 : vector<16xi32>
    %add3A_360 = arith.addi %add3A_343, %get3A_350 : vector<16xi32>
    %mul3A_361 = arith.muli %min3A_359, %get3A_350 : vector<16xi32>
    %add3A_362 = arith.addi %add3A_345, %mul3A_361 : vector<16xi32>
    %get3A_363 = arith.constant 20 : i32
    %get3A_364 = arith.index_cast %get3A_363 : i32 to index
    %get3A_365 = arith.constant 0 : index
    %get3A_366 = tpu.vector_load %arg12[%get3A_364, %get3A_365] {strides = array<i32>} : memref<32x16xi32, #tpu.memory_space<vmem>>, vector<1x16xi32>,
    %get3A_367 = vector.shape_cast %get3A_366 : vector<1x16xi32> to vector<16xi32>
    %sub3A_368 = arith.constant 20 : i32
    %sub3A_369 = vector.broadcast %sub3A_368 : i32 to vector<16xi32>
    %sub3A_370 = arith.subi %broadcast_in_dim3A_26, %sub3A_369 : vector<16xi32>
    %max3A_371 = arith.constant 0 : i32
    %max3A_372 = vector.broadcast %max3A_371 : i32 to vector<16xi32>
    %max3A_373 = arith.maxsi %sub3A_370, %max3A_372 : vector<16xi32>
    %min3A_374 = arith.constant 1 : i32
    %min3A_375 = vector.broadcast %min3A_374 : i32 to vector<16xi32>
    %min3A_376 = arith.minsi %max3A_373, %min3A_375 : vector<16xi32>
    %add3A_377 = arith.addi %add3A_360, %get3A_367 : vector<16xi32>
    %mul3A_378 = arith.muli %min3A_376, %get3A_367 : vector<16xi32>
    %add3A_379 = arith.addi %add3A_362, %mul3A_378 : vector<16xi32>
    %get3A_380 = arith.constant 21 : i32
    %get3A_381 = arith.index_cast %get3A_380 : i32 to index
    %get3A_382 = arith.constant 0 : index
    %get3A_383 = tpu.vector_load %arg12[%get3A_381, %get3A_382] {strides = array<i32>} : memref<32x16xi32, #tpu.memory_space<vmem>>, vector<1x16xi32>,
    %get3A_384 = vector.shape_cast %get3A_383 : vector<1x16xi32> to vector<16xi32>
    %sub3A_385 = arith.constant 21 : i32
    %sub3A_386 = vector.broadcast %sub3A_385 : i32 to vector<16xi32>
    %sub3A_387 = arith.subi %broadcast_in_dim3A_26, %sub3A_386 : vector<16xi32>
    %max3A_388 = arith.constant 0 : i32
    %max3A_389 = vector.broadcast %max3A_388 : i32 to vector<16xi32>
    %max3A_390 = arith.maxsi %sub3A_387, %max3A_389 : vector<16xi32>
    %min3A_391 = arith.constant 1 : i32
    %min3A_392 = vector.broadcast %min3A_391 : i32 to vector<16xi32>
    %min3A_393 = arith.minsi %max3A_390, %min3A_392 : vector<16xi32>
    %add3A_394 = arith.addi %add3A_377, %get3A_384 : vector<16xi32>
    %mul3A_395 = arith.muli %min3A_393, %get3A_384 : vector<16xi32>
    %add3A_396 = arith.addi %add3A_379, %mul3A_395 : vector<16xi32>
    %get3A_397 = arith.constant 22 : i32
    %get3A_398 = arith.index_cast %get3A_397 : i32 to index
    %get3A_399 = arith.constant 0 : index
    %get3A_400 = tpu.vector_load %arg12[%get3A_398, %get3A_399] {strides = array<i32>} : memref<32x16xi32, #tpu.memory_space<vmem>>, vector<1x16xi32>,
    %get3A_401 = vector.shape_cast %get3A_400 : vector<1x16xi32> to vector<16xi32>
    %sub3A_402 = arith.constant 22 : i32
    %sub3A_403 = vector.broadcast %sub3A_402 : i32 to vector<16xi32>
    %sub3A_404 = arith.subi %broadcast_in_dim3A_26, %sub3A_403 : vector<16xi32>
    %max3A_405 = arith.constant 0 : i32
    %max3A_406 = vector.broadcast %max3A_405 : i32 to vector<16xi32>
    %max3A_407 = arith.maxsi %sub3A_404, %max3A_406 : vector<16xi32>
    %min3A_408 = arith.constant 1 : i32
    %min3A_409 = vector.broadcast %min3A_408 : i32 to vector<16xi32>
    %min3A_410 = arith.minsi %max3A_407, %min3A_409 : vector<16xi32>
    %add3A_411 = arith.addi %add3A_394, %get3A_401 : vector<16xi32>
    %mul3A_412 = arith.muli %min3A_410, %get3A_401 : vector<16xi32>
    %add3A_413 = arith.addi %add3A_396, %mul3A_412 : vector<16xi32>
    %get3A_414 = arith.constant 23 : i32
    %get3A_415 = arith.index_cast %get3A_414 : i32 to index
    %get3A_416 = arith.constant 0 : index
    %get3A_417 = tpu.vector_load %arg12[%get3A_415, %get3A_416] {strides = array<i32>} : memref<32x16xi32, #tpu.memory_space<vmem>>, vector<1x16xi32>,
    %get3A_418 = vector.shape_cast %get3A_417 : vector<1x16xi32> to vector<16xi32>
    %sub3A_419 = arith.constant 23 : i32
    %sub3A_420 = vector.broadcast %sub3A_419 : i32 to vector<16xi32>
    %sub3A_421 = arith.subi %broadcast_in_dim3A_26, %sub3A_420 : vector<16xi32>
    %max3A_422 = arith.constant 0 : i32
    %max3A_423 = vector.broadcast %max3A_422 : i32 to vector<16xi32>
    %max3A_424 = arith.maxsi %sub3A_421, %max3A_423 : vector<16xi32>
    %min3A_425 = arith.constant 1 : i32
    %min3A_426 = vector.broadcast %min3A_425 : i32 to vector<16xi32>
    %min3A_427 = arith.minsi %max3A_424, %min3A_426 : vector<16xi32>
    %add3A_428 = arith.addi %add3A_411, %get3A_418 : vector<16xi32>
    %mul3A_429 = arith.muli %min3A_427, %get3A_418 : vector<16xi32>
    %add3A_430 = arith.addi %add3A_413, %mul3A_429 : vector<16xi32>
    %get3A_431 = arith.constant 24 : i32
    %get3A_432 = arith.index_cast %get3A_431 : i32 to index
    %get3A_433 = arith.constant 0 : index
    %get3A_434 = tpu.vector_load %arg12[%get3A_432, %get3A_433] {strides = array<i32>} : memref<32x16xi32, #tpu.memory_space<vmem>>, vector<1x16xi32>,
    %get3A_435 = vector.shape_cast %get3A_434 : vector<1x16xi32> to vector<16xi32>
    %sub3A_436 = arith.constant 24 : i32
    %sub3A_437 = vector.broadcast %sub3A_436 : i32 to vector<16xi32>
    %sub3A_438 = arith.subi %broadcast_in_dim3A_26, %sub3A_437 : vector<16xi32>
    %max3A_439 = arith.constant 0 : i32
    %max3A_440 = vector.broadcast %max3A_439 : i32 to vector<16xi32>
    %max3A_441 = arith.maxsi %sub3A_438, %max3A_440 : vector<16xi32>
    %min3A_442 = arith.constant 1 : i32
    %min3A_443 = vector.broadcast %min3A_442 : i32 to vector<16xi32>
    %min3A_444 = arith.minsi %max3A_441, %min3A_443 : vector<16xi32>
    %add3A_445 = arith.addi %add3A_428, %get3A_435 : vector<16xi32>
    %mul3A_446 = arith.muli %min3A_444, %get3A_435 : vector<16xi32>
    %add3A_447 = arith.addi %add3A_430, %mul3A_446 : vector<16xi32>
    %get3A_448 = arith.constant 25 : i32
    %get3A_449 = arith.index_cast %get3A_448 : i32 to index
    %get3A_450 = arith.constant 0 : index
    %get3A_451 = tpu.vector_load %arg12[%get3A_449, %get3A_450] {strides = array<i32>} : memref<32x16xi32, #tpu.memory_space<vmem>>, vector<1x16xi32>,
    %get3A_452 = vector.shape_cast %get3A_451 : vector<1x16xi32> to vector<16xi32>
    %sub3A_453 = arith.constant 25 : i32
    %sub3A_454 = vector.broadcast %sub3A_453 : i32 to vector<16xi32>
    %sub3A_455 = arith.subi %broadcast_in_dim3A_26, %sub3A_454 : vector<16xi32>
    %max3A_456 = arith.constant 0 : i32
    %max3A_457 = vector.broadcast %max3A_456 : i32 to vector<16xi32>
    %max3A_458 = arith.maxsi %sub3A_455, %max3A_457 : vector<16xi32>
    %min3A_459 = arith.constant 1 : i32
    %min3A_460 = vector.broadcast %min3A_459 : i32 to vector<16xi32>
    %min3A_461 = arith.minsi %max3A_458, %min3A_460 : vector<16xi32>
    %add3A_462 = arith.addi %add3A_445, %get3A_452 : vector<16xi32>
    %mul3A_463 = arith.muli %min3A_461, %get3A_452 : vector<16xi32>
    %add3A_464 = arith.addi %add3A_447, %mul3A_463 : vector<16xi32>
    %get3A_465 = arith.constant 26 : i32
    %get3A_466 = arith.index_cast %get3A_465 : i32 to index
    %get3A_467 = arith.constant 0 : index
    %get3A_468 = tpu.vector_load %arg12[%get3A_466, %get3A_467] {strides = array<i32>} : memref<32x16xi32, #tpu.memory_space<vmem>>, vector<1x16xi32>,
    %get3A_469 = vector.shape_cast %get3A_468 : vector<1x16xi32> to vector<16xi32>
    %sub3A_470 = arith.constant 26 : i32
    %sub3A_471 = vector.broadcast %sub3A_470 : i32 to vector<16xi32>
    %sub3A_472 = arith.subi %broadcast_in_dim3A_26, %sub3A_471 : vector<16xi32>
    %max3A_473 = arith.constant 0 : i32
    %max3A_474 = vector.broadcast %max3A_473 : i32 to vector<16xi32>
    %max3A_475 = arith.maxsi %sub3A_472, %max3A_474 : vector<16xi32>
    %min3A_476 = arith.constant 1 : i32
    %min3A_477 = vector.broadcast %min3A_476 : i32 to vector<16xi32>
    %min3A_478 = arith.minsi %max3A_475, %min3A_477 : vector<16xi32>
    %add3A_479 = arith.addi %add3A_462, %get3A_469 : vector<16xi32>
    %mul3A_480 = arith.muli %min3A_478, %get3A_469 : vector<16xi32>
    %add3A_481 = arith.addi %add3A_464, %mul3A_480 : vector<16xi32>
    %get3A_482 = arith.constant 27 : i32
    %get3A_483 = arith.index_cast %get3A_482 : i32 to index
    %get3A_484 = arith.constant 0 : index
    %get3A_485 = tpu.vector_load %arg12[%get3A_483, %get3A_484] {strides = array<i32>} : memref<32x16xi32, #tpu.memory_space<vmem>>, vector<1x16xi32>,
    %get3A_486 = vector.shape_cast %get3A_485 : vector<1x16xi32> to vector<16xi32>
    %sub3A_487 = arith.constant 27 : i32
    %sub3A_488 = vector.broadcast %sub3A_487 : i32 to vector<16xi32>
    %sub3A_489 = arith.subi %broadcast_in_dim3A_26, %sub3A_488 : vector<16xi32>
    %max3A_490 = arith.constant 0 : i32
    %max3A_491 = vector.broadcast %max3A_490 : i32 to vector<16xi32>
    %max3A_492 = arith.maxsi %sub3A_489, %max3A_491 : vector<16xi32>
    %min3A_493 = arith.constant 1 : i32
    %min3A_494 = vector.broadcast %min3A_493 : i32 to vector<16xi32>
    %min3A_495 = arith.minsi %max3A_492, %min3A_494 : vector<16xi32>
    %add3A_496 = arith.addi %add3A_479, %get3A_486 : vector<16xi32>
    %mul3A_497 = arith.muli %min3A_495, %get3A_486 : vector<16xi32>
    %add3A_498 = arith.addi %add3A_481, %mul3A_497 : vector<16xi32>
    %get3A_499 = arith.constant 28 : i32
    %get3A_500 = arith.index_cast %get3A_499 : i32 to index
    %get3A_501 = arith.constant 0 : index
    %get3A_502 = tpu.vector_load %arg12[%get3A_500, %get3A_501] {strides = array<i32>} : memref<32x16xi32, #tpu.memory_space<vmem>>, vector<1x16xi32>,
    %get3A_503 = vector.shape_cast %get3A_502 : vector<1x16xi32> to vector<16xi32>
    %sub3A_504 = arith.constant 28 : i32
    %sub3A_505 = vector.broadcast %sub3A_504 : i32 to vector<16xi32>
    %sub3A_506 = arith.subi %broadcast_in_dim3A_26, %sub3A_505 : vector<16xi32>
    %max3A_507 = arith.constant 0 : i32
    %max3A_508 = vector.broadcast %max3A_507 : i32 to vector<16xi32>
    %max3A_509 = arith.maxsi %sub3A_506, %max3A_508 : vector<16xi32>
    %min3A_510 = arith.constant 1 : i32
    %min3A_511 = vector.broadcast %min3A_510 : i32 to vector<16xi32>
    %min3A_512 = arith.minsi %max3A_509, %min3A_511 : vector<16xi32>
    %add3A_513 = arith.addi %add3A_496, %get3A_503 : vector<16xi32>
    %mul3A_514 = arith.muli %min3A_512, %get3A_503 : vector<16xi32>
    %add3A_515 = arith.addi %add3A_498, %mul3A_514 : vector<16xi32>
    %get3A_516 = arith.constant 29 : i32
    %get3A_517 = arith.index_cast %get3A_516 : i32 to index
    %get3A_518 = arith.constant 0 : index
    %get3A_519 = tpu.vector_load %arg12[%get3A_517, %get3A_518] {strides = array<i32>} : memref<32x16xi32, #tpu.memory_space<vmem>>, vector<1x16xi32>,
    %get3A_520 = vector.shape_cast %get3A_519 : vector<1x16xi32> to vector<16xi32>
    %sub3A_521 = arith.constant 29 : i32
    %sub3A_522 = vector.broadcast %sub3A_521 : i32 to vector<16xi32>
    %sub3A_523 = arith.subi %broadcast_in_dim3A_26, %sub3A_522 : vector<16xi32>
    %max3A_524 = arith.constant 0 : i32
    %max3A_525 = vector.broadcast %max3A_524 : i32 to vector<16xi32>
    %max3A_526 = arith.maxsi %sub3A_523, %max3A_525 : vector<16xi32>
    %min3A_527 = arith.constant 1 : i32
    %min3A_528 = vector.broadcast %min3A_527 : i32 to vector<16xi32>
    %min3A_529 = arith.minsi %max3A_526, %min3A_528 : vector<16xi32>
    %add3A_530 = arith.addi %add3A_513, %get3A_520 : vector<16xi32>
    %mul3A_531 = arith.muli %min3A_529, %get3A_520 : vector<16xi32>
    %add3A_532 = arith.addi %add3A_515, %mul3A_531 : vector<16xi32>
    %get3A_533 = arith.constant 30 : i32
    %get3A_534 = arith.index_cast %get3A_533 : i32 to index
    %get3A_535 = arith.constant 0 : index
    %get3A_536 = tpu.vector_load %arg12[%get3A_534, %get3A_535] {strides = array<i32>} : memref<32x16xi32, #tpu.memory_space<vmem>>, vector<1x16xi32>,
    %get3A_537 = vector.shape_cast %get3A_536 : vector<1x16xi32> to vector<16xi32>
    %sub3A_538 = arith.constant 30 : i32
    %sub3A_539 = vector.broadcast %sub3A_538 : i32 to vector<16xi32>
    %sub3A_540 = arith.subi %broadcast_in_dim3A_26, %sub3A_539 : vector<16xi32>
    %max3A_541 = arith.constant 0 : i32
    %max3A_542 = vector.broadcast %max3A_541 : i32 to vector<16xi32>
    %max3A_543 = arith.maxsi %sub3A_540, %max3A_542 : vector<16xi32>
    %min3A_544 = arith.constant 1 : i32
    %min3A_545 = vector.broadcast %min3A_544 : i32 to vector<16xi32>
    %min3A_546 = arith.minsi %max3A_543, %min3A_545 : vector<16xi32>
    %add3A_547 = arith.addi %add3A_530, %get3A_537 : vector<16xi32>
    %mul3A_548 = arith.muli %min3A_546, %get3A_537 : vector<16xi32>
    %add3A_549 = arith.addi %add3A_532, %mul3A_548 : vector<16xi32>
    %get3A_550 = arith.constant 31 : i32
    %get3A_551 = arith.index_cast %get3A_550 : i32 to index
    %get3A_552 = arith.constant 0 : index
    %get3A_553 = tpu.vector_load %arg12[%get3A_551, %get3A_552] {strides = array<i32>} : memref<32x16xi32, #tpu.memory_space<vmem>>, vector<1x16xi32>,
    %get3A_554 = vector.shape_cast %get3A_553 : vector<1x16xi32> to vector<16xi32>
    %sub3A_555 = arith.constant 31 : i32
    %sub3A_556 = vector.broadcast %sub3A_555 : i32 to vector<16xi32>
    %sub3A_557 = arith.subi %broadcast_in_dim3A_26, %sub3A_556 : vector<16xi32>
    %max3A_558 = arith.constant 0 : i32
    %max3A_559 = vector.broadcast %max3A_558 : i32 to vector<16xi32>
    %max3A_560 = arith.maxsi %sub3A_557, %max3A_559 : vector<16xi32>
    %min3A_561 = arith.constant 1 : i32
    %min3A_562 = vector.broadcast %min3A_561 : i32 to vector<16xi32>
    %min3A_563 = arith.minsi %max3A_560, %min3A_562 : vector<16xi32>
    %add3A_564 = arith.addi %add3A_547, %get3A_554 : vector<16xi32>
    %mul3A_565 = arith.muli %min3A_563, %get3A_554 : vector<16xi32>
    %add3A_566 = arith.addi %add3A_549, %mul3A_565 : vector<16xi32>
    %add3A_567 = arith.constant 255 : i32
    %add3A_568 = vector.broadcast %add3A_567 : i32 to vector<16xi32>
    %add3A_569 = arith.addi %add3A_564, %add3A_568 : vector<16xi32>
    %and3A = arith.constant -256 : i32
    %and3A_570 = vector.broadcast %and3A : i32 to vector<16xi32>
    %and3A_571 = arith.andi %add3A_569, %and3A_570 : vector<16xi32>
    %sub3A_572 = arith.constant 0 : i32
    %sub3A_573 = vector.broadcast %sub3A_572 : i32 to vector<16xi32>
    %sub3A_574 = arith.subi %iota3A, %sub3A_573 : vector<16xi32>
    %max3A_575 = arith.constant 0 : i32
    %max3A_576 = vector.broadcast %max3A_575 : i32 to vector<16xi32>
    %max3A_577 = arith.maxsi %sub3A_574, %max3A_576 : vector<16xi32>
    %min3A_578 = arith.constant 1 : i32
    %min3A_579 = vector.broadcast %min3A_578 : i32 to vector<16xi32>
    %min3A_580 = arith.minsi %max3A_577, %min3A_579 : vector<16xi32>
    %sub3A_581 = arith.constant 1 : i32
    %sub3A_582 = vector.broadcast %sub3A_581 : i32 to vector<16xi32>
    %sub3A_583 = arith.subi %iota3A, %sub3A_582 : vector<16xi32>
    %max3A_584 = arith.constant 0 : i32
    %max3A_585 = vector.broadcast %max3A_584 : i32 to vector<16xi32>
    %max3A_586 = arith.maxsi %sub3A_583, %max3A_585 : vector<16xi32>
    %lt3A = arith.constant 0 : i32
    %lt3A_587 = vector.broadcast %lt3A : i32 to vector<16xi32>
    %lt3A_588 = arith.cmpi slt, %max3A_586, %lt3A_587 : vector<16xi32>
    %add3A_589 = arith.constant 16 : i32
    %add3A_590 = vector.broadcast %add3A_589 : i32 to vector<16xi32>
    %add3A_591 = arith.addi %max3A_586, %add3A_590 : vector<16xi32>
    %select_n3A = arith.select %lt3A_588, %add3A_591, %max3A_586 : vector<16xi1>, vector<16xi32>
    %broadcast_in_dim3A_592 = vector.shape_cast %select_n3A : vector<16xi32> to vector<16x1xi32>
    %gather3A = vector.shape_cast %broadcast_in_dim3A_592 : vector<16x1xi32> to vector<16xi32>
    %gather3A_593 = tpu.dynamic_gather %and3A_571[%gather3A] in [0] : vector<16xi32>, vector<16xi32> -> vector<16xi32>
    %mul3A_594 = arith.muli %min3A_580, %gather3A_593 : vector<16xi32>
    %add3A_595 = arith.addi %and3A_571, %mul3A_594 : vector<16xi32>
    %sub3A_596 = arith.constant 1 : i32
    %sub3A_597 = vector.broadcast %sub3A_596 : i32 to vector<16xi32>
    %sub3A_598 = arith.subi %iota3A, %sub3A_597 : vector<16xi32>
    %max3A_599 = arith.constant 0 : i32
    %max3A_600 = vector.broadcast %max3A_599 : i32 to vector<16xi32>
    %max3A_601 = arith.maxsi %sub3A_598, %max3A_600 : vector<16xi32>
    %min3A_602 = arith.constant 1 : i32
    %min3A_603 = vector.broadcast %min3A_602 : i32 to vector<16xi32>
    %min3A_604 = arith.minsi %max3A_601, %min3A_603 : vector<16xi32>
    %sub3A_605 = arith.constant 2 : i32
    %sub3A_606 = vector.broadcast %sub3A_605 : i32 to vector<16xi32>
    %sub3A_607 = arith.subi %iota3A, %sub3A_606 : vector<16xi32>
    %max3A_608 = arith.constant 0 : i32
    %max3A_609 = vector.broadcast %max3A_608 : i32 to vector<16xi32>
    %max3A_610 = arith.maxsi %sub3A_607, %max3A_609 : vector<16xi32>
    %lt3A_611 = arith.constant 0 : i32
    %lt3A_612 = vector.broadcast %lt3A_611 : i32 to vector<16xi32>
    %lt3A_613 = arith.cmpi slt, %max3A_610, %lt3A_612 : vector<16xi32>
    %add3A_614 = arith.constant 16 : i32
    %add3A_615 = vector.broadcast %add3A_614 : i32 to vector<16xi32>
    %add3A_616 = arith.addi %max3A_610, %add3A_615 : vector<16xi32>
    %select_n3A_617 = arith.select %lt3A_613, %add3A_616, %max3A_610 : vector<16xi1>, vector<16xi32>
    %broadcast_in_dim3A_618 = vector.shape_cast %select_n3A_617 : vector<16xi32> to vector<16x1xi32>
    %gather3A_619 = vector.shape_cast %broadcast_in_dim3A_618 : vector<16x1xi32> to vector<16xi32>
    %gather3A_620 = tpu.dynamic_gather %add3A_595[%gather3A_619] in [0] : vector<16xi32>, vector<16xi32> -> vector<16xi32>
    %mul3A_621 = arith.muli %min3A_604, %gather3A_620 : vector<16xi32>
    %add3A_622 = arith.addi %add3A_595, %mul3A_621 : vector<16xi32>
    %sub3A_623 = arith.constant 3 : i32
    %sub3A_624 = vector.broadcast %sub3A_623 : i32 to vector<16xi32>
    %sub3A_625 = arith.subi %iota3A, %sub3A_624 : vector<16xi32>
    %max3A_626 = arith.constant 0 : i32
    %max3A_627 = vector.broadcast %max3A_626 : i32 to vector<16xi32>
    %max3A_628 = arith.maxsi %sub3A_625, %max3A_627 : vector<16xi32>
    %min3A_629 = arith.constant 1 : i32
    %min3A_630 = vector.broadcast %min3A_629 : i32 to vector<16xi32>
    %min3A_631 = arith.minsi %max3A_628, %min3A_630 : vector<16xi32>
    %sub3A_632 = arith.constant 4 : i32
    %sub3A_633 = vector.broadcast %sub3A_632 : i32 to vector<16xi32>
    %sub3A_634 = arith.subi %iota3A, %sub3A_633 : vector<16xi32>
    %max3A_635 = arith.constant 0 : i32
    %max3A_636 = vector.broadcast %max3A_635 : i32 to vector<16xi32>
    %max3A_637 = arith.maxsi %sub3A_634, %max3A_636 : vector<16xi32>
    %lt3A_638 = arith.constant 0 : i32
    %lt3A_639 = vector.broadcast %lt3A_638 : i32 to vector<16xi32>
    %lt3A_640 = arith.cmpi slt, %max3A_637, %lt3A_639 : vector<16xi32>
    %add3A_641 = arith.constant 16 : i32
    %add3A_642 = vector.broadcast %add3A_641 : i32 to vector<16xi32>
    %add3A_643 = arith.addi %max3A_637, %add3A_642 : vector<16xi32>
    %select_n3A_644 = arith.select %lt3A_640, %add3A_643, %max3A_637 : vector<16xi1>, vector<16xi32>
    %broadcast_in_dim3A_645 = vector.shape_cast %select_n3A_644 : vector<16xi32> to vector<16x1xi32>
    %gather3A_646 = vector.shape_cast %broadcast_in_dim3A_645 : vector<16x1xi32> to vector<16xi32>
    %gather3A_647 = tpu.dynamic_gather %add3A_622[%gather3A_646] in [0] : vector<16xi32>, vector<16xi32> -> vector<16xi32>
    %mul3A_648 = arith.muli %min3A_631, %gather3A_647 : vector<16xi32>
    %add3A_649 = arith.addi %add3A_622, %mul3A_648 : vector<16xi32>
    %sub3A_650 = arith.constant 7 : i32
    %sub3A_651 = vector.broadcast %sub3A_650 : i32 to vector<16xi32>
    %sub3A_652 = arith.subi %iota3A, %sub3A_651 : vector<16xi32>
    %max3A_653 = arith.constant 0 : i32
    %max3A_654 = vector.broadcast %max3A_653 : i32 to vector<16xi32>
    %max3A_655 = arith.maxsi %sub3A_652, %max3A_654 : vector<16xi32>
    %min3A_656 = arith.constant 1 : i32
    %min3A_657 = vector.broadcast %min3A_656 : i32 to vector<16xi32>
    %min3A_658 = arith.minsi %max3A_655, %min3A_657 : vector<16xi32>
    %sub3A_659 = arith.constant 8 : i32
    %sub3A_660 = vector.broadcast %sub3A_659 : i32 to vector<16xi32>
    %sub3A_661 = arith.subi %iota3A, %sub3A_660 : vector<16xi32>
    %max3A_662 = arith.constant 0 : i32
    %max3A_663 = vector.broadcast %max3A_662 : i32 to vector<16xi32>
    %max3A_664 = arith.maxsi %sub3A_661, %max3A_663 : vector<16xi32>
    %lt3A_665 = arith.constant 0 : i32
    %lt3A_666 = vector.broadcast %lt3A_665 : i32 to vector<16xi32>
    %lt3A_667 = arith.cmpi slt, %max3A_664, %lt3A_666 : vector<16xi32>
    %add3A_668 = arith.constant 16 : i32
    %add3A_669 = vector.broadcast %add3A_668 : i32 to vector<16xi32>
    %add3A_670 = arith.addi %max3A_664, %add3A_669 : vector<16xi32>
    %select_n3A_671 = arith.select %lt3A_667, %add3A_670, %max3A_664 : vector<16xi1>, vector<16xi32>
    %broadcast_in_dim3A_672 = vector.shape_cast %select_n3A_671 : vector<16xi32> to vector<16x1xi32>
    %gather3A_673 = vector.shape_cast %broadcast_in_dim3A_672 : vector<16x1xi32> to vector<16xi32>
    %gather3A_674 = tpu.dynamic_gather %add3A_649[%gather3A_673] in [0] : vector<16xi32>, vector<16xi32> -> vector<16xi32>
    %mul3A_675 = arith.muli %min3A_658, %gather3A_674 : vector<16xi32>
    %add3A_676 = arith.addi %add3A_649, %mul3A_675 : vector<16xi32>
    %sub3A_677 = arith.subi %add3A_676, %and3A_571 : vector<16xi32>
    %get3A_678 = arith.constant 0 : index
    %get3A_679 = tpu.vector_load %arg11[%get3A_678] {strides = array<i32>} : memref<128xi32, #tpu.memory_space<vmem>>, vector<16xi32>,
    %get3A_680 = vector.shape_cast %get3A_679 : vector<16xi32> to vector<16xi32>
    %lt3A_681 = arith.constant 0 : i32
    %lt3A_682 = vector.broadcast %lt3A_681 : i32 to vector<16xi32>
    %lt3A_683 = arith.cmpi slt, %get3A_680, %lt3A_682 : vector<16xi32>
    %add3A_684 = arith.constant 16 : i32
    %add3A_685 = vector.broadcast %add3A_684 : i32 to vector<16xi32>
    %add3A_686 = arith.addi %get3A_680, %add3A_685 : vector<16xi32>
    %select_n3A_687 = arith.select %lt3A_683, %add3A_686, %get3A_680 : vector<16xi1>, vector<16xi32>
    %broadcast_in_dim3A_688 = vector.shape_cast %select_n3A_687 : vector<16xi32> to vector<16x1xi32>
    %gather3A_689 = vector.shape_cast %broadcast_in_dim3A_688 : vector<16x1xi32> to vector<16xi32>
    %gather3A_690 = tpu.dynamic_gather %sub3A_677[%gather3A_689] in [0] : vector<16xi32>, vector<16xi32> -> vector<16xi32>
    %lt3A_691 = arith.constant 0 : i32
    %lt3A_692 = vector.broadcast %lt3A_691 : i32 to vector<16xi32>
    %lt3A_693 = arith.cmpi slt, %get3A_680, %lt3A_692 : vector<16xi32>
    %add3A_694 = arith.constant 16 : i32
    %add3A_695 = vector.broadcast %add3A_694 : i32 to vector<16xi32>
    %add3A_696 = arith.addi %get3A_680, %add3A_695 : vector<16xi32>
    %select_n3A_697 = arith.select %lt3A_693, %add3A_696, %get3A_680 : vector<16xi1>, vector<16xi32>
    %broadcast_in_dim3A_698 = vector.shape_cast %select_n3A_697 : vector<16xi32> to vector<16x1xi32>
    %gather3A_699 = vector.shape_cast %broadcast_in_dim3A_698 : vector<16x1xi32> to vector<16xi32>
    %gather3A_700 = tpu.dynamic_gather %add3A_566[%gather3A_699] in [0] : vector<16xi32>, vector<16xi32> -> vector<16xi32>
    %add3A_701 = arith.addi %gather3A_690, %gather3A_700 : vector<16xi32>
    %scan3A = arith.constant 0 : i32
    %scan3A_702 = arith.constant 16 : i32
    %scan3A_703 = arith.addi %scan3A, %scan3A_702 : i32
    %scan3A_704 = arith.constant 1 : i32
    %scan3A_705:2 = scf.for %scan3A_1442 = %scan3A to %scan3A_703 step %scan3A_704 iter_args(%scan3A_1443 = %add3A_566, %scan3A_1444 = %broadcast_in_dim3A_21) -> (vector<16xi32>, vector<16xi32>)  : i32 {
      %sub3A_1445 = vector.broadcast %scan3A_1442 : i32 to vector<16xi32>
      %sub3A_1446 = arith.subi %get3A_680, %sub3A_1445 : vector<16xi32>
      %abs3A = math.absi %sub3A_1446 : vector<16xi32>
      %min3A_1447 = arith.constant 1 : i32
      %min3A_1448 = vector.broadcast %min3A_1447 : i32 to vector<16xi32>
      %min3A_1449 = arith.minsi %abs3A, %min3A_1448 : vector<16xi32>
      %sub3A_1450 = arith.subi %broadcast_in_dim3A_23, %min3A_1449 : vector<16xi32>
      %sub3A_1451 = arith.constant 0 : i32
      %sub3A_1452 = vector.broadcast %sub3A_1451 : i32 to vector<16xi32>
      %sub3A_1453 = arith.subi %iota3A, %sub3A_1452 : vector<16xi32>
      %max3A_1454 = arith.constant 0 : i32
      %max3A_1455 = vector.broadcast %max3A_1454 : i32 to vector<16xi32>
      %max3A_1456 = arith.maxsi %sub3A_1453, %max3A_1455 : vector<16xi32>
      %min3A_1457 = arith.constant 1 : i32
      %min3A_1458 = vector.broadcast %min3A_1457 : i32 to vector<16xi32>
      %min3A_1459 = arith.minsi %max3A_1456, %min3A_1458 : vector<16xi32>
      %sub3A_1460 = arith.constant 1 : i32
      %sub3A_1461 = vector.broadcast %sub3A_1460 : i32 to vector<16xi32>
      %sub3A_1462 = arith.subi %iota3A, %sub3A_1461 : vector<16xi32>
      %max3A_1463 = arith.constant 0 : i32
      %max3A_1464 = vector.broadcast %max3A_1463 : i32 to vector<16xi32>
      %max3A_1465 = arith.maxsi %sub3A_1462, %max3A_1464 : vector<16xi32>
      %lt3A_1466 = arith.constant 0 : i32
      %lt3A_1467 = vector.broadcast %lt3A_1466 : i32 to vector<16xi32>
      %lt3A_1468 = arith.cmpi slt, %max3A_1465, %lt3A_1467 : vector<16xi32>
      %add3A_1469 = arith.constant 16 : i32
      %add3A_1470 = vector.broadcast %add3A_1469 : i32 to vector<16xi32>
      %add3A_1471 = arith.addi %max3A_1465, %add3A_1470 : vector<16xi32>
      %select_n3A_1472 = arith.select %lt3A_1468, %add3A_1471, %max3A_1465 : vector<16xi1>, vector<16xi32>
      %broadcast_in_dim3A_1473 = vector.shape_cast %select_n3A_1472 : vector<16xi32> to vector<16x1xi32>
      %gather3A_1474 = vector.shape_cast %broadcast_in_dim3A_1473 : vector<16x1xi32> to vector<16xi32>
      %gather3A_1475 = tpu.dynamic_gather %sub3A_1450[%gather3A_1474] in [0] : vector<16xi32>, vector<16xi32> -> vector<16xi32>
      %mul3A_1476 = arith.muli %min3A_1459, %gather3A_1475 : vector<16xi32>
      %add3A_1477 = arith.addi %sub3A_1450, %mul3A_1476 : vector<16xi32>
      %sub3A_1478 = arith.constant 1 : i32
      %sub3A_1479 = vector.broadcast %sub3A_1478 : i32 to vector<16xi32>
      %sub3A_1480 = arith.subi %iota3A, %sub3A_1479 : vector<16xi32>
      %max3A_1481 = arith.constant 0 : i32
      %max3A_1482 = vector.broadcast %max3A_1481 : i32 to vector<16xi32>
      %max3A_1483 = arith.maxsi %sub3A_1480, %max3A_1482 : vector<16xi32>
      %min3A_1484 = arith.constant 1 : i32
      %min3A_1485 = vector.broadcast %min3A_1484 : i32 to vector<16xi32>
      %min3A_1486 = arith.minsi %max3A_1483, %min3A_1485 : vector<16xi32>
      %sub3A_1487 = arith.constant 2 : i32
      %sub3A_1488 = vector.broadcast %sub3A_1487 : i32 to vector<16xi32>
      %sub3A_1489 = arith.subi %iota3A, %sub3A_1488 : vector<16xi32>
      %max3A_1490 = arith.constant 0 : i32
      %max3A_1491 = vector.broadcast %max3A_1490 : i32 to vector<16xi32>
      %max3A_1492 = arith.maxsi %sub3A_1489, %max3A_1491 : vector<16xi32>
      %lt3A_1493 = arith.constant 0 : i32
      %lt3A_1494 = vector.broadcast %lt3A_1493 : i32 to vector<16xi32>
      %lt3A_1495 = arith.cmpi slt, %max3A_1492, %lt3A_1494 : vector<16xi32>
      %add3A_1496 = arith.constant 16 : i32
      %add3A_1497 = vector.broadcast %add3A_1496 : i32 to vector<16xi32>
      %add3A_1498 = arith.addi %max3A_1492, %add3A_1497 : vector<16xi32>
      %select_n3A_1499 = arith.select %lt3A_1495, %add3A_1498, %max3A_1492 : vector<16xi1>, vector<16xi32>
      %broadcast_in_dim3A_1500 = vector.shape_cast %select_n3A_1499 : vector<16xi32> to vector<16x1xi32>
      %gather3A_1501 = vector.shape_cast %broadcast_in_dim3A_1500 : vector<16x1xi32> to vector<16xi32>
      %gather3A_1502 = tpu.dynamic_gather %add3A_1477[%gather3A_1501] in [0] : vector<16xi32>, vector<16xi32> -> vector<16xi32>
      %mul3A_1503 = arith.muli %min3A_1486, %gather3A_1502 : vector<16xi32>
      %add3A_1504 = arith.addi %add3A_1477, %mul3A_1503 : vector<16xi32>
      %sub3A_1505 = arith.constant 3 : i32
      %sub3A_1506 = vector.broadcast %sub3A_1505 : i32 to vector<16xi32>
      %sub3A_1507 = arith.subi %iota3A, %sub3A_1506 : vector<16xi32>
      %max3A_1508 = arith.constant 0 : i32
      %max3A_1509 = vector.broadcast %max3A_1508 : i32 to vector<16xi32>
      %max3A_1510 = arith.maxsi %sub3A_1507, %max3A_1509 : vector<16xi32>
      %min3A_1511 = arith.constant 1 : i32
      %min3A_1512 = vector.broadcast %min3A_1511 : i32 to vector<16xi32>
      %min3A_1513 = arith.minsi %max3A_1510, %min3A_1512 : vector<16xi32>
      %sub3A_1514 = arith.constant 4 : i32
      %sub3A_1515 = vector.broadcast %sub3A_1514 : i32 to vector<16xi32>
      %sub3A_1516 = arith.subi %iota3A, %sub3A_1515 : vector<16xi32>
      %max3A_1517 = arith.constant 0 : i32
      %max3A_1518 = vector.broadcast %max3A_1517 : i32 to vector<16xi32>
      %max3A_1519 = arith.maxsi %sub3A_1516, %max3A_1518 : vector<16xi32>
      %lt3A_1520 = arith.constant 0 : i32
      %lt3A_1521 = vector.broadcast %lt3A_1520 : i32 to vector<16xi32>
      %lt3A_1522 = arith.cmpi slt, %max3A_1519, %lt3A_1521 : vector<16xi32>
      %add3A_1523 = arith.constant 16 : i32
      %add3A_1524 = vector.broadcast %add3A_1523 : i32 to vector<16xi32>
      %add3A_1525 = arith.addi %max3A_1519, %add3A_1524 : vector<16xi32>
      %select_n3A_1526 = arith.select %lt3A_1522, %add3A_1525, %max3A_1519 : vector<16xi1>, vector<16xi32>
      %broadcast_in_dim3A_1527 = vector.shape_cast %select_n3A_1526 : vector<16xi32> to vector<16x1xi32>
      %gather3A_1528 = vector.shape_cast %broadcast_in_dim3A_1527 : vector<16x1xi32> to vector<16xi32>
      %gather3A_1529 = tpu.dynamic_gather %add3A_1504[%gather3A_1528] in [0] : vector<16xi32>, vector<16xi32> -> vector<16xi32>
      %mul3A_1530 = arith.muli %min3A_1513, %gather3A_1529 : vector<16xi32>
      %add3A_1531 = arith.addi %add3A_1504, %mul3A_1530 : vector<16xi32>
      %sub3A_1532 = arith.constant 7 : i32
      %sub3A_1533 = vector.broadcast %sub3A_1532 : i32 to vector<16xi32>
      %sub3A_1534 = arith.subi %iota3A, %sub3A_1533 : vector<16xi32>
      %max3A_1535 = arith.constant 0 : i32
      %max3A_1536 = vector.broadcast %max3A_1535 : i32 to vector<16xi32>
      %max3A_1537 = arith.maxsi %sub3A_1534, %max3A_1536 : vector<16xi32>
      %min3A_1538 = arith.constant 1 : i32
      %min3A_1539 = vector.broadcast %min3A_1538 : i32 to vector<16xi32>
      %min3A_1540 = arith.minsi %max3A_1537, %min3A_1539 : vector<16xi32>
      %sub3A_1541 = arith.constant 8 : i32
      %sub3A_1542 = vector.broadcast %sub3A_1541 : i32 to vector<16xi32>
      %sub3A_1543 = arith.subi %iota3A, %sub3A_1542 : vector<16xi32>
      %max3A_1544 = arith.constant 0 : i32
      %max3A_1545 = vector.broadcast %max3A_1544 : i32 to vector<16xi32>
      %max3A_1546 = arith.maxsi %sub3A_1543, %max3A_1545 : vector<16xi32>
      %lt3A_1547 = arith.constant 0 : i32
      %lt3A_1548 = vector.broadcast %lt3A_1547 : i32 to vector<16xi32>
      %lt3A_1549 = arith.cmpi slt, %max3A_1546, %lt3A_1548 : vector<16xi32>
      %add3A_1550 = arith.constant 16 : i32
      %add3A_1551 = vector.broadcast %add3A_1550 : i32 to vector<16xi32>
      %add3A_1552 = arith.addi %max3A_1546, %add3A_1551 : vector<16xi32>
      %select_n3A_1553 = arith.select %lt3A_1549, %add3A_1552, %max3A_1546 : vector<16xi1>, vector<16xi32>
      %broadcast_in_dim3A_1554 = vector.shape_cast %select_n3A_1553 : vector<16xi32> to vector<16x1xi32>
      %gather3A_1555 = vector.shape_cast %broadcast_in_dim3A_1554 : vector<16x1xi32> to vector<16xi32>
      %gather3A_1556 = tpu.dynamic_gather %add3A_1531[%gather3A_1555] in [0] : vector<16xi32>, vector<16xi32> -> vector<16xi32>
      %mul3A_1557 = arith.muli %min3A_1540, %gather3A_1556 : vector<16xi32>
      %add3A_1558 = arith.addi %add3A_1531, %mul3A_1557 : vector<16xi32>
      %sub3A_1559 = arith.constant 1 : i32
      %sub3A_1560 = vector.broadcast %sub3A_1559 : i32 to vector<16xi32>
      %sub3A_1561 = arith.subi %add3A_1558, %sub3A_1560 : vector<16xi32>
      %mul3A_1562 = arith.muli %sub3A_1450, %sub3A_1561 : vector<16xi32>
      %add3A_1563 = arith.addi %scan3A_1444, %mul3A_1562 : vector<16xi32>
      %sub3A_1564 = vector.broadcast %scan3A_1442 : i32 to vector<16xi32>
      %sub3A_1565 = arith.subi %iota3A, %sub3A_1564 : vector<16xi32>
      %abs3A_1566 = math.absi %sub3A_1565 : vector<16xi32>
      %min3A_1567 = arith.constant 1 : i32
      %min3A_1568 = vector.broadcast %min3A_1567 : i32 to vector<16xi32>
      %min3A_1569 = arith.minsi %abs3A_1566, %min3A_1568 : vector<16xi32>
      %sub3A_1570 = arith.subi %broadcast_in_dim3A_23, %min3A_1569 : vector<16xi32>
      %lt3A_1571 = arith.constant 0 : i32
      %lt3A_1572 = vector.broadcast %lt3A_1571 : i32 to vector<16xi32>
      %lt3A_1573 = arith.cmpi slt, %broadcast_in_dim3A_25, %lt3A_1572 : vector<16xi32>
      %add3A_1574 = arith.constant 16 : i32
      %add3A_1575 = vector.broadcast %add3A_1574 : i32 to vector<16xi32>
      %add3A_1576 = arith.addi %broadcast_in_dim3A_25, %add3A_1575 : vector<16xi32>
      %select_n3A_1577 = arith.select %lt3A_1573, %add3A_1576, %broadcast_in_dim3A_25 : vector<16xi1>, vector<16xi32>
      %broadcast_in_dim3A_1578 = vector.shape_cast %select_n3A_1577 : vector<16xi32> to vector<16x1xi32>
      %gather3A_1579 = vector.shape_cast %broadcast_in_dim3A_1578 : vector<16x1xi32> to vector<16xi32>
      %gather3A_1580 = tpu.dynamic_gather %add3A_1558[%gather3A_1579] in [0] : vector<16xi32>, vector<16xi32> -> vector<16xi32>
      %mul3A_1581 = arith.muli %sub3A_1570, %gather3A_1580 : vector<16xi32>
      %add3A_1582 = arith.addi %scan3A_1443, %mul3A_1581 : vector<16xi32>
      scf.yield %add3A_1582, %add3A_1563 : vector<16xi32>, vector<16xi32>
    }
    %scan3A_706 = arith.constant 16 : i32
    %add3A_707 = arith.addi %add3A_701, %scan3A_705#1 : vector<16xi32>
    %swap3A = arith.constant 0 : index
    %swap3A_708 = tpu.vector_load %arg13[%swap3A] {strides = array<i32>} : memref<128xi32, #tpu.memory_space<vmem>>, vector<16xi32>,
    %swap3A_709 = vector.shape_cast %swap3A_708 : vector<16xi32> to vector<16xi32>
    %swap3A_710 = vector.shape_cast %add3A_707 : vector<16xi32> to vector<16xi32>
    tpu.vector_store %arg13[%swap3A], %swap3A_710 {strides = array<i32>} : memref<128xi32, #tpu.memory_space<vmem>>, vector<16xi32>,
    %get3A_711 = arith.constant 16 : index
    %get3A_712 = tpu.vector_load %arg11[%get3A_711] {strides = array<i32>} : memref<128xi32, #tpu.memory_space<vmem>>, vector<16xi32>,
    %get3A_713 = vector.shape_cast %get3A_712 : vector<16xi32> to vector<16xi32>
    %lt3A_714 = arith.constant 0 : i32
    %lt3A_715 = vector.broadcast %lt3A_714 : i32 to vector<16xi32>
    %lt3A_716 = arith.cmpi slt, %get3A_713, %lt3A_715 : vector<16xi32>
    %add3A_717 = arith.constant 16 : i32
    %add3A_718 = vector.broadcast %add3A_717 : i32 to vector<16xi32>
    %add3A_719 = arith.addi %get3A_713, %add3A_718 : vector<16xi32>
    %select_n3A_720 = arith.select %lt3A_716, %add3A_719, %get3A_713 : vector<16xi1>, vector<16xi32>
    %broadcast_in_dim3A_721 = vector.shape_cast %select_n3A_720 : vector<16xi32> to vector<16x1xi32>
    %gather3A_722 = vector.shape_cast %broadcast_in_dim3A_721 : vector<16x1xi32> to vector<16xi32>
    %gather3A_723 = tpu.dynamic_gather %sub3A_677[%gather3A_722] in [0] : vector<16xi32>, vector<16xi32> -> vector<16xi32>
    %lt3A_724 = arith.constant 0 : i32
    %lt3A_725 = vector.broadcast %lt3A_724 : i32 to vector<16xi32>
    %lt3A_726 = arith.cmpi slt, %get3A_713, %lt3A_725 : vector<16xi32>
    %add3A_727 = arith.constant 16 : i32
    %add3A_728 = vector.broadcast %add3A_727 : i32 to vector<16xi32>
    %add3A_729 = arith.addi %get3A_713, %add3A_728 : vector<16xi32>
    %select_n3A_730 = arith.select %lt3A_726, %add3A_729, %get3A_713 : vector<16xi1>, vector<16xi32>
    %broadcast_in_dim3A_731 = vector.shape_cast %select_n3A_730 : vector<16xi32> to vector<16x1xi32>
    %gather3A_732 = vector.shape_cast %broadcast_in_dim3A_731 : vector<16x1xi32> to vector<16xi32>
    %gather3A_733 = tpu.dynamic_gather %scan3A_705#0[%gather3A_732] in [0] : vector<16xi32>, vector<16xi32> -> vector<16xi32>
    %add3A_734 = arith.addi %gather3A_723, %gather3A_733 : vector<16xi32>
    %scan3A_735 = arith.constant 0 : i32
    %scan3A_736 = arith.constant 16 : i32
    %scan3A_737 = arith.addi %scan3A_735, %scan3A_736 : i32
    %scan3A_738 = arith.constant 1 : i32
    %scan3A_739:2 = scf.for %scan3A_1442 = %scan3A_735 to %scan3A_737 step %scan3A_738 iter_args(%scan3A_1443 = %scan3A_705#0, %scan3A_1444 = %broadcast_in_dim3A_21) -> (vector<16xi32>, vector<16xi32>)  : i32 {
      %sub3A_1445 = vector.broadcast %scan3A_1442 : i32 to vector<16xi32>
      %sub3A_1446 = arith.subi %get3A_713, %sub3A_1445 : vector<16xi32>
      %abs3A = math.absi %sub3A_1446 : vector<16xi32>
      %min3A_1447 = arith.constant 1 : i32
      %min3A_1448 = vector.broadcast %min3A_1447 : i32 to vector<16xi32>
      %min3A_1449 = arith.minsi %abs3A, %min3A_1448 : vector<16xi32>
      %sub3A_1450 = arith.subi %broadcast_in_dim3A_23, %min3A_1449 : vector<16xi32>
      %sub3A_1451 = arith.constant 0 : i32
      %sub3A_1452 = vector.broadcast %sub3A_1451 : i32 to vector<16xi32>
      %sub3A_1453 = arith.subi %iota3A, %sub3A_1452 : vector<16xi32>
      %max3A_1454 = arith.constant 0 : i32
      %max3A_1455 = vector.broadcast %max3A_1454 : i32 to vector<16xi32>
      %max3A_1456 = arith.maxsi %sub3A_1453, %max3A_1455 : vector<16xi32>
      %min3A_1457 = arith.constant 1 : i32
      %min3A_1458 = vector.broadcast %min3A_1457 : i32 to vector<16xi32>
      %min3A_1459 = arith.minsi %max3A_1456, %min3A_1458 : vector<16xi32>
      %sub3A_1460 = arith.constant 1 : i32
      %sub3A_1461 = vector.broadcast %sub3A_1460 : i32 to vector<16xi32>
      %sub3A_1462 = arith.subi %iota3A, %sub3A_1461 : vector<16xi32>
      %max3A_1463 = arith.constant 0 : i32
      %max3A_1464 = vector.broadcast %max3A_1463 : i32 to vector<16xi32>
      %max3A_1465 = arith.maxsi %sub3A_1462, %max3A_1464 : vector<16xi32>
      %lt3A_1466 = arith.constant 0 : i32
      %lt3A_1467 = vector.broadcast %lt3A_1466 : i32 to vector<16xi32>
      %lt3A_1468 = arith.cmpi slt, %max3A_1465, %lt3A_1467 : vector<16xi32>
      %add3A_1469 = arith.constant 16 : i32
      %add3A_1470 = vector.broadcast %add3A_1469 : i32 to vector<16xi32>
      %add3A_1471 = arith.addi %max3A_1465, %add3A_1470 : vector<16xi32>
      %select_n3A_1472 = arith.select %lt3A_1468, %add3A_1471, %max3A_1465 : vector<16xi1>, vector<16xi32>
      %broadcast_in_dim3A_1473 = vector.shape_cast %select_n3A_1472 : vector<16xi32> to vector<16x1xi32>
      %gather3A_1474 = vector.shape_cast %broadcast_in_dim3A_1473 : vector<16x1xi32> to vector<16xi32>
      %gather3A_1475 = tpu.dynamic_gather %sub3A_1450[%gather3A_1474] in [0] : vector<16xi32>, vector<16xi32> -> vector<16xi32>
      %mul3A_1476 = arith.muli %min3A_1459, %gather3A_1475 : vector<16xi32>
      %add3A_1477 = arith.addi %sub3A_1450, %mul3A_1476 : vector<16xi32>
      %sub3A_1478 = arith.constant 1 : i32
      %sub3A_1479 = vector.broadcast %sub3A_1478 : i32 to vector<16xi32>
      %sub3A_1480 = arith.subi %iota3A, %sub3A_1479 : vector<16xi32>
      %max3A_1481 = arith.constant 0 : i32
      %max3A_1482 = vector.broadcast %max3A_1481 : i32 to vector<16xi32>
      %max3A_1483 = arith.maxsi %sub3A_1480, %max3A_1482 : vector<16xi32>
      %min3A_1484 = arith.constant 1 : i32
      %min3A_1485 = vector.broadcast %min3A_1484 : i32 to vector<16xi32>
      %min3A_1486 = arith.minsi %max3A_1483, %min3A_1485 : vector<16xi32>
      %sub3A_1487 = arith.constant 2 : i32
      %sub3A_1488 = vector.broadcast %sub3A_1487 : i32 to vector<16xi32>
      %sub3A_1489 = arith.subi %iota3A, %sub3A_1488 : vector<16xi32>
      %max3A_1490 = arith.constant 0 : i32
      %max3A_1491 = vector.broadcast %max3A_1490 : i32 to vector<16xi32>
      %max3A_1492 = arith.maxsi %sub3A_1489, %max3A_1491 : vector<16xi32>
      %lt3A_1493 = arith.constant 0 : i32
      %lt3A_1494 = vector.broadcast %lt3A_1493 : i32 to vector<16xi32>
      %lt3A_1495 = arith.cmpi slt, %max3A_1492, %lt3A_1494 : vector<16xi32>
      %add3A_1496 = arith.constant 16 : i32
      %add3A_1497 = vector.broadcast %add3A_1496 : i32 to vector<16xi32>
      %add3A_1498 = arith.addi %max3A_1492, %add3A_1497 : vector<16xi32>
      %select_n3A_1499 = arith.select %lt3A_1495, %add3A_1498, %max3A_1492 : vector<16xi1>, vector<16xi32>
      %broadcast_in_dim3A_1500 = vector.shape_cast %select_n3A_1499 : vector<16xi32> to vector<16x1xi32>
      %gather3A_1501 = vector.shape_cast %broadcast_in_dim3A_1500 : vector<16x1xi32> to vector<16xi32>
      %gather3A_1502 = tpu.dynamic_gather %add3A_1477[%gather3A_1501] in [0] : vector<16xi32>, vector<16xi32> -> vector<16xi32>
      %mul3A_1503 = arith.muli %min3A_1486, %gather3A_1502 : vector<16xi32>
      %add3A_1504 = arith.addi %add3A_1477, %mul3A_1503 : vector<16xi32>
      %sub3A_1505 = arith.constant 3 : i32
      %sub3A_1506 = vector.broadcast %sub3A_1505 : i32 to vector<16xi32>
      %sub3A_1507 = arith.subi %iota3A, %sub3A_1506 : vector<16xi32>
      %max3A_1508 = arith.constant 0 : i32
      %max3A_1509 = vector.broadcast %max3A_1508 : i32 to vector<16xi32>
      %max3A_1510 = arith.maxsi %sub3A_1507, %max3A_1509 : vector<16xi32>
      %min3A_1511 = arith.constant 1 : i32
      %min3A_1512 = vector.broadcast %min3A_1511 : i32 to vector<16xi32>
      %min3A_1513 = arith.minsi %max3A_1510, %min3A_1512 : vector<16xi32>
      %sub3A_1514 = arith.constant 4 : i32
      %sub3A_1515 = vector.broadcast %sub3A_1514 : i32 to vector<16xi32>
      %sub3A_1516 = arith.subi %iota3A, %sub3A_1515 : vector<16xi32>
      %max3A_1517 = arith.constant 0 : i32
      %max3A_1518 = vector.broadcast %max3A_1517 : i32 to vector<16xi32>
      %max3A_1519 = arith.maxsi %sub3A_1516, %max3A_1518 : vector<16xi32>
      %lt3A_1520 = arith.constant 0 : i32
      %lt3A_1521 = vector.broadcast %lt3A_1520 : i32 to vector<16xi32>
      %lt3A_1522 = arith.cmpi slt, %max3A_1519, %lt3A_1521 : vector<16xi32>
      %add3A_1523 = arith.constant 16 : i32
      %add3A_1524 = vector.broadcast %add3A_1523 : i32 to vector<16xi32>
      %add3A_1525 = arith.addi %max3A_1519, %add3A_1524 : vector<16xi32>
      %select_n3A_1526 = arith.select %lt3A_1522, %add3A_1525, %max3A_1519 : vector<16xi1>, vector<16xi32>
      %broadcast_in_dim3A_1527 = vector.shape_cast %select_n3A_1526 : vector<16xi32> to vector<16x1xi32>
      %gather3A_1528 = vector.shape_cast %broadcast_in_dim3A_1527 : vector<16x1xi32> to vector<16xi32>
      %gather3A_1529 = tpu.dynamic_gather %add3A_1504[%gather3A_1528] in [0] : vector<16xi32>, vector<16xi32> -> vector<16xi32>
      %mul3A_1530 = arith.muli %min3A_1513, %gather3A_1529 : vector<16xi32>
      %add3A_1531 = arith.addi %add3A_1504, %mul3A_1530 : vector<16xi32>
      %sub3A_1532 = arith.constant 7 : i32
      %sub3A_1533 = vector.broadcast %sub3A_1532 : i32 to vector<16xi32>
      %sub3A_1534 = arith.subi %iota3A, %sub3A_1533 : vector<16xi32>
      %max3A_1535 = arith.constant 0 : i32
      %max3A_1536 = vector.broadcast %max3A_1535 : i32 to vector<16xi32>
      %max3A_1537 = arith.maxsi %sub3A_1534, %max3A_1536 : vector<16xi32>
      %min3A_1538 = arith.constant 1 : i32
      %min3A_1539 = vector.broadcast %min3A_1538 : i32 to vector<16xi32>
      %min3A_1540 = arith.minsi %max3A_1537, %min3A_1539 : vector<16xi32>
      %sub3A_1541 = arith.constant 8 : i32
      %sub3A_1542 = vector.broadcast %sub3A_1541 : i32 to vector<16xi32>
      %sub3A_1543 = arith.subi %iota3A, %sub3A_1542 : vector<16xi32>
      %max3A_1544 = arith.constant 0 : i32
      %max3A_1545 = vector.broadcast %max3A_1544 : i32 to vector<16xi32>
      %max3A_1546 = arith.maxsi %sub3A_1543, %max3A_1545 : vector<16xi32>
      %lt3A_1547 = arith.constant 0 : i32
      %lt3A_1548 = vector.broadcast %lt3A_1547 : i32 to vector<16xi32>
      %lt3A_1549 = arith.cmpi slt, %max3A_1546, %lt3A_1548 : vector<16xi32>
      %add3A_1550 = arith.constant 16 : i32
      %add3A_1551 = vector.broadcast %add3A_1550 : i32 to vector<16xi32>
      %add3A_1552 = arith.addi %max3A_1546, %add3A_1551 : vector<16xi32>
      %select_n3A_1553 = arith.select %lt3A_1549, %add3A_1552, %max3A_1546 : vector<16xi1>, vector<16xi32>
      %broadcast_in_dim3A_1554 = vector.shape_cast %select_n3A_1553 : vector<16xi32> to vector<16x1xi32>
      %gather3A_1555 = vector.shape_cast %broadcast_in_dim3A_1554 : vector<16x1xi32> to vector<16xi32>
      %gather3A_1556 = tpu.dynamic_gather %add3A_1531[%gather3A_1555] in [0] : vector<16xi32>, vector<16xi32> -> vector<16xi32>
      %mul3A_1557 = arith.muli %min3A_1540, %gather3A_1556 : vector<16xi32>
      %add3A_1558 = arith.addi %add3A_1531, %mul3A_1557 : vector<16xi32>
      %sub3A_1559 = arith.constant 1 : i32
      %sub3A_1560 = vector.broadcast %sub3A_1559 : i32 to vector<16xi32>
      %sub3A_1561 = arith.subi %add3A_1558, %sub3A_1560 : vector<16xi32>
      %mul3A_1562 = arith.muli %sub3A_1450, %sub3A_1561 : vector<16xi32>
      %add3A_1563 = arith.addi %scan3A_1444, %mul3A_1562 : vector<16xi32>
      %sub3A_1564 = vector.broadcast %scan3A_1442 : i32 to vector<16xi32>
      %sub3A_1565 = arith.subi %iota3A, %sub3A_1564 : vector<16xi32>
      %abs3A_1566 = math.absi %sub3A_1565 : vector<16xi32>
      %min3A_1567 = arith.constant 1 : i32
      %min3A_1568 = vector.broadcast %min3A_1567 : i32 to vector<16xi32>
      %min3A_1569 = arith.minsi %abs3A_1566, %min3A_1568 : vector<16xi32>
      %sub3A_1570 = arith.subi %broadcast_in_dim3A_23, %min3A_1569 : vector<16xi32>
      %lt3A_1571 = arith.constant 0 : i32
      %lt3A_1572 = vector.broadcast %lt3A_1571 : i32 to vector<16xi32>
      %lt3A_1573 = arith.cmpi slt, %broadcast_in_dim3A_25, %lt3A_1572 : vector<16xi32>
      %add3A_1574 = arith.constant 16 : i32
      %add3A_1575 = vector.broadcast %add3A_1574 : i32 to vector<16xi32>
      %add3A_1576 = arith.addi %broadcast_in_dim3A_25, %add3A_1575 : vector<16xi32>
      %select_n3A_1577 = arith.select %lt3A_1573, %add3A_1576, %broadcast_in_dim3A_25 : vector<16xi1>, vector<16xi32>
      %broadcast_in_dim3A_1578 = vector.shape_cast %select_n3A_1577 : vector<16xi32> to vector<16x1xi32>
      %gather3A_1579 = vector.shape_cast %broadcast_in_dim3A_1578 : vector<16x1xi32> to vector<16xi32>
      %gather3A_1580 = tpu.dynamic_gather %add3A_1558[%gather3A_1579] in [0] : vector<16xi32>, vector<16xi32> -> vector<16xi32>
      %mul3A_1581 = arith.muli %sub3A_1570, %gather3A_1580 : vector<16xi32>
      %add3A_1582 = arith.addi %scan3A_1443, %mul3A_1581 : vector<16xi32>
      scf.yield %add3A_1582, %add3A_1563 : vector<16xi32>, vector<16xi32>
    }
    %scan3A_740 = arith.constant 16 : i32
    %add3A_741 = arith.addi %add3A_734, %scan3A_739#1 : vector<16xi32>
    %swap3A_742 = arith.constant 16 : index
    %swap3A_743 = tpu.vector_load %arg13[%swap3A_742] {strides = array<i32>} : memref<128xi32, #tpu.memory_space<vmem>>, vector<16xi32>,
    %swap3A_744 = vector.shape_cast %swap3A_743 : vector<16xi32> to vector<16xi32>
    %swap3A_745 = vector.shape_cast %add3A_741 : vector<16xi32> to vector<16xi32>
    tpu.vector_store %arg13[%swap3A_742], %swap3A_745 {strides = array<i32>} : memref<128xi32, #tpu.memory_space<vmem>>, vector<16xi32>,
    %get3A_746 = arith.constant 32 : index
    %get3A_747 = tpu.vector_load %arg11[%get3A_746] {strides = array<i32>} : memref<128xi32, #tpu.memory_space<vmem>>, vector<16xi32>,
    %get3A_748 = vector.shape_cast %get3A_747 : vector<16xi32> to vector<16xi32>
    %lt3A_749 = arith.constant 0 : i32
    %lt3A_750 = vector.broadcast %lt3A_749 : i32 to vector<16xi32>
    %lt3A_751 = arith.cmpi slt, %get3A_748, %lt3A_750 : vector<16xi32>
    %add3A_752 = arith.constant 16 : i32
    %add3A_753 = vector.broadcast %add3A_752 : i32 to vector<16xi32>
    %add3A_754 = arith.addi %get3A_748, %add3A_753 : vector<16xi32>
    %select_n3A_755 = arith.select %lt3A_751, %add3A_754, %get3A_748 : vector<16xi1>, vector<16xi32>
    %broadcast_in_dim3A_756 = vector.shape_cast %select_n3A_755 : vector<16xi32> to vector<16x1xi32>
    %gather3A_757 = vector.shape_cast %broadcast_in_dim3A_756 : vector<16x1xi32> to vector<16xi32>
    %gather3A_758 = tpu.dynamic_gather %sub3A_677[%gather3A_757] in [0] : vector<16xi32>, vector<16xi32> -> vector<16xi32>
    %lt3A_759 = arith.constant 0 : i32
    %lt3A_760 = vector.broadcast %lt3A_759 : i32 to vector<16xi32>
    %lt3A_761 = arith.cmpi slt, %get3A_748, %lt3A_760 : vector<16xi32>
    %add3A_762 = arith.constant 16 : i32
    %add3A_763 = vector.broadcast %add3A_762 : i32 to vector<16xi32>
    %add3A_764 = arith.addi %get3A_748, %add3A_763 : vector<16xi32>
    %select_n3A_765 = arith.select %lt3A_761, %add3A_764, %get3A_748 : vector<16xi1>, vector<16xi32>
    %broadcast_in_dim3A_766 = vector.shape_cast %select_n3A_765 : vector<16xi32> to vector<16x1xi32>
    %gather3A_767 = vector.shape_cast %broadcast_in_dim3A_766 : vector<16x1xi32> to vector<16xi32>
    %gather3A_768 = tpu.dynamic_gather %scan3A_739#0[%gather3A_767] in [0] : vector<16xi32>, vector<16xi32> -> vector<16xi32>
    %add3A_769 = arith.addi %gather3A_758, %gather3A_768 : vector<16xi32>
    %scan3A_770 = arith.constant 0 : i32
    %scan3A_771 = arith.constant 16 : i32
    %scan3A_772 = arith.addi %scan3A_770, %scan3A_771 : i32
    %scan3A_773 = arith.constant 1 : i32
    %scan3A_774:2 = scf.for %scan3A_1442 = %scan3A_770 to %scan3A_772 step %scan3A_773 iter_args(%scan3A_1443 = %scan3A_739#0, %scan3A_1444 = %broadcast_in_dim3A_21) -> (vector<16xi32>, vector<16xi32>)  : i32 {
      %sub3A_1445 = vector.broadcast %scan3A_1442 : i32 to vector<16xi32>
      %sub3A_1446 = arith.subi %get3A_748, %sub3A_1445 : vector<16xi32>
      %abs3A = math.absi %sub3A_1446 : vector<16xi32>
      %min3A_1447 = arith.constant 1 : i32
      %min3A_1448 = vector.broadcast %min3A_1447 : i32 to vector<16xi32>
      %min3A_1449 = arith.minsi %abs3A, %min3A_1448 : vector<16xi32>
      %sub3A_1450 = arith.subi %broadcast_in_dim3A_23, %min3A_1449 : vector<16xi32>
      %sub3A_1451 = arith.constant 0 : i32
      %sub3A_1452 = vector.broadcast %sub3A_1451 : i32 to vector<16xi32>
      %sub3A_1453 = arith.subi %iota3A, %sub3A_1452 : vector<16xi32>
      %max3A_1454 = arith.constant 0 : i32
      %max3A_1455 = vector.broadcast %max3A_1454 : i32 to vector<16xi32>
      %max3A_1456 = arith.maxsi %sub3A_1453, %max3A_1455 : vector<16xi32>
      %min3A_1457 = arith.constant 1 : i32
      %min3A_1458 = vector.broadcast %min3A_1457 : i32 to vector<16xi32>
      %min3A_1459 = arith.minsi %max3A_1456, %min3A_1458 : vector<16xi32>
      %sub3A_1460 = arith.constant 1 : i32
      %sub3A_1461 = vector.broadcast %sub3A_1460 : i32 to vector<16xi32>
      %sub3A_1462 = arith.subi %iota3A, %sub3A_1461 : vector<16xi32>
      %max3A_1463 = arith.constant 0 : i32
      %max3A_1464 = vector.broadcast %max3A_1463 : i32 to vector<16xi32>
      %max3A_1465 = arith.maxsi %sub3A_1462, %max3A_1464 : vector<16xi32>
      %lt3A_1466 = arith.constant 0 : i32
      %lt3A_1467 = vector.broadcast %lt3A_1466 : i32 to vector<16xi32>
      %lt3A_1468 = arith.cmpi slt, %max3A_1465, %lt3A_1467 : vector<16xi32>
      %add3A_1469 = arith.constant 16 : i32
      %add3A_1470 = vector.broadcast %add3A_1469 : i32 to vector<16xi32>
      %add3A_1471 = arith.addi %max3A_1465, %add3A_1470 : vector<16xi32>
      %select_n3A_1472 = arith.select %lt3A_1468, %add3A_1471, %max3A_1465 : vector<16xi1>, vector<16xi32>
      %broadcast_in_dim3A_1473 = vector.shape_cast %select_n3A_1472 : vector<16xi32> to vector<16x1xi32>
      %gather3A_1474 = vector.shape_cast %broadcast_in_dim3A_1473 : vector<16x1xi32> to vector<16xi32>
      %gather3A_1475 = tpu.dynamic_gather %sub3A_1450[%gather3A_1474] in [0] : vector<16xi32>, vector<16xi32> -> vector<16xi32>
      %mul3A_1476 = arith.muli %min3A_1459, %gather3A_1475 : vector<16xi32>
      %add3A_1477 = arith.addi %sub3A_1450, %mul3A_1476 : vector<16xi32>
      %sub3A_1478 = arith.constant 1 : i32
      %sub3A_1479 = vector.broadcast %sub3A_1478 : i32 to vector<16xi32>
      %sub3A_1480 = arith.subi %iota3A, %sub3A_1479 : vector<16xi32>
      %max3A_1481 = arith.constant 0 : i32
      %max3A_1482 = vector.broadcast %max3A_1481 : i32 to vector<16xi32>
      %max3A_1483 = arith.maxsi %sub3A_1480, %max3A_1482 : vector<16xi32>
      %min3A_1484 = arith.constant 1 : i32
      %min3A_1485 = vector.broadcast %min3A_1484 : i32 to vector<16xi32>
      %min3A_1486 = arith.minsi %max3A_1483, %min3A_1485 : vector<16xi32>
      %sub3A_1487 = arith.constant 2 : i32
      %sub3A_1488 = vector.broadcast %sub3A_1487 : i32 to vector<16xi32>
      %sub3A_1489 = arith.subi %iota3A, %sub3A_1488 : vector<16xi32>
      %max3A_1490 = arith.constant 0 : i32
      %max3A_1491 = vector.broadcast %max3A_1490 : i32 to vector<16xi32>
      %max3A_1492 = arith.maxsi %sub3A_1489, %max3A_1491 : vector<16xi32>
      %lt3A_1493 = arith.constant 0 : i32
      %lt3A_1494 = vector.broadcast %lt3A_1493 : i32 to vector<16xi32>
      %lt3A_1495 = arith.cmpi slt, %max3A_1492, %lt3A_1494 : vector<16xi32>
      %add3A_1496 = arith.constant 16 : i32
      %add3A_1497 = vector.broadcast %add3A_1496 : i32 to vector<16xi32>
      %add3A_1498 = arith.addi %max3A_1492, %add3A_1497 : vector<16xi32>
      %select_n3A_1499 = arith.select %lt3A_1495, %add3A_1498, %max3A_1492 : vector<16xi1>, vector<16xi32>
      %broadcast_in_dim3A_1500 = vector.shape_cast %select_n3A_1499 : vector<16xi32> to vector<16x1xi32>
      %gather3A_1501 = vector.shape_cast %broadcast_in_dim3A_1500 : vector<16x1xi32> to vector<16xi32>
      %gather3A_1502 = tpu.dynamic_gather %add3A_1477[%gather3A_1501] in [0] : vector<16xi32>, vector<16xi32> -> vector<16xi32>
      %mul3A_1503 = arith.muli %min3A_1486, %gather3A_1502 : vector<16xi32>
      %add3A_1504 = arith.addi %add3A_1477, %mul3A_1503 : vector<16xi32>
      %sub3A_1505 = arith.constant 3 : i32
      %sub3A_1506 = vector.broadcast %sub3A_1505 : i32 to vector<16xi32>
      %sub3A_1507 = arith.subi %iota3A, %sub3A_1506 : vector<16xi32>
      %max3A_1508 = arith.constant 0 : i32
      %max3A_1509 = vector.broadcast %max3A_1508 : i32 to vector<16xi32>
      %max3A_1510 = arith.maxsi %sub3A_1507, %max3A_1509 : vector<16xi32>
      %min3A_1511 = arith.constant 1 : i32
      %min3A_1512 = vector.broadcast %min3A_1511 : i32 to vector<16xi32>
      %min3A_1513 = arith.minsi %max3A_1510, %min3A_1512 : vector<16xi32>
      %sub3A_1514 = arith.constant 4 : i32
      %sub3A_1515 = vector.broadcast %sub3A_1514 : i32 to vector<16xi32>
      %sub3A_1516 = arith.subi %iota3A, %sub3A_1515 : vector<16xi32>
      %max3A_1517 = arith.constant 0 : i32
      %max3A_1518 = vector.broadcast %max3A_1517 : i32 to vector<16xi32>
      %max3A_1519 = arith.maxsi %sub3A_1516, %max3A_1518 : vector<16xi32>
      %lt3A_1520 = arith.constant 0 : i32
      %lt3A_1521 = vector.broadcast %lt3A_1520 : i32 to vector<16xi32>
      %lt3A_1522 = arith.cmpi slt, %max3A_1519, %lt3A_1521 : vector<16xi32>
      %add3A_1523 = arith.constant 16 : i32
      %add3A_1524 = vector.broadcast %add3A_1523 : i32 to vector<16xi32>
      %add3A_1525 = arith.addi %max3A_1519, %add3A_1524 : vector<16xi32>
      %select_n3A_1526 = arith.select %lt3A_1522, %add3A_1525, %max3A_1519 : vector<16xi1>, vector<16xi32>
      %broadcast_in_dim3A_1527 = vector.shape_cast %select_n3A_1526 : vector<16xi32> to vector<16x1xi32>
      %gather3A_1528 = vector.shape_cast %broadcast_in_dim3A_1527 : vector<16x1xi32> to vector<16xi32>
      %gather3A_1529 = tpu.dynamic_gather %add3A_1504[%gather3A_1528] in [0] : vector<16xi32>, vector<16xi32> -> vector<16xi32>
      %mul3A_1530 = arith.muli %min3A_1513, %gather3A_1529 : vector<16xi32>
      %add3A_1531 = arith.addi %add3A_1504, %mul3A_1530 : vector<16xi32>
      %sub3A_1532 = arith.constant 7 : i32
      %sub3A_1533 = vector.broadcast %sub3A_1532 : i32 to vector<16xi32>
      %sub3A_1534 = arith.subi %iota3A, %sub3A_1533 : vector<16xi32>
      %max3A_1535 = arith.constant 0 : i32
      %max3A_1536 = vector.broadcast %max3A_1535 : i32 to vector<16xi32>
      %max3A_1537 = arith.maxsi %sub3A_1534, %max3A_1536 : vector<16xi32>
      %min3A_1538 = arith.constant 1 : i32
      %min3A_1539 = vector.broadcast %min3A_1538 : i32 to vector<16xi32>
      %min3A_1540 = arith.minsi %max3A_1537, %min3A_1539 : vector<16xi32>
      %sub3A_1541 = arith.constant 8 : i32
      %sub3A_1542 = vector.broadcast %sub3A_1541 : i32 to vector<16xi32>
      %sub3A_1543 = arith.subi %iota3A, %sub3A_1542 : vector<16xi32>
      %max3A_1544 = arith.constant 0 : i32
      %max3A_1545 = vector.broadcast %max3A_1544 : i32 to vector<16xi32>
      %max3A_1546 = arith.maxsi %sub3A_1543, %max3A_1545 : vector<16xi32>
      %lt3A_1547 = arith.constant 0 : i32
      %lt3A_1548 = vector.broadcast %lt3A_1547 : i32 to vector<16xi32>
      %lt3A_1549 = arith.cmpi slt, %max3A_1546, %lt3A_1548 : vector<16xi32>
      %add3A_1550 = arith.constant 16 : i32
      %add3A_1551 = vector.broadcast %add3A_1550 : i32 to vector<16xi32>
      %add3A_1552 = arith.addi %max3A_1546, %add3A_1551 : vector<16xi32>
      %select_n3A_1553 = arith.select %lt3A_1549, %add3A_1552, %max3A_1546 : vector<16xi1>, vector<16xi32>
      %broadcast_in_dim3A_1554 = vector.shape_cast %select_n3A_1553 : vector<16xi32> to vector<16x1xi32>
      %gather3A_1555 = vector.shape_cast %broadcast_in_dim3A_1554 : vector<16x1xi32> to vector<16xi32>
      %gather3A_1556 = tpu.dynamic_gather %add3A_1531[%gather3A_1555] in [0] : vector<16xi32>, vector<16xi32> -> vector<16xi32>
      %mul3A_1557 = arith.muli %min3A_1540, %gather3A_1556 : vector<16xi32>
      %add3A_1558 = arith.addi %add3A_1531, %mul3A_1557 : vector<16xi32>
      %sub3A_1559 = arith.constant 1 : i32
      %sub3A_1560 = vector.broadcast %sub3A_1559 : i32 to vector<16xi32>
      %sub3A_1561 = arith.subi %add3A_1558, %sub3A_1560 : vector<16xi32>
      %mul3A_1562 = arith.muli %sub3A_1450, %sub3A_1561 : vector<16xi32>
      %add3A_1563 = arith.addi %scan3A_1444, %mul3A_1562 : vector<16xi32>
      %sub3A_1564 = vector.broadcast %scan3A_1442 : i32 to vector<16xi32>
      %sub3A_1565 = arith.subi %iota3A, %sub3A_1564 : vector<16xi32>
      %abs3A_1566 = math.absi %sub3A_1565 : vector<16xi32>
      %min3A_1567 = arith.constant 1 : i32
      %min3A_1568 = vector.broadcast %min3A_1567 : i32 to vector<16xi32>
      %min3A_1569 = arith.minsi %abs3A_1566, %min3A_1568 : vector<16xi32>
      %sub3A_1570 = arith.subi %broadcast_in_dim3A_23, %min3A_1569 : vector<16xi32>
      %lt3A_1571 = arith.constant 0 : i32
      %lt3A_1572 = vector.broadcast %lt3A_1571 : i32 to vector<16xi32>
      %lt3A_1573 = arith.cmpi slt, %broadcast_in_dim3A_25, %lt3A_1572 : vector<16xi32>
      %add3A_1574 = arith.constant 16 : i32
      %add3A_1575 = vector.broadcast %add3A_1574 : i32 to vector<16xi32>
      %add3A_1576 = arith.addi %broadcast_in_dim3A_25, %add3A_1575 : vector<16xi32>
      %select_n3A_1577 = arith.select %lt3A_1573, %add3A_1576, %broadcast_in_dim3A_25 : vector<16xi1>, vector<16xi32>
      %broadcast_in_dim3A_1578 = vector.shape_cast %select_n3A_1577 : vector<16xi32> to vector<16x1xi32>
      %gather3A_1579 = vector.shape_cast %broadcast_in_dim3A_1578 : vector<16x1xi32> to vector<16xi32>
      %gather3A_1580 = tpu.dynamic_gather %add3A_1558[%gather3A_1579] in [0] : vector<16xi32>, vector<16xi32> -> vector<16xi32>
      %mul3A_1581 = arith.muli %sub3A_1570, %gather3A_1580 : vector<16xi32>
      %add3A_1582 = arith.addi %scan3A_1443, %mul3A_1581 : vector<16xi32>
      scf.yield %add3A_1582, %add3A_1563 : vector<16xi32>, vector<16xi32>
    }
    %scan3A_775 = arith.constant 16 : i32
    %add3A_776 = arith.addi %add3A_769, %scan3A_774#1 : vector<16xi32>
    %swap3A_777 = arith.constant 32 : index
    %swap3A_778 = tpu.vector_load %arg13[%swap3A_777] {strides = array<i32>} : memref<128xi32, #tpu.memory_space<vmem>>, vector<16xi32>,
    %swap3A_779 = vector.shape_cast %swap3A_778 : vector<16xi32> to vector<16xi32>
    %swap3A_780 = vector.shape_cast %add3A_776 : vector<16xi32> to vector<16xi32>
    tpu.vector_store %arg13[%swap3A_777], %swap3A_780 {strides = array<i32>} : memref<128xi32, #tpu.memory_space<vmem>>, vector<16xi32>,
    %get3A_781 = arith.constant 48 : index
    %get3A_782 = tpu.vector_load %arg11[%get3A_781] {strides = array<i32>} : memref<128xi32, #tpu.memory_space<vmem>>, vector<16xi32>,
    %get3A_783 = vector.shape_cast %get3A_782 : vector<16xi32> to vector<16xi32>
    %lt3A_784 = arith.constant 0 : i32
    %lt3A_785 = vector.broadcast %lt3A_784 : i32 to vector<16xi32>
    %lt3A_786 = arith.cmpi slt, %get3A_783, %lt3A_785 : vector<16xi32>
    %add3A_787 = arith.constant 16 : i32
    %add3A_788 = vector.broadcast %add3A_787 : i32 to vector<16xi32>
    %add3A_789 = arith.addi %get3A_783, %add3A_788 : vector<16xi32>
    %select_n3A_790 = arith.select %lt3A_786, %add3A_789, %get3A_783 : vector<16xi1>, vector<16xi32>
    %broadcast_in_dim3A_791 = vector.shape_cast %select_n3A_790 : vector<16xi32> to vector<16x1xi32>
    %gather3A_792 = vector.shape_cast %broadcast_in_dim3A_791 : vector<16x1xi32> to vector<16xi32>
    %gather3A_793 = tpu.dynamic_gather %sub3A_677[%gather3A_792] in [0] : vector<16xi32>, vector<16xi32> -> vector<16xi32>
    %lt3A_794 = arith.constant 0 : i32
    %lt3A_795 = vector.broadcast %lt3A_794 : i32 to vector<16xi32>
    %lt3A_796 = arith.cmpi slt, %get3A_783, %lt3A_795 : vector<16xi32>
    %add3A_797 = arith.constant 16 : i32
    %add3A_798 = vector.broadcast %add3A_797 : i32 to vector<16xi32>
    %add3A_799 = arith.addi %get3A_783, %add3A_798 : vector<16xi32>
    %select_n3A_800 = arith.select %lt3A_796, %add3A_799, %get3A_783 : vector<16xi1>, vector<16xi32>
    %broadcast_in_dim3A_801 = vector.shape_cast %select_n3A_800 : vector<16xi32> to vector<16x1xi32>
    %gather3A_802 = vector.shape_cast %broadcast_in_dim3A_801 : vector<16x1xi32> to vector<16xi32>
    %gather3A_803 = tpu.dynamic_gather %scan3A_774#0[%gather3A_802] in [0] : vector<16xi32>, vector<16xi32> -> vector<16xi32>
    %add3A_804 = arith.addi %gather3A_793, %gather3A_803 : vector<16xi32>
    %scan3A_805 = arith.constant 0 : i32
    %scan3A_806 = arith.constant 16 : i32
    %scan3A_807 = arith.addi %scan3A_805, %scan3A_806 : i32
    %scan3A_808 = arith.constant 1 : i32
    %scan3A_809:2 = scf.for %scan3A_1442 = %scan3A_805 to %scan3A_807 step %scan3A_808 iter_args(%scan3A_1443 = %scan3A_774#0, %scan3A_1444 = %broadcast_in_dim3A_21) -> (vector<16xi32>, vector<16xi32>)  : i32 {
      %sub3A_1445 = vector.broadcast %scan3A_1442 : i32 to vector<16xi32>
      %sub3A_1446 = arith.subi %get3A_783, %sub3A_1445 : vector<16xi32>
      %abs3A = math.absi %sub3A_1446 : vector<16xi32>
      %min3A_1447 = arith.constant 1 : i32
      %min3A_1448 = vector.broadcast %min3A_1447 : i32 to vector<16xi32>
      %min3A_1449 = arith.minsi %abs3A, %min3A_1448 : vector<16xi32>
      %sub3A_1450 = arith.subi %broadcast_in_dim3A_23, %min3A_1449 : vector<16xi32>
      %sub3A_1451 = arith.constant 0 : i32
      %sub3A_1452 = vector.broadcast %sub3A_1451 : i32 to vector<16xi32>
      %sub3A_1453 = arith.subi %iota3A, %sub3A_1452 : vector<16xi32>
      %max3A_1454 = arith.constant 0 : i32
      %max3A_1455 = vector.broadcast %max3A_1454 : i32 to vector<16xi32>
      %max3A_1456 = arith.maxsi %sub3A_1453, %max3A_1455 : vector<16xi32>
      %min3A_1457 = arith.constant 1 : i32
      %min3A_1458 = vector.broadcast %min3A_1457 : i32 to vector<16xi32>
      %min3A_1459 = arith.minsi %max3A_1456, %min3A_1458 : vector<16xi32>
      %sub3A_1460 = arith.constant 1 : i32
      %sub3A_1461 = vector.broadcast %sub3A_1460 : i32 to vector<16xi32>
      %sub3A_1462 = arith.subi %iota3A, %sub3A_1461 : vector<16xi32>
      %max3A_1463 = arith.constant 0 : i32
      %max3A_1464 = vector.broadcast %max3A_1463 : i32 to vector<16xi32>
      %max3A_1465 = arith.maxsi %sub3A_1462, %max3A_1464 : vector<16xi32>
      %lt3A_1466 = arith.constant 0 : i32
      %lt3A_1467 = vector.broadcast %lt3A_1466 : i32 to vector<16xi32>
      %lt3A_1468 = arith.cmpi slt, %max3A_1465, %lt3A_1467 : vector<16xi32>
      %add3A_1469 = arith.constant 16 : i32
      %add3A_1470 = vector.broadcast %add3A_1469 : i32 to vector<16xi32>
      %add3A_1471 = arith.addi %max3A_1465, %add3A_1470 : vector<16xi32>
      %select_n3A_1472 = arith.select %lt3A_1468, %add3A_1471, %max3A_1465 : vector<16xi1>, vector<16xi32>
      %broadcast_in_dim3A_1473 = vector.shape_cast %select_n3A_1472 : vector<16xi32> to vector<16x1xi32>
      %gather3A_1474 = vector.shape_cast %broadcast_in_dim3A_1473 : vector<16x1xi32> to vector<16xi32>
      %gather3A_1475 = tpu.dynamic_gather %sub3A_1450[%gather3A_1474] in [0] : vector<16xi32>, vector<16xi32> -> vector<16xi32>
      %mul3A_1476 = arith.muli %min3A_1459, %gather3A_1475 : vector<16xi32>
      %add3A_1477 = arith.addi %sub3A_1450, %mul3A_1476 : vector<16xi32>
      %sub3A_1478 = arith.constant 1 : i32
      %sub3A_1479 = vector.broadcast %sub3A_1478 : i32 to vector<16xi32>
      %sub3A_1480 = arith.subi %iota3A, %sub3A_1479 : vector<16xi32>
      %max3A_1481 = arith.constant 0 : i32
      %max3A_1482 = vector.broadcast %max3A_1481 : i32 to vector<16xi32>
      %max3A_1483 = arith.maxsi %sub3A_1480, %max3A_1482 : vector<16xi32>
      %min3A_1484 = arith.constant 1 : i32
      %min3A_1485 = vector.broadcast %min3A_1484 : i32 to vector<16xi32>
      %min3A_1486 = arith.minsi %max3A_1483, %min3A_1485 : vector<16xi32>
      %sub3A_1487 = arith.constant 2 : i32
      %sub3A_1488 = vector.broadcast %sub3A_1487 : i32 to vector<16xi32>
      %sub3A_1489 = arith.subi %iota3A, %sub3A_1488 : vector<16xi32>
      %max3A_1490 = arith.constant 0 : i32
      %max3A_1491 = vector.broadcast %max3A_1490 : i32 to vector<16xi32>
      %max3A_1492 = arith.maxsi %sub3A_1489, %max3A_1491 : vector<16xi32>
      %lt3A_1493 = arith.constant 0 : i32
      %lt3A_1494 = vector.broadcast %lt3A_1493 : i32 to vector<16xi32>
      %lt3A_1495 = arith.cmpi slt, %max3A_1492, %lt3A_1494 : vector<16xi32>
      %add3A_1496 = arith.constant 16 : i32
      %add3A_1497 = vector.broadcast %add3A_1496 : i32 to vector<16xi32>
      %add3A_1498 = arith.addi %max3A_1492, %add3A_1497 : vector<16xi32>
      %select_n3A_1499 = arith.select %lt3A_1495, %add3A_1498, %max3A_1492 : vector<16xi1>, vector<16xi32>
      %broadcast_in_dim3A_1500 = vector.shape_cast %select_n3A_1499 : vector<16xi32> to vector<16x1xi32>
      %gather3A_1501 = vector.shape_cast %broadcast_in_dim3A_1500 : vector<16x1xi32> to vector<16xi32>
      %gather3A_1502 = tpu.dynamic_gather %add3A_1477[%gather3A_1501] in [0] : vector<16xi32>, vector<16xi32> -> vector<16xi32>
      %mul3A_1503 = arith.muli %min3A_1486, %gather3A_1502 : vector<16xi32>
      %add3A_1504 = arith.addi %add3A_1477, %mul3A_1503 : vector<16xi32>
      %sub3A_1505 = arith.constant 3 : i32
      %sub3A_1506 = vector.broadcast %sub3A_1505 : i32 to vector<16xi32>
      %sub3A_1507 = arith.subi %iota3A, %sub3A_1506 : vector<16xi32>
      %max3A_1508 = arith.constant 0 : i32
      %max3A_1509 = vector.broadcast %max3A_1508 : i32 to vector<16xi32>
      %max3A_1510 = arith.maxsi %sub3A_1507, %max3A_1509 : vector<16xi32>
      %min3A_1511 = arith.constant 1 : i32
      %min3A_1512 = vector.broadcast %min3A_1511 : i32 to vector<16xi32>
      %min3A_1513 = arith.minsi %max3A_1510, %min3A_1512 : vector<16xi32>
      %sub3A_1514 = arith.constant 4 : i32
      %sub3A_1515 = vector.broadcast %sub3A_1514 : i32 to vector<16xi32>
      %sub3A_1516 = arith.subi %iota3A, %sub3A_1515 : vector<16xi32>
      %max3A_1517 = arith.constant 0 : i32
      %max3A_1518 = vector.broadcast %max3A_1517 : i32 to vector<16xi32>
      %max3A_1519 = arith.maxsi %sub3A_1516, %max3A_1518 : vector<16xi32>
      %lt3A_1520 = arith.constant 0 : i32
      %lt3A_1521 = vector.broadcast %lt3A_1520 : i32 to vector<16xi32>
      %lt3A_1522 = arith.cmpi slt, %max3A_1519, %lt3A_1521 : vector<16xi32>
      %add3A_1523 = arith.constant 16 : i32
      %add3A_1524 = vector.broadcast %add3A_1523 : i32 to vector<16xi32>
      %add3A_1525 = arith.addi %max3A_1519, %add3A_1524 : vector<16xi32>
      %select_n3A_1526 = arith.select %lt3A_1522, %add3A_1525, %max3A_1519 : vector<16xi1>, vector<16xi32>
      %broadcast_in_dim3A_1527 = vector.shape_cast %select_n3A_1526 : vector<16xi32> to vector<16x1xi32>
      %gather3A_1528 = vector.shape_cast %broadcast_in_dim3A_1527 : vector<16x1xi32> to vector<16xi32>
      %gather3A_1529 = tpu.dynamic_gather %add3A_1504[%gather3A_1528] in [0] : vector<16xi32>, vector<16xi32> -> vector<16xi32>
      %mul3A_1530 = arith.muli %min3A_1513, %gather3A_1529 : vector<16xi32>
      %add3A_1531 = arith.addi %add3A_1504, %mul3A_1530 : vector<16xi32>
      %sub3A_1532 = arith.constant 7 : i32
      %sub3A_1533 = vector.broadcast %sub3A_1532 : i32 to vector<16xi32>
      %sub3A_1534 = arith.subi %iota3A, %sub3A_1533 : vector<16xi32>
      %max3A_1535 = arith.constant 0 : i32
      %max3A_1536 = vector.broadcast %max3A_1535 : i32 to vector<16xi32>
      %max3A_1537 = arith.maxsi %sub3A_1534, %max3A_1536 : vector<16xi32>
      %min3A_1538 = arith.constant 1 : i32
      %min3A_1539 = vector.broadcast %min3A_1538 : i32 to vector<16xi32>
      %min3A_1540 = arith.minsi %max3A_1537, %min3A_1539 : vector<16xi32>
      %sub3A_1541 = arith.constant 8 : i32
      %sub3A_1542 = vector.broadcast %sub3A_1541 : i32 to vector<16xi32>
      %sub3A_1543 = arith.subi %iota3A, %sub3A_1542 : vector<16xi32>
      %max3A_1544 = arith.constant 0 : i32
      %max3A_1545 = vector.broadcast %max3A_1544 : i32 to vector<16xi32>
      %max3A_1546 = arith.maxsi %sub3A_1543, %max3A_1545 : vector<16xi32>
      %lt3A_1547 = arith.constant 0 : i32
      %lt3A_1548 = vector.broadcast %lt3A_1547 : i32 to vector<16xi32>
      %lt3A_1549 = arith.cmpi slt, %max3A_1546, %lt3A_1548 : vector<16xi32>
      %add3A_1550 = arith.constant 16 : i32
      %add3A_1551 = vector.broadcast %add3A_1550 : i32 to vector<16xi32>
      %add3A_1552 = arith.addi %max3A_1546, %add3A_1551 : vector<16xi32>
      %select_n3A_1553 = arith.select %lt3A_1549, %add3A_1552, %max3A_1546 : vector<16xi1>, vector<16xi32>
      %broadcast_in_dim3A_1554 = vector.shape_cast %select_n3A_1553 : vector<16xi32> to vector<16x1xi32>
      %gather3A_1555 = vector.shape_cast %broadcast_in_dim3A_1554 : vector<16x1xi32> to vector<16xi32>
      %gather3A_1556 = tpu.dynamic_gather %add3A_1531[%gather3A_1555] in [0] : vector<16xi32>, vector<16xi32> -> vector<16xi32>
      %mul3A_1557 = arith.muli %min3A_1540, %gather3A_1556 : vector<16xi32>
      %add3A_1558 = arith.addi %add3A_1531, %mul3A_1557 : vector<16xi32>
      %sub3A_1559 = arith.constant 1 : i32
      %sub3A_1560 = vector.broadcast %sub3A_1559 : i32 to vector<16xi32>
      %sub3A_1561 = arith.subi %add3A_1558, %sub3A_1560 : vector<16xi32>
      %mul3A_1562 = arith.muli %sub3A_1450, %sub3A_1561 : vector<16xi32>
      %add3A_1563 = arith.addi %scan3A_1444, %mul3A_1562 : vector<16xi32>
      %sub3A_1564 = vector.broadcast %scan3A_1442 : i32 to vector<16xi32>
      %sub3A_1565 = arith.subi %iota3A, %sub3A_1564 : vector<16xi32>
      %abs3A_1566 = math.absi %sub3A_1565 : vector<16xi32>
      %min3A_1567 = arith.constant 1 : i32
      %min3A_1568 = vector.broadcast %min3A_1567 : i32 to vector<16xi32>
      %min3A_1569 = arith.minsi %abs3A_1566, %min3A_1568 : vector<16xi32>
      %sub3A_1570 = arith.subi %broadcast_in_dim3A_23, %min3A_1569 : vector<16xi32>
      %lt3A_1571 = arith.constant 0 : i32
      %lt3A_1572 = vector.broadcast %lt3A_1571 : i32 to vector<16xi32>
      %lt3A_1573 = arith.cmpi slt, %broadcast_in_dim3A_25, %lt3A_1572 : vector<16xi32>
      %add3A_1574 = arith.constant 16 : i32
      %add3A_1575 = vector.broadcast %add3A_1574 : i32 to vector<16xi32>
      %add3A_1576 = arith.addi %broadcast_in_dim3A_25, %add3A_1575 : vector<16xi32>
      %select_n3A_1577 = arith.select %lt3A_1573, %add3A_1576, %broadcast_in_dim3A_25 : vector<16xi1>, vector<16xi32>
      %broadcast_in_dim3A_1578 = vector.shape_cast %select_n3A_1577 : vector<16xi32> to vector<16x1xi32>
      %gather3A_1579 = vector.shape_cast %broadcast_in_dim3A_1578 : vector<16x1xi32> to vector<16xi32>
      %gather3A_1580 = tpu.dynamic_gather %add3A_1558[%gather3A_1579] in [0] : vector<16xi32>, vector<16xi32> -> vector<16xi32>
      %mul3A_1581 = arith.muli %sub3A_1570, %gather3A_1580 : vector<16xi32>
      %add3A_1582 = arith.addi %scan3A_1443, %mul3A_1581 : vector<16xi32>
      scf.yield %add3A_1582, %add3A_1563 : vector<16xi32>, vector<16xi32>
    }
    %scan3A_810 = arith.constant 16 : i32
    %add3A_811 = arith.addi %add3A_804, %scan3A_809#1 : vector<16xi32>
    %swap3A_812 = arith.constant 48 : index
    %swap3A_813 = tpu.vector_load %arg13[%swap3A_812] {strides = array<i32>} : memref<128xi32, #tpu.memory_space<vmem>>, vector<16xi32>,
    %swap3A_814 = vector.shape_cast %swap3A_813 : vector<16xi32> to vector<16xi32>
    %swap3A_815 = vector.shape_cast %add3A_811 : vector<16xi32> to vector<16xi32>
    tpu.vector_store %arg13[%swap3A_812], %swap3A_815 {strides = array<i32>} : memref<128xi32, #tpu.memory_space<vmem>>, vector<16xi32>,
    %get3A_816 = arith.constant 64 : index
    %get3A_817 = tpu.vector_load %arg11[%get3A_816] {strides = array<i32>} : memref<128xi32, #tpu.memory_space<vmem>>, vector<16xi32>,
    %get3A_818 = vector.shape_cast %get3A_817 : vector<16xi32> to vector<16xi32>
    %lt3A_819 = arith.constant 0 : i32
    %lt3A_820 = vector.broadcast %lt3A_819 : i32 to vector<16xi32>
    %lt3A_821 = arith.cmpi slt, %get3A_818, %lt3A_820 : vector<16xi32>
    %add3A_822 = arith.constant 16 : i32
    %add3A_823 = vector.broadcast %add3A_822 : i32 to vector<16xi32>
    %add3A_824 = arith.addi %get3A_818, %add3A_823 : vector<16xi32>
    %select_n3A_825 = arith.select %lt3A_821, %add3A_824, %get3A_818 : vector<16xi1>, vector<16xi32>
    %broadcast_in_dim3A_826 = vector.shape_cast %select_n3A_825 : vector<16xi32> to vector<16x1xi32>
    %gather3A_827 = vector.shape_cast %broadcast_in_dim3A_826 : vector<16x1xi32> to vector<16xi32>
    %gather3A_828 = tpu.dynamic_gather %sub3A_677[%gather3A_827] in [0] : vector<16xi32>, vector<16xi32> -> vector<16xi32>
    %lt3A_829 = arith.constant 0 : i32
    %lt3A_830 = vector.broadcast %lt3A_829 : i32 to vector<16xi32>
    %lt3A_831 = arith.cmpi slt, %get3A_818, %lt3A_830 : vector<16xi32>
    %add3A_832 = arith.constant 16 : i32
    %add3A_833 = vector.broadcast %add3A_832 : i32 to vector<16xi32>
    %add3A_834 = arith.addi %get3A_818, %add3A_833 : vector<16xi32>
    %select_n3A_835 = arith.select %lt3A_831, %add3A_834, %get3A_818 : vector<16xi1>, vector<16xi32>
    %broadcast_in_dim3A_836 = vector.shape_cast %select_n3A_835 : vector<16xi32> to vector<16x1xi32>
    %gather3A_837 = vector.shape_cast %broadcast_in_dim3A_836 : vector<16x1xi32> to vector<16xi32>
    %gather3A_838 = tpu.dynamic_gather %scan3A_809#0[%gather3A_837] in [0] : vector<16xi32>, vector<16xi32> -> vector<16xi32>
    %add3A_839 = arith.addi %gather3A_828, %gather3A_838 : vector<16xi32>
    %scan3A_840 = arith.constant 0 : i32
    %scan3A_841 = arith.constant 16 : i32
    %scan3A_842 = arith.addi %scan3A_840, %scan3A_841 : i32
    %scan3A_843 = arith.constant 1 : i32
    %scan3A_844:2 = scf.for %scan3A_1442 = %scan3A_840 to %scan3A_842 step %scan3A_843 iter_args(%scan3A_1443 = %scan3A_809#0, %scan3A_1444 = %broadcast_in_dim3A_21) -> (vector<16xi32>, vector<16xi32>)  : i32 {
      %sub3A_1445 = vector.broadcast %scan3A_1442 : i32 to vector<16xi32>
      %sub3A_1446 = arith.subi %get3A_818, %sub3A_1445 : vector<16xi32>
      %abs3A = math.absi %sub3A_1446 : vector<16xi32>
      %min3A_1447 = arith.constant 1 : i32
      %min3A_1448 = vector.broadcast %min3A_1447 : i32 to vector<16xi32>
      %min3A_1449 = arith.minsi %abs3A, %min3A_1448 : vector<16xi32>
      %sub3A_1450 = arith.subi %broadcast_in_dim3A_23, %min3A_1449 : vector<16xi32>
      %sub3A_1451 = arith.constant 0 : i32
      %sub3A_1452 = vector.broadcast %sub3A_1451 : i32 to vector<16xi32>
      %sub3A_1453 = arith.subi %iota3A, %sub3A_1452 : vector<16xi32>
      %max3A_1454 = arith.constant 0 : i32
      %max3A_1455 = vector.broadcast %max3A_1454 : i32 to vector<16xi32>
      %max3A_1456 = arith.maxsi %sub3A_1453, %max3A_1455 : vector<16xi32>
      %min3A_1457 = arith.constant 1 : i32
      %min3A_1458 = vector.broadcast %min3A_1457 : i32 to vector<16xi32>
      %min3A_1459 = arith.minsi %max3A_1456, %min3A_1458 : vector<16xi32>
      %sub3A_1460 = arith.constant 1 : i32
      %sub3A_1461 = vector.broadcast %sub3A_1460 : i32 to vector<16xi32>
      %sub3A_1462 = arith.subi %iota3A, %sub3A_1461 : vector<16xi32>
      %max3A_1463 = arith.constant 0 : i32
      %max3A_1464 = vector.broadcast %max3A_1463 : i32 to vector<16xi32>
      %max3A_1465 = arith.maxsi %sub3A_1462, %max3A_1464 : vector<16xi32>
      %lt3A_1466 = arith.constant 0 : i32
      %lt3A_1467 = vector.broadcast %lt3A_1466 : i32 to vector<16xi32>
      %lt3A_1468 = arith.cmpi slt, %max3A_1465, %lt3A_1467 : vector<16xi32>
      %add3A_1469 = arith.constant 16 : i32
      %add3A_1470 = vector.broadcast %add3A_1469 : i32 to vector<16xi32>
      %add3A_1471 = arith.addi %max3A_1465, %add3A_1470 : vector<16xi32>
      %select_n3A_1472 = arith.select %lt3A_1468, %add3A_1471, %max3A_1465 : vector<16xi1>, vector<16xi32>
      %broadcast_in_dim3A_1473 = vector.shape_cast %select_n3A_1472 : vector<16xi32> to vector<16x1xi32>
      %gather3A_1474 = vector.shape_cast %broadcast_in_dim3A_1473 : vector<16x1xi32> to vector<16xi32>
      %gather3A_1475 = tpu.dynamic_gather %sub3A_1450[%gather3A_1474] in [0] : vector<16xi32>, vector<16xi32> -> vector<16xi32>
      %mul3A_1476 = arith.muli %min3A_1459, %gather3A_1475 : vector<16xi32>
      %add3A_1477 = arith.addi %sub3A_1450, %mul3A_1476 : vector<16xi32>
      %sub3A_1478 = arith.constant 1 : i32
      %sub3A_1479 = vector.broadcast %sub3A_1478 : i32 to vector<16xi32>
      %sub3A_1480 = arith.subi %iota3A, %sub3A_1479 : vector<16xi32>
      %max3A_1481 = arith.constant 0 : i32
      %max3A_1482 = vector.broadcast %max3A_1481 : i32 to vector<16xi32>
      %max3A_1483 = arith.maxsi %sub3A_1480, %max3A_1482 : vector<16xi32>
      %min3A_1484 = arith.constant 1 : i32
      %min3A_1485 = vector.broadcast %min3A_1484 : i32 to vector<16xi32>
      %min3A_1486 = arith.minsi %max3A_1483, %min3A_1485 : vector<16xi32>
      %sub3A_1487 = arith.constant 2 : i32
      %sub3A_1488 = vector.broadcast %sub3A_1487 : i32 to vector<16xi32>
      %sub3A_1489 = arith.subi %iota3A, %sub3A_1488 : vector<16xi32>
      %max3A_1490 = arith.constant 0 : i32
      %max3A_1491 = vector.broadcast %max3A_1490 : i32 to vector<16xi32>
      %max3A_1492 = arith.maxsi %sub3A_1489, %max3A_1491 : vector<16xi32>
      %lt3A_1493 = arith.constant 0 : i32
      %lt3A_1494 = vector.broadcast %lt3A_1493 : i32 to vector<16xi32>
      %lt3A_1495 = arith.cmpi slt, %max3A_1492, %lt3A_1494 : vector<16xi32>
      %add3A_1496 = arith.constant 16 : i32
      %add3A_1497 = vector.broadcast %add3A_1496 : i32 to vector<16xi32>
      %add3A_1498 = arith.addi %max3A_1492, %add3A_1497 : vector<16xi32>
      %select_n3A_1499 = arith.select %lt3A_1495, %add3A_1498, %max3A_1492 : vector<16xi1>, vector<16xi32>
      %broadcast_in_dim3A_1500 = vector.shape_cast %select_n3A_1499 : vector<16xi32> to vector<16x1xi32>
      %gather3A_1501 = vector.shape_cast %broadcast_in_dim3A_1500 : vector<16x1xi32> to vector<16xi32>
      %gather3A_1502 = tpu.dynamic_gather %add3A_1477[%gather3A_1501] in [0] : vector<16xi32>, vector<16xi32> -> vector<16xi32>
      %mul3A_1503 = arith.muli %min3A_1486, %gather3A_1502 : vector<16xi32>
      %add3A_1504 = arith.addi %add3A_1477, %mul3A_1503 : vector<16xi32>
      %sub3A_1505 = arith.constant 3 : i32
      %sub3A_1506 = vector.broadcast %sub3A_1505 : i32 to vector<16xi32>
      %sub3A_1507 = arith.subi %iota3A, %sub3A_1506 : vector<16xi32>
      %max3A_1508 = arith.constant 0 : i32
      %max3A_1509 = vector.broadcast %max3A_1508 : i32 to vector<16xi32>
      %max3A_1510 = arith.maxsi %sub3A_1507, %max3A_1509 : vector<16xi32>
      %min3A_1511 = arith.constant 1 : i32
      %min3A_1512 = vector.broadcast %min3A_1511 : i32 to vector<16xi32>
      %min3A_1513 = arith.minsi %max3A_1510, %min3A_1512 : vector<16xi32>
      %sub3A_1514 = arith.constant 4 : i32
      %sub3A_1515 = vector.broadcast %sub3A_1514 : i32 to vector<16xi32>
      %sub3A_1516 = arith.subi %iota3A, %sub3A_1515 : vector<16xi32>
      %max3A_1517 = arith.constant 0 : i32
      %max3A_1518 = vector.broadcast %max3A_1517 : i32 to vector<16xi32>
      %max3A_1519 = arith.maxsi %sub3A_1516, %max3A_1518 : vector<16xi32>
      %lt3A_1520 = arith.constant 0 : i32
      %lt3A_1521 = vector.broadcast %lt3A_1520 : i32 to vector<16xi32>
      %lt3A_1522 = arith.cmpi slt, %max3A_1519, %lt3A_1521 : vector<16xi32>
      %add3A_1523 = arith.constant 16 : i32
      %add3A_1524 = vector.broadcast %add3A_1523 : i32 to vector<16xi32>
      %add3A_1525 = arith.addi %max3A_1519, %add3A_1524 : vector<16xi32>
      %select_n3A_1526 = arith.select %lt3A_1522, %add3A_1525, %max3A_1519 : vector<16xi1>, vector<16xi32>
      %broadcast_in_dim3A_1527 = vector.shape_cast %select_n3A_1526 : vector<16xi32> to vector<16x1xi32>
      %gather3A_1528 = vector.shape_cast %broadcast_in_dim3A_1527 : vector<16x1xi32> to vector<16xi32>
      %gather3A_1529 = tpu.dynamic_gather %add3A_1504[%gather3A_1528] in [0] : vector<16xi32>, vector<16xi32> -> vector<16xi32>
      %mul3A_1530 = arith.muli %min3A_1513, %gather3A_1529 : vector<16xi32>
      %add3A_1531 = arith.addi %add3A_1504, %mul3A_1530 : vector<16xi32>
      %sub3A_1532 = arith.constant 7 : i32
      %sub3A_1533 = vector.broadcast %sub3A_1532 : i32 to vector<16xi32>
      %sub3A_1534 = arith.subi %iota3A, %sub3A_1533 : vector<16xi32>
      %max3A_1535 = arith.constant 0 : i32
      %max3A_1536 = vector.broadcast %max3A_1535 : i32 to vector<16xi32>
      %max3A_1537 = arith.maxsi %sub3A_1534, %max3A_1536 : vector<16xi32>
      %min3A_1538 = arith.constant 1 : i32
      %min3A_1539 = vector.broadcast %min3A_1538 : i32 to vector<16xi32>
      %min3A_1540 = arith.minsi %max3A_1537, %min3A_1539 : vector<16xi32>
      %sub3A_1541 = arith.constant 8 : i32
      %sub3A_1542 = vector.broadcast %sub3A_1541 : i32 to vector<16xi32>
      %sub3A_1543 = arith.subi %iota3A, %sub3A_1542 : vector<16xi32>
      %max3A_1544 = arith.constant 0 : i32
      %max3A_1545 = vector.broadcast %max3A_1544 : i32 to vector<16xi32>
      %max3A_1546 = arith.maxsi %sub3A_1543, %max3A_1545 : vector<16xi32>
      %lt3A_1547 = arith.constant 0 : i32
      %lt3A_1548 = vector.broadcast %lt3A_1547 : i32 to vector<16xi32>
      %lt3A_1549 = arith.cmpi slt, %max3A_1546, %lt3A_1548 : vector<16xi32>
      %add3A_1550 = arith.constant 16 : i32
      %add3A_1551 = vector.broadcast %add3A_1550 : i32 to vector<16xi32>
      %add3A_1552 = arith.addi %max3A_1546, %add3A_1551 : vector<16xi32>
      %select_n3A_1553 = arith.select %lt3A_1549, %add3A_1552, %max3A_1546 : vector<16xi1>, vector<16xi32>
      %broadcast_in_dim3A_1554 = vector.shape_cast %select_n3A_1553 : vector<16xi32> to vector<16x1xi32>
      %gather3A_1555 = vector.shape_cast %broadcast_in_dim3A_1554 : vector<16x1xi32> to vector<16xi32>
      %gather3A_1556 = tpu.dynamic_gather %add3A_1531[%gather3A_1555] in [0] : vector<16xi32>, vector<16xi32> -> vector<16xi32>
      %mul3A_1557 = arith.muli %min3A_1540, %gather3A_1556 : vector<16xi32>
      %add3A_1558 = arith.addi %add3A_1531, %mul3A_1557 : vector<16xi32>
      %sub3A_1559 = arith.constant 1 : i32
      %sub3A_1560 = vector.broadcast %sub3A_1559 : i32 to vector<16xi32>
      %sub3A_1561 = arith.subi %add3A_1558, %sub3A_1560 : vector<16xi32>
      %mul3A_1562 = arith.muli %sub3A_1450, %sub3A_1561 : vector<16xi32>
      %add3A_1563 = arith.addi %scan3A_1444, %mul3A_1562 : vector<16xi32>
      %sub3A_1564 = vector.broadcast %scan3A_1442 : i32 to vector<16xi32>
      %sub3A_1565 = arith.subi %iota3A, %sub3A_1564 : vector<16xi32>
      %abs3A_1566 = math.absi %sub3A_1565 : vector<16xi32>
      %min3A_1567 = arith.constant 1 : i32
      %min3A_1568 = vector.broadcast %min3A_1567 : i32 to vector<16xi32>
      %min3A_1569 = arith.minsi %abs3A_1566, %min3A_1568 : vector<16xi32>
      %sub3A_1570 = arith.subi %broadcast_in_dim3A_23, %min3A_1569 : vector<16xi32>
      %lt3A_1571 = arith.constant 0 : i32
      %lt3A_1572 = vector.broadcast %lt3A_1571 : i32 to vector<16xi32>
      %lt3A_1573 = arith.cmpi slt, %broadcast_in_dim3A_25, %lt3A_1572 : vector<16xi32>
      %add3A_1574 = arith.constant 16 : i32
      %add3A_1575 = vector.broadcast %add3A_1574 : i32 to vector<16xi32>
      %add3A_1576 = arith.addi %broadcast_in_dim3A_25, %add3A_1575 : vector<16xi32>
      %select_n3A_1577 = arith.select %lt3A_1573, %add3A_1576, %broadcast_in_dim3A_25 : vector<16xi1>, vector<16xi32>
      %broadcast_in_dim3A_1578 = vector.shape_cast %select_n3A_1577 : vector<16xi32> to vector<16x1xi32>
      %gather3A_1579 = vector.shape_cast %broadcast_in_dim3A_1578 : vector<16x1xi32> to vector<16xi32>
      %gather3A_1580 = tpu.dynamic_gather %add3A_1558[%gather3A_1579] in [0] : vector<16xi32>, vector<16xi32> -> vector<16xi32>
      %mul3A_1581 = arith.muli %sub3A_1570, %gather3A_1580 : vector<16xi32>
      %add3A_1582 = arith.addi %scan3A_1443, %mul3A_1581 : vector<16xi32>
      scf.yield %add3A_1582, %add3A_1563 : vector<16xi32>, vector<16xi32>
    }
    %scan3A_845 = arith.constant 16 : i32
    %add3A_846 = arith.addi %add3A_839, %scan3A_844#1 : vector<16xi32>
    %swap3A_847 = arith.constant 64 : index
    %swap3A_848 = tpu.vector_load %arg13[%swap3A_847] {strides = array<i32>} : memref<128xi32, #tpu.memory_space<vmem>>, vector<16xi32>,
    %swap3A_849 = vector.shape_cast %swap3A_848 : vector<16xi32> to vector<16xi32>
    %swap3A_850 = vector.shape_cast %add3A_846 : vector<16xi32> to vector<16xi32>
    tpu.vector_store %arg13[%swap3A_847], %swap3A_850 {strides = array<i32>} : memref<128xi32, #tpu.memory_space<vmem>>, vector<16xi32>,
    %get3A_851 = arith.constant 80 : index
    %get3A_852 = tpu.vector_load %arg11[%get3A_851] {strides = array<i32>} : memref<128xi32, #tpu.memory_space<vmem>>, vector<16xi32>,
    %get3A_853 = vector.shape_cast %get3A_852 : vector<16xi32> to vector<16xi32>
    %lt3A_854 = arith.constant 0 : i32
    %lt3A_855 = vector.broadcast %lt3A_854 : i32 to vector<16xi32>
    %lt3A_856 = arith.cmpi slt, %get3A_853, %lt3A_855 : vector<16xi32>
    %add3A_857 = arith.constant 16 : i32
    %add3A_858 = vector.broadcast %add3A_857 : i32 to vector<16xi32>
    %add3A_859 = arith.addi %get3A_853, %add3A_858 : vector<16xi32>
    %select_n3A_860 = arith.select %lt3A_856, %add3A_859, %get3A_853 : vector<16xi1>, vector<16xi32>
    %broadcast_in_dim3A_861 = vector.shape_cast %select_n3A_860 : vector<16xi32> to vector<16x1xi32>
    %gather3A_862 = vector.shape_cast %broadcast_in_dim3A_861 : vector<16x1xi32> to vector<16xi32>
    %gather3A_863 = tpu.dynamic_gather %sub3A_677[%gather3A_862] in [0] : vector<16xi32>, vector<16xi32> -> vector<16xi32>
    %lt3A_864 = arith.constant 0 : i32
    %lt3A_865 = vector.broadcast %lt3A_864 : i32 to vector<16xi32>
    %lt3A_866 = arith.cmpi slt, %get3A_853, %lt3A_865 : vector<16xi32>
    %add3A_867 = arith.constant 16 : i32
    %add3A_868 = vector.broadcast %add3A_867 : i32 to vector<16xi32>
    %add3A_869 = arith.addi %get3A_853, %add3A_868 : vector<16xi32>
    %select_n3A_870 = arith.select %lt3A_866, %add3A_869, %get3A_853 : vector<16xi1>, vector<16xi32>
    %broadcast_in_dim3A_871 = vector.shape_cast %select_n3A_870 : vector<16xi32> to vector<16x1xi32>
    %gather3A_872 = vector.shape_cast %broadcast_in_dim3A_871 : vector<16x1xi32> to vector<16xi32>
    %gather3A_873 = tpu.dynamic_gather %scan3A_844#0[%gather3A_872] in [0] : vector<16xi32>, vector<16xi32> -> vector<16xi32>
    %add3A_874 = arith.addi %gather3A_863, %gather3A_873 : vector<16xi32>
    %scan3A_875 = arith.constant 0 : i32
    %scan3A_876 = arith.constant 16 : i32
    %scan3A_877 = arith.addi %scan3A_875, %scan3A_876 : i32
    %scan3A_878 = arith.constant 1 : i32
    %scan3A_879:2 = scf.for %scan3A_1442 = %scan3A_875 to %scan3A_877 step %scan3A_878 iter_args(%scan3A_1443 = %scan3A_844#0, %scan3A_1444 = %broadcast_in_dim3A_21) -> (vector<16xi32>, vector<16xi32>)  : i32 {
      %sub3A_1445 = vector.broadcast %scan3A_1442 : i32 to vector<16xi32>
      %sub3A_1446 = arith.subi %get3A_853, %sub3A_1445 : vector<16xi32>
      %abs3A = math.absi %sub3A_1446 : vector<16xi32>
      %min3A_1447 = arith.constant 1 : i32
      %min3A_1448 = vector.broadcast %min3A_1447 : i32 to vector<16xi32>
      %min3A_1449 = arith.minsi %abs3A, %min3A_1448 : vector<16xi32>
      %sub3A_1450 = arith.subi %broadcast_in_dim3A_23, %min3A_1449 : vector<16xi32>
      %sub3A_1451 = arith.constant 0 : i32
      %sub3A_1452 = vector.broadcast %sub3A_1451 : i32 to vector<16xi32>
      %sub3A_1453 = arith.subi %iota3A, %sub3A_1452 : vector<16xi32>
      %max3A_1454 = arith.constant 0 : i32
      %max3A_1455 = vector.broadcast %max3A_1454 : i32 to vector<16xi32>
      %max3A_1456 = arith.maxsi %sub3A_1453, %max3A_1455 : vector<16xi32>
      %min3A_1457 = arith.constant 1 : i32
      %min3A_1458 = vector.broadcast %min3A_1457 : i32 to vector<16xi32>
      %min3A_1459 = arith.minsi %max3A_1456, %min3A_1458 : vector<16xi32>
      %sub3A_1460 = arith.constant 1 : i32
      %sub3A_1461 = vector.broadcast %sub3A_1460 : i32 to vector<16xi32>
      %sub3A_1462 = arith.subi %iota3A, %sub3A_1461 : vector<16xi32>
      %max3A_1463 = arith.constant 0 : i32
      %max3A_1464 = vector.broadcast %max3A_1463 : i32 to vector<16xi32>
      %max3A_1465 = arith.maxsi %sub3A_1462, %max3A_1464 : vector<16xi32>
      %lt3A_1466 = arith.constant 0 : i32
      %lt3A_1467 = vector.broadcast %lt3A_1466 : i32 to vector<16xi32>
      %lt3A_1468 = arith.cmpi slt, %max3A_1465, %lt3A_1467 : vector<16xi32>
      %add3A_1469 = arith.constant 16 : i32
      %add3A_1470 = vector.broadcast %add3A_1469 : i32 to vector<16xi32>
      %add3A_1471 = arith.addi %max3A_1465, %add3A_1470 : vector<16xi32>
      %select_n3A_1472 = arith.select %lt3A_1468, %add3A_1471, %max3A_1465 : vector<16xi1>, vector<16xi32>
      %broadcast_in_dim3A_1473 = vector.shape_cast %select_n3A_1472 : vector<16xi32> to vector<16x1xi32>
      %gather3A_1474 = vector.shape_cast %broadcast_in_dim3A_1473 : vector<16x1xi32> to vector<16xi32>
      %gather3A_1475 = tpu.dynamic_gather %sub3A_1450[%gather3A_1474] in [0] : vector<16xi32>, vector<16xi32> -> vector<16xi32>
      %mul3A_1476 = arith.muli %min3A_1459, %gather3A_1475 : vector<16xi32>
      %add3A_1477 = arith.addi %sub3A_1450, %mul3A_1476 : vector<16xi32>
      %sub3A_1478 = arith.constant 1 : i32
      %sub3A_1479 = vector.broadcast %sub3A_1478 : i32 to vector<16xi32>
      %sub3A_1480 = arith.subi %iota3A, %sub3A_1479 : vector<16xi32>
      %max3A_1481 = arith.constant 0 : i32
      %max3A_1482 = vector.broadcast %max3A_1481 : i32 to vector<16xi32>
      %max3A_1483 = arith.maxsi %sub3A_1480, %max3A_1482 : vector<16xi32>
      %min3A_1484 = arith.constant 1 : i32
      %min3A_1485 = vector.broadcast %min3A_1484 : i32 to vector<16xi32>
      %min3A_1486 = arith.minsi %max3A_1483, %min3A_1485 : vector<16xi32>
      %sub3A_1487 = arith.constant 2 : i32
      %sub3A_1488 = vector.broadcast %sub3A_1487 : i32 to vector<16xi32>
      %sub3A_1489 = arith.subi %iota3A, %sub3A_1488 : vector<16xi32>
      %max3A_1490 = arith.constant 0 : i32
      %max3A_1491 = vector.broadcast %max3A_1490 : i32 to vector<16xi32>
      %max3A_1492 = arith.maxsi %sub3A_1489, %max3A_1491 : vector<16xi32>
      %lt3A_1493 = arith.constant 0 : i32
      %lt3A_1494 = vector.broadcast %lt3A_1493 : i32 to vector<16xi32>
      %lt3A_1495 = arith.cmpi slt, %max3A_1492, %lt3A_1494 : vector<16xi32>
      %add3A_1496 = arith.constant 16 : i32
      %add3A_1497 = vector.broadcast %add3A_1496 : i32 to vector<16xi32>
      %add3A_1498 = arith.addi %max3A_1492, %add3A_1497 : vector<16xi32>
      %select_n3A_1499 = arith.select %lt3A_1495, %add3A_1498, %max3A_1492 : vector<16xi1>, vector<16xi32>
      %broadcast_in_dim3A_1500 = vector.shape_cast %select_n3A_1499 : vector<16xi32> to vector<16x1xi32>
      %gather3A_1501 = vector.shape_cast %broadcast_in_dim3A_1500 : vector<16x1xi32> to vector<16xi32>
      %gather3A_1502 = tpu.dynamic_gather %add3A_1477[%gather3A_1501] in [0] : vector<16xi32>, vector<16xi32> -> vector<16xi32>
      %mul3A_1503 = arith.muli %min3A_1486, %gather3A_1502 : vector<16xi32>
      %add3A_1504 = arith.addi %add3A_1477, %mul3A_1503 : vector<16xi32>
      %sub3A_1505 = arith.constant 3 : i32
      %sub3A_1506 = vector.broadcast %sub3A_1505 : i32 to vector<16xi32>
      %sub3A_1507 = arith.subi %iota3A, %sub3A_1506 : vector<16xi32>
      %max3A_1508 = arith.constant 0 : i32
      %max3A_1509 = vector.broadcast %max3A_1508 : i32 to vector<16xi32>
      %max3A_1510 = arith.maxsi %sub3A_1507, %max3A_1509 : vector<16xi32>
      %min3A_1511 = arith.constant 1 : i32
      %min3A_1512 = vector.broadcast %min3A_1511 : i32 to vector<16xi32>
      %min3A_1513 = arith.minsi %max3A_1510, %min3A_1512 : vector<16xi32>
      %sub3A_1514 = arith.constant 4 : i32
      %sub3A_1515 = vector.broadcast %sub3A_1514 : i32 to vector<16xi32>
      %sub3A_1516 = arith.subi %iota3A, %sub3A_1515 : vector<16xi32>
      %max3A_1517 = arith.constant 0 : i32
      %max3A_1518 = vector.broadcast %max3A_1517 : i32 to vector<16xi32>
      %max3A_1519 = arith.maxsi %sub3A_1516, %max3A_1518 : vector<16xi32>
      %lt3A_1520 = arith.constant 0 : i32
      %lt3A_1521 = vector.broadcast %lt3A_1520 : i32 to vector<16xi32>
      %lt3A_1522 = arith.cmpi slt, %max3A_1519, %lt3A_1521 : vector<16xi32>
      %add3A_1523 = arith.constant 16 : i32
      %add3A_1524 = vector.broadcast %add3A_1523 : i32 to vector<16xi32>
      %add3A_1525 = arith.addi %max3A_1519, %add3A_1524 : vector<16xi32>
      %select_n3A_1526 = arith.select %lt3A_1522, %add3A_1525, %max3A_1519 : vector<16xi1>, vector<16xi32>
      %broadcast_in_dim3A_1527 = vector.shape_cast %select_n3A_1526 : vector<16xi32> to vector<16x1xi32>
      %gather3A_1528 = vector.shape_cast %broadcast_in_dim3A_1527 : vector<16x1xi32> to vector<16xi32>
      %gather3A_1529 = tpu.dynamic_gather %add3A_1504[%gather3A_1528] in [0] : vector<16xi32>, vector<16xi32> -> vector<16xi32>
      %mul3A_1530 = arith.muli %min3A_1513, %gather3A_1529 : vector<16xi32>
      %add3A_1531 = arith.addi %add3A_1504, %mul3A_1530 : vector<16xi32>
      %sub3A_1532 = arith.constant 7 : i32
      %sub3A_1533 = vector.broadcast %sub3A_1532 : i32 to vector<16xi32>
      %sub3A_1534 = arith.subi %iota3A, %sub3A_1533 : vector<16xi32>
      %max3A_1535 = arith.constant 0 : i32
      %max3A_1536 = vector.broadcast %max3A_1535 : i32 to vector<16xi32>
      %max3A_1537 = arith.maxsi %sub3A_1534, %max3A_1536 : vector<16xi32>
      %min3A_1538 = arith.constant 1 : i32
      %min3A_1539 = vector.broadcast %min3A_1538 : i32 to vector<16xi32>
      %min3A_1540 = arith.minsi %max3A_1537, %min3A_1539 : vector<16xi32>
      %sub3A_1541 = arith.constant 8 : i32
      %sub3A_1542 = vector.broadcast %sub3A_1541 : i32 to vector<16xi32>
      %sub3A_1543 = arith.subi %iota3A, %sub3A_1542 : vector<16xi32>
      %max3A_1544 = arith.constant 0 : i32
      %max3A_1545 = vector.broadcast %max3A_1544 : i32 to vector<16xi32>
      %max3A_1546 = arith.maxsi %sub3A_1543, %max3A_1545 : vector<16xi32>
      %lt3A_1547 = arith.constant 0 : i32
      %lt3A_1548 = vector.broadcast %lt3A_1547 : i32 to vector<16xi32>
      %lt3A_1549 = arith.cmpi slt, %max3A_1546, %lt3A_1548 : vector<16xi32>
      %add3A_1550 = arith.constant 16 : i32
      %add3A_1551 = vector.broadcast %add3A_1550 : i32 to vector<16xi32>
      %add3A_1552 = arith.addi %max3A_1546, %add3A_1551 : vector<16xi32>
      %select_n3A_1553 = arith.select %lt3A_1549, %add3A_1552, %max3A_1546 : vector<16xi1>, vector<16xi32>
      %broadcast_in_dim3A_1554 = vector.shape_cast %select_n3A_1553 : vector<16xi32> to vector<16x1xi32>
      %gather3A_1555 = vector.shape_cast %broadcast_in_dim3A_1554 : vector<16x1xi32> to vector<16xi32>
      %gather3A_1556 = tpu.dynamic_gather %add3A_1531[%gather3A_1555] in [0] : vector<16xi32>, vector<16xi32> -> vector<16xi32>
      %mul3A_1557 = arith.muli %min3A_1540, %gather3A_1556 : vector<16xi32>
      %add3A_1558 = arith.addi %add3A_1531, %mul3A_1557 : vector<16xi32>
      %sub3A_1559 = arith.constant 1 : i32
      %sub3A_1560 = vector.broadcast %sub3A_1559 : i32 to vector<16xi32>
      %sub3A_1561 = arith.subi %add3A_1558, %sub3A_1560 : vector<16xi32>
      %mul3A_1562 = arith.muli %sub3A_1450, %sub3A_1561 : vector<16xi32>
      %add3A_1563 = arith.addi %scan3A_1444, %mul3A_1562 : vector<16xi32>
      %sub3A_1564 = vector.broadcast %scan3A_1442 : i32 to vector<16xi32>
      %sub3A_1565 = arith.subi %iota3A, %sub3A_1564 : vector<16xi32>
      %abs3A_1566 = math.absi %sub3A_1565 : vector<16xi32>
      %min3A_1567 = arith.constant 1 : i32
      %min3A_1568 = vector.broadcast %min3A_1567 : i32 to vector<16xi32>
      %min3A_1569 = arith.minsi %abs3A_1566, %min3A_1568 : vector<16xi32>
      %sub3A_1570 = arith.subi %broadcast_in_dim3A_23, %min3A_1569 : vector<16xi32>
      %lt3A_1571 = arith.constant 0 : i32
      %lt3A_1572 = vector.broadcast %lt3A_1571 : i32 to vector<16xi32>
      %lt3A_1573 = arith.cmpi slt, %broadcast_in_dim3A_25, %lt3A_1572 : vector<16xi32>
      %add3A_1574 = arith.constant 16 : i32
      %add3A_1575 = vector.broadcast %add3A_1574 : i32 to vector<16xi32>
      %add3A_1576 = arith.addi %broadcast_in_dim3A_25, %add3A_1575 : vector<16xi32>
      %select_n3A_1577 = arith.select %lt3A_1573, %add3A_1576, %broadcast_in_dim3A_25 : vector<16xi1>, vector<16xi32>
      %broadcast_in_dim3A_1578 = vector.shape_cast %select_n3A_1577 : vector<16xi32> to vector<16x1xi32>
      %gather3A_1579 = vector.shape_cast %broadcast_in_dim3A_1578 : vector<16x1xi32> to vector<16xi32>
      %gather3A_1580 = tpu.dynamic_gather %add3A_1558[%gather3A_1579] in [0] : vector<16xi32>, vector<16xi32> -> vector<16xi32>
      %mul3A_1581 = arith.muli %sub3A_1570, %gather3A_1580 : vector<16xi32>
      %add3A_1582 = arith.addi %scan3A_1443, %mul3A_1581 : vector<16xi32>
      scf.yield %add3A_1582, %add3A_1563 : vector<16xi32>, vector<16xi32>
    }
    %scan3A_880 = arith.constant 16 : i32
    %add3A_881 = arith.addi %add3A_874, %scan3A_879#1 : vector<16xi32>
    %swap3A_882 = arith.constant 80 : index
    %swap3A_883 = tpu.vector_load %arg13[%swap3A_882] {strides = array<i32>} : memref<128xi32, #tpu.memory_space<vmem>>, vector<16xi32>,
    %swap3A_884 = vector.shape_cast %swap3A_883 : vector<16xi32> to vector<16xi32>
    %swap3A_885 = vector.shape_cast %add3A_881 : vector<16xi32> to vector<16xi32>
    tpu.vector_store %arg13[%swap3A_882], %swap3A_885 {strides = array<i32>} : memref<128xi32, #tpu.memory_space<vmem>>, vector<16xi32>,
    %get3A_886 = arith.constant 96 : index
    %get3A_887 = tpu.vector_load %arg11[%get3A_886] {strides = array<i32>} : memref<128xi32, #tpu.memory_space<vmem>>, vector<16xi32>,
    %get3A_888 = vector.shape_cast %get3A_887 : vector<16xi32> to vector<16xi32>
    %lt3A_889 = arith.constant 0 : i32
    %lt3A_890 = vector.broadcast %lt3A_889 : i32 to vector<16xi32>
    %lt3A_891 = arith.cmpi slt, %get3A_888, %lt3A_890 : vector<16xi32>
    %add3A_892 = arith.constant 16 : i32
    %add3A_893 = vector.broadcast %add3A_892 : i32 to vector<16xi32>
    %add3A_894 = arith.addi %get3A_888, %add3A_893 : vector<16xi32>
    %select_n3A_895 = arith.select %lt3A_891, %add3A_894, %get3A_888 : vector<16xi1>, vector<16xi32>
    %broadcast_in_dim3A_896 = vector.shape_cast %select_n3A_895 : vector<16xi32> to vector<16x1xi32>
    %gather3A_897 = vector.shape_cast %broadcast_in_dim3A_896 : vector<16x1xi32> to vector<16xi32>
    %gather3A_898 = tpu.dynamic_gather %sub3A_677[%gather3A_897] in [0] : vector<16xi32>, vector<16xi32> -> vector<16xi32>
    %lt3A_899 = arith.constant 0 : i32
    %lt3A_900 = vector.broadcast %lt3A_899 : i32 to vector<16xi32>
    %lt3A_901 = arith.cmpi slt, %get3A_888, %lt3A_900 : vector<16xi32>
    %add3A_902 = arith.constant 16 : i32
    %add3A_903 = vector.broadcast %add3A_902 : i32 to vector<16xi32>
    %add3A_904 = arith.addi %get3A_888, %add3A_903 : vector<16xi32>
    %select_n3A_905 = arith.select %lt3A_901, %add3A_904, %get3A_888 : vector<16xi1>, vector<16xi32>
    %broadcast_in_dim3A_906 = vector.shape_cast %select_n3A_905 : vector<16xi32> to vector<16x1xi32>
    %gather3A_907 = vector.shape_cast %broadcast_in_dim3A_906 : vector<16x1xi32> to vector<16xi32>
    %gather3A_908 = tpu.dynamic_gather %scan3A_879#0[%gather3A_907] in [0] : vector<16xi32>, vector<16xi32> -> vector<16xi32>
    %add3A_909 = arith.addi %gather3A_898, %gather3A_908 : vector<16xi32>
    %scan3A_910 = arith.constant 0 : i32
    %scan3A_911 = arith.constant 16 : i32
    %scan3A_912 = arith.addi %scan3A_910, %scan3A_911 : i32
    %scan3A_913 = arith.constant 1 : i32
    %scan3A_914:2 = scf.for %scan3A_1442 = %scan3A_910 to %scan3A_912 step %scan3A_913 iter_args(%scan3A_1443 = %scan3A_879#0, %scan3A_1444 = %broadcast_in_dim3A_21) -> (vector<16xi32>, vector<16xi32>)  : i32 {
      %sub3A_1445 = vector.broadcast %scan3A_1442 : i32 to vector<16xi32>
      %sub3A_1446 = arith.subi %get3A_888, %sub3A_1445 : vector<16xi32>
      %abs3A = math.absi %sub3A_1446 : vector<16xi32>
      %min3A_1447 = arith.constant 1 : i32
      %min3A_1448 = vector.broadcast %min3A_1447 : i32 to vector<16xi32>
      %min3A_1449 = arith.minsi %abs3A, %min3A_1448 : vector<16xi32>
      %sub3A_1450 = arith.subi %broadcast_in_dim3A_23, %min3A_1449 : vector<16xi32>
      %sub3A_1451 = arith.constant 0 : i32
      %sub3A_1452 = vector.broadcast %sub3A_1451 : i32 to vector<16xi32>
      %sub3A_1453 = arith.subi %iota3A, %sub3A_1452 : vector<16xi32>
      %max3A_1454 = arith.constant 0 : i32
      %max3A_1455 = vector.broadcast %max3A_1454 : i32 to vector<16xi32>
      %max3A_1456 = arith.maxsi %sub3A_1453, %max3A_1455 : vector<16xi32>
      %min3A_1457 = arith.constant 1 : i32
      %min3A_1458 = vector.broadcast %min3A_1457 : i32 to vector<16xi32>
      %min3A_1459 = arith.minsi %max3A_1456, %min3A_1458 : vector<16xi32>
      %sub3A_1460 = arith.constant 1 : i32
      %sub3A_1461 = vector.broadcast %sub3A_1460 : i32 to vector<16xi32>
      %sub3A_1462 = arith.subi %iota3A, %sub3A_1461 : vector<16xi32>
      %max3A_1463 = arith.constant 0 : i32
      %max3A_1464 = vector.broadcast %max3A_1463 : i32 to vector<16xi32>
      %max3A_1465 = arith.maxsi %sub3A_1462, %max3A_1464 : vector<16xi32>
      %lt3A_1466 = arith.constant 0 : i32
      %lt3A_1467 = vector.broadcast %lt3A_1466 : i32 to vector<16xi32>
      %lt3A_1468 = arith.cmpi slt, %max3A_1465, %lt3A_1467 : vector<16xi32>
      %add3A_1469 = arith.constant 16 : i32
      %add3A_1470 = vector.broadcast %add3A_1469 : i32 to vector<16xi32>
      %add3A_1471 = arith.addi %max3A_1465, %add3A_1470 : vector<16xi32>
      %select_n3A_1472 = arith.select %lt3A_1468, %add3A_1471, %max3A_1465 : vector<16xi1>, vector<16xi32>
      %broadcast_in_dim3A_1473 = vector.shape_cast %select_n3A_1472 : vector<16xi32> to vector<16x1xi32>
      %gather3A_1474 = vector.shape_cast %broadcast_in_dim3A_1473 : vector<16x1xi32> to vector<16xi32>
      %gather3A_1475 = tpu.dynamic_gather %sub3A_1450[%gather3A_1474] in [0] : vector<16xi32>, vector<16xi32> -> vector<16xi32>
      %mul3A_1476 = arith.muli %min3A_1459, %gather3A_1475 : vector<16xi32>
      %add3A_1477 = arith.addi %sub3A_1450, %mul3A_1476 : vector<16xi32>
      %sub3A_1478 = arith.constant 1 : i32
      %sub3A_1479 = vector.broadcast %sub3A_1478 : i32 to vector<16xi32>
      %sub3A_1480 = arith.subi %iota3A, %sub3A_1479 : vector<16xi32>
      %max3A_1481 = arith.constant 0 : i32
      %max3A_1482 = vector.broadcast %max3A_1481 : i32 to vector<16xi32>
      %max3A_1483 = arith.maxsi %sub3A_1480, %max3A_1482 : vector<16xi32>
      %min3A_1484 = arith.constant 1 : i32
      %min3A_1485 = vector.broadcast %min3A_1484 : i32 to vector<16xi32>
      %min3A_1486 = arith.minsi %max3A_1483, %min3A_1485 : vector<16xi32>
      %sub3A_1487 = arith.constant 2 : i32
      %sub3A_1488 = vector.broadcast %sub3A_1487 : i32 to vector<16xi32>
      %sub3A_1489 = arith.subi %iota3A, %sub3A_1488 : vector<16xi32>
      %max3A_1490 = arith.constant 0 : i32
      %max3A_1491 = vector.broadcast %max3A_1490 : i32 to vector<16xi32>
      %max3A_1492 = arith.maxsi %sub3A_1489, %max3A_1491 : vector<16xi32>
      %lt3A_1493 = arith.constant 0 : i32
      %lt3A_1494 = vector.broadcast %lt3A_1493 : i32 to vector<16xi32>
      %lt3A_1495 = arith.cmpi slt, %max3A_1492, %lt3A_1494 : vector<16xi32>
      %add3A_1496 = arith.constant 16 : i32
      %add3A_1497 = vector.broadcast %add3A_1496 : i32 to vector<16xi32>
      %add3A_1498 = arith.addi %max3A_1492, %add3A_1497 : vector<16xi32>
      %select_n3A_1499 = arith.select %lt3A_1495, %add3A_1498, %max3A_1492 : vector<16xi1>, vector<16xi32>
      %broadcast_in_dim3A_1500 = vector.shape_cast %select_n3A_1499 : vector<16xi32> to vector<16x1xi32>
      %gather3A_1501 = vector.shape_cast %broadcast_in_dim3A_1500 : vector<16x1xi32> to vector<16xi32>
      %gather3A_1502 = tpu.dynamic_gather %add3A_1477[%gather3A_1501] in [0] : vector<16xi32>, vector<16xi32> -> vector<16xi32>
      %mul3A_1503 = arith.muli %min3A_1486, %gather3A_1502 : vector<16xi32>
      %add3A_1504 = arith.addi %add3A_1477, %mul3A_1503 : vector<16xi32>
      %sub3A_1505 = arith.constant 3 : i32
      %sub3A_1506 = vector.broadcast %sub3A_1505 : i32 to vector<16xi32>
      %sub3A_1507 = arith.subi %iota3A, %sub3A_1506 : vector<16xi32>
      %max3A_1508 = arith.constant 0 : i32
      %max3A_1509 = vector.broadcast %max3A_1508 : i32 to vector<16xi32>
      %max3A_1510 = arith.maxsi %sub3A_1507, %max3A_1509 : vector<16xi32>
      %min3A_1511 = arith.constant 1 : i32
      %min3A_1512 = vector.broadcast %min3A_1511 : i32 to vector<16xi32>
      %min3A_1513 = arith.minsi %max3A_1510, %min3A_1512 : vector<16xi32>
      %sub3A_1514 = arith.constant 4 : i32
      %sub3A_1515 = vector.broadcast %sub3A_1514 : i32 to vector<16xi32>
      %sub3A_1516 = arith.subi %iota3A, %sub3A_1515 : vector<16xi32>
      %max3A_1517 = arith.constant 0 : i32
      %max3A_1518 = vector.broadcast %max3A_1517 : i32 to vector<16xi32>
      %max3A_1519 = arith.maxsi %sub3A_1516, %max3A_1518 : vector<16xi32>
      %lt3A_1520 = arith.constant 0 : i32
      %lt3A_1521 = vector.broadcast %lt3A_1520 : i32 to vector<16xi32>
      %lt3A_1522 = arith.cmpi slt, %max3A_1519, %lt3A_1521 : vector<16xi32>
      %add3A_1523 = arith.constant 16 : i32
      %add3A_1524 = vector.broadcast %add3A_1523 : i32 to vector<16xi32>
      %add3A_1525 = arith.addi %max3A_1519, %add3A_1524 : vector<16xi32>
      %select_n3A_1526 = arith.select %lt3A_1522, %add3A_1525, %max3A_1519 : vector<16xi1>, vector<16xi32>
      %broadcast_in_dim3A_1527 = vector.shape_cast %select_n3A_1526 : vector<16xi32> to vector<16x1xi32>
      %gather3A_1528 = vector.shape_cast %broadcast_in_dim3A_1527 : vector<16x1xi32> to vector<16xi32>
      %gather3A_1529 = tpu.dynamic_gather %add3A_1504[%gather3A_1528] in [0] : vector<16xi32>, vector<16xi32> -> vector<16xi32>
      %mul3A_1530 = arith.muli %min3A_1513, %gather3A_1529 : vector<16xi32>
      %add3A_1531 = arith.addi %add3A_1504, %mul3A_1530 : vector<16xi32>
      %sub3A_1532 = arith.constant 7 : i32
      %sub3A_1533 = vector.broadcast %sub3A_1532 : i32 to vector<16xi32>
      %sub3A_1534 = arith.subi %iota3A, %sub3A_1533 : vector<16xi32>
      %max3A_1535 = arith.constant 0 : i32
      %max3A_1536 = vector.broadcast %max3A_1535 : i32 to vector<16xi32>
      %max3A_1537 = arith.maxsi %sub3A_1534, %max3A_1536 : vector<16xi32>
      %min3A_1538 = arith.constant 1 : i32
      %min3A_1539 = vector.broadcast %min3A_1538 : i32 to vector<16xi32>
      %min3A_1540 = arith.minsi %max3A_1537, %min3A_1539 : vector<16xi32>
      %sub3A_1541 = arith.constant 8 : i32
      %sub3A_1542 = vector.broadcast %sub3A_1541 : i32 to vector<16xi32>
      %sub3A_1543 = arith.subi %iota3A, %sub3A_1542 : vector<16xi32>
      %max3A_1544 = arith.constant 0 : i32
      %max3A_1545 = vector.broadcast %max3A_1544 : i32 to vector<16xi32>
      %max3A_1546 = arith.maxsi %sub3A_1543, %max3A_1545 : vector<16xi32>
      %lt3A_1547 = arith.constant 0 : i32
      %lt3A_1548 = vector.broadcast %lt3A_1547 : i32 to vector<16xi32>
      %lt3A_1549 = arith.cmpi slt, %max3A_1546, %lt3A_1548 : vector<16xi32>
      %add3A_1550 = arith.constant 16 : i32
      %add3A_1551 = vector.broadcast %add3A_1550 : i32 to vector<16xi32>
      %add3A_1552 = arith.addi %max3A_1546, %add3A_1551 : vector<16xi32>
      %select_n3A_1553 = arith.select %lt3A_1549, %add3A_1552, %max3A_1546 : vector<16xi1>, vector<16xi32>
      %broadcast_in_dim3A_1554 = vector.shape_cast %select_n3A_1553 : vector<16xi32> to vector<16x1xi32>
      %gather3A_1555 = vector.shape_cast %broadcast_in_dim3A_1554 : vector<16x1xi32> to vector<16xi32>
      %gather3A_1556 = tpu.dynamic_gather %add3A_1531[%gather3A_1555] in [0] : vector<16xi32>, vector<16xi32> -> vector<16xi32>
      %mul3A_1557 = arith.muli %min3A_1540, %gather3A_1556 : vector<16xi32>
      %add3A_1558 = arith.addi %add3A_1531, %mul3A_1557 : vector<16xi32>
      %sub3A_1559 = arith.constant 1 : i32
      %sub3A_1560 = vector.broadcast %sub3A_1559 : i32 to vector<16xi32>
      %sub3A_1561 = arith.subi %add3A_1558, %sub3A_1560 : vector<16xi32>
      %mul3A_1562 = arith.muli %sub3A_1450, %sub3A_1561 : vector<16xi32>
      %add3A_1563 = arith.addi %scan3A_1444, %mul3A_1562 : vector<16xi32>
      %sub3A_1564 = vector.broadcast %scan3A_1442 : i32 to vector<16xi32>
      %sub3A_1565 = arith.subi %iota3A, %sub3A_1564 : vector<16xi32>
      %abs3A_1566 = math.absi %sub3A_1565 : vector<16xi32>
      %min3A_1567 = arith.constant 1 : i32
      %min3A_1568 = vector.broadcast %min3A_1567 : i32 to vector<16xi32>
      %min3A_1569 = arith.minsi %abs3A_1566, %min3A_1568 : vector<16xi32>
      %sub3A_1570 = arith.subi %broadcast_in_dim3A_23, %min3A_1569 : vector<16xi32>
      %lt3A_1571 = arith.constant 0 : i32
      %lt3A_1572 = vector.broadcast %lt3A_1571 : i32 to vector<16xi32>
      %lt3A_1573 = arith.cmpi slt, %broadcast_in_dim3A_25, %lt3A_1572 : vector<16xi32>
      %add3A_1574 = arith.constant 16 : i32
      %add3A_1575 = vector.broadcast %add3A_1574 : i32 to vector<16xi32>
      %add3A_1576 = arith.addi %broadcast_in_dim3A_25, %add3A_1575 : vector<16xi32>
      %select_n3A_1577 = arith.select %lt3A_1573, %add3A_1576, %broadcast_in_dim3A_25 : vector<16xi1>, vector<16xi32>
      %broadcast_in_dim3A_1578 = vector.shape_cast %select_n3A_1577 : vector<16xi32> to vector<16x1xi32>
      %gather3A_1579 = vector.shape_cast %broadcast_in_dim3A_1578 : vector<16x1xi32> to vector<16xi32>
      %gather3A_1580 = tpu.dynamic_gather %add3A_1558[%gather3A_1579] in [0] : vector<16xi32>, vector<16xi32> -> vector<16xi32>
      %mul3A_1581 = arith.muli %sub3A_1570, %gather3A_1580 : vector<16xi32>
      %add3A_1582 = arith.addi %scan3A_1443, %mul3A_1581 : vector<16xi32>
      scf.yield %add3A_1582, %add3A_1563 : vector<16xi32>, vector<16xi32>
    }
    %scan3A_915 = arith.constant 16 : i32
    %add3A_916 = arith.addi %add3A_909, %scan3A_914#1 : vector<16xi32>
    %swap3A_917 = arith.constant 96 : index
    %swap3A_918 = tpu.vector_load %arg13[%swap3A_917] {strides = array<i32>} : memref<128xi32, #tpu.memory_space<vmem>>, vector<16xi32>,
    %swap3A_919 = vector.shape_cast %swap3A_918 : vector<16xi32> to vector<16xi32>
    %swap3A_920 = vector.shape_cast %add3A_916 : vector<16xi32> to vector<16xi32>
    tpu.vector_store %arg13[%swap3A_917], %swap3A_920 {strides = array<i32>} : memref<128xi32, #tpu.memory_space<vmem>>, vector<16xi32>,
    %get3A_921 = arith.constant 112 : index
    %get3A_922 = tpu.vector_load %arg11[%get3A_921] {strides = array<i32>} : memref<128xi32, #tpu.memory_space<vmem>>, vector<16xi32>,
    %get3A_923 = vector.shape_cast %get3A_922 : vector<16xi32> to vector<16xi32>
    %lt3A_924 = arith.constant 0 : i32
    %lt3A_925 = vector.broadcast %lt3A_924 : i32 to vector<16xi32>
    %lt3A_926 = arith.cmpi slt, %get3A_923, %lt3A_925 : vector<16xi32>
    %add3A_927 = arith.constant 16 : i32
    %add3A_928 = vector.broadcast %add3A_927 : i32 to vector<16xi32>
    %add3A_929 = arith.addi %get3A_923, %add3A_928 : vector<16xi32>
    %select_n3A_930 = arith.select %lt3A_926, %add3A_929, %get3A_923 : vector<16xi1>, vector<16xi32>
    %broadcast_in_dim3A_931 = vector.shape_cast %select_n3A_930 : vector<16xi32> to vector<16x1xi32>
    %gather3A_932 = vector.shape_cast %broadcast_in_dim3A_931 : vector<16x1xi32> to vector<16xi32>
    %gather3A_933 = tpu.dynamic_gather %sub3A_677[%gather3A_932] in [0] : vector<16xi32>, vector<16xi32> -> vector<16xi32>
    %lt3A_934 = arith.constant 0 : i32
    %lt3A_935 = vector.broadcast %lt3A_934 : i32 to vector<16xi32>
    %lt3A_936 = arith.cmpi slt, %get3A_923, %lt3A_935 : vector<16xi32>
    %add3A_937 = arith.constant 16 : i32
    %add3A_938 = vector.broadcast %add3A_937 : i32 to vector<16xi32>
    %add3A_939 = arith.addi %get3A_923, %add3A_938 : vector<16xi32>
    %select_n3A_940 = arith.select %lt3A_936, %add3A_939, %get3A_923 : vector<16xi1>, vector<16xi32>
    %broadcast_in_dim3A_941 = vector.shape_cast %select_n3A_940 : vector<16xi32> to vector<16x1xi32>
    %gather3A_942 = vector.shape_cast %broadcast_in_dim3A_941 : vector<16x1xi32> to vector<16xi32>
    %gather3A_943 = tpu.dynamic_gather %scan3A_914#0[%gather3A_942] in [0] : vector<16xi32>, vector<16xi32> -> vector<16xi32>
    %add3A_944 = arith.addi %gather3A_933, %gather3A_943 : vector<16xi32>
    %scan3A_945 = arith.constant 0 : i32
    %scan3A_946 = arith.constant 16 : i32
    %scan3A_947 = arith.addi %scan3A_945, %scan3A_946 : i32
    %scan3A_948 = arith.constant 1 : i32
    %scan3A_949:2 = scf.for %scan3A_1442 = %scan3A_945 to %scan3A_947 step %scan3A_948 iter_args(%scan3A_1443 = %scan3A_914#0, %scan3A_1444 = %broadcast_in_dim3A_21) -> (vector<16xi32>, vector<16xi32>)  : i32 {
      %sub3A_1445 = vector.broadcast %scan3A_1442 : i32 to vector<16xi32>
      %sub3A_1446 = arith.subi %get3A_923, %sub3A_1445 : vector<16xi32>
      %abs3A = math.absi %sub3A_1446 : vector<16xi32>
      %min3A_1447 = arith.constant 1 : i32
      %min3A_1448 = vector.broadcast %min3A_1447 : i32 to vector<16xi32>
      %min3A_1449 = arith.minsi %abs3A, %min3A_1448 : vector<16xi32>
      %sub3A_1450 = arith.subi %broadcast_in_dim3A_23, %min3A_1449 : vector<16xi32>
      %sub3A_1451 = arith.constant 0 : i32
      %sub3A_1452 = vector.broadcast %sub3A_1451 : i32 to vector<16xi32>
      %sub3A_1453 = arith.subi %iota3A, %sub3A_1452 : vector<16xi32>
      %max3A_1454 = arith.constant 0 : i32
      %max3A_1455 = vector.broadcast %max3A_1454 : i32 to vector<16xi32>
      %max3A_1456 = arith.maxsi %sub3A_1453, %max3A_1455 : vector<16xi32>
      %min3A_1457 = arith.constant 1 : i32
      %min3A_1458 = vector.broadcast %min3A_1457 : i32 to vector<16xi32>
      %min3A_1459 = arith.minsi %max3A_1456, %min3A_1458 : vector<16xi32>
      %sub3A_1460 = arith.constant 1 : i32
      %sub3A_1461 = vector.broadcast %sub3A_1460 : i32 to vector<16xi32>
      %sub3A_1462 = arith.subi %iota3A, %sub3A_1461 : vector<16xi32>
      %max3A_1463 = arith.constant 0 : i32
      %max3A_1464 = vector.broadcast %max3A_1463 : i32 to vector<16xi32>
      %max3A_1465 = arith.maxsi %sub3A_1462, %max3A_1464 : vector<16xi32>
      %lt3A_1466 = arith.constant 0 : i32
      %lt3A_1467 = vector.broadcast %lt3A_1466 : i32 to vector<16xi32>
      %lt3A_1468 = arith.cmpi slt, %max3A_1465, %lt3A_1467 : vector<16xi32>
      %add3A_1469 = arith.constant 16 : i32
      %add3A_1470 = vector.broadcast %add3A_1469 : i32 to vector<16xi32>
      %add3A_1471 = arith.addi %max3A_1465, %add3A_1470 : vector<16xi32>
      %select_n3A_1472 = arith.select %lt3A_1468, %add3A_1471, %max3A_1465 : vector<16xi1>, vector<16xi32>
      %broadcast_in_dim3A_1473 = vector.shape_cast %select_n3A_1472 : vector<16xi32> to vector<16x1xi32>
      %gather3A_1474 = vector.shape_cast %broadcast_in_dim3A_1473 : vector<16x1xi32> to vector<16xi32>
      %gather3A_1475 = tpu.dynamic_gather %sub3A_1450[%gather3A_1474] in [0] : vector<16xi32>, vector<16xi32> -> vector<16xi32>
      %mul3A_1476 = arith.muli %min3A_1459, %gather3A_1475 : vector<16xi32>
      %add3A_1477 = arith.addi %sub3A_1450, %mul3A_1476 : vector<16xi32>
      %sub3A_1478 = arith.constant 1 : i32
      %sub3A_1479 = vector.broadcast %sub3A_1478 : i32 to vector<16xi32>
      %sub3A_1480 = arith.subi %iota3A, %sub3A_1479 : vector<16xi32>
      %max3A_1481 = arith.constant 0 : i32
      %max3A_1482 = vector.broadcast %max3A_1481 : i32 to vector<16xi32>
      %max3A_1483 = arith.maxsi %sub3A_1480, %max3A_1482 : vector<16xi32>
      %min3A_1484 = arith.constant 1 : i32
      %min3A_1485 = vector.broadcast %min3A_1484 : i32 to vector<16xi32>
      %min3A_1486 = arith.minsi %max3A_1483, %min3A_1485 : vector<16xi32>
      %sub3A_1487 = arith.constant 2 : i32
      %sub3A_1488 = vector.broadcast %sub3A_1487 : i32 to vector<16xi32>
      %sub3A_1489 = arith.subi %iota3A, %sub3A_1488 : vector<16xi32>
      %max3A_1490 = arith.constant 0 : i32
      %max3A_1491 = vector.broadcast %max3A_1490 : i32 to vector<16xi32>
      %max3A_1492 = arith.maxsi %sub3A_1489, %max3A_1491 : vector<16xi32>
      %lt3A_1493 = arith.constant 0 : i32
      %lt3A_1494 = vector.broadcast %lt3A_1493 : i32 to vector<16xi32>
      %lt3A_1495 = arith.cmpi slt, %max3A_1492, %lt3A_1494 : vector<16xi32>
      %add3A_1496 = arith.constant 16 : i32
      %add3A_1497 = vector.broadcast %add3A_1496 : i32 to vector<16xi32>
      %add3A_1498 = arith.addi %max3A_1492, %add3A_1497 : vector<16xi32>
      %select_n3A_1499 = arith.select %lt3A_1495, %add3A_1498, %max3A_1492 : vector<16xi1>, vector<16xi32>
      %broadcast_in_dim3A_1500 = vector.shape_cast %select_n3A_1499 : vector<16xi32> to vector<16x1xi32>
      %gather3A_1501 = vector.shape_cast %broadcast_in_dim3A_1500 : vector<16x1xi32> to vector<16xi32>
      %gather3A_1502 = tpu.dynamic_gather %add3A_1477[%gather3A_1501] in [0] : vector<16xi32>, vector<16xi32> -> vector<16xi32>
      %mul3A_1503 = arith.muli %min3A_1486, %gather3A_1502 : vector<16xi32>
      %add3A_1504 = arith.addi %add3A_1477, %mul3A_1503 : vector<16xi32>
      %sub3A_1505 = arith.constant 3 : i32
      %sub3A_1506 = vector.broadcast %sub3A_1505 : i32 to vector<16xi32>
      %sub3A_1507 = arith.subi %iota3A, %sub3A_1506 : vector<16xi32>
      %max3A_1508 = arith.constant 0 : i32
      %max3A_1509 = vector.broadcast %max3A_1508 : i32 to vector<16xi32>
      %max3A_1510 = arith.maxsi %sub3A_1507, %max3A_1509 : vector<16xi32>
      %min3A_1511 = arith.constant 1 : i32
      %min3A_1512 = vector.broadcast %min3A_1511 : i32 to vector<16xi32>
      %min3A_1513 = arith.minsi %max3A_1510, %min3A_1512 : vector<16xi32>
      %sub3A_1514 = arith.constant 4 : i32
      %sub3A_1515 = vector.broadcast %sub3A_1514 : i32 to vector<16xi32>
      %sub3A_1516 = arith.subi %iota3A, %sub3A_1515 : vector<16xi32>
      %max3A_1517 = arith.constant 0 : i32
      %max3A_1518 = vector.broadcast %max3A_1517 : i32 to vector<16xi32>
      %max3A_1519 = arith.maxsi %sub3A_1516, %max3A_1518 : vector<16xi32>
      %lt3A_1520 = arith.constant 0 : i32
      %lt3A_1521 = vector.broadcast %lt3A_1520 : i32 to vector<16xi32>
      %lt3A_1522 = arith.cmpi slt, %max3A_1519, %lt3A_1521 : vector<16xi32>
      %add3A_1523 = arith.constant 16 : i32
      %add3A_1524 = vector.broadcast %add3A_1523 : i32 to vector<16xi32>
      %add3A_1525 = arith.addi %max3A_1519, %add3A_1524 : vector<16xi32>
      %select_n3A_1526 = arith.select %lt3A_1522, %add3A_1525, %max3A_1519 : vector<16xi1>, vector<16xi32>
      %broadcast_in_dim3A_1527 = vector.shape_cast %select_n3A_1526 : vector<16xi32> to vector<16x1xi32>
      %gather3A_1528 = vector.shape_cast %broadcast_in_dim3A_1527 : vector<16x1xi32> to vector<16xi32>
      %gather3A_1529 = tpu.dynamic_gather %add3A_1504[%gather3A_1528] in [0] : vector<16xi32>, vector<16xi32> -> vector<16xi32>
      %mul3A_1530 = arith.muli %min3A_1513, %gather3A_1529 : vector<16xi32>
      %add3A_1531 = arith.addi %add3A_1504, %mul3A_1530 : vector<16xi32>
      %sub3A_1532 = arith.constant 7 : i32
      %sub3A_1533 = vector.broadcast %sub3A_1532 : i32 to vector<16xi32>
      %sub3A_1534 = arith.subi %iota3A, %sub3A_1533 : vector<16xi32>
      %max3A_1535 = arith.constant 0 : i32
      %max3A_1536 = vector.broadcast %max3A_1535 : i32 to vector<16xi32>
      %max3A_1537 = arith.maxsi %sub3A_1534, %max3A_1536 : vector<16xi32>
      %min3A_1538 = arith.constant 1 : i32
      %min3A_1539 = vector.broadcast %min3A_1538 : i32 to vector<16xi32>
      %min3A_1540 = arith.minsi %max3A_1537, %min3A_1539 : vector<16xi32>
      %sub3A_1541 = arith.constant 8 : i32
      %sub3A_1542 = vector.broadcast %sub3A_1541 : i32 to vector<16xi32>
      %sub3A_1543 = arith.subi %iota3A, %sub3A_1542 : vector<16xi32>
      %max3A_1544 = arith.constant 0 : i32
      %max3A_1545 = vector.broadcast %max3A_1544 : i32 to vector<16xi32>
      %max3A_1546 = arith.maxsi %sub3A_1543, %max3A_1545 : vector<16xi32>
      %lt3A_1547 = arith.constant 0 : i32
      %lt3A_1548 = vector.broadcast %lt3A_1547 : i32 to vector<16xi32>
      %lt3A_1549 = arith.cmpi slt, %max3A_1546, %lt3A_1548 : vector<16xi32>
      %add3A_1550 = arith.constant 16 : i32
      %add3A_1551 = vector.broadcast %add3A_1550 : i32 to vector<16xi32>
      %add3A_1552 = arith.addi %max3A_1546, %add3A_1551 : vector<16xi32>
      %select_n3A_1553 = arith.select %lt3A_1549, %add3A_1552, %max3A_1546 : vector<16xi1>, vector<16xi32>
      %broadcast_in_dim3A_1554 = vector.shape_cast %select_n3A_1553 : vector<16xi32> to vector<16x1xi32>
      %gather3A_1555 = vector.shape_cast %broadcast_in_dim3A_1554 : vector<16x1xi32> to vector<16xi32>
      %gather3A_1556 = tpu.dynamic_gather %add3A_1531[%gather3A_1555] in [0] : vector<16xi32>, vector<16xi32> -> vector<16xi32>
      %mul3A_1557 = arith.muli %min3A_1540, %gather3A_1556 : vector<16xi32>
      %add3A_1558 = arith.addi %add3A_1531, %mul3A_1557 : vector<16xi32>
      %sub3A_1559 = arith.constant 1 : i32
      %sub3A_1560 = vector.broadcast %sub3A_1559 : i32 to vector<16xi32>
      %sub3A_1561 = arith.subi %add3A_1558, %sub3A_1560 : vector<16xi32>
      %mul3A_1562 = arith.muli %sub3A_1450, %sub3A_1561 : vector<16xi32>
      %add3A_1563 = arith.addi %scan3A_1444, %mul3A_1562 : vector<16xi32>
      %sub3A_1564 = vector.broadcast %scan3A_1442 : i32 to vector<16xi32>
      %sub3A_1565 = arith.subi %iota3A, %sub3A_1564 : vector<16xi32>
      %abs3A_1566 = math.absi %sub3A_1565 : vector<16xi32>
      %min3A_1567 = arith.constant 1 : i32
      %min3A_1568 = vector.broadcast %min3A_1567 : i32 to vector<16xi32>
      %min3A_1569 = arith.minsi %abs3A_1566, %min3A_1568 : vector<16xi32>
      %sub3A_1570 = arith.subi %broadcast_in_dim3A_23, %min3A_1569 : vector<16xi32>
      %lt3A_1571 = arith.constant 0 : i32
      %lt3A_1572 = vector.broadcast %lt3A_1571 : i32 to vector<16xi32>
      %lt3A_1573 = arith.cmpi slt, %broadcast_in_dim3A_25, %lt3A_1572 : vector<16xi32>
      %add3A_1574 = arith.constant 16 : i32
      %add3A_1575 = vector.broadcast %add3A_1574 : i32 to vector<16xi32>
      %add3A_1576 = arith.addi %broadcast_in_dim3A_25, %add3A_1575 : vector<16xi32>
      %select_n3A_1577 = arith.select %lt3A_1573, %add3A_1576, %broadcast_in_dim3A_25 : vector<16xi1>, vector<16xi32>
      %broadcast_in_dim3A_1578 = vector.shape_cast %select_n3A_1577 : vector<16xi32> to vector<16x1xi32>
      %gather3A_1579 = vector.shape_cast %broadcast_in_dim3A_1578 : vector<16x1xi32> to vector<16xi32>
      %gather3A_1580 = tpu.dynamic_gather %add3A_1558[%gather3A_1579] in [0] : vector<16xi32>, vector<16xi32> -> vector<16xi32>
      %mul3A_1581 = arith.muli %sub3A_1570, %gather3A_1580 : vector<16xi32>
      %add3A_1582 = arith.addi %scan3A_1443, %mul3A_1581 : vector<16xi32>
      scf.yield %add3A_1582, %add3A_1563 : vector<16xi32>, vector<16xi32>
    }
    %scan3A_950 = arith.constant 16 : i32
    %add3A_951 = arith.addi %add3A_944, %scan3A_949#1 : vector<16xi32>
    %swap3A_952 = arith.constant 112 : index
    %swap3A_953 = tpu.vector_load %arg13[%swap3A_952] {strides = array<i32>} : memref<128xi32, #tpu.memory_space<vmem>>, vector<16xi32>,
    %swap3A_954 = vector.shape_cast %swap3A_953 : vector<16xi32> to vector<16xi32>
    %swap3A_955 = vector.shape_cast %add3A_951 : vector<16xi32> to vector<16xi32>
    tpu.vector_store %arg13[%swap3A_952], %swap3A_955 {strides = array<i32>} : memref<128xi32, #tpu.memory_space<vmem>>, vector<16xi32>,
    %mul3A_956 = arith.constant 2 : i32
    %mul3A_957 = arith.muli %mul3A_956, %mul3A_2 : i32
    %dma_start3A_958 = arith.constant 0 : i32
    %dma_start3A_959 = tpu.memref_slice %arg9[%mul3A_957] : memref<4096xi32, #tpu.memory_space<hbm>> -> memref<128xi32, #tpu.memory_space<hbm>>
    %dma_start3A_960 = tpu.memref_slice %arg24[%dma_start3A_958] : memref<5x!tpu.dma_semaphore, #tpu.memory_space<semaphore_mem>> -> memref<1x!tpu.dma_semaphore, #tpu.memory_space<semaphore_mem>>
    %dma_start3A_961 = tpu.memref_squeeze %dma_start3A_960 : memref<1x!tpu.dma_semaphore, #tpu.memory_space<semaphore_mem>> -> memref<!tpu.dma_semaphore, #tpu.memory_space<semaphore_mem>>
    %dma_start3A_962 = tpu.memref_slice %arg9[%mul3A_957] : memref<4096xi32, #tpu.memory_space<hbm>> -> memref<128xi32, #tpu.memory_space<hbm>>
    tpu.enqueue_dma source(%arg13 : memref<128xi32, #tpu.memory_space<vmem>>) target(%dma_start3A_962 : memref<128xi32, #tpu.memory_space<hbm>>) target_semaphore(%dma_start3A_961 : memref<!tpu.dma_semaphore, #tpu.memory_space<semaphore_mem>>)
    %broadcast_in_dim3A_963 = arith.constant 8 : i32
    %broadcast_in_dim3A_964 = vector.broadcast %broadcast_in_dim3A_963 : i32 to vector<16xi32>
    %sub3A_965 = arith.subi %broadcast_in_dim3A_964, %iota3A : vector<16xi32>
    %max3A_966 = arith.constant 0 : i32
    %max3A_967 = vector.broadcast %max3A_966 : i32 to vector<16xi32>
    %max3A_968 = arith.maxsi %sub3A_965, %max3A_967 : vector<16xi32>
    %min3A_969 = arith.constant 1 : i32
    %min3A_970 = vector.broadcast %min3A_969 : i32 to vector<16xi32>
    %min3A_971 = arith.minsi %max3A_968, %min3A_970 : vector<16xi32>
    %sub3A_972 = arith.subi %broadcast_in_dim3A_23, %min3A_971 : vector<16xi32>
    %get3A_973 = arith.constant 0 : index
    %get3A_974 = tpu.vector_load %arg13[%get3A_973] {strides = array<i32>} : memref<128xi32, #tpu.memory_space<vmem>>, vector<16xi32>,
    %get3A_975 = vector.shape_cast %get3A_974 : vector<16xi32> to vector<16xi32>
    %get3A_976 = arith.constant 16 : index
    %get3A_977 = tpu.vector_load %arg13[%get3A_976] {strides = array<i32>} : memref<128xi32, #tpu.memory_space<vmem>>, vector<16xi32>,
    %get3A_978 = vector.shape_cast %get3A_977 : vector<16xi32> to vector<16xi32>
    %mul3A_979 = arith.constant 2 : i32
    %mul3A_980 = vector.broadcast %mul3A_979 : i32 to vector<16xi32>
    %mul3A_981 = arith.muli %mul3A_980, %iota3A : vector<16xi32>
    %min3A_982 = arith.constant 15 : i32
    %min3A_983 = vector.broadcast %min3A_982 : i32 to vector<16xi32>
    %min3A_984 = arith.minsi %mul3A_981, %min3A_983 : vector<16xi32>
    %lt3A_985 = arith.constant 0 : i32
    %lt3A_986 = vector.broadcast %lt3A_985 : i32 to vector<16xi32>
    %lt3A_987 = arith.cmpi slt, %min3A_984, %lt3A_986 : vector<16xi32>
    %add3A_988 = arith.constant 16 : i32
    %add3A_989 = vector.broadcast %add3A_988 : i32 to vector<16xi32>
    %add3A_990 = arith.addi %min3A_984, %add3A_989 : vector<16xi32>
    %select_n3A_991 = arith.select %lt3A_987, %add3A_990, %min3A_984 : vector<16xi1>, vector<16xi32>
    %broadcast_in_dim3A_992 = vector.shape_cast %select_n3A_991 : vector<16xi32> to vector<16x1xi32>
    %gather3A_993 = vector.shape_cast %broadcast_in_dim3A_992 : vector<16x1xi32> to vector<16xi32>
    %gather3A_994 = tpu.dynamic_gather %get3A_975[%gather3A_993] in [0] : vector<16xi32>, vector<16xi32> -> vector<16xi32>
    %mul3A_995 = arith.muli %min3A_971, %gather3A_994 : vector<16xi32>
    %sub3A_996 = arith.constant 8 : i32
    %sub3A_997 = vector.broadcast %sub3A_996 : i32 to vector<16xi32>
    %sub3A_998 = arith.subi %iota3A, %sub3A_997 : vector<16xi32>
    %mul3A_999 = arith.constant 2 : i32
    %mul3A_1000 = vector.broadcast %mul3A_999 : i32 to vector<16xi32>
    %mul3A_1001 = arith.muli %mul3A_1000, %sub3A_998 : vector<16xi32>
    %max3A_1002 = arith.constant 0 : i32
    %max3A_1003 = vector.broadcast %max3A_1002 : i32 to vector<16xi32>
    %max3A_1004 = arith.maxsi %mul3A_1001, %max3A_1003 : vector<16xi32>
    %lt3A_1005 = arith.constant 0 : i32
    %lt3A_1006 = vector.broadcast %lt3A_1005 : i32 to vector<16xi32>
    %lt3A_1007 = arith.cmpi slt, %max3A_1004, %lt3A_1006 : vector<16xi32>
    %add3A_1008 = arith.constant 16 : i32
    %add3A_1009 = vector.broadcast %add3A_1008 : i32 to vector<16xi32>
    %add3A_1010 = arith.addi %max3A_1004, %add3A_1009 : vector<16xi32>
    %select_n3A_1011 = arith.select %lt3A_1007, %add3A_1010, %max3A_1004 : vector<16xi1>, vector<16xi32>
    %broadcast_in_dim3A_1012 = vector.shape_cast %select_n3A_1011 : vector<16xi32> to vector<16x1xi32>
    %gather3A_1013 = vector.shape_cast %broadcast_in_dim3A_1012 : vector<16x1xi32> to vector<16xi32>
    %gather3A_1014 = tpu.dynamic_gather %get3A_978[%gather3A_1013] in [0] : vector<16xi32>, vector<16xi32> -> vector<16xi32>
    %mul3A_1015 = arith.muli %sub3A_972, %gather3A_1014 : vector<16xi32>
    %add3A_1016 = arith.addi %mul3A_995, %mul3A_1015 : vector<16xi32>
    %mul3A_1017 = arith.constant 2 : i32
    %mul3A_1018 = vector.broadcast %mul3A_1017 : i32 to vector<16xi32>
    %mul3A_1019 = arith.muli %mul3A_1018, %iota3A : vector<16xi32>
    %add3A_1020 = arith.constant 1 : i32
    %add3A_1021 = vector.broadcast %add3A_1020 : i32 to vector<16xi32>
    %add3A_1022 = arith.addi %mul3A_1019, %add3A_1021 : vector<16xi32>
    %min3A_1023 = arith.constant 15 : i32
    %min3A_1024 = vector.broadcast %min3A_1023 : i32 to vector<16xi32>
    %min3A_1025 = arith.minsi %add3A_1022, %min3A_1024 : vector<16xi32>
    %lt3A_1026 = arith.constant 0 : i32
    %lt3A_1027 = vector.broadcast %lt3A_1026 : i32 to vector<16xi32>
    %lt3A_1028 = arith.cmpi slt, %min3A_1025, %lt3A_1027 : vector<16xi32>
    %add3A_1029 = arith.constant 16 : i32
    %add3A_1030 = vector.broadcast %add3A_1029 : i32 to vector<16xi32>
    %add3A_1031 = arith.addi %min3A_1025, %add3A_1030 : vector<16xi32>
    %select_n3A_1032 = arith.select %lt3A_1028, %add3A_1031, %min3A_1025 : vector<16xi1>, vector<16xi32>
    %broadcast_in_dim3A_1033 = vector.shape_cast %select_n3A_1032 : vector<16xi32> to vector<16x1xi32>
    %gather3A_1034 = vector.shape_cast %broadcast_in_dim3A_1033 : vector<16x1xi32> to vector<16xi32>
    %gather3A_1035 = tpu.dynamic_gather %get3A_975[%gather3A_1034] in [0] : vector<16xi32>, vector<16xi32> -> vector<16xi32>
    %mul3A_1036 = arith.muli %min3A_971, %gather3A_1035 : vector<16xi32>
    %sub3A_1037 = arith.constant 8 : i32
    %sub3A_1038 = vector.broadcast %sub3A_1037 : i32 to vector<16xi32>
    %sub3A_1039 = arith.subi %iota3A, %sub3A_1038 : vector<16xi32>
    %mul3A_1040 = arith.constant 2 : i32
    %mul3A_1041 = vector.broadcast %mul3A_1040 : i32 to vector<16xi32>
    %mul3A_1042 = arith.muli %mul3A_1041, %sub3A_1039 : vector<16xi32>
    %add3A_1043 = arith.constant 1 : i32
    %add3A_1044 = vector.broadcast %add3A_1043 : i32 to vector<16xi32>
    %add3A_1045 = arith.addi %mul3A_1042, %add3A_1044 : vector<16xi32>
    %max3A_1046 = arith.constant 0 : i32
    %max3A_1047 = vector.broadcast %max3A_1046 : i32 to vector<16xi32>
    %max3A_1048 = arith.maxsi %add3A_1045, %max3A_1047 : vector<16xi32>
    %lt3A_1049 = arith.constant 0 : i32
    %lt3A_1050 = vector.broadcast %lt3A_1049 : i32 to vector<16xi32>
    %lt3A_1051 = arith.cmpi slt, %max3A_1048, %lt3A_1050 : vector<16xi32>
    %add3A_1052 = arith.constant 16 : i32
    %add3A_1053 = vector.broadcast %add3A_1052 : i32 to vector<16xi32>
    %add3A_1054 = arith.addi %max3A_1048, %add3A_1053 : vector<16xi32>
    %select_n3A_1055 = arith.select %lt3A_1051, %add3A_1054, %max3A_1048 : vector<16xi1>, vector<16xi32>
    %broadcast_in_dim3A_1056 = vector.shape_cast %select_n3A_1055 : vector<16xi32> to vector<16x1xi32>
    %gather3A_1057 = vector.shape_cast %broadcast_in_dim3A_1056 : vector<16x1xi32> to vector<16xi32>
    %gather3A_1058 = tpu.dynamic_gather %get3A_978[%gather3A_1057] in [0] : vector<16xi32>, vector<16xi32> -> vector<16xi32>
    %mul3A_1059 = arith.muli %sub3A_972, %gather3A_1058 : vector<16xi32>
    %add3A_1060 = arith.addi %mul3A_1036, %mul3A_1059 : vector<16xi32>
    %swap3A_1061 = arith.constant 0 : index
    %swap3A_1062 = tpu.vector_load %arg15[%swap3A_1061] {strides = array<i32>} : memref<64xi32, #tpu.memory_space<vmem>>, vector<16xi32>,
    %swap3A_1063 = vector.shape_cast %swap3A_1062 : vector<16xi32> to vector<16xi32>
    %swap3A_1064 = vector.shape_cast %add3A_1016 : vector<16xi32> to vector<16xi32>
    tpu.vector_store %arg15[%swap3A_1061], %swap3A_1064 {strides = array<i32>} : memref<64xi32, #tpu.memory_space<vmem>>, vector<16xi32>,
    %swap3A_1065 = arith.constant 0 : index
    %swap3A_1066 = tpu.vector_load %arg16[%swap3A_1065] {strides = array<i32>} : memref<64xi32, #tpu.memory_space<vmem>>, vector<16xi32>,
    %swap3A_1067 = vector.shape_cast %swap3A_1066 : vector<16xi32> to vector<16xi32>
    %swap3A_1068 = vector.shape_cast %add3A_1060 : vector<16xi32> to vector<16xi32>
    tpu.vector_store %arg16[%swap3A_1065], %swap3A_1068 {strides = array<i32>} : memref<64xi32, #tpu.memory_space<vmem>>, vector<16xi32>,
    %get3A_1069 = arith.constant 32 : index
    %get3A_1070 = tpu.vector_load %arg13[%get3A_1069] {strides = array<i32>} : memref<128xi32, #tpu.memory_space<vmem>>, vector<16xi32>,
    %get3A_1071 = vector.shape_cast %get3A_1070 : vector<16xi32> to vector<16xi32>
    %get3A_1072 = arith.constant 48 : index
    %get3A_1073 = tpu.vector_load %arg13[%get3A_1072] {strides = array<i32>} : memref<128xi32, #tpu.memory_space<vmem>>, vector<16xi32>,
    %get3A_1074 = vector.shape_cast %get3A_1073 : vector<16xi32> to vector<16xi32>
    %mul3A_1075 = arith.constant 2 : i32
    %mul3A_1076 = vector.broadcast %mul3A_1075 : i32 to vector<16xi32>
    %mul3A_1077 = arith.muli %mul3A_1076, %iota3A : vector<16xi32>
    %min3A_1078 = arith.constant 15 : i32
    %min3A_1079 = vector.broadcast %min3A_1078 : i32 to vector<16xi32>
    %min3A_1080 = arith.minsi %mul3A_1077, %min3A_1079 : vector<16xi32>
    %lt3A_1081 = arith.constant 0 : i32
    %lt3A_1082 = vector.broadcast %lt3A_1081 : i32 to vector<16xi32>
    %lt3A_1083 = arith.cmpi slt, %min3A_1080, %lt3A_1082 : vector<16xi32>
    %add3A_1084 = arith.constant 16 : i32
    %add3A_1085 = vector.broadcast %add3A_1084 : i32 to vector<16xi32>
    %add3A_1086 = arith.addi %min3A_1080, %add3A_1085 : vector<16xi32>
    %select_n3A_1087 = arith.select %lt3A_1083, %add3A_1086, %min3A_1080 : vector<16xi1>, vector<16xi32>
    %broadcast_in_dim3A_1088 = vector.shape_cast %select_n3A_1087 : vector<16xi32> to vector<16x1xi32>
    %gather3A_1089 = vector.shape_cast %broadcast_in_dim3A_1088 : vector<16x1xi32> to vector<16xi32>
    %gather3A_1090 = tpu.dynamic_gather %get3A_1071[%gather3A_1089] in [0] : vector<16xi32>, vector<16xi32> -> vector<16xi32>
    %mul3A_1091 = arith.muli %min3A_971, %gather3A_1090 : vector<16xi32>
    %sub3A_1092 = arith.constant 8 : i32
    %sub3A_1093 = vector.broadcast %sub3A_1092 : i32 to vector<16xi32>
    %sub3A_1094 = arith.subi %iota3A, %sub3A_1093 : vector<16xi32>
    %mul3A_1095 = arith.constant 2 : i32
    %mul3A_1096 = vector.broadcast %mul3A_1095 : i32 to vector<16xi32>
    %mul3A_1097 = arith.muli %mul3A_1096, %sub3A_1094 : vector<16xi32>
    %max3A_1098 = arith.constant 0 : i32
    %max3A_1099 = vector.broadcast %max3A_1098 : i32 to vector<16xi32>
    %max3A_1100 = arith.maxsi %mul3A_1097, %max3A_1099 : vector<16xi32>
    %lt3A_1101 = arith.constant 0 : i32
    %lt3A_1102 = vector.broadcast %lt3A_1101 : i32 to vector<16xi32>
    %lt3A_1103 = arith.cmpi slt, %max3A_1100, %lt3A_1102 : vector<16xi32>
    %add3A_1104 = arith.constant 16 : i32
    %add3A_1105 = vector.broadcast %add3A_1104 : i32 to vector<16xi32>
    %add3A_1106 = arith.addi %max3A_1100, %add3A_1105 : vector<16xi32>
    %select_n3A_1107 = arith.select %lt3A_1103, %add3A_1106, %max3A_1100 : vector<16xi1>, vector<16xi32>
    %broadcast_in_dim3A_1108 = vector.shape_cast %select_n3A_1107 : vector<16xi32> to vector<16x1xi32>
    %gather3A_1109 = vector.shape_cast %broadcast_in_dim3A_1108 : vector<16x1xi32> to vector<16xi32>
    %gather3A_1110 = tpu.dynamic_gather %get3A_1074[%gather3A_1109] in [0] : vector<16xi32>, vector<16xi32> -> vector<16xi32>
    %mul3A_1111 = arith.muli %sub3A_972, %gather3A_1110 : vector<16xi32>
    %add3A_1112 = arith.addi %mul3A_1091, %mul3A_1111 : vector<16xi32>
    %mul3A_1113 = arith.constant 2 : i32
    %mul3A_1114 = vector.broadcast %mul3A_1113 : i32 to vector<16xi32>
    %mul3A_1115 = arith.muli %mul3A_1114, %iota3A : vector<16xi32>
    %add3A_1116 = arith.constant 1 : i32
    %add3A_1117 = vector.broadcast %add3A_1116 : i32 to vector<16xi32>
    %add3A_1118 = arith.addi %mul3A_1115, %add3A_1117 : vector<16xi32>
    %min3A_1119 = arith.constant 15 : i32
    %min3A_1120 = vector.broadcast %min3A_1119 : i32 to vector<16xi32>
    %min3A_1121 = arith.minsi %add3A_1118, %min3A_1120 : vector<16xi32>
    %lt3A_1122 = arith.constant 0 : i32
    %lt3A_1123 = vector.broadcast %lt3A_1122 : i32 to vector<16xi32>
    %lt3A_1124 = arith.cmpi slt, %min3A_1121, %lt3A_1123 : vector<16xi32>
    %add3A_1125 = arith.constant 16 : i32
    %add3A_1126 = vector.broadcast %add3A_1125 : i32 to vector<16xi32>
    %add3A_1127 = arith.addi %min3A_1121, %add3A_1126 : vector<16xi32>
    %select_n3A_1128 = arith.select %lt3A_1124, %add3A_1127, %min3A_1121 : vector<16xi1>, vector<16xi32>
    %broadcast_in_dim3A_1129 = vector.shape_cast %select_n3A_1128 : vector<16xi32> to vector<16x1xi32>
    %gather3A_1130 = vector.shape_cast %broadcast_in_dim3A_1129 : vector<16x1xi32> to vector<16xi32>
    %gather3A_1131 = tpu.dynamic_gather %get3A_1071[%gather3A_1130] in [0] : vector<16xi32>, vector<16xi32> -> vector<16xi32>
    %mul3A_1132 = arith.muli %min3A_971, %gather3A_1131 : vector<16xi32>
    %sub3A_1133 = arith.constant 8 : i32
    %sub3A_1134 = vector.broadcast %sub3A_1133 : i32 to vector<16xi32>
    %sub3A_1135 = arith.subi %iota3A, %sub3A_1134 : vector<16xi32>
    %mul3A_1136 = arith.constant 2 : i32
    %mul3A_1137 = vector.broadcast %mul3A_1136 : i32 to vector<16xi32>
    %mul3A_1138 = arith.muli %mul3A_1137, %sub3A_1135 : vector<16xi32>
    %add3A_1139 = arith.constant 1 : i32
    %add3A_1140 = vector.broadcast %add3A_1139 : i32 to vector<16xi32>
    %add3A_1141 = arith.addi %mul3A_1138, %add3A_1140 : vector<16xi32>
    %max3A_1142 = arith.constant 0 : i32
    %max3A_1143 = vector.broadcast %max3A_1142 : i32 to vector<16xi32>
    %max3A_1144 = arith.maxsi %add3A_1141, %max3A_1143 : vector<16xi32>
    %lt3A_1145 = arith.constant 0 : i32
    %lt3A_1146 = vector.broadcast %lt3A_1145 : i32 to vector<16xi32>
    %lt3A_1147 = arith.cmpi slt, %max3A_1144, %lt3A_1146 : vector<16xi32>
    %add3A_1148 = arith.constant 16 : i32
    %add3A_1149 = vector.broadcast %add3A_1148 : i32 to vector<16xi32>
    %add3A_1150 = arith.addi %max3A_1144, %add3A_1149 : vector<16xi32>
    %select_n3A_1151 = arith.select %lt3A_1147, %add3A_1150, %max3A_1144 : vector<16xi1>, vector<16xi32>
    %broadcast_in_dim3A_1152 = vector.shape_cast %select_n3A_1151 : vector<16xi32> to vector<16x1xi32>
    %gather3A_1153 = vector.shape_cast %broadcast_in_dim3A_1152 : vector<16x1xi32> to vector<16xi32>
    %gather3A_1154 = tpu.dynamic_gather %get3A_1074[%gather3A_1153] in [0] : vector<16xi32>, vector<16xi32> -> vector<16xi32>
    %mul3A_1155 = arith.muli %sub3A_972, %gather3A_1154 : vector<16xi32>
    %add3A_1156 = arith.addi %mul3A_1132, %mul3A_1155 : vector<16xi32>
    %swap3A_1157 = arith.constant 16 : index
    %swap3A_1158 = tpu.vector_load %arg15[%swap3A_1157] {strides = array<i32>} : memref<64xi32, #tpu.memory_space<vmem>>, vector<16xi32>,
    %swap3A_1159 = vector.shape_cast %swap3A_1158 : vector<16xi32> to vector<16xi32>
    %swap3A_1160 = vector.shape_cast %add3A_1112 : vector<16xi32> to vector<16xi32>
    tpu.vector_store %arg15[%swap3A_1157], %swap3A_1160 {strides = array<i32>} : memref<64xi32, #tpu.memory_space<vmem>>, vector<16xi32>,
    %swap3A_1161 = arith.constant 16 : index
    %swap3A_1162 = tpu.vector_load %arg16[%swap3A_1161] {strides = array<i32>} : memref<64xi32, #tpu.memory_space<vmem>>, vector<16xi32>,
    %swap3A_1163 = vector.shape_cast %swap3A_1162 : vector<16xi32> to vector<16xi32>
    %swap3A_1164 = vector.shape_cast %add3A_1156 : vector<16xi32> to vector<16xi32>
    tpu.vector_store %arg16[%swap3A_1161], %swap3A_1164 {strides = array<i32>} : memref<64xi32, #tpu.memory_space<vmem>>, vector<16xi32>,
    %get3A_1165 = arith.constant 64 : index
    %get3A_1166 = tpu.vector_load %arg13[%get3A_1165] {strides = array<i32>} : memref<128xi32, #tpu.memory_space<vmem>>, vector<16xi32>,
    %get3A_1167 = vector.shape_cast %get3A_1166 : vector<16xi32> to vector<16xi32>
    %get3A_1168 = arith.constant 80 : index
    %get3A_1169 = tpu.vector_load %arg13[%get3A_1168] {strides = array<i32>} : memref<128xi32, #tpu.memory_space<vmem>>, vector<16xi32>,
    %get3A_1170 = vector.shape_cast %get3A_1169 : vector<16xi32> to vector<16xi32>
    %mul3A_1171 = arith.constant 2 : i32
    %mul3A_1172 = vector.broadcast %mul3A_1171 : i32 to vector<16xi32>
    %mul3A_1173 = arith.muli %mul3A_1172, %iota3A : vector<16xi32>
    %min3A_1174 = arith.constant 15 : i32
    %min3A_1175 = vector.broadcast %min3A_1174 : i32 to vector<16xi32>
    %min3A_1176 = arith.minsi %mul3A_1173, %min3A_1175 : vector<16xi32>
    %lt3A_1177 = arith.constant 0 : i32
    %lt3A_1178 = vector.broadcast %lt3A_1177 : i32 to vector<16xi32>
    %lt3A_1179 = arith.cmpi slt, %min3A_1176, %lt3A_1178 : vector<16xi32>
    %add3A_1180 = arith.constant 16 : i32
    %add3A_1181 = vector.broadcast %add3A_1180 : i32 to vector<16xi32>
    %add3A_1182 = arith.addi %min3A_1176, %add3A_1181 : vector<16xi32>
    %select_n3A_1183 = arith.select %lt3A_1179, %add3A_1182, %min3A_1176 : vector<16xi1>, vector<16xi32>
    %broadcast_in_dim3A_1184 = vector.shape_cast %select_n3A_1183 : vector<16xi32> to vector<16x1xi32>
    %gather3A_1185 = vector.shape_cast %broadcast_in_dim3A_1184 : vector<16x1xi32> to vector<16xi32>
    %gather3A_1186 = tpu.dynamic_gather %get3A_1167[%gather3A_1185] in [0] : vector<16xi32>, vector<16xi32> -> vector<16xi32>
    %mul3A_1187 = arith.muli %min3A_971, %gather3A_1186 : vector<16xi32>
    %sub3A_1188 = arith.constant 8 : i32
    %sub3A_1189 = vector.broadcast %sub3A_1188 : i32 to vector<16xi32>
    %sub3A_1190 = arith.subi %iota3A, %sub3A_1189 : vector<16xi32>
    %mul3A_1191 = arith.constant 2 : i32
    %mul3A_1192 = vector.broadcast %mul3A_1191 : i32 to vector<16xi32>
    %mul3A_1193 = arith.muli %mul3A_1192, %sub3A_1190 : vector<16xi32>
    %max3A_1194 = arith.constant 0 : i32
    %max3A_1195 = vector.broadcast %max3A_1194 : i32 to vector<16xi32>
    %max3A_1196 = arith.maxsi %mul3A_1193, %max3A_1195 : vector<16xi32>
    %lt3A_1197 = arith.constant 0 : i32
    %lt3A_1198 = vector.broadcast %lt3A_1197 : i32 to vector<16xi32>
    %lt3A_1199 = arith.cmpi slt, %max3A_1196, %lt3A_1198 : vector<16xi32>
    %add3A_1200 = arith.constant 16 : i32
    %add3A_1201 = vector.broadcast %add3A_1200 : i32 to vector<16xi32>
    %add3A_1202 = arith.addi %max3A_1196, %add3A_1201 : vector<16xi32>
    %select_n3A_1203 = arith.select %lt3A_1199, %add3A_1202, %max3A_1196 : vector<16xi1>, vector<16xi32>
    %broadcast_in_dim3A_1204 = vector.shape_cast %select_n3A_1203 : vector<16xi32> to vector<16x1xi32>
    %gather3A_1205 = vector.shape_cast %broadcast_in_dim3A_1204 : vector<16x1xi32> to vector<16xi32>
    %gather3A_1206 = tpu.dynamic_gather %get3A_1170[%gather3A_1205] in [0] : vector<16xi32>, vector<16xi32> -> vector<16xi32>
    %mul3A_1207 = arith.muli %sub3A_972, %gather3A_1206 : vector<16xi32>
    %add3A_1208 = arith.addi %mul3A_1187, %mul3A_1207 : vector<16xi32>
    %mul3A_1209 = arith.constant 2 : i32
    %mul3A_1210 = vector.broadcast %mul3A_1209 : i32 to vector<16xi32>
    %mul3A_1211 = arith.muli %mul3A_1210, %iota3A : vector<16xi32>
    %add3A_1212 = arith.constant 1 : i32
    %add3A_1213 = vector.broadcast %add3A_1212 : i32 to vector<16xi32>
    %add3A_1214 = arith.addi %mul3A_1211, %add3A_1213 : vector<16xi32>
    %min3A_1215 = arith.constant 15 : i32
    %min3A_1216 = vector.broadcast %min3A_1215 : i32 to vector<16xi32>
    %min3A_1217 = arith.minsi %add3A_1214, %min3A_1216 : vector<16xi32>
    %lt3A_1218 = arith.constant 0 : i32
    %lt3A_1219 = vector.broadcast %lt3A_1218 : i32 to vector<16xi32>
    %lt3A_1220 = arith.cmpi slt, %min3A_1217, %lt3A_1219 : vector<16xi32>
    %add3A_1221 = arith.constant 16 : i32
    %add3A_1222 = vector.broadcast %add3A_1221 : i32 to vector<16xi32>
    %add3A_1223 = arith.addi %min3A_1217, %add3A_1222 : vector<16xi32>
    %select_n3A_1224 = arith.select %lt3A_1220, %add3A_1223, %min3A_1217 : vector<16xi1>, vector<16xi32>
    %broadcast_in_dim3A_1225 = vector.shape_cast %select_n3A_1224 : vector<16xi32> to vector<16x1xi32>
    %gather3A_1226 = vector.shape_cast %broadcast_in_dim3A_1225 : vector<16x1xi32> to vector<16xi32>
    %gather3A_1227 = tpu.dynamic_gather %get3A_1167[%gather3A_1226] in [0] : vector<16xi32>, vector<16xi32> -> vector<16xi32>
    %mul3A_1228 = arith.muli %min3A_971, %gather3A_1227 : vector<16xi32>
    %sub3A_1229 = arith.constant 8 : i32
    %sub3A_1230 = vector.broadcast %sub3A_1229 : i32 to vector<16xi32>
    %sub3A_1231 = arith.subi %iota3A, %sub3A_1230 : vector<16xi32>
    %mul3A_1232 = arith.constant 2 : i32
    %mul3A_1233 = vector.broadcast %mul3A_1232 : i32 to vector<16xi32>
    %mul3A_1234 = arith.muli %mul3A_1233, %sub3A_1231 : vector<16xi32>
    %add3A_1235 = arith.constant 1 : i32
    %add3A_1236 = vector.broadcast %add3A_1235 : i32 to vector<16xi32>
    %add3A_1237 = arith.addi %mul3A_1234, %add3A_1236 : vector<16xi32>
    %max3A_1238 = arith.constant 0 : i32
    %max3A_1239 = vector.broadcast %max3A_1238 : i32 to vector<16xi32>
    %max3A_1240 = arith.maxsi %add3A_1237, %max3A_1239 : vector<16xi32>
    %lt3A_1241 = arith.constant 0 : i32
    %lt3A_1242 = vector.broadcast %lt3A_1241 : i32 to vector<16xi32>
    %lt3A_1243 = arith.cmpi slt, %max3A_1240, %lt3A_1242 : vector<16xi32>
    %add3A_1244 = arith.constant 16 : i32
    %add3A_1245 = vector.broadcast %add3A_1244 : i32 to vector<16xi32>
    %add3A_1246 = arith.addi %max3A_1240, %add3A_1245 : vector<16xi32>
    %select_n3A_1247 = arith.select %lt3A_1243, %add3A_1246, %max3A_1240 : vector<16xi1>, vector<16xi32>
    %broadcast_in_dim3A_1248 = vector.shape_cast %select_n3A_1247 : vector<16xi32> to vector<16x1xi32>
    %gather3A_1249 = vector.shape_cast %broadcast_in_dim3A_1248 : vector<16x1xi32> to vector<16xi32>
    %gather3A_1250 = tpu.dynamic_gather %get3A_1170[%gather3A_1249] in [0] : vector<16xi32>, vector<16xi32> -> vector<16xi32>
    %mul3A_1251 = arith.muli %sub3A_972, %gather3A_1250 : vector<16xi32>
    %add3A_1252 = arith.addi %mul3A_1228, %mul3A_1251 : vector<16xi32>
    %swap3A_1253 = arith.constant 32 : index
    %swap3A_1254 = tpu.vector_load %arg15[%swap3A_1253] {strides = array<i32>} : memref<64xi32, #tpu.memory_space<vmem>>, vector<16xi32>,
    %swap3A_1255 = vector.shape_cast %swap3A_1254 : vector<16xi32> to vector<16xi32>
    %swap3A_1256 = vector.shape_cast %add3A_1208 : vector<16xi32> to vector<16xi32>
    tpu.vector_store %arg15[%swap3A_1253], %swap3A_1256 {strides = array<i32>} : memref<64xi32, #tpu.memory_space<vmem>>, vector<16xi32>,
    %swap3A_1257 = arith.constant 32 : index
    %swap3A_1258 = tpu.vector_load %arg16[%swap3A_1257] {strides = array<i32>} : memref<64xi32, #tpu.memory_space<vmem>>, vector<16xi32>,
    %swap3A_1259 = vector.shape_cast %swap3A_1258 : vector<16xi32> to vector<16xi32>
    %swap3A_1260 = vector.shape_cast %add3A_1252 : vector<16xi32> to vector<16xi32>
    tpu.vector_store %arg16[%swap3A_1257], %swap3A_1260 {strides = array<i32>} : memref<64xi32, #tpu.memory_space<vmem>>, vector<16xi32>,
    %get3A_1261 = arith.constant 96 : index
    %get3A_1262 = tpu.vector_load %arg13[%get3A_1261] {strides = array<i32>} : memref<128xi32, #tpu.memory_space<vmem>>, vector<16xi32>,
    %get3A_1263 = vector.shape_cast %get3A_1262 : vector<16xi32> to vector<16xi32>
    %get3A_1264 = arith.constant 112 : index
    %get3A_1265 = tpu.vector_load %arg13[%get3A_1264] {strides = array<i32>} : memref<128xi32, #tpu.memory_space<vmem>>, vector<16xi32>,
    %get3A_1266 = vector.shape_cast %get3A_1265 : vector<16xi32> to vector<16xi32>
    %mul3A_1267 = arith.constant 2 : i32
    %mul3A_1268 = vector.broadcast %mul3A_1267 : i32 to vector<16xi32>
    %mul3A_1269 = arith.muli %mul3A_1268, %iota3A : vector<16xi32>
    %min3A_1270 = arith.constant 15 : i32
    %min3A_1271 = vector.broadcast %min3A_1270 : i32 to vector<16xi32>
    %min3A_1272 = arith.minsi %mul3A_1269, %min3A_1271 : vector<16xi32>
    %lt3A_1273 = arith.constant 0 : i32
    %lt3A_1274 = vector.broadcast %lt3A_1273 : i32 to vector<16xi32>
    %lt3A_1275 = arith.cmpi slt, %min3A_1272, %lt3A_1274 : vector<16xi32>
    %add3A_1276 = arith.constant 16 : i32
    %add3A_1277 = vector.broadcast %add3A_1276 : i32 to vector<16xi32>
    %add3A_1278 = arith.addi %min3A_1272, %add3A_1277 : vector<16xi32>
    %select_n3A_1279 = arith.select %lt3A_1275, %add3A_1278, %min3A_1272 : vector<16xi1>, vector<16xi32>
    %broadcast_in_dim3A_1280 = vector.shape_cast %select_n3A_1279 : vector<16xi32> to vector<16x1xi32>
    %gather3A_1281 = vector.shape_cast %broadcast_in_dim3A_1280 : vector<16x1xi32> to vector<16xi32>
    %gather3A_1282 = tpu.dynamic_gather %get3A_1263[%gather3A_1281] in [0] : vector<16xi32>, vector<16xi32> -> vector<16xi32>
    %mul3A_1283 = arith.muli %min3A_971, %gather3A_1282 : vector<16xi32>
    %sub3A_1284 = arith.constant 8 : i32
    %sub3A_1285 = vector.broadcast %sub3A_1284 : i32 to vector<16xi32>
    %sub3A_1286 = arith.subi %iota3A, %sub3A_1285 : vector<16xi32>
    %mul3A_1287 = arith.constant 2 : i32
    %mul3A_1288 = vector.broadcast %mul3A_1287 : i32 to vector<16xi32>
    %mul3A_1289 = arith.muli %mul3A_1288, %sub3A_1286 : vector<16xi32>
    %max3A_1290 = arith.constant 0 : i32
    %max3A_1291 = vector.broadcast %max3A_1290 : i32 to vector<16xi32>
    %max3A_1292 = arith.maxsi %mul3A_1289, %max3A_1291 : vector<16xi32>
    %lt3A_1293 = arith.constant 0 : i32
    %lt3A_1294 = vector.broadcast %lt3A_1293 : i32 to vector<16xi32>
    %lt3A_1295 = arith.cmpi slt, %max3A_1292, %lt3A_1294 : vector<16xi32>
    %add3A_1296 = arith.constant 16 : i32
    %add3A_1297 = vector.broadcast %add3A_1296 : i32 to vector<16xi32>
    %add3A_1298 = arith.addi %max3A_1292, %add3A_1297 : vector<16xi32>
    %select_n3A_1299 = arith.select %lt3A_1295, %add3A_1298, %max3A_1292 : vector<16xi1>, vector<16xi32>
    %broadcast_in_dim3A_1300 = vector.shape_cast %select_n3A_1299 : vector<16xi32> to vector<16x1xi32>
    %gather3A_1301 = vector.shape_cast %broadcast_in_dim3A_1300 : vector<16x1xi32> to vector<16xi32>
    %gather3A_1302 = tpu.dynamic_gather %get3A_1266[%gather3A_1301] in [0] : vector<16xi32>, vector<16xi32> -> vector<16xi32>
    %mul3A_1303 = arith.muli %sub3A_972, %gather3A_1302 : vector<16xi32>
    %add3A_1304 = arith.addi %mul3A_1283, %mul3A_1303 : vector<16xi32>
    %mul3A_1305 = arith.constant 2 : i32
    %mul3A_1306 = vector.broadcast %mul3A_1305 : i32 to vector<16xi32>
    %mul3A_1307 = arith.muli %mul3A_1306, %iota3A : vector<16xi32>
    %add3A_1308 = arith.constant 1 : i32
    %add3A_1309 = vector.broadcast %add3A_1308 : i32 to vector<16xi32>
    %add3A_1310 = arith.addi %mul3A_1307, %add3A_1309 : vector<16xi32>
    %min3A_1311 = arith.constant 15 : i32
    %min3A_1312 = vector.broadcast %min3A_1311 : i32 to vector<16xi32>
    %min3A_1313 = arith.minsi %add3A_1310, %min3A_1312 : vector<16xi32>
    %lt3A_1314 = arith.constant 0 : i32
    %lt3A_1315 = vector.broadcast %lt3A_1314 : i32 to vector<16xi32>
    %lt3A_1316 = arith.cmpi slt, %min3A_1313, %lt3A_1315 : vector<16xi32>
    %add3A_1317 = arith.constant 16 : i32
    %add3A_1318 = vector.broadcast %add3A_1317 : i32 to vector<16xi32>
    %add3A_1319 = arith.addi %min3A_1313, %add3A_1318 : vector<16xi32>
    %select_n3A_1320 = arith.select %lt3A_1316, %add3A_1319, %min3A_1313 : vector<16xi1>, vector<16xi32>
    %broadcast_in_dim3A_1321 = vector.shape_cast %select_n3A_1320 : vector<16xi32> to vector<16x1xi32>
    %gather3A_1322 = vector.shape_cast %broadcast_in_dim3A_1321 : vector<16x1xi32> to vector<16xi32>
    %gather3A_1323 = tpu.dynamic_gather %get3A_1263[%gather3A_1322] in [0] : vector<16xi32>, vector<16xi32> -> vector<16xi32>
    %mul3A_1324 = arith.muli %min3A_971, %gather3A_1323 : vector<16xi32>
    %sub3A_1325 = arith.constant 8 : i32
    %sub3A_1326 = vector.broadcast %sub3A_1325 : i32 to vector<16xi32>
    %sub3A_1327 = arith.subi %iota3A, %sub3A_1326 : vector<16xi32>
    %mul3A_1328 = arith.constant 2 : i32
    %mul3A_1329 = vector.broadcast %mul3A_1328 : i32 to vector<16xi32>
    %mul3A_1330 = arith.muli %mul3A_1329, %sub3A_1327 : vector<16xi32>
    %add3A_1331 = arith.constant 1 : i32
    %add3A_1332 = vector.broadcast %add3A_1331 : i32 to vector<16xi32>
    %add3A_1333 = arith.addi %mul3A_1330, %add3A_1332 : vector<16xi32>
    %max3A_1334 = arith.constant 0 : i32
    %max3A_1335 = vector.broadcast %max3A_1334 : i32 to vector<16xi32>
    %max3A_1336 = arith.maxsi %add3A_1333, %max3A_1335 : vector<16xi32>
    %lt3A_1337 = arith.constant 0 : i32
    %lt3A_1338 = vector.broadcast %lt3A_1337 : i32 to vector<16xi32>
    %lt3A_1339 = arith.cmpi slt, %max3A_1336, %lt3A_1338 : vector<16xi32>
    %add3A_1340 = arith.constant 16 : i32
    %add3A_1341 = vector.broadcast %add3A_1340 : i32 to vector<16xi32>
    %add3A_1342 = arith.addi %max3A_1336, %add3A_1341 : vector<16xi32>
    %select_n3A_1343 = arith.select %lt3A_1339, %add3A_1342, %max3A_1336 : vector<16xi1>, vector<16xi32>
    %broadcast_in_dim3A_1344 = vector.shape_cast %select_n3A_1343 : vector<16xi32> to vector<16x1xi32>
    %gather3A_1345 = vector.shape_cast %broadcast_in_dim3A_1344 : vector<16x1xi32> to vector<16xi32>
    %gather3A_1346 = tpu.dynamic_gather %get3A_1266[%gather3A_1345] in [0] : vector<16xi32>, vector<16xi32> -> vector<16xi32>
    %mul3A_1347 = arith.muli %sub3A_972, %gather3A_1346 : vector<16xi32>
    %add3A_1348 = arith.addi %mul3A_1324, %mul3A_1347 : vector<16xi32>
    %swap3A_1349 = arith.constant 48 : index
    %swap3A_1350 = tpu.vector_load %arg15[%swap3A_1349] {strides = array<i32>} : memref<64xi32, #tpu.memory_space<vmem>>, vector<16xi32>,
    %swap3A_1351 = vector.shape_cast %swap3A_1350 : vector<16xi32> to vector<16xi32>
    %swap3A_1352 = vector.shape_cast %add3A_1304 : vector<16xi32> to vector<16xi32>
    tpu.vector_store %arg15[%swap3A_1349], %swap3A_1352 {strides = array<i32>} : memref<64xi32, #tpu.memory_space<vmem>>, vector<16xi32>,
    %swap3A_1353 = arith.constant 48 : index
    %swap3A_1354 = tpu.vector_load %arg16[%swap3A_1353] {strides = array<i32>} : memref<64xi32, #tpu.memory_space<vmem>>, vector<16xi32>,
    %swap3A_1355 = vector.shape_cast %swap3A_1354 : vector<16xi32> to vector<16xi32>
    %swap3A_1356 = vector.shape_cast %add3A_1348 : vector<16xi32> to vector<16xi32>
    tpu.vector_store %arg16[%swap3A_1353], %swap3A_1356 {strides = array<i32>} : memref<64xi32, #tpu.memory_space<vmem>>, vector<16xi32>,
    %add3A_1357 = arith.constant 0 : i32
    %add3A_1358 = vector.broadcast %add3A_1357 : i32 to vector<16xi32>
    %add3A_1359 = arith.addi %iota3A, %add3A_1358 : vector<16xi32>
    %mul3A_1360 = arith.constant 256 : i32
    %mul3A_1361 = vector.broadcast %mul3A_1360 : i32 to vector<16xi32>
    %mul3A_1362 = arith.muli %add3A_1359, %mul3A_1361 : vector<16xi32>
    %scan3A_1363 = arith.constant 0 : i32
    %scan3A_1364 = arith.constant 16 : i32
    %scan3A_1365 = arith.addi %scan3A_1363, %scan3A_1364 : i32
    %scan3A_1366 = arith.constant 1 : i32
    %scan3A_1367 = scf.for %scan3A_1442 = %scan3A_1363 to %scan3A_1365 step %scan3A_1366 iter_args(%scan3A_1443 = %broadcast_in_dim3A_21) -> (vector<16xi32>)  : i32 {
      %broadcast_in_dim3A_1444 = vector.broadcast %scan3A_1442 : i32 to vector<16xi32>
      %lt3A_1445 = arith.constant 0 : i32
      %lt3A_1446 = vector.broadcast %lt3A_1445 : i32 to vector<16xi32>
      %lt3A_1447 = arith.cmpi slt, %broadcast_in_dim3A_1444, %lt3A_1446 : vector<16xi32>
      %add3A_1448 = arith.constant 16 : i32
      %add3A_1449 = vector.broadcast %add3A_1448 : i32 to vector<16xi32>
      %add3A_1450 = arith.addi %broadcast_in_dim3A_1444, %add3A_1449 : vector<16xi32>
      %select_n3A_1451 = arith.select %lt3A_1447, %add3A_1450, %broadcast_in_dim3A_1444 : vector<16xi1>, vector<16xi32>
      %broadcast_in_dim3A_1452 = vector.shape_cast %select_n3A_1451 : vector<16xi32> to vector<16x1xi32>
      %gather3A_1453 = vector.shape_cast %broadcast_in_dim3A_1452 : vector<16x1xi32> to vector<16xi32>
      %gather3A_1454 = tpu.dynamic_gather %add3A_676[%gather3A_1453] in [0] : vector<16xi32>, vector<16xi32> -> vector<16xi32>
      %sub3A_1455 = arith.subi %mul3A_1362, %gather3A_1454 : vector<16xi32>
      %add3A_1456 = arith.constant 1 : i32
      %add3A_1457 = vector.broadcast %add3A_1456 : i32 to vector<16xi32>
      %add3A_1458 = arith.addi %sub3A_1455, %add3A_1457 : vector<16xi32>
      %max3A_1459 = arith.constant 0 : i32
      %max3A_1460 = vector.broadcast %max3A_1459 : i32 to vector<16xi32>
      %max3A_1461 = arith.maxsi %add3A_1458, %max3A_1460 : vector<16xi32>
      %min3A_1462 = arith.constant 1 : i32
      %min3A_1463 = vector.broadcast %min3A_1462 : i32 to vector<16xi32>
      %min3A_1464 = arith.minsi %max3A_1461, %min3A_1463 : vector<16xi32>
      %add3A_1465 = arith.addi %scan3A_1443, %min3A_1464 : vector<16xi32>
      scf.yield %add3A_1465 : vector<16xi32>
    }
    %scan3A_1368 = arith.constant 16 : i32
    %min3A_1369 = arith.constant 15 : i32
    %min3A_1370 = vector.broadcast %min3A_1369 : i32 to vector<16xi32>
    %min3A_1371 = arith.minsi %scan3A_1367, %min3A_1370 : vector<16xi32>
    %swap3A_1372 = arith.constant 0 : index
    %swap3A_1373 = tpu.vector_load %arg14[%swap3A_1372] {strides = array<i32>} : memref<32xi32, #tpu.memory_space<vmem>>, vector<16xi32>,
    %swap3A_1374 = vector.shape_cast %swap3A_1373 : vector<16xi32> to vector<16xi32>
    %swap3A_1375 = vector.shape_cast %min3A_1371 : vector<16xi32> to vector<16xi32>
    tpu.vector_store %arg14[%swap3A_1372], %swap3A_1375 {strides = array<i32>} : memref<32xi32, #tpu.memory_space<vmem>>, vector<16xi32>,
    %add3A_1376 = arith.constant 16 : i32
    %add3A_1377 = vector.broadcast %add3A_1376 : i32 to vector<16xi32>
    %add3A_1378 = arith.addi %iota3A, %add3A_1377 : vector<16xi32>
    %mul3A_1379 = arith.constant 256 : i32
    %mul3A_1380 = vector.broadcast %mul3A_1379 : i32 to vector<16xi32>
    %mul3A_1381 = arith.muli %add3A_1378, %mul3A_1380 : vector<16xi32>
    %scan3A_1382 = arith.constant 0 : i32
    %scan3A_1383 = arith.constant 16 : i32
    %scan3A_1384 = arith.addi %scan3A_1382, %scan3A_1383 : i32
    %scan3A_1385 = arith.constant 1 : i32
    %scan3A_1386 = scf.for %scan3A_1442 = %scan3A_1382 to %scan3A_1384 step %scan3A_1385 iter_args(%scan3A_1443 = %broadcast_in_dim3A_21) -> (vector<16xi32>)  : i32 {
      %broadcast_in_dim3A_1444 = vector.broadcast %scan3A_1442 : i32 to vector<16xi32>
      %lt3A_1445 = arith.constant 0 : i32
      %lt3A_1446 = vector.broadcast %lt3A_1445 : i32 to vector<16xi32>
      %lt3A_1447 = arith.cmpi slt, %broadcast_in_dim3A_1444, %lt3A_1446 : vector<16xi32>
      %add3A_1448 = arith.constant 16 : i32
      %add3A_1449 = vector.broadcast %add3A_1448 : i32 to vector<16xi32>
      %add3A_1450 = arith.addi %broadcast_in_dim3A_1444, %add3A_1449 : vector<16xi32>
      %select_n3A_1451 = arith.select %lt3A_1447, %add3A_1450, %broadcast_in_dim3A_1444 : vector<16xi1>, vector<16xi32>
      %broadcast_in_dim3A_1452 = vector.shape_cast %select_n3A_1451 : vector<16xi32> to vector<16x1xi32>
      %gather3A_1453 = vector.shape_cast %broadcast_in_dim3A_1452 : vector<16x1xi32> to vector<16xi32>
      %gather3A_1454 = tpu.dynamic_gather %add3A_676[%gather3A_1453] in [0] : vector<16xi32>, vector<16xi32> -> vector<16xi32>
      %sub3A_1455 = arith.subi %mul3A_1381, %gather3A_1454 : vector<16xi32>
      %add3A_1456 = arith.constant 1 : i32
      %add3A_1457 = vector.broadcast %add3A_1456 : i32 to vector<16xi32>
      %add3A_1458 = arith.addi %sub3A_1455, %add3A_1457 : vector<16xi32>
      %max3A_1459 = arith.constant 0 : i32
      %max3A_1460 = vector.broadcast %max3A_1459 : i32 to vector<16xi32>
      %max3A_1461 = arith.maxsi %add3A_1458, %max3A_1460 : vector<16xi32>
      %min3A_1462 = arith.constant 1 : i32
      %min3A_1463 = vector.broadcast %min3A_1462 : i32 to vector<16xi32>
      %min3A_1464 = arith.minsi %max3A_1461, %min3A_1463 : vector<16xi32>
      %add3A_1465 = arith.addi %scan3A_1443, %min3A_1464 : vector<16xi32>
      scf.yield %add3A_1465 : vector<16xi32>
    }
    %scan3A_1387 = arith.constant 16 : i32
    %min3A_1388 = arith.constant 15 : i32
    %min3A_1389 = vector.broadcast %min3A_1388 : i32 to vector<16xi32>
    %min3A_1390 = arith.minsi %scan3A_1386, %min3A_1389 : vector<16xi32>
    %swap3A_1391 = arith.constant 16 : index
    %swap3A_1392 = tpu.vector_load %arg14[%swap3A_1391] {strides = array<i32>} : memref<32xi32, #tpu.memory_space<vmem>>, vector<16xi32>,
    %swap3A_1393 = vector.shape_cast %swap3A_1392 : vector<16xi32> to vector<16xi32>
    %swap3A_1394 = vector.shape_cast %min3A_1390 : vector<16xi32> to vector<16xi32>
    tpu.vector_store %arg14[%swap3A_1391], %swap3A_1394 {strides = array<i32>} : memref<32xi32, #tpu.memory_space<vmem>>, vector<16xi32>,
    %dma_start3A_1395 = arith.constant 1 : i32
    %dma_start3A_1396 = tpu.memref_slice %arg24[%dma_start3A_1395] : memref<5x!tpu.dma_semaphore, #tpu.memory_space<semaphore_mem>> -> memref<1x!tpu.dma_semaphore, #tpu.memory_space<semaphore_mem>>
    %dma_start3A_1397 = tpu.memref_squeeze %dma_start3A_1396 : memref<1x!tpu.dma_semaphore, #tpu.memory_space<semaphore_mem>> -> memref<!tpu.dma_semaphore, #tpu.memory_space<semaphore_mem>>
    tpu.enqueue_dma source(%arg14 : memref<32xi32, #tpu.memory_space<vmem>>) target(%arg10 : memref<32xi32, #tpu.memory_space<hbm>>) target_semaphore(%dma_start3A_1397 : memref<!tpu.dma_semaphore, #tpu.memory_space<semaphore_mem>>)
    %dma_wait3A = arith.constant 2 : i32
    %dma_wait3A_1398 = tpu.memref_slice %arg5[%mul3A_2] : memref<2048xf32, #tpu.memory_space<hbm>> -> memref<64xf32, #tpu.memory_space<hbm>>
    %dma_wait3A_1399 = tpu.memref_slice %arg24[%dma_wait3A] : memref<5x!tpu.dma_semaphore, #tpu.memory_space<semaphore_mem>> -> memref<1x!tpu.dma_semaphore, #tpu.memory_space<semaphore_mem>>
    %dma_wait3A_1400 = tpu.memref_squeeze %dma_wait3A_1399 : memref<1x!tpu.dma_semaphore, #tpu.memory_space<semaphore_mem>> -> memref<!tpu.dma_semaphore, #tpu.memory_space<semaphore_mem>>
    %dma_wait3A_1401 = tpu.memref_slice %arg5[%mul3A_2] : memref<2048xf32, #tpu.memory_space<hbm>> -> memref<64xf32, #tpu.memory_space<hbm>>
    tpu.wait_dma2 semaphore(%dma_wait3A_1400 : memref<!tpu.dma_semaphore, #tpu.memory_space<semaphore_mem>>) src(%dma_wait3A_1401 : memref<64xf32, #tpu.memory_space<hbm>>) dst(%arg17 : memref<64xf32, #tpu.memory_space<vmem>>)
    %dma_wait3A_1402 = arith.constant 3 : i32
    %dma_wait3A_1403 = tpu.memref_slice %arg6[%mul3A_2] : memref<2048xf32, #tpu.memory_space<hbm>> -> memref<64xf32, #tpu.memory_space<hbm>>
    %dma_wait3A_1404 = tpu.memref_slice %arg24[%dma_wait3A_1402] : memref<5x!tpu.dma_semaphore, #tpu.memory_space<semaphore_mem>> -> memref<1x!tpu.dma_semaphore, #tpu.memory_space<semaphore_mem>>
    %dma_wait3A_1405 = tpu.memref_squeeze %dma_wait3A_1404 : memref<1x!tpu.dma_semaphore, #tpu.memory_space<semaphore_mem>> -> memref<!tpu.dma_semaphore, #tpu.memory_space<semaphore_mem>>
    %dma_wait3A_1406 = tpu.memref_slice %arg6[%mul3A_2] : memref<2048xf32, #tpu.memory_space<hbm>> -> memref<64xf32, #tpu.memory_space<hbm>>
    tpu.wait_dma2 semaphore(%dma_wait3A_1405 : memref<!tpu.dma_semaphore, #tpu.memory_space<semaphore_mem>>) src(%dma_wait3A_1406 : memref<64xf32, #tpu.memory_space<hbm>>) dst(%arg18 : memref<64xf32, #tpu.memory_space<vmem>>)
    %dma_wait3A_1407 = arith.constant 4 : i32
    %dma_wait3A_1408 = arith.constant 0 : i32
    %dma_wait3A_1409 = tpu.memref_slice %arg2[%mul3A_2, %dma_wait3A_1408] : memref<2048x1024xf32, #tpu.memory_space<hbm>> -> memref<64x1024xf32, #tpu.memory_space<hbm>>
    %dma_wait3A_1410 = tpu.memref_slice %arg24[%dma_wait3A_1407] : memref<5x!tpu.dma_semaphore, #tpu.memory_space<semaphore_mem>> -> memref<1x!tpu.dma_semaphore, #tpu.memory_space<semaphore_mem>>
    %dma_wait3A_1411 = tpu.memref_squeeze %dma_wait3A_1410 : memref<1x!tpu.dma_semaphore, #tpu.memory_space<semaphore_mem>> -> memref<!tpu.dma_semaphore, #tpu.memory_space<semaphore_mem>>
    %dma_wait3A_1412 = arith.constant 0 : i32
    %dma_wait3A_1413 = tpu.memref_slice %arg2[%mul3A_2, %dma_wait3A_1412] : memref<2048x1024xf32, #tpu.memory_space<hbm>> -> memref<64x1024xf32, #tpu.memory_space<hbm>>
    tpu.wait_dma2 semaphore(%dma_wait3A_1411 : memref<!tpu.dma_semaphore, #tpu.memory_space<semaphore_mem>>) src(%dma_wait3A_1413 : memref<64x1024xf32, #tpu.memory_space<hbm>>) dst(%arg19 : memref<64x1024xf32, #tpu.memory_space<vmem>>)
    %dma_start3A_1414 = arith.constant 0 : i32
    %dma_start3A_1415 = arith.constant 0 : i32
    %dma_start3A_1416 = tpu.memref_slice %arg7[%dma_start3A_1414, %dma_start3A_1415] : memref<8192x1024xf32, #tpu.memory_space<hbm>> -> memref<8192x1024xf32, #tpu.memory_space<hbm>>
    tpu.enqueue_indirect_dma source(%arg19 : memref<64x1024xf32, #tpu.memory_space<vmem>>) target(%dma_start3A_1416 : memref<8192x1024xf32, #tpu.memory_space<hbm>>) offsets(%arg15 : memref<64xi32, #tpu.memory_space<vmem>>) semaphore(%arg20 : memref<!tpu.dma_semaphore, #tpu.memory_space<semaphore_mem>>)
    %dma_start3A_1417 = arith.constant 0 : i32
    %dma_start3A_1418 = arith.constant 0 : i32
    %dma_start3A_1419 = tpu.memref_slice %arg7[%dma_start3A_1417, %dma_start3A_1418] : memref<8192x1024xf32, #tpu.memory_space<hbm>> -> memref<8192x1024xf32, #tpu.memory_space<hbm>>
    tpu.enqueue_indirect_dma source(%arg19 : memref<64x1024xf32, #tpu.memory_space<vmem>>) target(%dma_start3A_1419 : memref<8192x1024xf32, #tpu.memory_space<hbm>>) offsets(%arg16 : memref<64xi32, #tpu.memory_space<vmem>>) semaphore(%arg21 : memref<!tpu.dma_semaphore, #tpu.memory_space<semaphore_mem>>)
    %dma_start3A_1420 = arith.constant 0 : i32
    %dma_start3A_1421 = tpu.memref_slice %arg8[%dma_start3A_1420] : memref<8192xf32, #tpu.memory_space<hbm>> -> memref<8192xf32, #tpu.memory_space<hbm>>
    tpu.enqueue_indirect_dma source(%arg17 : memref<64xf32, #tpu.memory_space<vmem>>) target(%dma_start3A_1421 : memref<8192xf32, #tpu.memory_space<hbm>>) offsets(%arg15 : memref<64xi32, #tpu.memory_space<vmem>>) semaphore(%arg22 : memref<!tpu.dma_semaphore, #tpu.memory_space<semaphore_mem>>)
    %dma_start3A_1422 = arith.constant 0 : i32
    %dma_start3A_1423 = tpu.memref_slice %arg8[%dma_start3A_1422] : memref<8192xf32, #tpu.memory_space<hbm>> -> memref<8192xf32, #tpu.memory_space<hbm>>
    tpu.enqueue_indirect_dma source(%arg18 : memref<64xf32, #tpu.memory_space<vmem>>) target(%dma_start3A_1423 : memref<8192xf32, #tpu.memory_space<hbm>>) offsets(%arg16 : memref<64xi32, #tpu.memory_space<vmem>>) semaphore(%arg23 : memref<!tpu.dma_semaphore, #tpu.memory_space<semaphore_mem>>)
    %dma_wait3A_1424 = arith.constant 0 : i32
    %dma_wait3A_1425 = arith.constant 0 : i32
    %dma_wait3A_1426 = tpu.memref_slice %arg7[%dma_wait3A_1424, %dma_wait3A_1425] : memref<8192x1024xf32, #tpu.memory_space<hbm>> -> memref<8192x1024xf32, #tpu.memory_space<hbm>>
    tpu.wait_indirect_dma semaphore(%arg20 : memref<!tpu.dma_semaphore, #tpu.memory_space<semaphore_mem>>) src(%arg19 : memref<64x1024xf32, #tpu.memory_space<vmem>>) dst(%dma_wait3A_1426 : memref<8192x1024xf32, #tpu.memory_space<hbm>>)
    %dma_wait3A_1427 = arith.constant 0 : i32
    %dma_wait3A_1428 = arith.constant 0 : i32
    %dma_wait3A_1429 = tpu.memref_slice %arg7[%dma_wait3A_1427, %dma_wait3A_1428] : memref<8192x1024xf32, #tpu.memory_space<hbm>> -> memref<8192x1024xf32, #tpu.memory_space<hbm>>
    tpu.wait_indirect_dma semaphore(%arg21 : memref<!tpu.dma_semaphore, #tpu.memory_space<semaphore_mem>>) src(%arg19 : memref<64x1024xf32, #tpu.memory_space<vmem>>) dst(%dma_wait3A_1429 : memref<8192x1024xf32, #tpu.memory_space<hbm>>)
    %dma_wait3A_1430 = arith.constant 0 : i32
    %dma_wait3A_1431 = tpu.memref_slice %arg8[%dma_wait3A_1430] : memref<8192xf32, #tpu.memory_space<hbm>> -> memref<8192xf32, #tpu.memory_space<hbm>>
    tpu.wait_indirect_dma semaphore(%arg22 : memref<!tpu.dma_semaphore, #tpu.memory_space<semaphore_mem>>) src(%arg17 : memref<64xf32, #tpu.memory_space<vmem>>) dst(%dma_wait3A_1431 : memref<8192xf32, #tpu.memory_space<hbm>>)
    %dma_wait3A_1432 = arith.constant 0 : i32
    %dma_wait3A_1433 = tpu.memref_slice %arg8[%dma_wait3A_1432] : memref<8192xf32, #tpu.memory_space<hbm>> -> memref<8192xf32, #tpu.memory_space<hbm>>
    tpu.wait_indirect_dma semaphore(%arg23 : memref<!tpu.dma_semaphore, #tpu.memory_space<semaphore_mem>>) src(%arg18 : memref<64xf32, #tpu.memory_space<vmem>>) dst(%dma_wait3A_1433 : memref<8192xf32, #tpu.memory_space<hbm>>)
    %dma_wait3A_1434 = arith.constant 0 : i32
    %dma_wait3A_1435 = tpu.memref_slice %arg9[%mul3A_957] : memref<4096xi32, #tpu.memory_space<hbm>> -> memref<128xi32, #tpu.memory_space<hbm>>
    %dma_wait3A_1436 = tpu.memref_slice %arg24[%dma_wait3A_1434] : memref<5x!tpu.dma_semaphore, #tpu.memory_space<semaphore_mem>> -> memref<1x!tpu.dma_semaphore, #tpu.memory_space<semaphore_mem>>
    %dma_wait3A_1437 = tpu.memref_squeeze %dma_wait3A_1436 : memref<1x!tpu.dma_semaphore, #tpu.memory_space<semaphore_mem>> -> memref<!tpu.dma_semaphore, #tpu.memory_space<semaphore_mem>>
    %dma_wait3A_1438 = tpu.memref_slice %arg9[%mul3A_957] : memref<4096xi32, #tpu.memory_space<hbm>> -> memref<128xi32, #tpu.memory_space<hbm>>
    tpu.wait_dma2 semaphore(%dma_wait3A_1437 : memref<!tpu.dma_semaphore, #tpu.memory_space<semaphore_mem>>) src(%arg13 : memref<128xi32, #tpu.memory_space<vmem>>) dst(%dma_wait3A_1438 : memref<128xi32, #tpu.memory_space<hbm>>)
    %dma_wait3A_1439 = arith.constant 1 : i32
    %dma_wait3A_1440 = tpu.memref_slice %arg24[%dma_wait3A_1439] : memref<5x!tpu.dma_semaphore, #tpu.memory_space<semaphore_mem>> -> memref<1x!tpu.dma_semaphore, #tpu.memory_space<semaphore_mem>>
    %dma_wait3A_1441 = tpu.memref_squeeze %dma_wait3A_1440 : memref<1x!tpu.dma_semaphore, #tpu.memory_space<semaphore_mem>> -> memref<!tpu.dma_semaphore, #tpu.memory_space<semaphore_mem>>
    tpu.wait_dma2 semaphore(%dma_wait3A_1441 : memref<!tpu.dma_semaphore, #tpu.memory_space<semaphore_mem>>) src(%arg14 : memref<32xi32, #tpu.memory_space<vmem>>) dst(%arg10 : memref<32xi32, #tpu.memory_space<hbm>>)
    return
  }
}

#map = affine_map<(d0, d1) -> (0)>
#map1 = affine_map<(d0, d1) -> (0, 0)>
module attributes {stable_mosaic.version = 14 : i64} {
  func.func @k(%arg0: i32, %arg1: i32, %arg2: memref<4096xi32, #tpu.memory_space<hbm>>, %arg3: memref<32x16xi32, #tpu.memory_space<hbm>>, %arg4: memref<128xi32, #tpu.memory_space<vmem>>, %arg5: memref<16xi32, #tpu.memory_space<vmem>>) attributes {dimension_semantics = [#tpu.dimension_semantics<core_parallel>, #tpu.dimension_semantics<subcore_parallel>], iteration_bounds = array<i64: 2, 16>, scalar_prefetch = 0 : i64, scratch_operands = 2 : i64, tpu.core_type = #tpu.core_type<sc_vector_subcore>, window_params = [{transform_indices = #map}, {transform_indices = #map1}]} {
    %mul3A = arith.constant 2 : i32
    %mul3A_0 = arith.muli %arg1, %mul3A : i32
    %add3A = arith.addi %mul3A_0, %arg0 : i32
    %mul3A_1 = arith.constant 128 : i32
    %mul3A_2 = arith.muli %mul3A_1, %add3A : i32
    "tpu.region"() ({
      %run_scoped3A = tpu.sem_alloc : memref<!tpu.dma_semaphore, #tpu.memory_space<semaphore_mem>>
      %dma_start3A = tpu.memref_slice %arg2[%mul3A_2] : memref<4096xi32, #tpu.memory_space<hbm>> -> memref<128xi32, #tpu.memory_space<hbm>>
      %dma_start3A_37 = tpu.memref_slice %arg2[%mul3A_2] : memref<4096xi32, #tpu.memory_space<hbm>> -> memref<128xi32, #tpu.memory_space<hbm>>
      tpu.enqueue_dma source(%dma_start3A_37 : memref<128xi32, #tpu.memory_space<hbm>>) target(%arg4 : memref<128xi32, #tpu.memory_space<vmem>>) target_semaphore(%run_scoped3A : memref<!tpu.dma_semaphore, #tpu.memory_space<semaphore_mem>>)
      %dma_wait3A = tpu.memref_slice %arg2[%mul3A_2] : memref<4096xi32, #tpu.memory_space<hbm>> -> memref<128xi32, #tpu.memory_space<hbm>>
      %dma_wait3A_38 = tpu.memref_slice %arg2[%mul3A_2] : memref<4096xi32, #tpu.memory_space<hbm>> -> memref<128xi32, #tpu.memory_space<hbm>>
      tpu.wait_dma2 semaphore(%run_scoped3A : memref<!tpu.dma_semaphore, #tpu.memory_space<semaphore_mem>>) src(%dma_wait3A_38 : memref<128xi32, #tpu.memory_space<hbm>>) dst(%arg4 : memref<128xi32, #tpu.memory_space<vmem>>)
      tpu.yield
    }) : () -> ()
    %iota3A = tpu.iota {dimensions = array<i32: 0>} : vector<16xi32>
    %broadcast_in_dim3A = arith.constant 0 : i32
    %broadcast_in_dim3A_3 = vector.broadcast %broadcast_in_dim3A : i32 to vector<16xi32>
    %broadcast_in_dim3A_4 = arith.constant 1 : i32
    %broadcast_in_dim3A_5 = vector.broadcast %broadcast_in_dim3A_4 : i32 to vector<16xi32>
    %get3A = arith.constant 0 : index
    %get3A_6 = tpu.vector_load %arg4[%get3A] {strides = array<i32>} : memref<128xi32, #tpu.memory_space<vmem>>, vector<16xi32>,
    %get3A_7 = vector.shape_cast %get3A_6 : vector<16xi32> to vector<16xi32>
    %get3A_8 = arith.constant 16 : index
    %get3A_9 = tpu.vector_load %arg4[%get3A_8] {strides = array<i32>} : memref<128xi32, #tpu.memory_space<vmem>>, vector<16xi32>,
    %get3A_10 = vector.shape_cast %get3A_9 : vector<16xi32> to vector<16xi32>
    %get3A_11 = arith.constant 32 : index
    %get3A_12 = tpu.vector_load %arg4[%get3A_11] {strides = array<i32>} : memref<128xi32, #tpu.memory_space<vmem>>, vector<16xi32>,
    %get3A_13 = vector.shape_cast %get3A_12 : vector<16xi32> to vector<16xi32>
    %get3A_14 = arith.constant 48 : index
    %get3A_15 = tpu.vector_load %arg4[%get3A_14] {strides = array<i32>} : memref<128xi32, #tpu.memory_space<vmem>>, vector<16xi32>,
    %get3A_16 = vector.shape_cast %get3A_15 : vector<16xi32> to vector<16xi32>
    %get3A_17 = arith.constant 64 : index
    %get3A_18 = tpu.vector_load %arg4[%get3A_17] {strides = array<i32>} : memref<128xi32, #tpu.memory_space<vmem>>, vector<16xi32>,
    %get3A_19 = vector.shape_cast %get3A_18 : vector<16xi32> to vector<16xi32>
    %get3A_20 = arith.constant 80 : index
    %get3A_21 = tpu.vector_load %arg4[%get3A_20] {strides = array<i32>} : memref<128xi32, #tpu.memory_space<vmem>>, vector<16xi32>,
    %get3A_22 = vector.shape_cast %get3A_21 : vector<16xi32> to vector<16xi32>
    %get3A_23 = arith.constant 96 : index
    %get3A_24 = tpu.vector_load %arg4[%get3A_23] {strides = array<i32>} : memref<128xi32, #tpu.memory_space<vmem>>, vector<16xi32>,
    %get3A_25 = vector.shape_cast %get3A_24 : vector<16xi32> to vector<16xi32>
    %get3A_26 = arith.constant 112 : index
    %get3A_27 = tpu.vector_load %arg4[%get3A_26] {strides = array<i32>} : memref<128xi32, #tpu.memory_space<vmem>>, vector<16xi32>,
    %get3A_28 = vector.shape_cast %get3A_27 : vector<16xi32> to vector<16xi32>
    %scan3A = arith.constant 0 : i32
    %scan3A_29 = arith.constant 16 : i32
    %scan3A_30 = arith.addi %scan3A, %scan3A_29 : i32
    %scan3A_31 = arith.constant 1 : i32
    %scan3A_32 = scf.for %scan3A_37 = %scan3A to %scan3A_30 step %scan3A_31 iter_args(%scan3A_38 = %broadcast_in_dim3A_3) -> (vector<16xi32>)  : i32 {
      %add3A_39 = arith.addi %broadcast_in_dim3A_3, %broadcast_in_dim3A_5 : vector<16xi32>
      %sub3A = vector.broadcast %scan3A_37 : i32 to vector<16xi32>
      %sub3A_40 = arith.subi %get3A_7, %sub3A : vector<16xi32>
      %abs3A = math.absi %sub3A_40 : vector<16xi32>
      %min3A = arith.constant 1 : i32
      %min3A_41 = vector.broadcast %min3A : i32 to vector<16xi32>
      %min3A_42 = arith.minsi %abs3A, %min3A_41 : vector<16xi32>
      %sub3A_43 = arith.subi %add3A_39, %min3A_42 : vector<16xi32>
      %add3A_44 = arith.addi %sub3A_43, %broadcast_in_dim3A_5 : vector<16xi32>
      %sub3A_45 = vector.broadcast %scan3A_37 : i32 to vector<16xi32>
      %sub3A_46 = arith.subi %get3A_10, %sub3A_45 : vector<16xi32>
      %abs3A_47 = math.absi %sub3A_46 : vector<16xi32>
      %min3A_48 = arith.constant 1 : i32
      %min3A_49 = vector.broadcast %min3A_48 : i32 to vector<16xi32>
      %min3A_50 = arith.minsi %abs3A_47, %min3A_49 : vector<16xi32>
      %sub3A_51 = arith.subi %add3A_44, %min3A_50 : vector<16xi32>
      %add3A_52 = arith.addi %sub3A_51, %broadcast_in_dim3A_5 : vector<16xi32>
      %sub3A_53 = vector.broadcast %scan3A_37 : i32 to vector<16xi32>
      %sub3A_54 = arith.subi %get3A_13, %sub3A_53 : vector<16xi32>
      %abs3A_55 = math.absi %sub3A_54 : vector<16xi32>
      %min3A_56 = arith.constant 1 : i32
      %min3A_57 = vector.broadcast %min3A_56 : i32 to vector<16xi32>
      %min3A_58 = arith.minsi %abs3A_55, %min3A_57 : vector<16xi32>
      %sub3A_59 = arith.subi %add3A_52, %min3A_58 : vector<16xi32>
      %add3A_60 = arith.addi %sub3A_59, %broadcast_in_dim3A_5 : vector<16xi32>
      %sub3A_61 = vector.broadcast %scan3A_37 : i32 to vector<16xi32>
      %sub3A_62 = arith.subi %get3A_16, %sub3A_61 : vector<16xi32>
      %abs3A_63 = math.absi %sub3A_62 : vector<16xi32>
      %min3A_64 = arith.constant 1 : i32
      %min3A_65 = vector.broadcast %min3A_64 : i32 to vector<16xi32>
      %min3A_66 = arith.minsi %abs3A_63, %min3A_65 : vector<16xi32>
      %sub3A_67 = arith.subi %add3A_60, %min3A_66 : vector<16xi32>
      %add3A_68 = arith.addi %sub3A_67, %broadcast_in_dim3A_5 : vector<16xi32>
      %sub3A_69 = vector.broadcast %scan3A_37 : i32 to vector<16xi32>
      %sub3A_70 = arith.subi %get3A_19, %sub3A_69 : vector<16xi32>
      %abs3A_71 = math.absi %sub3A_70 : vector<16xi32>
      %min3A_72 = arith.constant 1 : i32
      %min3A_73 = vector.broadcast %min3A_72 : i32 to vector<16xi32>
      %min3A_74 = arith.minsi %abs3A_71, %min3A_73 : vector<16xi32>
      %sub3A_75 = arith.subi %add3A_68, %min3A_74 : vector<16xi32>
      %add3A_76 = arith.addi %sub3A_75, %broadcast_in_dim3A_5 : vector<16xi32>
      %sub3A_77 = vector.broadcast %scan3A_37 : i32 to vector<16xi32>
      %sub3A_78 = arith.subi %get3A_22, %sub3A_77 : vector<16xi32>
      %abs3A_79 = math.absi %sub3A_78 : vector<16xi32>
      %min3A_80 = arith.constant 1 : i32
      %min3A_81 = vector.broadcast %min3A_80 : i32 to vector<16xi32>
      %min3A_82 = arith.minsi %abs3A_79, %min3A_81 : vector<16xi32>
      %sub3A_83 = arith.subi %add3A_76, %min3A_82 : vector<16xi32>
      %add3A_84 = arith.addi %sub3A_83, %broadcast_in_dim3A_5 : vector<16xi32>
      %sub3A_85 = vector.broadcast %scan3A_37 : i32 to vector<16xi32>
      %sub3A_86 = arith.subi %get3A_25, %sub3A_85 : vector<16xi32>
      %abs3A_87 = math.absi %sub3A_86 : vector<16xi32>
      %min3A_88 = arith.constant 1 : i32
      %min3A_89 = vector.broadcast %min3A_88 : i32 to vector<16xi32>
      %min3A_90 = arith.minsi %abs3A_87, %min3A_89 : vector<16xi32>
      %sub3A_91 = arith.subi %add3A_84, %min3A_90 : vector<16xi32>
      %add3A_92 = arith.addi %sub3A_91, %broadcast_in_dim3A_5 : vector<16xi32>
      %sub3A_93 = vector.broadcast %scan3A_37 : i32 to vector<16xi32>
      %sub3A_94 = arith.subi %get3A_28, %sub3A_93 : vector<16xi32>
      %abs3A_95 = math.absi %sub3A_94 : vector<16xi32>
      %min3A_96 = arith.constant 1 : i32
      %min3A_97 = vector.broadcast %min3A_96 : i32 to vector<16xi32>
      %min3A_98 = arith.minsi %abs3A_95, %min3A_97 : vector<16xi32>
      %sub3A_99 = arith.subi %add3A_92, %min3A_98 : vector<16xi32>
      %sub3A_100 = vector.broadcast %scan3A_37 : i32 to vector<16xi32>
      %sub3A_101 = arith.subi %iota3A, %sub3A_100 : vector<16xi32>
      %abs3A_102 = math.absi %sub3A_101 : vector<16xi32>
      %min3A_103 = arith.constant 1 : i32
      %min3A_104 = vector.broadcast %min3A_103 : i32 to vector<16xi32>
      %min3A_105 = arith.minsi %abs3A_102, %min3A_104 : vector<16xi32>
      %sub3A_106 = arith.subi %broadcast_in_dim3A_5, %min3A_105 : vector<16xi32>
      %add3A_107 = arith.constant 8 : i32
      %add3A_108 = vector.broadcast %add3A_107 : i32 to vector<16xi32>
      %add3A_109 = arith.addi %iota3A, %add3A_108 : vector<16xi32>
      %and3A = arith.constant 15 : i32
      %and3A_110 = vector.broadcast %and3A : i32 to vector<16xi32>
      %and3A_111 = arith.andi %add3A_109, %and3A_110 : vector<16xi32>
      %lt3A = arith.constant 0 : i32
      %lt3A_112 = vector.broadcast %lt3A : i32 to vector<16xi32>
      %lt3A_113 = arith.cmpi slt, %and3A_111, %lt3A_112 : vector<16xi32>
      %add3A_114 = arith.constant 16 : i32
      %add3A_115 = vector.broadcast %add3A_114 : i32 to vector<16xi32>
      %add3A_116 = arith.addi %and3A_111, %add3A_115 : vector<16xi32>
      %select_n3A = arith.select %lt3A_113, %add3A_116, %and3A_111 : vector<16xi1>, vector<16xi32>
      %broadcast_in_dim3A_117 = vector.shape_cast %select_n3A : vector<16xi32> to vector<16x1xi32>
      %gather3A = vector.shape_cast %broadcast_in_dim3A_117 : vector<16x1xi32> to vector<16xi32>
      %gather3A_118 = tpu.dynamic_gather %sub3A_99[%gather3A] in [0] : vector<16xi32>, vector<16xi32> -> vector<16xi32>
      %add3A_119 = arith.addi %sub3A_99, %gather3A_118 : vector<16xi32>
      %add3A_120 = arith.constant 4 : i32
      %add3A_121 = vector.broadcast %add3A_120 : i32 to vector<16xi32>
      %add3A_122 = arith.addi %iota3A, %add3A_121 : vector<16xi32>
      %and3A_123 = arith.constant 15 : i32
      %and3A_124 = vector.broadcast %and3A_123 : i32 to vector<16xi32>
      %and3A_125 = arith.andi %add3A_122, %and3A_124 : vector<16xi32>
      %lt3A_126 = arith.constant 0 : i32
      %lt3A_127 = vector.broadcast %lt3A_126 : i32 to vector<16xi32>
      %lt3A_128 = arith.cmpi slt, %and3A_125, %lt3A_127 : vector<16xi32>
      %add3A_129 = arith.constant 16 : i32
      %add3A_130 = vector.broadcast %add3A_129 : i32 to vector<16xi32>
      %add3A_131 = arith.addi %and3A_125, %add3A_130 : vector<16xi32>
      %select_n3A_132 = arith.select %lt3A_128, %add3A_131, %and3A_125 : vector<16xi1>, vector<16xi32>
      %broadcast_in_dim3A_133 = vector.shape_cast %select_n3A_132 : vector<16xi32> to vector<16x1xi32>
      %gather3A_134 = vector.shape_cast %broadcast_in_dim3A_133 : vector<16x1xi32> to vector<16xi32>
      %gather3A_135 = tpu.dynamic_gather %add3A_119[%gather3A_134] in [0] : vector<16xi32>, vector<16xi32> -> vector<16xi32>
      %add3A_136 = arith.addi %add3A_119, %gather3A_135 : vector<16xi32>
      %add3A_137 = arith.constant 2 : i32
      %add3A_138 = vector.broadcast %add3A_137 : i32 to vector<16xi32>
      %add3A_139 = arith.addi %iota3A, %add3A_138 : vector<16xi32>
      %and3A_140 = arith.constant 15 : i32
      %and3A_141 = vector.broadcast %and3A_140 : i32 to vector<16xi32>
      %and3A_142 = arith.andi %add3A_139, %and3A_141 : vector<16xi32>
      %lt3A_143 = arith.constant 0 : i32
      %lt3A_144 = vector.broadcast %lt3A_143 : i32 to vector<16xi32>
      %lt3A_145 = arith.cmpi slt, %and3A_142, %lt3A_144 : vector<16xi32>
      %add3A_146 = arith.constant 16 : i32
      %add3A_147 = vector.broadcast %add3A_146 : i32 to vector<16xi32>
      %add3A_148 = arith.addi %and3A_142, %add3A_147 : vector<16xi32>
      %select_n3A_149 = arith.select %lt3A_145, %add3A_148, %and3A_142 : vector<16xi1>, vector<16xi32>
      %broadcast_in_dim3A_150 = vector.shape_cast %select_n3A_149 : vector<16xi32> to vector<16x1xi32>
      %gather3A_151 = vector.shape_cast %broadcast_in_dim3A_150 : vector<16x1xi32> to vector<16xi32>
      %gather3A_152 = tpu.dynamic_gather %add3A_136[%gather3A_151] in [0] : vector<16xi32>, vector<16xi32> -> vector<16xi32>
      %add3A_153 = arith.addi %add3A_136, %gather3A_152 : vector<16xi32>
      %add3A_154 = arith.constant 1 : i32
      %add3A_155 = vector.broadcast %add3A_154 : i32 to vector<16xi32>
      %add3A_156 = arith.addi %iota3A, %add3A_155 : vector<16xi32>
      %and3A_157 = arith.constant 15 : i32
      %and3A_158 = vector.broadcast %and3A_157 : i32 to vector<16xi32>
      %and3A_159 = arith.andi %add3A_156, %and3A_158 : vector<16xi32>
      %lt3A_160 = arith.constant 0 : i32
      %lt3A_161 = vector.broadcast %lt3A_160 : i32 to vector<16xi32>
      %lt3A_162 = arith.cmpi slt, %and3A_159, %lt3A_161 : vector<16xi32>
      %add3A_163 = arith.constant 16 : i32
      %add3A_164 = vector.broadcast %add3A_163 : i32 to vector<16xi32>
      %add3A_165 = arith.addi %and3A_159, %add3A_164 : vector<16xi32>
      %select_n3A_166 = arith.select %lt3A_162, %add3A_165, %and3A_159 : vector<16xi1>, vector<16xi32>
      %broadcast_in_dim3A_167 = vector.shape_cast %select_n3A_166 : vector<16xi32> to vector<16x1xi32>
      %gather3A_168 = vector.shape_cast %broadcast_in_dim3A_167 : vector<16x1xi32> to vector<16xi32>
      %gather3A_169 = tpu.dynamic_gather %add3A_153[%gather3A_168] in [0] : vector<16xi32>, vector<16xi32> -> vector<16xi32>
      %add3A_170 = arith.addi %add3A_153, %gather3A_169 : vector<16xi32>
      %mul3A_171 = arith.muli %sub3A_106, %add3A_170 : vector<16xi32>
      %add3A_172 = arith.addi %scan3A_38, %mul3A_171 : vector<16xi32>
      scf.yield %add3A_172 : vector<16xi32>
    }
    %scan3A_33 = arith.constant 16 : i32
    %swap3A = arith.constant 0 : index
    %swap3A_34 = tpu.vector_load %arg5[%swap3A] {strides = array<i32>} : memref<16xi32, #tpu.memory_space<vmem>>, vector<16xi32>,
    %swap3A_35 = vector.shape_cast %swap3A_34 : vector<16xi32> to vector<16xi32>
    %swap3A_36 = vector.shape_cast %scan3A_32 : vector<16xi32> to vector<16xi32>
    tpu.vector_store %arg5[%swap3A], %swap3A_36 {strides = array<i32>} : memref<16xi32, #tpu.memory_space<vmem>>, vector<16xi32>,
    "tpu.region"() ({
      %run_scoped3A = tpu.sem_alloc : memref<!tpu.dma_semaphore, #tpu.memory_space<semaphore_mem>>
      %dma_start3A = arith.constant 0 : i32
      %dma_start3A_37 = tpu.memref_slice %arg3[%add3A, %dma_start3A] : memref<32x16xi32, #tpu.memory_space<hbm>> -> memref<1x16xi32, #tpu.memory_space<hbm>>
      %dma_start3A_38 = tpu.memref_squeeze %dma_start3A_37 : memref<1x16xi32, #tpu.memory_space<hbm>> -> memref<16xi32, #tpu.memory_space<hbm>>
      %dma_start3A_39 = arith.constant 0 : i32
      %dma_start3A_40 = tpu.memref_slice %arg3[%add3A, %dma_start3A_39] : memref<32x16xi32, #tpu.memory_space<hbm>> -> memref<1x16xi32, #tpu.memory_space<hbm>>
      %dma_start3A_41 = tpu.memref_squeeze %dma_start3A_40 : memref<1x16xi32, #tpu.memory_space<hbm>> -> memref<16xi32, #tpu.memory_space<hbm>>
      tpu.enqueue_dma source(%arg5 : memref<16xi32, #tpu.memory_space<vmem>>) target(%dma_start3A_41 : memref<16xi32, #tpu.memory_space<hbm>>) target_semaphore(%run_scoped3A : memref<!tpu.dma_semaphore, #tpu.memory_space<semaphore_mem>>)
      %dma_wait3A = arith.constant 0 : i32
      %dma_wait3A_42 = tpu.memref_slice %arg3[%add3A, %dma_wait3A] : memref<32x16xi32, #tpu.memory_space<hbm>> -> memref<1x16xi32, #tpu.memory_space<hbm>>
      %dma_wait3A_43 = tpu.memref_squeeze %dma_wait3A_42 : memref<1x16xi32, #tpu.memory_space<hbm>> -> memref<16xi32, #tpu.memory_space<hbm>>
      %dma_wait3A_44 = arith.constant 0 : i32
      %dma_wait3A_45 = tpu.memref_slice %arg3[%add3A, %dma_wait3A_44] : memref<32x16xi32, #tpu.memory_space<hbm>> -> memref<1x16xi32, #tpu.memory_space<hbm>>
      %dma_wait3A_46 = tpu.memref_squeeze %dma_wait3A_45 : memref<1x16xi32, #tpu.memory_space<hbm>> -> memref<16xi32, #tpu.memory_space<hbm>>
      tpu.wait_dma2 semaphore(%run_scoped3A : memref<!tpu.dma_semaphore, #tpu.memory_space<semaphore_mem>>) src(%arg5 : memref<16xi32, #tpu.memory_space<vmem>>) dst(%dma_wait3A_46 : memref<16xi32, #tpu.memory_space<hbm>>)
      tpu.yield
    }) : () -> ()
    return
  }
}

module attributes {stable_mosaic.version = 14 : i64} {
  func.func @body(%arg0: i32, %arg1: memref<32xi32, #tpu.memory_space<smem>>, %arg2: memref<256x1024xf32, #tpu.memory_space<vmem>>, %arg3: memref<1x1024x1024xf32, #tpu.memory_space<vmem>>, %arg4: memref<1x512x1024xf32, #tpu.memory_space<vmem>>, %arg5: memref<256x1xf32, #tpu.memory_space<vmem>>, %arg6: memref<256x1024xf32, #tpu.memory_space<vmem>>) attributes {dimension_semantics = [#tpu.dimension_semantics<arbitrary>], iteration_bounds = array<i64: 32>, scalar_prefetch = 1 : i64, scratch_operands = 0 : i64, tpu.core_type = #tpu.core_type<tc>, window_params = [{transform_indices = @transform_0, window_bounds = array<i64: 256, 1024>}, {transform_indices = @transform_1, window_bounds = array<i64: 1, 1024, 1024>}, {transform_indices = @transform_2, window_bounds = array<i64: 1, 512, 1024>}, {transform_indices = @transform_3, window_bounds = array<i64: 256, 1>}, {transform_indices = @transform_4, window_bounds = array<i64: 256, 1024>}]} {
    %get3A = arith.constant 0 : index
    %get3A_0 = arith.constant 0 : index
    %get3A_1 = vector.load %arg2[%get3A, %get3A_0] : memref<256x1024xf32, #tpu.memory_space<vmem>>, vector<256x1024xf32>
    %convert_element_type3A = arith.truncf %get3A_1 : vector<256x1024xf32> to vector<256x1024xbf16>
    %get3A_2 = arith.constant 0 : index
    %get3A_3 = arith.constant 0 : index
    %get3A_4 = arith.constant 0 : index
    %get3A_5 = vector.load %arg3[%get3A_2, %get3A_3, %get3A_4] : memref<1x1024x1024xf32, #tpu.memory_space<vmem>>, vector<1x1024x1024xf32>
    %get3A_6 = vector.shape_cast %get3A_5 : vector<1x1024x1024xf32> to vector<1024x1024xf32>
    %convert_element_type3A_7 = arith.truncf %get3A_6 : vector<1024x1024xf32> to vector<1024x1024xbf16>
    %dot_general3A = arith.constant dense<0.000000e+00> : vector<256x1024xf32>
    %dot_general3A_8 = tpu.matmul %convert_element_type3A, %convert_element_type3A_7, %dot_general3A {dimension_numbers = #tpu.dot_dimension_numbers<[1], [0], [0], [1], [0, 0, 1, 1], [], []>, transpose_lhs_hint = false} : vector<256x1024xbf16>, vector<1024x1024xbf16>, vector<256x1024xf32> -> vector<256x1024xf32>
    %slice3A = vector.extract_strided_slice %dot_general3A_8 {offsets = [0, 0], sizes = [256, 512], strides = [1, 1]} : vector<256x1024xf32> to vector<256x512xf32>
    %slice3A_9 = vector.extract_strided_slice %dot_general3A_8 {offsets = [0, 512], sizes = [256, 512], strides = [1, 1]} : vector<256x1024xf32> to vector<256x512xf32>
    %logistic3A = arith.negf %slice3A : vector<256x512xf32>
    %logistic3A_10 = math.exp %logistic3A : vector<256x512xf32>
    %logistic3A_11 = arith.constant 1.000000e+00 : f32
    %logistic3A_12 = vector.broadcast %logistic3A_11 : f32 to vector<256x512xf32>
    %logistic3A_13 = arith.addf %logistic3A_12, %logistic3A_10 : vector<256x512xf32>
    %logistic3A_14 = arith.divf %logistic3A_12, %logistic3A_13 : vector<256x512xf32>
    %mul3A = arith.mulf %slice3A, %logistic3A_14 : vector<256x512xf32>
    %mul3A_15 = arith.mulf %mul3A, %slice3A_9 : vector<256x512xf32>
    %convert_element_type3A_16 = arith.truncf %mul3A_15 : vector<256x512xf32> to vector<256x512xbf16>
    %get3A_17 = arith.constant 0 : index
    %get3A_18 = arith.constant 0 : index
    %get3A_19 = arith.constant 0 : index
    %get3A_20 = vector.load %arg4[%get3A_17, %get3A_18, %get3A_19] : memref<1x512x1024xf32, #tpu.memory_space<vmem>>, vector<1x512x1024xf32>
    %get3A_21 = vector.shape_cast %get3A_20 : vector<1x512x1024xf32> to vector<512x1024xf32>
    %convert_element_type3A_22 = arith.truncf %get3A_21 : vector<512x1024xf32> to vector<512x1024xbf16>
    %dot_general3A_23 = arith.constant dense<0.000000e+00> : vector<256x1024xf32>
    %dot_general3A_24 = tpu.matmul %convert_element_type3A_16, %convert_element_type3A_22, %dot_general3A_23 {dimension_numbers = #tpu.dot_dimension_numbers<[1], [0], [0], [1], [0, 0, 1, 1], [], []>, transpose_lhs_hint = false} : vector<256x512xbf16>, vector<512x1024xbf16>, vector<256x1024xf32> -> vector<256x1024xf32>
    %get3A_25 = arith.constant 0 : index
    %get3A_26 = arith.constant 0 : index
    %get3A_27 = vector.load %arg5[%get3A_25, %get3A_26] : memref<256x1xf32, #tpu.memory_space<vmem>>, vector<256x1xf32>
    %mul3A_28 = vector.broadcast %get3A_27 : vector<256x1xf32> to vector<256x1024xf32>
    %mul3A_29 = arith.mulf %dot_general3A_24, %mul3A_28 : vector<256x1024xf32>
    %swap3A = arith.constant 0 : index
    %swap3A_30 = arith.constant 0 : index
    %swap3A_31 = vector.load %arg6[%swap3A, %swap3A_30] : memref<256x1024xf32, #tpu.memory_space<vmem>>, vector<256x1024xf32>
    tpu.vector_store %arg6[%swap3A, %swap3A_30], %mul3A_29 {strides = array<i32>} : memref<256x1024xf32, #tpu.memory_space<vmem>>, vector<256x1024xf32>,
    return
  }
  func.func @transform_0(%arg0: i32, %arg1: memref<32xi32, #tpu.memory_space<smem>>) -> (i32, i32) {
    %c0_i32 = arith.constant 0 : i32
    %c0_i32_0 = arith.constant 0 : i32
    return %arg0, %c0_i32 : i32, i32
  }
  func.func @transform_1(%arg0: i32, %arg1: memref<32xi32, #tpu.memory_space<smem>>) -> (i32, i32, i32) {
    %get3A = arith.index_cast %arg0 : i32 to index
    %get3A_0 = memref.load %arg1[%get3A] : memref<32xi32, #tpu.memory_space<smem>>
    %c0_i32 = arith.constant 0 : i32
    %c0_i32_1 = arith.constant 0 : i32
    %c0_i32_2 = arith.constant 0 : i32
    return %get3A_0, %c0_i32, %c0_i32_1 : i32, i32, i32
  }
  func.func @transform_2(%arg0: i32, %arg1: memref<32xi32, #tpu.memory_space<smem>>) -> (i32, i32, i32) {
    %get3A = arith.index_cast %arg0 : i32 to index
    %get3A_0 = memref.load %arg1[%get3A] : memref<32xi32, #tpu.memory_space<smem>>
    %c0_i32 = arith.constant 0 : i32
    %c0_i32_1 = arith.constant 0 : i32
    %c0_i32_2 = arith.constant 0 : i32
    return %get3A_0, %c0_i32, %c0_i32_1 : i32, i32, i32
  }
  func.func @transform_3(%arg0: i32, %arg1: memref<32xi32, #tpu.memory_space<smem>>) -> (i32, i32) {
    %c0_i32 = arith.constant 0 : i32
    %c0_i32_0 = arith.constant 0 : i32
    return %arg0, %c0_i32 : i32, i32
  }
  func.func @transform_4(%arg0: i32, %arg1: memref<32xi32, #tpu.memory_space<smem>>) -> (i32, i32) {
    %c0_i32 = arith.constant 0 : i32
    %c0_i32_0 = arith.constant 0 : i32
    return %arg0, %c0_i32 : i32, i32
  }
}

</mosaic_0001>

<sc_bundles>
// kernel: kernel.12.cloned.1.call-start
scs
__scs_entry_jumppad:
0x0: {  	(pc) =	sbr.rel $0x88, $3  }
0x1: {  	(tag) =	ssettag $0x0;
	lr =	simm.s32 $0x1  }
0x2: {  	[smem:$0x3F9C] =	sst lr;
	_ =	strace $0xD0000000  }
0x3: {  	_ = 	snop  }
0x4: {  	_ = 	snop  }
0x5: {  	_ = 	snop  }
0x6: {  	_ = 	snop  }
0x7: {  	_ = 	snop  }
__scs_overlays_trampoline_lowered:
0x8: {  	[smem:$0x3FAB] =	sst s0  }
0x9: {  	[smem:$0x3FAC] =	sst s1  }
0xa: {  	[smem:$0x3FAD] =	sst s2  }
0xb: {  	[smem:$0x3FAE] =	sst s3  }
0xc: {  	[smem:$0x3FAF] =	sst s4  }
0xd: {  	[smem:$0x3FB0] =	sst s5  }
0xe: {  	[smem:$0x3FB1] =	sst s6  }
0xf: {  	[smem:$0x3FB2] =	sst s7  }
0x10: {  	[smem:$0x3FB3] =	sst s8  }
0x11: {  	[smem:$0x3FB4] =	sst s9;
	s0 =	simm.s32 @!p0 $0x0  }
0x12: {  	s1 =	sld [smem:$0x3F9A];
	s0 =	simm.s32 @p0 $0x1  }
0x13: {  	[smem:$0x3FB5] =	sst s0;
	s0 =	simm.s32 @!p1 $0x0  }
0x14: {  	s2 =	sld [smem:$0x3F99];
	s0 =	simm.s32 @p1 $0x1  }
0x15: {  	[smem:$0x3FB6] =	sst s0;
	s0 =	simm.s32 @!p2 $0x0  }
0x16: {  	s3 =	sld [smem:$0x3FDB];
	s0 =	simm.s32 @p2 $0x1  }
0x17: {  	s4 =	simm.s32 $0x1BF5;
	[smem:$0x3FB8] =	sst s0  }
0x18: {  	s0 =	sld [smem:$0x3F9B];
	_ =	swait.ge [sflag:s4], $0x0  }
0x19: {  	s7 =	sld [smem:$0x3F9C]  }
0x1a: {  	s8 =	sadd.s32 $0xFFFFE003, lr  }
0x1b: {  	s9 =	sadd.s32 $0xFFFFFEF7, lr;
	s5 =	simm.s32 $0xFFFFFFFF;
	p2 =	slt.u32 s8, $0xFFFFF086  }
0x1c: {  	p1 =	slt.u32 s9, $0xF7A;
	s5 =	simm.s32 @!p2 $0x0  }
0x1d: {  	s5 =	simm.s32 @p1 $0x1;
	p0 =	seq.s32 s7, s2  }
0x1e: {  	s7 =	smul.u32 @!p0 $0xF7A, s2;
	p2 =	seq.s32 @!p0 s5, $0x0  }
0x1f: {  	s9 =	smul.u32 $0xF7A, s1;
	s8 =	simm.s32 @!p0 $0x1BF5;
	p2 =	por !p2, p0  }
0x20: {  	[sflag:s8] =	ssyncset.s32 @!p0 $0xFFFFF086;
	s6 =	sadd.s32 @!p0 s3, s7;
	s7 =	simm.s32 @!p0 $0x108  }
0x21: {  	s3 =	sadd.s32 s3, s9;
	s6 =	sadd.s32 @!p0 $0x88, s6;
	s7 =	simm.s32 @p2 $0x1082  }
0x22: {  	[simem:s7], [sflag:s8] =	dma.local @!p0 [hbm:s6], $0xF7A  }
0x23: {  	s9 =	sor.u32 $0xD0000000, s2;
	s6 =	simm.s32 $0x108;
	_ =	swait.ge @!p0 [sflag:s8], $0x0  }
0x24: {  	s3 =	sadd.s32 $0x88, s3;
	s6 =	simm.s32 @!p1 $0x1082;
	[sflag:s4] =	ssyncset.s32 $0xFFFFF086  }
0x25: {  	[simem:s6], [sflag:s4] =	dma.local [hbm:s3], $0xF7A  }
0x26: {  	[smem:$0x3F9C] =	sst s1;
	(tag) =	ssettag s2;
	_ =	strace s9  }
0x27: {  	s1 =	sld [smem:$0x3FAC]  }
0x28: {  	s2 =	sld [smem:$0x3FAD]  }
0x29: {  	s4 =	sld [smem:$0x3FAF]  }
0x2a: {  	p0 =	seq.s32 s5, $0x0;
	s5 =	sld [smem:$0x3FB0]  }
0x2b: {  	s6 =	sld [smem:$0x3FB1]  }
0x2c: {  	s7 =	sld [smem:$0x3FB2]  }
0x2d: {  	s3 =	simm.s32 $0x108;
	s8 =	sld [smem:$0x3FB3]  }
0x2e: {  	s3 =	simm.s32 @!p0 $0x1082;
	s9 =	sld [smem:$0x3FB4]  }
0x2f: {  	lr =	sadd.s32 s0, s3;
	s0 =	sld [smem:$0x3FAB]  }
0x30: {  	s3 =	sld [smem:$0x3FAE]  }
0x31: {  	[smem:$0x3FB7] =	sst s10  }
0x32: {  	s10 =	sld [smem:$0x3FB5];
	_ =	sdelay $0x3  }
0x33: {  	p0 =	seq.s32 s10, $0x1;
	s10 =	sld [smem:$0x3FB7];
	_ =	sdelay $0x3  }
0x34: {  	[smem:$0x3FB7] =	sst s10  }
0x35: {  	s10 =	sld [smem:$0x3FB6];
	_ =	sdelay $0x3  }
0x36: {  	p1 =	seq.s32 s10, $0x1;
	s10 =	sld [smem:$0x3FB7];
	_ =	sdelay $0x3  }
0x37: {  	[smem:$0x3FB7] =	sst s10  }
0x38: {  	s10 =	sld [smem:$0x3FB8]  }
0x39: {  	_ = 	snop;
	(pc) =	sbr.ind lr, $3  }
0x3a: {  	_ = 	snop  }
0x3b: {  	_ = 	snop  }
0x3c: {  	p2 =	seq.s32 s10, $0x1;
	s10 =	sld [smem:$0x3FB7]  }
0x3d: {  	_ =	shalt  }
0x3e: {  	_ =	shalt  }
0x3f: {  	_ =	shalt  }
0x40: {  	_ =	shalt  }
0x41: {  	_ =	shalt  }
0x42: {  	_ =	shalt  }
0x43: {  	_ =	shalt  }
0x44: {  	_ =	shalt  }
0x45: {  	_ =	shalt  }
0x46: {  	_ =	shalt  }
0x47: {  	_ =	shalt  }
0x48: {  	_ =	shalt  }
0x49: {  	_ =	shalt  }
0x4a: {  	_ =	shalt  }
0x4b: {  	_ =	shalt  }
0x4c: {  	_ =	shalt  }
0x4d: {  	_ =	shalt  }
0x4e: {  	_ =	shalt  }
0x4f: {  	_ =	shalt  }
0x50: {  	_ =	shalt  }
0x51: {  	_ =	shalt  }
0x52: {  	_ =	shalt  }
0x53: {  	_ =	shalt  }
0x54: {  	_ =	shalt  }
0x55: {  	_ =	shalt  }
0x56: {  	_ =	shalt  }
0x57: {  	_ =	shalt  }
0x58: {  	_ =	shalt  }
0x59: {  	_ =	shalt  }
0x5a: {  	_ =	shalt  }
0x5b: {  	_ =	shalt  }
0x5c: {  	_ =	shalt  }
0x5d: {  	_ =	shalt  }
0x5e: {  	_ =	shalt  }
0x5f: {  	_ =	shalt  }
0x60: {  	_ =	shalt  }
0x61: {  	_ =	shalt  }
0x62: {  	_ =	shalt  }
0x63: {  	_ =	shalt  }
0x64: {  	_ =	shalt  }
0x65: {  	_ =	shalt  }
0x66: {  	_ =	shalt  }
0x67: {  	_ =	shalt  }
0x68: {  	_ =	shalt  }
0x69: {  	_ =	shalt  }
0x6a: {  	_ =	shalt  }
0x6b: {  	_ =	shalt  }
0x6c: {  	_ =	shalt  }
0x6d: {  	_ =	shalt  }
0x6e: {  	_ =	shalt  }
0x6f: {  	_ =	shalt  }
0x70: {  	_ =	shalt  }
0x71: {  	_ =	shalt  }
0x72: {  	_ =	shalt  }
0x73: {  	_ =	shalt  }
0x74: {  	_ =	shalt  }
0x75: {  	_ =	shalt  }
0x76: {  	_ =	shalt  }
0x77: {  	_ =	shalt  }
0x78: {  	_ =	shalt  }
0x79: {  	_ =	shalt  }
0x7a: {  	_ =	shalt  }
0x7b: {  	_ =	shalt  }
0x7c: {  	_ =	shalt  }
0x7d: {  	_ =	shalt  }
0x7e: {  	_ =	shalt  }
0x7f: {  	_ =	shalt  }
0x80: {  	_ =	shalt  }
0x81: {  	_ =	shalt  }
0x82: {  	_ =	shalt  }
0x83: {  	_ =	shalt  }
0x84: {  	_ =	shalt  }
0x85: {  	_ =	shalt  }
0x86: {  	_ =	shalt  }
0x87: {  	_ =	shalt  }
.Lfunc_end0:
.L_simem_size_0:
called_computation.2_lowered:
.L_overlay_start_0:
0x88: {  	s2 =	sld [smem:$0x3FD9]  }
0x89: {  	s3 =	sld [smem:$0x3FFE];
	_ =	sdelay $0x1  }
0x8a: {  	s1 =	srdreg.scid  }
0x8b: {  	s0 =	sand.u32 $0x1, s1  }
0x8c: {  	s17 =	sshll.u32 s0, $0xA;
	s2 =	sadd.s32 s3, s2  }
0x8d: {  	s2 =	sadd.s32 s2, s17  }
0x8e: {  	[smem:$0x3FC3] =	sst s2  }
0x8f: {  	_ = 	snop  }
0x90: {  	s2 =	sld [smem:$0x3FD0];
	(tm) =	ssettm $0x1  }
0x91: {  	s18 =	sld [smem:$0x3FFB];
	_ =	sdelay $0x3  }
0x92: {  	_ =	strace s18  }
0x93: {  	s3 =	sld [smem:$0x3FFC];
	_ =	sdelay $0x3  }
0x94: {  	_ =	strace s3  }
0x95: {  	s3 =	sld [smem:$0x3FFD];
	_ =	sdelay $0x3  }
0x96: {  	_ =	strace s3  }
0x97: {  	_ =	strace $0x8FFFFFFF  }
0x98: {  	s19 =	sld [smem:$0x3FDB];
	_ =	sdelay $0x1  }
0x99: {  	s4 =	simm.s32 $_scs_section_size  }
0x9a: {  	s5 =	simm.s32 $_size__tile_overlayer_lowered;
	s6 =	simm.s32 $_tile_overlayer_lowered  }
0x9b: {  	s22 =	simm.s32 $0x1BFF;
	s21 =	sshll.u32 s6, $0x1;
	s3 =	sadd.s32 s4, s19  }
0x9c: {  	s7 =	simm.s32 $0x0;
	s20 =	sshll.u32 s5, $0x1;
	s5 =	sadd.s32 s21, s3  }
0x9d: {  	[timem:s7], [sflag:s22] =	dma.local [hbm:s5], s20  }
0x9e: {  	_ =	swait.ge [sflag:s22], s20  }
0x9f: {  	s4 =	ssub.s32 $0x0, s20;
	[sflag:s22] =	ssyncset.done $0x0  }
0xa0: {  	[sflag:s22] =	ssyncadd.s32 s4;
	_ =	sdelay $0x1  }
0xa1: {  	s23 =	simm.s32 $0x1B8B  }
0xa2: {  	_ =	swait.ge [sflag:s23], $0x1  }
0xa3: {  	[sflag:s23] =	ssyncset.done $0x0  }
0xa4: {  	s25 =	simm.s32 $0x1B8E;
	s24 =	sld [smem:$0x3FFE];
	[sflag:s23] =	ssyncadd.s32 $0xFFFFFFFF  }
0xa5: {  	s26 =	simm.s32 $execute0_lowered;
	[smem:$0x3FD2] =	sst s25  }
0xa6: {  	s5 =	sshll.u32 s26, $0x1;
	_ =	strace $0x8000004C;
	[dreg:$0x1] =	wrdreg $0xFFFFFFFF  }
0xa7: {  	s28 =	simm.s32 $_size_execute0_lowered;
	s3 =	sadd.s32 s3, s5;
	[dreg:$0x0] =	wrdreg $0x0  }
0xa8: {  	s5 =	sshll.u32 s28, $0x1;
	[dreg:$0x2] =	wrdreg s3  }
0xa9: {  	[dreg:$0x3] =	wrdreg s5  }
0xaa: {  	[dreg:$0x4] =	wrdreg $0xC0  }
0xab: {  	_ =	task [dreg:s7], $0x5FFFF  }
0xac: {  	[dreg:$0x1] =	wrdreg $0xFFFFFFFF  }
0xad: {  	[dreg:$0x0] =	wrdreg $0x60  }
0xae: {  	[dreg:$0x2] =	wrdreg s24  }
0xaf: {  	[dreg:$0x3] =	wrdreg s2  }
0xb0: {  	[dreg:$0x4] =	wrdreg $0x9  }
0xb1: {  	_ =	task.clear_ibuf [dreg:s7], $0x5FFFF;
	_ =	strace $0x9000004C  }
0xb2: {  	s29 =	simm.s32 $0x9;
	_ =	strace $0x8000004E  }
0xb3: {  	_ =	swait.ge [sflag:s29], $0x1  }
0xb4: {  	[sflag:s29] =	ssyncadd.s32 $0xFFFFFFFF  }
0xb5: {  	_ =	strace $0x9000004E  }
0xb6: {  	_ =	sfence  }
0xb7: {  	s30 =	sld [smem:$0x0];
	_ =	sdelay $0x2  }
0xb8: {  	s31 =	sshll.u32 s1, $0xD;
	s1 =	sshrl.u32 s1, $0x2  }
0xb9: {  	s3 =	sand.u32 $0x4000, s31;
	s1 =	sadd.s32 s1, s30  }
0xba: {  	s0 =	sor.u32 s3, s0;
	s1 =	sshll.u32 s1, $0x11  }
0xbb: {  	s0 =	sor.u32 s1, s0  }
0xbc: {  	s0 =	sadd.s32 $0x8F2B, s0  }
0xbd: {  	[sflag:s0] =	ssyncadd.remote.s32 $0x1  }
0xbe: {  	_ =	sfence.sel $0xFFFF  }
0xbf: {  	[dreg:$0x0] =	wrdreg $0xFFFFFFFF;
	(pc) =	sbr.abs _section_cstart, $3  }
0xc0: {  	[dreg:$0x1] =	wrdreg $0xFFFFFFFF  }
0xc1: {  	_ =	task.clear_ibuf [dreg:s7], $0x2FFFF;
	_ =	strace $0x9FFFFFFF  }
0xc2: {  	(tm) =	ssettm $0x7FFFFFFF  }
0xc3: {  	_ =	shalt  }
tec
execute0_lowered:
.L_overlay_start_1:
0x0: {  	(tag) =	ssettag $0x1  }
0x1: {  	s0 =	rddreg [dreg:$0x0]  }
0x2: {  	s1 =	rddreg [dreg:$0x1]  }
0x3: {  	s3 =	srdreg.scid;
	s5 =	stileid.u32  }
0x4: {  	s2 =	simm.s32 $0x0;
	s11 =	simm.s32 $0x4;
	s12 =	simm.s32 $0xB080  }
0x5: {  	s13 =	simm.s32 $0xB880;
	s14 =	simm.s32 $0xC080;
	s15 =	simm.s32 $0xC880  }
0x6: {  	s16 =	simm.s32 $0xD080;
	s17 =	simm.s32 $0xE080;
	s10 =	simm.s32 $0xE880  }
0x7: {  	s18 =	simm.s32 $0xF080;
	s19 =	simm.s32 $0xF880;
	s20 =	simm.s32 $0x1  }
0x8: {  	s21 =	simm.s32 $0x10080;
	s22 =	simm.s32 $0x2;
	s23 =	simm.s32 $0x3  }
0x9: {  	s24 =	simm.s32 $0x0;
	s4 =	sand.u32 $0x1, s3;
	s28 =	sshll.u32 s5, $0x1  }
0xa: {  	[smem:$0x7FF] =	sst s2;
	s3 =	sadd.s32 $0x102000, s0;
	s5 =	sor.u32 s4, s28  }
0xb: {  	_ =	strace $0x8000004D;
	s4 =	ssub.s32 $0x2, s4;
	s6 =	sshll.u32 s5, $0x4  }
0xc: {  	s7 =	sshrl.u32 s4, $0x1;
	s8 =	sshll.u32 s5, $0xD;
	s5 =	sadd.s32 $0x102100, s0  }
0xd: {  	s6 =	sadd.s32 s6, s0;
	s9 =	sadd.s32 s1, s8;
	s29 =	ssub.s32 s4, s7  }
0xe: {  	s8 =	sadd.s32 $0x102300, s0;
	s6 =	sadd.s32 $0x101E00, s6;
	[dreg:$0x4] =	wrdreg s9  }
0xf: {  	v2 =	vlaneseq.u32;
	s1 =	simm.s32 $0xA080;
	s30 =	sadd.s32 $0x1000, s9;
	[dreg:$0x3] =	wrdreg s6  }
0x10: {  	vm0 =	vmmov $0xffff;
	v1 =	vshrl.u32 v2, $0x3;
	s4 =	simm.s32 $0xA880;
	s31 =	smax.u32 s29, $0x1;
	[dreg:$0x5] =	wrdreg s30  }
0x11: {  	v0 =	vand.u32 $0x7, v2;
	v2 =	vor.u32 $0x8, v2;
	v1 =	vmul.u32 $0x8, v1;
	s9 =	simm.s32 $0xD880;
	s6 =	sadd.s32 $0x102200, s0;
	[dreg:$0x6] =	wrdreg s31  }
.LBB2_1:
0x12: {  	s0 =	rddreg [dreg:$0x3]  }
0x13: {  	[tilespmem:s2], [sflag:$0x4] =	stream.linear.gather [hbm4b:s0+s2], $0x80, $0x38;
	[tilespmem:$0x18080] =	vst v63  }
0x14: {  	_ =	swait.ge [sflag:s11], $0x80  }
0x15: {  	[sflag:s11] =	ssyncset.done $0x0  }
0x16: {  	[sflag:s11] =	ssyncadd.s32 $0xFFFFFF80  }
0x17: {  	v3 =	vld [tilespmem:$0x0];
	_ =	sdelay $0x4  }
0x18: {  	v4 =	vshll.u32 v3, $0x3  }
0x19: {  	v3 =	vand.u32 $0x7, v3;
	v4 =	vand.u32 $0xFFFFFFC0, v4  }
0x1a: {  	v3 =	vor.u32 v3, v4  }
0x1b: {  	v4 =	vperm.xlane v3, v0;
	_ =	sdelay $0x1  }
0x1c: {  	v4 =	vadd.s32 v1, v4;
	_ =	sdelay $0x3  }
0x1d: {  	s7 =	simm.s32 $0x80  }
0x1e: {  	[tilespmem:s7], [sflag:$0x1] =	stream.indirect_vreg.gather [hbm4b:s3+s2], $0x80, v4, vm0, $0xb8;
	[tilespmem:$0x18080] =	vst v63  }
0x1f: {  	s25 =	simm.s32 $0x880;
	v3 =	vperm.xlane v3, v2  }
0x20: {  	[tilespmem:s25], [sflag:$0x1] =	stream.indirect_vreg.gather [hbm4b:s5+s2], $0x80, v4, vm0, $0xb8;
	[tilespmem:$0x18080] =	vst v63  }
0x21: {  	s26 =	simm.s32 $0x1080;
	v3 =	vadd.s32 v1, v3  }
0x22: {  	[tilespmem:s26], [sflag:$0x1] =	stream.indirect_vreg.gather [hbm4b:s6+s2], $0x80, v4, vm0, $0xb8;
	[tilespmem:$0x18080] =	vst v63  }
0x23: {  	s30 =	simm.s32 $0x1880  }
0x24: {  	[tilespmem:s30], [sflag:$0x1] =	stream.indirect_vreg.gather [hbm4b:s8+s2], $0x80, v4, vm0, $0xb8;
	[tilespmem:$0x18080] =	vst v63  }
0x25: {  	s31 =	simm.s32 $0x2080  }
0x26: {  	[tilespmem:s31], [sflag:$0x1] =	stream.indirect_vreg.gather [hbm4b:s3+s2], $0x80, v3, vm0, $0xb8;
	[tilespmem:$0x18080] =	vst v63  }
0x27: {  	s7 =	simm.s32 $0x2880  }
0x28: {  	[tilespmem:s7], [sflag:$0x1] =	stream.indirect_vreg.gather [hbm4b:s5+s2], $0x80, v3, vm0, $0xb8;
	[tilespmem:$0x18080] =	vst v63  }
0x29: {  	s25 =	simm.s32 $0x3080  }
0x2a: {  	[tilespmem:s25], [sflag:$0x1] =	stream.indirect_vreg.gather [hbm4b:s6+s2], $0x80, v3, vm0, $0xb8;
	[tilespmem:$0x18080] =	vst v63  }
0x2b: {  	s26 =	simm.s32 $0x3880  }
0x2c: {  	[tilespmem:s26], [sflag:$0x1] =	stream.indirect_vreg.gather [hbm4b:s8+s2], $0x80, v3, vm0, $0xb8;
	[tilespmem:$0x18080] =	vst v63  }
0x2d: {  	v3 =	vld [tilespmem:$0x10];
	_ =	sdelay $0x4  }
0x2e: {  	v61 =	vshll.u32 v3, $0x3  }
0x2f: {  	v3 =	vand.u32 $0x7, v3;
	v4 =	vand.u32 $0xFFFFFFC0, v61  }
0x30: {  	v3 =	vor.u32 v3, v4  }
0x31: {  	v4 =	vperm.xlane v3, v0;
	_ =	sdelay $0x1  }
0x32: {  	v4 =	vadd.s32 v1, v4;
	_ =	sdelay $0x3  }
0x33: {  	s30 =	simm.s32 $0x4080  }
0x34: {  	[tilespmem:s30], [sflag:$0x1] =	stream.indirect_vreg.gather [hbm4b:s3+s2], $0x80, v4, vm0, $0xb8;
	[tilespmem:$0x18080] =	vst v63  }
0x35: {  	s31 =	simm.s32 $0x4880;
	v3 =	vperm.xlane v3, v2  }
0x36: {  	[tilespmem:s31], [sflag:$0x1] =	stream.indirect_vreg.gather [hbm4b:s5+s2], $0x80, v4, vm0, $0xb8;
	[tilespmem:$0x18080] =	vst v63  }
0x37: {  	s7 =	simm.s32 $0x5080;
	v3 =	vadd.s32 v1, v3  }
0x38: {  	[tilespmem:s7], [sflag:$0x1] =	stream.indirect_vreg.gather [hbm4b:s6+s2], $0x80, v4, vm0, $0xb8;
	[tilespmem:$0x18080] =	vst v63  }
0x39: {  	s25 =	simm.s32 $0x5880  }
0x3a: {  	[tilespmem:s25], [sflag:$0x1] =	stream.indirect_vreg.gather [hbm4b:s8+s2], $0x80, v4, vm0, $0xb8;
	[tilespmem:$0x18080] =	vst v63  }
0x3b: {  	s26 =	simm.s32 $0x6080  }
0x3c: {  	[tilespmem:s26], [sflag:$0x1] =	stream.indirect_vreg.gather [hbm4b:s3+s2], $0x80, v3, vm0, $0xb8;
	[tilespmem:$0x18080] =	vst v63  }
0x3d: {  	s30 =	simm.s32 $0x6880  }
0x3e: {  	[tilespmem:s30], [sflag:$0x1] =	stream.indirect_vreg.gather [hbm4b:s5+s2], $0x80, v3, vm0, $0xb8;
	[tilespmem:$0x18080] =	vst v63  }
0x3f: {  	s31 =	simm.s32 $0x7080  }
0x40: {  	[tilespmem:s31], [sflag:$0x1] =	stream.indirect_vreg.gather [hbm4b:s6+s2], $0x80, v3, vm0, $0xb8;
	[tilespmem:$0x18080] =	vst v63  }
0x41: {  	s7 =	simm.s32 $0x7880  }
0x42: {  	[tilespmem:s7], [sflag:$0x1] =	stream.indirect_vreg.gather [hbm4b:s8+s2], $0x80, v3, vm0, $0xb8;
	[tilespmem:$0x18080] =	vst v63  }
0x43: {  	v3 =	vld [tilespmem:$0x20];
	_ =	sdelay $0x4  }
0x44: {  	v62 =	vshll.u32 v3, $0x3  }
0x45: {  	v3 =	vand.u32 $0x7, v3;
	v4 =	vand.u32 $0xFFFFFFC0, v62  }
0x46: {  	v3 =	vor.u32 v3, v4  }
0x47: {  	v4 =	vperm.xlane v3, v0;
	_ =	sdelay $0x1  }
0x48: {  	v4 =	vadd.s32 v1, v4;
	_ =	sdelay $0x3  }
0x49: {  	s25 =	simm.s32 $0x8080  }
0x4a: {  	[tilespmem:s25], [sflag:$0x1] =	stream.indirect_vreg.gather [hbm4b:s3+s2], $0x80, v4, vm0, $0xb8;
	[tilespmem:$0x18080] =	vst v63  }
0x4b: {  	s26 =	simm.s32 $0x8880;
	v3 =	vperm.xlane v3, v2  }
0x4c: {  	[tilespmem:s26], [sflag:$0x1] =	stream.indirect_vreg.gather [hbm4b:s5+s2], $0x80, v4, vm0, $0xb8;
	[tilespmem:$0x18080] =	vst v63  }
0x4d: {  	s30 =	simm.s32 $0x9080;
	v3 =	vadd.s32 v1, v3  }
0x4e: {  	[tilespmem:s30], [sflag:$0x1] =	stream.indirect_vreg.gather [hbm4b:s6+s2], $0x80, v4, vm0, $0xb8;
	[tilespmem:$0x18080] =	vst v63  }
0x4f: {  	s31 =	simm.s32 $0x9880  }
0x50: {  	[tilespmem:s31], [sflag:$0x1] =	stream.indirect_vreg.gather [hbm4b:s8+s2], $0x80, v4, vm0, $0xb8;
	[tilespmem:$0x18080] =	vst v63  }
0x51: {  	_ = 	snop  }
0x52: {  	[tilespmem:s1], [sflag:$0x1] =	stream.indirect_vreg.gather [hbm4b:s3+s2], $0x80, v3, vm0, $0xb8;
	[tilespmem:$0x18080] =	vst v63  }
0x53: {  	_ = 	snop  }
0x54: {  	[tilespmem:s4], [sflag:$0x1] =	stream.indirect_vreg.gather [hbm4b:s5+s2], $0x80, v3, vm0, $0xb8;
	[tilespmem:$0x18080] =	vst v63  }
0x55: {  	_ = 	snop  }
0x56: {  	[tilespmem:s12], [sflag:$0x1] =	stream.indirect_vreg.gather [hbm4b:s6+s2], $0x80, v3, vm0, $0xb8;
	[tilespmem:$0x18080] =	vst v63  }
0x57: {  	_ = 	snop  }
0x58: {  	[tilespmem:s13], [sflag:$0x1] =	stream.indirect_vreg.gather [hbm4b:s8+s2], $0x80, v3, vm0, $0xb8;
	[tilespmem:$0x18080] =	vst v63  }
0x59: {  	v3 =	vld [tilespmem:$0x30];
	_ =	sdelay $0x4  }
0x5a: {  	v63 =	vshll.u32 v3, $0x3  }
0x5b: {  	v3 =	vand.u32 $0x7, v3;
	v4 =	vand.u32 $0xFFFFFFC0, v63  }
0x5c: {  	v3 =	vor.u32 v3, v4  }
0x5d: {  	v4 =	vperm.xlane v3, v0;
	_ =	sdelay $0x1  }
0x5e: {  	v4 =	vadd.s32 v1, v4;
	_ =	sdelay $0x4  }
0x5f: {  	[tilespmem:s14], [sflag:$0x1] =	stream.indirect_vreg.gather [hbm4b:s3+s2], $0x80, v4, vm0, $0xb8;
	[tilespmem:$0x18080] =	vst v63  }
0x60: {  	v3 =	vperm.xlane v3, v2  }
0x61: {  	[tilespmem:s15], [sflag:$0x1] =	stream.indirect_vreg.gather [hbm4b:s5+s2], $0x80, v4, vm0, $0xb8;
	[tilespmem:$0x18080] =	vst v63  }
0x62: {  	v3 =	vadd.s32 v1, v3  }
0x63: {  	[tilespmem:s16], [sflag:$0x1] =	stream.indirect_vreg.gather [hbm4b:s6+s2], $0x80, v4, vm0, $0xb8;
	[tilespmem:$0x18080] =	vst v63  }
0x64: {  	_ = 	snop  }
0x65: {  	[tilespmem:s9], [sflag:$0x1] =	stream.indirect_vreg.gather [hbm4b:s8+s2], $0x80, v4, vm0, $0xb8;
	[tilespmem:$0x18080] =	vst v63  }
0x66: {  	_ = 	snop  }
0x67: {  	[tilespmem:s17], [sflag:$0x1] =	stream.indirect_vreg.gather [hbm4b:s3+s2], $0x80, v3, vm0, $0xb8;
	[tilespmem:$0x18080] =	vst v63  }
0x68: {  	_ = 	snop  }
0x69: {  	[tilespmem:s10], [sflag:$0x1] =	stream.indirect_vreg.gather [hbm4b:s5+s2], $0x80, v3, vm0, $0xb8;
	[tilespmem:$0x18080] =	vst v63  }
0x6a: {  	_ = 	snop  }
0x6b: {  	[tilespmem:s18], [sflag:$0x1] =	stream.indirect_vreg.gather [hbm4b:s6+s2], $0x80, v3, vm0, $0xb8;
	[tilespmem:$0x18080] =	vst v63  }
0x6c: {  	_ = 	snop  }
0x6d: {  	[tilespmem:s19], [sflag:$0x1] =	stream.indirect_vreg.gather [hbm4b:s8+s2], $0x80, v3, vm0, $0xb8;
	[tilespmem:$0x18080] =	vst v63  }
0x6e: {  	s28 =	simm.s32 $0x0;
	_ =	swait.ge [sflag:s20], $0x10000  }
0x6f: {  	s29 =	simm.s32 $0x0;
	s7 =	simm.s32 $0x0;
	[sflag:s20] =	ssyncset.done $0x0  }
0x70: {  	s25 =	simm.s32 $0x0;
	s26 =	simm.s32 $0x0;
	[sflag:s20] =	ssyncadd.s32 $0xFFFF0000  }
.LBB2_2:
0x71: {  	s0 =	sshll.u32 s26, $0x2;
	s30 =	sand.u32 $0x3, s25  }
0x72: {  	s0 =	sand.u32 $0xFFFF8000, s0;
	s30 =	sshll.u32 s30, $0xA  }
0x73: {  	s0 =	sor.u32 s30, s0  }
0x74: {  	s0 =	sshrl.u32 s0, $0x2  }
0x75: {  	s0 =	sadd.s32 $0x100, s0  }
0x76: {  	v4 =	vld [tilespmem:s0+$0xFFFFFFF0]  }
0x77: {  	v5 =	vld [tilespmem:s0+$0x70]  }
0x78: {  	v3 =	vld [tilespmem:s0+$0x0]  }
0x79: {  	v6 =	vld [tilespmem:s0+$0xFFFFFF90]  }
0x7a: {  	v7 =	vld [tilespmem:s0+$0x10]  }
0x7b: {  	v8 =	vld [tilespmem:s0+$0xFFFFFFA0]  }
0x7c: {  	v9 =	vld [tilespmem:s0+$0x20]  }
0x7d: {  	s31 =	sand.u32 $0x7, s7;
	s30 =	sshll.u32 s28, $0x2;
	v10 =	vld [tilespmem:s0+$0xFFFFFFB0]  }
0x7e: {  	s31 =	sshll.u32 s31, $0x9;
	s30 =	sand.u32 $0xFFFF8000, s30;
	v11 =	vld [tilespmem:s0+$0x30]  }
0x7f: {  	s30 =	sor.u32 s31, s30;
	v12 =	vld [tilespmem:s0+$0xFFFFFFC0]  }
0x80: {  	s30 =	sshrl.u32 s30, $0x2;
	v13 =	vld [tilespmem:s0+$0x40];
	v5 =	vadd.f32 v5, v4  }
0x81: {  	s30 =	sadd.s32 $0x100C0, s30;
	v7 =	vadd.f32 v7, v6;
	v4 =	vld [tilespmem:s0+$0xFFFFFFD0]  }
0x82: {  	v8 =	vadd.f32 v9, v8;
	v6 =	vld [tilespmem:s0+$0x50];
	[tilespmem:s30+$0x30] =	vst v5  }
0x83: {  	v9 =	vadd.f32 v11, v10;
	[tilespmem:s30+$0xFFFFFFD0] =	vst v7;
	v5 =	vld [tilespmem:s0+$0xFFFFFFE0]  }
0x84: {  	[tilespmem:s30+$0xFFFFFFE0] =	vst v8;
	v8 =	vld [tilespmem:s0+$0x60]  }
0x85: {  	s31 =	simm.s32 $0x0;
	v7 =	vld [tilespmem:s0+$0xFFFFFF80];
	[tilespmem:s30+$0xFFFFFFF0] =	vst v9;
	v9 =	vadd.f32 v13, v12;
	s0 =	sadd.s32 $0x400, s0  }
.LBB2_3:
0x86: {  	v10 =	vld [tilespmem:s0+$0xFFFFFFF0]  }
0x87: {  	s31 =	sadd.s32 $0x8, s31;
	v11 =	vld [tilespmem:s0+$0x70];
	[tilespmem:s30+$0x0] =	vst v9;
	v4 =	vadd.f32 v6, v4  }
0x88: {  	p0 =	slt.u32 s31, $0x38;
	v6 =	vld [tilespmem:s0+$0x0]  }
0x89: {  	v9 =	vld [tilespmem:s0+$0xFFFFFF90];
	[tilespmem:s30+$0x10] =	vst v4;
	v4 =	vadd.f32 v8, v5  }
0x8a: {  	v5 =	vld [tilespmem:s0+$0x10];
	v12 =	vadd.f32 v3, v7  }
0x8b: {  	v7 =	vld [tilespmem:s0+$0xFFFFFFA0];
	[tilespmem:s30+$0x20] =	vst v4  }
0x8c: {  	v4 =	vld [tilespmem:s0+$0x20];
	v8 =	vadd.f32 v11, v10;
	[tilespmem:s30+$0xFFFFFFC0] =	vst v12  }
0x8d: {  	s30 =	sadd.s32 $0x400, s30;
	v10 =	vld [tilespmem:s0+$0xFFFFFFB0];
	v3 =	vmov v6  }
0x8e: {  	v11 =	vld [tilespmem:s0+$0x30];
	[tilespmem:s30+$0x30] =	vst v8  }
0x8f: {  	v5 =	vadd.f32 v5, v9;
	v9 =	vld [tilespmem:s0+$0xFFFFFFC0]  }
0x90: {  	v12 =	vld [tilespmem:s0+$0x40]  }
.Ltmp0:
0x91: {  	[tilespmem:s30+$0xFFFFFFD0] =	vst v5;
	v5 =	vadd.f32 v4, v7;
	v4 =	vld [tilespmem:s0+$0xFFFFFFD0];
	(pc) =	sbr.rel @p0 .LBB2_3-.Ltmp0, $4  }
0x92: {  	v6 =	vld [tilespmem:s0+$0x50]  }
0x93: {  	[tilespmem:s30+$0xFFFFFFE0] =	vst v5;
	v10 =	vadd.f32 v11, v10;
	v5 =	vld [tilespmem:s0+$0xFFFFFFE0]  }
0x94: {  	v8 =	vld [tilespmem:s0+$0x60]  }
0x95: {  	v7 =	vld [tilespmem:s0+$0xFFFFFF80];
	[tilespmem:s30+$0xFFFFFFF0] =	vst v10;
	v9 =	vadd.f32 v12, v9;
	s0 =	sadd.s32 $0x400, s0  }
0x96: {  	s29 =	sadd.s32 $0x1, s29  }
0x97: {  	p0 =	sne.s32 s29, $0x20  }
.Ltmp1:
0x98: {  	v4 =	vadd.f32 v6, v4;
	(pc) =	sbr.rel @p0 .LBB2_2-.Ltmp1, $4  }
0x99: {  	[tilespmem:s30+$0x0] =	vst v9;
	v5 =	vadd.f32 v8, v5  }
0x9a: {  	[tilespmem:s30+$0x10] =	vst v4;
	v3 =	vadd.f32 v3, v7  }
0x9b: {  	s28 =	sadd.s32 $0x400, s28;
	[tilespmem:s30+$0x20] =	vst v5  }
0x9c: {  	s7 =	sadd.s32 $0x1, s7;
	s26 =	sadd.s32 $0x800, s26;
	s25 =	sadd.s32 $0x1, s25;
	[tilespmem:s30+$0xFFFFFFC0] =	vst v3  }
0x9d: {  	s25 =	simm.s32 $0x0;
	s0 =	rddreg [dreg:$0x4]  }
0x9e: {  	[hbm4b:s0+s25] =	stream.linear.scatter [tilespmem:s21], [sflag:$0x2], $0x8000, $0x38;
	[tilespmem:$0x18080] =	vst v63  }
0x9f: {  	v3 =	vld [tilespmem:$0x40];
	_ =	sdelay $0x4  }
0xa0: {  	v4 =	vshll.u32 v3, $0x3  }
0xa1: {  	v3 =	vand.u32 $0x7, v3;
	v4 =	vand.u32 $0xFFFFFFC0, v4  }
0xa2: {  	v3 =	vor.u32 v3, v4  }
0xa3: {  	v4 =	vperm.xlane v3, v0;
	_ =	sdelay $0x1  }
0xa4: {  	v4 =	vadd.s32 v1, v4;
	_ =	sdelay $0x3  }
0xa5: {  	s7 =	simm.s32 $0x80  }
0xa6: {  	[tilespmem:s7], [sflag:$0x1] =	stream.indirect_vreg.gather [hbm4b:s3+s25], $0x80, v4, vm0, $0xb8;
	[tilespmem:$0x18080] =	vst v63  }
0xa7: {  	s26 =	simm.s32 $0x880;
	v3 =	vperm.xlane v3, v2  }
0xa8: {  	[tilespmem:s26], [sflag:$0x1] =	stream.indirect_vreg.gather [hbm4b:s5+s25], $0x80, v4, vm0, $0xb8;
	[tilespmem:$0x18080] =	vst v63  }
0xa9: {  	s30 =	simm.s32 $0x1080;
	v3 =	vadd.s32 v1, v3  }
0xaa: {  	[tilespmem:s30], [sflag:$0x1] =	stream.indirect_vreg.gather [hbm4b:s6+s25], $0x80, v4, vm0, $0xb8;
	[tilespmem:$0x18080] =	vst v63  }
0xab: {  	s31 =	simm.s32 $0x1880  }
0xac: {  	[tilespmem:s31], [sflag:$0x1] =	stream.indirect_vreg.gather [hbm4b:s8+s25], $0x80, v4, vm0, $0xb8;
	[tilespmem:$0x18080] =	vst v63  }
0xad: {  	s7 =	simm.s32 $0x2080  }
0xae: {  	[tilespmem:s7], [sflag:$0x1] =	stream.indirect_vreg.gather [hbm4b:s3+s25], $0x80, v3, vm0, $0xb8;
	[tilespmem:$0x18080] =	vst v63  }
0xaf: {  	s26 =	simm.s32 $0x2880  }
0xb0: {  	[tilespmem:s26], [sflag:$0x1] =	stream.indirect_vreg.gather [hbm4b:s5+s25], $0x80, v3, vm0, $0xb8;
	[tilespmem:$0x18080] =	vst v63  }
0xb1: {  	s30 =	simm.s32 $0x3080  }
0xb2: {  	[tilespmem:s30], [sflag:$0x1] =	stream.indirect_vreg.gather [hbm4b:s6+s25], $0x80, v3, vm0, $0xb8;
	[tilespmem:$0x18080] =	vst v63  }
0xb3: {  	s31 =	simm.s32 $0x3880  }
0xb4: {  	[tilespmem:s31], [sflag:$0x1] =	stream.indirect_vreg.gather [hbm4b:s8+s25], $0x80, v3, vm0, $0xb8;
	[tilespmem:$0x18080] =	vst v63  }
0xb5: {  	v3 =	vld [tilespmem:$0x50];
	_ =	sdelay $0x4  }
0xb6: {  	v61 =	vshll.u32 v3, $0x3  }
0xb7: {  	v3 =	vand.u32 $0x7, v3;
	v4 =	vand.u32 $0xFFFFFFC0, v61  }
0xb8: {  	v3 =	vor.u32 v3, v4  }
0xb9: {  	v4 =	vperm.xlane v3, v0;
	_ =	sdelay $0x1  }
0xba: {  	v4 =	vadd.s32 v1, v4;
	_ =	sdelay $0x3  }
0xbb: {  	s7 =	simm.s32 $0x4080  }
0xbc: {  	[tilespmem:s7], [sflag:$0x1] =	stream.indirect_vreg.gather [hbm4b:s3+s25], $0x80, v4, vm0, $0xb8;
	[tilespmem:$0x18080] =	vst v63  }
0xbd: {  	s26 =	simm.s32 $0x4880;
	v3 =	vperm.xlane v3, v2  }
0xbe: {  	[tilespmem:s26], [sflag:$0x1] =	stream.indirect_vreg.gather [hbm4b:s5+s25], $0x80, v4, vm0, $0xb8;
	[tilespmem:$0x18080] =	vst v63  }
0xbf: {  	s30 =	simm.s32 $0x5080;
	v3 =	vadd.s32 v1, v3  }
0xc0: {  	[tilespmem:s30], [sflag:$0x1] =	stream.indirect_vreg.gather [hbm4b:s6+s25], $0x80, v4, vm0, $0xb8;
	[tilespmem:$0x18080] =	vst v63  }
0xc1: {  	s31 =	simm.s32 $0x5880  }
0xc2: {  	[tilespmem:s31], [sflag:$0x1] =	stream.indirect_vreg.gather [hbm4b:s8+s25], $0x80, v4, vm0, $0xb8;
	[tilespmem:$0x18080] =	vst v63  }
0xc3: {  	s7 =	simm.s32 $0x6080  }
0xc4: {  	[tilespmem:s7], [sflag:$0x1] =	stream.indirect_vreg.gather [hbm4b:s3+s25], $0x80, v3, vm0, $0xb8;
	[tilespmem:$0x18080] =	vst v63  }
0xc5: {  	s26 =	simm.s32 $0x6880  }
0xc6: {  	[tilespmem:s26], [sflag:$0x1] =	stream.indirect_vreg.gather [hbm4b:s5+s25], $0x80, v3, vm0, $0xb8;
	[tilespmem:$0x18080] =	vst v63  }
0xc7: {  	s30 =	simm.s32 $0x7080  }
0xc8: {  	[tilespmem:s30], [sflag:$0x1] =	stream.indirect_vreg.gather [hbm4b:s6+s25], $0x80, v3, vm0, $0xb8;
	[tilespmem:$0x18080] =	vst v63  }
0xc9: {  	s31 =	simm.s32 $0x7880  }
0xca: {  	[tilespmem:s31], [sflag:$0x1] =	stream.indirect_vreg.gather [hbm4b:s8+s25], $0x80, v3, vm0, $0xb8;
	[tilespmem:$0x18080] =	vst v63  }
0xcb: {  	v3 =	vld [tilespmem:$0x60];
	_ =	sdelay $0x4  }
0xcc: {  	v62 =	vshll.u32 v3, $0x3  }
0xcd: {  	v3 =	vand.u32 $0x7, v3;
	v4 =	vand.u32 $0xFFFFFFC0, v62  }
0xce: {  	v3 =	vor.u32 v3, v4  }
0xcf: {  	v4 =	vperm.xlane v3, v0;
	_ =	sdelay $0x1  }
0xd0: {  	v4 =	vadd.s32 v1, v4;
	_ =	sdelay $0x3  }
0xd1: {  	s7 =	simm.s32 $0x8080  }
0xd2: {  	[tilespmem:s7], [sflag:$0x1] =	stream.indirect_vreg.gather [hbm4b:s3+s25], $0x80, v4, vm0, $0xb8;
	[tilespmem:$0x18080] =	vst v63  }
0xd3: {  	s26 =	simm.s32 $0x8880;
	v3 =	vperm.xlane v3, v2  }
0xd4: {  	[tilespmem:s26], [sflag:$0x1] =	stream.indirect_vreg.gather [hbm4b:s5+s25], $0x80, v4, vm0, $0xb8;
	[tilespmem:$0x18080] =	vst v63  }
0xd5: {  	s30 =	simm.s32 $0x9080;
	v3 =	vadd.s32 v1, v3  }
0xd6: {  	[tilespmem:s30], [sflag:$0x1] =	stream.indirect_vreg.gather [hbm4b:s6+s25], $0x80, v4, vm0, $0xb8;
	[tilespmem:$0x18080] =	vst v63  }
0xd7: {  	s31 =	simm.s32 $0x9880  }
0xd8: {  	[tilespmem:s31], [sflag:$0x1] =	stream.indirect_vreg.gather [hbm4b:s8+s25], $0x80, v4, vm0, $0xb8;
	[tilespmem:$0x18080] =	vst v63  }
0xd9: {  	_ = 	snop  }
0xda: {  	[tilespmem:s1], [sflag:$0x1] =	stream.indirect_vreg.gather [hbm4b:s3+s25], $0x80, v3, vm0, $0xb8;
	[tilespmem:$0x18080] =	vst v63  }
0xdb: {  	_ = 	snop  }
0xdc: {  	[tilespmem:s4], [sflag:$0x1] =	stream.indirect_vreg.gather [hbm4b:s5+s25], $0x80, v3, vm0, $0xb8;
	[tilespmem:$0x18080] =	vst v63  }
0xdd: {  	_ = 	snop  }
0xde: {  	[tilespmem:s12], [sflag:$0x1] =	stream.indirect_vreg.gather [hbm4b:s6+s25], $0x80, v3, vm0, $0xb8;
	[tilespmem:$0x18080] =	vst v63  }
0xdf: {  	_ = 	snop  }
0xe0: {  	[tilespmem:s13], [sflag:$0x1] =	stream.indirect_vreg.gather [hbm4b:s8+s25], $0x80, v3, vm0, $0xb8;
	[tilespmem:$0x18080] =	vst v63  }
0xe1: {  	v3 =	vld [tilespmem:$0x70];
	_ =	sdelay $0x4  }
0xe2: {  	v63 =	vshll.u32 v3, $0x3  }
0xe3: {  	v3 =	vand.u32 $0x7, v3;
	v4 =	vand.u32 $0xFFFFFFC0, v63  }
0xe4: {  	v3 =	vor.u32 v3, v4  }
0xe5: {  	v4 =	vperm.xlane v3, v0;
	_ =	sdelay $0x1  }
0xe6: {  	v4 =	vadd.s32 v1, v4;
	_ =	sdelay $0x4  }
0xe7: {  	[tilespmem:s14], [sflag:$0x1] =	stream.indirect_vreg.gather [hbm4b:s3+s25], $0x80, v4, vm0, $0xb8;
	[tilespmem:$0x18080] =	vst v63  }
0xe8: {  	v3 =	vperm.xlane v3, v2  }
0xe9: {  	[tilespmem:s15], [sflag:$0x1] =	stream.indirect_vreg.gather [hbm4b:s5+s25], $0x80, v4, vm0, $0xb8;
	[tilespmem:$0x18080] =	vst v63  }
0xea: {  	v3 =	vadd.s32 v1, v3  }
0xeb: {  	[tilespmem:s16], [sflag:$0x1] =	stream.indirect_vreg.gather [hbm4b:s6+s25], $0x80, v4, vm0, $0xb8;
	[tilespmem:$0x18080] =	vst v63  }
0xec: {  	_ = 	snop  }
0xed: {  	[tilespmem:s9], [sflag:$0x1] =	stream.indirect_vreg.gather [hbm4b:s8+s25], $0x80, v4, vm0, $0xb8;
	[tilespmem:$0x18080] =	vst v63  }
0xee: {  	_ = 	snop  }
0xef: {  	[tilespmem:s17], [sflag:$0x1] =	stream.indirect_vreg.gather [hbm4b:s3+s25], $0x80, v3, vm0, $0xb8;
	[tilespmem:$0x18080] =	vst v63  }
0xf0: {  	_ = 	snop  }
0xf1: {  	[tilespmem:s10], [sflag:$0x1] =	stream.indirect_vreg.gather [hbm4b:s5+s25], $0x80, v3, vm0, $0xb8;
	[tilespmem:$0x18080] =	vst v63  }
0xf2: {  	_ = 	snop  }
0xf3: {  	[tilespmem:s18], [sflag:$0x1] =	stream.indirect_vreg.gather [hbm4b:s6+s25], $0x80, v3, vm0, $0xb8;
	[tilespmem:$0x18080] =	vst v63  }
0xf4: {  	_ = 	snop  }
0xf5: {  	[tilespmem:s19], [sflag:$0x1] =	stream.indirect_vreg.gather [hbm4b:s8+s25], $0x80, v3, vm0, $0xb8;
	[tilespmem:$0x18080] =	vst v63  }
0xf6: {  	_ =	swait.ge [sflag:s20], $0x10000  }
0xf7: {  	[sflag:s20] =	ssyncset.done $0x0  }
0xf8: {  	[sflag:s20] =	ssyncadd.s32 $0xFFFF0000  }
0xf9: {  	_ =	swait.ge [sflag:s22], $0x8000  }
0xfa: {  	s28 =	simm.s32 $0x0;
	s29 =	simm.s32 $0x0;
	[sflag:s22] =	ssyncset.done $0x0  }
0xfb: {  	s7 =	simm.s32 $0x0;
	s26 =	simm.s32 $0x0;
	[sflag:s22] =	ssyncadd.s32 $0xFFFF8000  }
.LBB2_6:
0xfc: {  	s0 =	sshll.u32 s26, $0x2;
	s30 =	sand.u32 $0x3, s25  }
0xfd: {  	s0 =	sand.u32 $0xFFFF8000, s0;
	s30 =	sshll.u32 s30, $0xA  }
0xfe: {  	s0 =	sor.u32 s30, s0  }
0xff: {  	s0 =	sshrl.u32 s0, $0x2  }
0x100: {  	s0 =	sadd.s32 $0x100, s0  }
0x101: {  	v4 =	vld [tilespmem:s0+$0xFFFFFFF0]  }
0x102: {  	v5 =	vld [tilespmem:s0+$0x70]  }
0x103: {  	v3 =	vld [tilespmem:s0+$0x0]  }
0x104: {  	v6 =	vld [tilespmem:s0+$0xFFFFFF90]  }
0x105: {  	v7 =	vld [tilespmem:s0+$0x10]  }
0x106: {  	v8 =	vld [tilespmem:s0+$0xFFFFFFA0]  }
0x107: {  	v9 =	vld [tilespmem:s0+$0x20]  }
0x108: {  	s31 =	sand.u32 $0x7, s7;
	s30 =	sshll.u32 s28, $0x2;
	v10 =	vld [tilespmem:s0+$0xFFFFFFB0]  }
0x109: {  	s31 =	sshll.u32 s31, $0x9;
	s30 =	sand.u32 $0xFFFF8000, s30;
	v11 =	vld [tilespmem:s0+$0x30]  }
0x10a: {  	s30 =	sor.u32 s31, s30;
	v12 =	vld [tilespmem:s0+$0xFFFFFFC0]  }
0x10b: {  	s30 =	sshrl.u32 s30, $0x2;
	v13 =	vld [tilespmem:s0+$0x40];
	v5 =	vadd.f32 v5, v4  }
0x10c: {  	s30 =	sadd.s32 $0x100C0, s30;
	v7 =	vadd.f32 v7, v6;
	v4 =	vld [tilespmem:s0+$0xFFFFFFD0]  }
0x10d: {  	v8 =	vadd.f32 v9, v8;
	v6 =	vld [tilespmem:s0+$0x50];
	[tilespmem:s30+$0x30] =	vst v5  }
0x10e: {  	v9 =	vadd.f32 v11, v10;
	[tilespmem:s30+$0xFFFFFFD0] =	vst v7;
	v5 =	vld [tilespmem:s0+$0xFFFFFFE0]  }
0x10f: {  	[tilespmem:s30+$0xFFFFFFE0] =	vst v8;
	v8 =	vld [tilespmem:s0+$0x60]  }
0x110: {  	s31 =	simm.s32 $0x0;
	v7 =	vld [tilespmem:s0+$0xFFFFFF80];
	[tilespmem:s30+$0xFFFFFFF0] =	vst v9;
	v9 =	vadd.f32 v13, v12;
	s0 =	sadd.s32 $0x400, s0  }
.LBB2_7:
0x111: {  	v10 =	vld [tilespmem:s0+$0xFFFFFFF0]  }
0x112: {  	s31 =	sadd.s32 $0x8, s31;
	v11 =	vld [tilespmem:s0+$0x70];
	[tilespmem:s30+$0x0] =	vst v9;
	v4 =	vadd.f32 v6, v4  }
0x113: {  	p0 =	slt.u32 s31, $0x38;
	v6 =	vld [tilespmem:s0+$0x0]  }
0x114: {  	v9 =	vld [tilespmem:s0+$0xFFFFFF90];
	[tilespmem:s30+$0x10] =	vst v4;
	v4 =	vadd.f32 v8, v5  }
0x115: {  	v5 =	vld [tilespmem:s0+$0x10];
	v12 =	vadd.f32 v3, v7  }
0x116: {  	v7 =	vld [tilespmem:s0+$0xFFFFFFA0];
	[tilespmem:s30+$0x20] =	vst v4  }
0x117: {  	v4 =	vld [tilespmem:s0+$0x20];
	v8 =	vadd.f32 v11, v10;
	[tilespmem:s30+$0xFFFFFFC0] =	vst v12  }
0x118: {  	s30 =	sadd.s32 $0x400, s30;
	v10 =	vld [tilespmem:s0+$0xFFFFFFB0];
	v3 =	vmov v6  }
0x119: {  	v11 =	vld [tilespmem:s0+$0x30];
	[tilespmem:s30+$0x30] =	vst v8  }
0x11a: {  	v5 =	vadd.f32 v5, v9;
	v9 =	vld [tilespmem:s0+$0xFFFFFFC0]  }
0x11b: {  	v12 =	vld [tilespmem:s0+$0x40]  }
.Ltmp2:
0x11c: {  	[tilespmem:s30+$0xFFFFFFD0] =	vst v5;
	v5 =	vadd.f32 v4, v7;
	v4 =	vld [tilespmem:s0+$0xFFFFFFD0];
	(pc) =	sbr.rel @p0 .LBB2_7-.Ltmp2, $4  }
0x11d: {  	v6 =	vld [tilespmem:s0+$0x50]  }
0x11e: {  	[tilespmem:s30+$0xFFFFFFE0] =	vst v5;
	v10 =	vadd.f32 v11, v10;
	v5 =	vld [tilespmem:s0+$0xFFFFFFE0]  }
0x11f: {  	v8 =	vld [tilespmem:s0+$0x60]  }
0x120: {  	v7 =	vld [tilespmem:s0+$0xFFFFFF80];
	[tilespmem:s30+$0xFFFFFFF0] =	vst v10;
	v9 =	vadd.f32 v12, v9;
	s0 =	sadd.s32 $0x400, s0  }
0x121: {  	s29 =	sadd.s32 $0x1, s29  }
0x122: {  	p0 =	sne.s32 s29, $0x20  }
.Ltmp3:
0x123: {  	v4 =	vadd.f32 v6, v4;
	(pc) =	sbr.rel @p0 .LBB2_6-.Ltmp3, $4  }
0x124: {  	[tilespmem:s30+$0x0] =	vst v9;
	v5 =	vadd.f32 v8, v5  }
0x125: {  	[tilespmem:s30+$0x10] =	vst v4;
	v3 =	vadd.f32 v3, v7  }
0x126: {  	s28 =	sadd.s32 $0x400, s28;
	[tilespmem:s30+$0x20] =	vst v5  }
0x127: {  	s7 =	sadd.s32 $0x1, s7;
	s26 =	sadd.s32 $0x800, s26;
	s25 =	sadd.s32 $0x1, s25;
	[tilespmem:s30+$0xFFFFFFC0] =	vst v3  }
0x128: {  	s0 =	rddreg [dreg:$0x5]  }
0x129: {  	[hbm4b:s0+s2] =	stream.linear.scatter [tilespmem:s21], [sflag:$0x3], $0x8000, $0x38;
	[tilespmem:$0x18080] =	vst v63  }
0x12a: {  	_ =	swait.ge [sflag:s23], $0x8000  }
0x12b: {  	s24 =	sadd.s32 $0x1, s24;
	s31 =	rddreg [dreg:$0x6]  }
0x12c: {  	p0 =	sne.s32 s24, s31  }
.Ltmp4:
0x12d: {  	_ = 	snop;
	(pc) =	sbr.rel @p0 .LBB2_1-.Ltmp4, $3  }
0x12e: {  	_ =	sdelay $0x1  }
0x12f: {  	[sflag:s23] =	ssyncset.done $0x0  }
0x130: {  	[sflag:s23] =	ssyncadd.s32 $0xFFFF8000  }
0x131: {  	_ =	sfence.sel $0x180000  }
0x132: {  	[bflag:$0x0] =	sbarrier.arrive $0xFFFF  }
0x133: {  	_ =	strace $0x9000004D  }
0x134: {  	s0 =	stileid.u32;
	[bflag:$0x2] =	sbarrier.arrive $0xFFFF  }
0x135: {  	p0 =	sne.s32 s0, $0x0;
	s0 =	rddreg [dreg:$0x2]  }
0x136: {  	s0 =	sadd.s32 @!p0 $0x100000, s0  }
0x137: {  	[sflag:s0] =	ssyncadd.tile.s32 @!p0 $0x1;
	_ =	shalt  }
.Lfunc_end2:
_tile_overlayer_lowered:
.L_overlay_start_2:
0x138: {  	(tag) =	ssettag $0x2  }
0x139: {  	s0 =	rddreg [dreg:$0x0];
	s2 =	stileid.u32  }
0x13a: {  	s1 =	rddreg [dreg:$0x1];
	p0 =	sne.s32 s2, $0x0  }
0x13b: {  	s3 =	rddreg [dreg:$0x2];
	[bflag:$0x3] =	sbarrier.arrive $0xFFFF;
	s2 =	simm.s32 @!p0 $0x1C04  }
0x13c: {  	[timem:s3], [sflag:s2] =	dma.local @!p0 [hbm:s0], s1  }
0x13d: {  	s0 =	simm.s32 @!p0 $0x4  }
0x13e: {  	_ =	swait.ge @!p0 [sflag:s0], s1  }
0x13f: {  	s1 =	ssub.s32 @!p0 $0x0, s1;
	[sflag:s0] =	ssyncset.done @!p0 $0x0  }
0x140: {  	[sflag:s0] =	ssyncadd.s32 @!p0 s1  }
0x141: {  	[bflag:$0x3] =	sbarrier.arrive $0xFFFF  }
0x142: {  	_ =	shalt  }

// kernel: kernel.6.cloned.1.call-start
scs
__scs_entry_jumppad:
0x0: {  	(pc) =	sbr.rel $0x88, $3  }
0x1: {  	(tag) =	ssettag $0x0;
	lr =	simm.s32 $0x1  }
0x2: {  	[smem:$0x3F9C] =	sst lr;
	_ =	strace $0xD0000000  }
0x3: {  	_ = 	snop  }
0x4: {  	_ = 	snop  }
0x5: {  	_ = 	snop  }
0x6: {  	_ = 	snop  }
0x7: {  	_ = 	snop  }
__scs_overlays_trampoline_lowered:
0x8: {  	[smem:$0x3FAB] =	sst s0  }
0x9: {  	[smem:$0x3FAC] =	sst s1  }
0xa: {  	[smem:$0x3FAD] =	sst s2  }
0xb: {  	[smem:$0x3FAE] =	sst s3  }
0xc: {  	[smem:$0x3FAF] =	sst s4  }
0xd: {  	[smem:$0x3FB0] =	sst s5  }
0xe: {  	[smem:$0x3FB1] =	sst s6  }
0xf: {  	[smem:$0x3FB2] =	sst s7  }
0x10: {  	[smem:$0x3FB3] =	sst s8  }
0x11: {  	[smem:$0x3FB4] =	sst s9;
	s0 =	simm.s32 @!p0 $0x0  }
0x12: {  	s1 =	sld [smem:$0x3F9A];
	s0 =	simm.s32 @p0 $0x1  }
0x13: {  	[smem:$0x3FB5] =	sst s0;
	s0 =	simm.s32 @!p1 $0x0  }
0x14: {  	s2 =	sld [smem:$0x3F99];
	s0 =	simm.s32 @p1 $0x1  }
0x15: {  	[smem:$0x3FB6] =	sst s0;
	s0 =	simm.s32 @!p2 $0x0  }
0x16: {  	s3 =	sld [smem:$0x3FDB];
	s0 =	simm.s32 @p2 $0x1  }
0x17: {  	s4 =	simm.s32 $0x1BF5;
	[smem:$0x3FB8] =	sst s0  }
0x18: {  	s0 =	sld [smem:$0x3F9B];
	_ =	swait.ge [sflag:s4], $0x0  }
0x19: {  	s7 =	sld [smem:$0x3F9C]  }
0x1a: {  	s8 =	sadd.s32 $0xFFFFE003, lr  }
0x1b: {  	s9 =	sadd.s32 $0xFFFFFEF7, lr;
	s5 =	simm.s32 $0xFFFFFFFF;
	p2 =	slt.u32 s8, $0xFFFFF086  }
0x1c: {  	p1 =	slt.u32 s9, $0xF7A;
	s5 =	simm.s32 @!p2 $0x0  }
0x1d: {  	s5 =	simm.s32 @p1 $0x1;
	p0 =	seq.s32 s7, s2  }
0x1e: {  	s7 =	smul.u32 @!p0 $0xF7A, s2;
	p2 =	seq.s32 @!p0 s5, $0x0  }
0x1f: {  	s9 =	smul.u32 $0xF7A, s1;
	s8 =	simm.s32 @!p0 $0x1BF5;
	p2 =	por !p2, p0  }
0x20: {  	[sflag:s8] =	ssyncset.s32 @!p0 $0xFFFFF086;
	s6 =	sadd.s32 @!p0 s3, s7;
	s7 =	simm.s32 @!p0 $0x108  }
0x21: {  	s3 =	sadd.s32 s3, s9;
	s6 =	sadd.s32 @!p0 $0x88, s6;
	s7 =	simm.s32 @p2 $0x1082  }
0x22: {  	[simem:s7], [sflag:s8] =	dma.local @!p0 [hbm:s6], $0xF7A  }
0x23: {  	s9 =	sor.u32 $0xD0000000, s2;
	s6 =	simm.s32 $0x108;
	_ =	swait.ge @!p0 [sflag:s8], $0x0  }
0x24: {  	s3 =	sadd.s32 $0x88, s3;
	s6 =	simm.s32 @!p1 $0x1082;
	[sflag:s4] =	ssyncset.s32 $0xFFFFF086  }
0x25: {  	[simem:s6], [sflag:s4] =	dma.local [hbm:s3], $0xF7A  }
0x26: {  	[smem:$0x3F9C] =	sst s1;
	(tag) =	ssettag s2;
	_ =	strace s9  }
0x27: {  	s1 =	sld [smem:$0x3FAC]  }
0x28: {  	s2 =	sld [smem:$0x3FAD]  }
0x29: {  	s4 =	sld [smem:$0x3FAF]  }
0x2a: {  	p0 =	seq.s32 s5, $0x0;
	s5 =	sld [smem:$0x3FB0]  }
0x2b: {  	s6 =	sld [smem:$0x3FB1]  }
0x2c: {  	s7 =	sld [smem:$0x3FB2]  }
0x2d: {  	s3 =	simm.s32 $0x108;
	s8 =	sld [smem:$0x3FB3]  }
0x2e: {  	s3 =	simm.s32 @!p0 $0x1082;
	s9 =	sld [smem:$0x3FB4]  }
0x2f: {  	lr =	sadd.s32 s0, s3;
	s0 =	sld [smem:$0x3FAB]  }
0x30: {  	s3 =	sld [smem:$0x3FAE]  }
0x31: {  	[smem:$0x3FB7] =	sst s10  }
0x32: {  	s10 =	sld [smem:$0x3FB5];
	_ =	sdelay $0x3  }
0x33: {  	p0 =	seq.s32 s10, $0x1;
	s10 =	sld [smem:$0x3FB7];
	_ =	sdelay $0x3  }
0x34: {  	[smem:$0x3FB7] =	sst s10  }
0x35: {  	s10 =	sld [smem:$0x3FB6];
	_ =	sdelay $0x3  }
0x36: {  	p1 =	seq.s32 s10, $0x1;
	s10 =	sld [smem:$0x3FB7];
	_ =	sdelay $0x3  }
0x37: {  	[smem:$0x3FB7] =	sst s10  }
0x38: {  	s10 =	sld [smem:$0x3FB8]  }
0x39: {  	_ = 	snop;
	(pc) =	sbr.ind lr, $3  }
0x3a: {  	_ = 	snop  }
0x3b: {  	_ = 	snop  }
0x3c: {  	p2 =	seq.s32 s10, $0x1;
	s10 =	sld [smem:$0x3FB7]  }
0x3d: {  	_ =	shalt  }
0x3e: {  	_ =	shalt  }
0x3f: {  	_ =	shalt  }
0x40: {  	_ =	shalt  }
0x41: {  	_ =	shalt  }
0x42: {  	_ =	shalt  }
0x43: {  	_ =	shalt  }
0x44: {  	_ =	shalt  }
0x45: {  	_ =	shalt  }
0x46: {  	_ =	shalt  }
0x47: {  	_ =	shalt  }
0x48: {  	_ =	shalt  }
0x49: {  	_ =	shalt  }
0x4a: {  	_ =	shalt  }
0x4b: {  	_ =	shalt  }
0x4c: {  	_ =	shalt  }
0x4d: {  	_ =	shalt  }
0x4e: {  	_ =	shalt  }
0x4f: {  	_ =	shalt  }
0x50: {  	_ =	shalt  }
0x51: {  	_ =	shalt  }
0x52: {  	_ =	shalt  }
0x53: {  	_ =	shalt  }
0x54: {  	_ =	shalt  }
0x55: {  	_ =	shalt  }
0x56: {  	_ =	shalt  }
0x57: {  	_ =	shalt  }
0x58: {  	_ =	shalt  }
0x59: {  	_ =	shalt  }
0x5a: {  	_ =	shalt  }
0x5b: {  	_ =	shalt  }
0x5c: {  	_ =	shalt  }
0x5d: {  	_ =	shalt  }
0x5e: {  	_ =	shalt  }
0x5f: {  	_ =	shalt  }
0x60: {  	_ =	shalt  }
0x61: {  	_ =	shalt  }
0x62: {  	_ =	shalt  }
0x63: {  	_ =	shalt  }
0x64: {  	_ =	shalt  }
0x65: {  	_ =	shalt  }
0x66: {  	_ =	shalt  }
0x67: {  	_ =	shalt  }
0x68: {  	_ =	shalt  }
0x69: {  	_ =	shalt  }
0x6a: {  	_ =	shalt  }
0x6b: {  	_ =	shalt  }
0x6c: {  	_ =	shalt  }
0x6d: {  	_ =	shalt  }
0x6e: {  	_ =	shalt  }
0x6f: {  	_ =	shalt  }
0x70: {  	_ =	shalt  }
0x71: {  	_ =	shalt  }
0x72: {  	_ =	shalt  }
0x73: {  	_ =	shalt  }
0x74: {  	_ =	shalt  }
0x75: {  	_ =	shalt  }
0x76: {  	_ =	shalt  }
0x77: {  	_ =	shalt  }
0x78: {  	_ =	shalt  }
0x79: {  	_ =	shalt  }
0x7a: {  	_ =	shalt  }
0x7b: {  	_ =	shalt  }
0x7c: {  	_ =	shalt  }
0x7d: {  	_ =	shalt  }
0x7e: {  	_ =	shalt  }
0x7f: {  	_ =	shalt  }
0x80: {  	_ =	shalt  }
0x81: {  	_ =	shalt  }
0x82: {  	_ =	shalt  }
0x83: {  	_ =	shalt  }
0x84: {  	_ =	shalt  }
0x85: {  	_ =	shalt  }
0x86: {  	_ =	shalt  }
0x87: {  	_ =	shalt  }
.Lfunc_end0:
.L_simem_size_0:
called_computation_lowered:
.L_overlay_start_0:
0x88: {  	s2 =	sld [smem:$0x3FD9]  }
0x89: {  	s3 =	sld [smem:$0x3FFE];
	_ =	sdelay $0x1  }
0x8a: {  	s1 =	srdreg.scid  }
0x8b: {  	s0 =	sand.u32 $0x1, s1  }
0x8c: {  	s16 =	sshll.u32 s0, $0xA;
	s2 =	sadd.s32 s3, s2  }
0x8d: {  	s2 =	sadd.s32 s2, s16  }
0x8e: {  	[smem:$0x3FC3] =	sst s2  }
0x8f: {  	_ = 	snop  }
0x90: {  	(tm) =	ssettm $0x1  }
0x91: {  	s17 =	sld [smem:$0x3FFB];
	_ =	sdelay $0x3  }
0x92: {  	_ =	strace s17  }
0x93: {  	s2 =	sld [smem:$0x3FFC];
	_ =	sdelay $0x3  }
0x94: {  	_ =	strace s2  }
0x95: {  	s2 =	sld [smem:$0x3FFD];
	_ =	sdelay $0x3  }
0x96: {  	_ =	strace s2  }
0x97: {  	_ =	strace $0x8FFFFFFF  }
0x98: {  	s18 =	sld [smem:$0x3FDB];
	_ =	sdelay $0x1  }
0x99: {  	s19 =	simm.s32 $_scs_section_size  }
0x9a: {  	s4 =	simm.s32 $_size__tile_overlayer_lowered;
	s5 =	simm.s32 $_tile_overlayer_lowered  }
0x9b: {  	s22 =	simm.s32 $0x1BFF;
	s21 =	sshll.u32 s5, $0x1;
	s2 =	sadd.s32 s19, s18  }
0x9c: {  	s6 =	simm.s32 $0x0;
	s20 =	sshll.u32 s4, $0x1;
	s4 =	sadd.s32 s21, s2  }
0x9d: {  	[timem:s6], [sflag:s22] =	dma.local [hbm:s4], s20  }
0x9e: {  	_ =	swait.ge [sflag:s22], s20  }
0x9f: {  	s3 =	ssub.s32 $0x0, s20;
	[sflag:s22] =	ssyncset.done $0x0  }
0xa0: {  	[sflag:s22] =	ssyncadd.s32 s3;
	_ =	sdelay $0x1  }
0xa1: {  	s23 =	simm.s32 $0x1B8B  }
0xa2: {  	_ =	swait.ge [sflag:s23], $0x1  }
0xa3: {  	[sflag:s23] =	ssyncset.done $0x0  }
0xa4: {  	s25 =	simm.s32 $0x1B8E;
	s24 =	sld [smem:$0x3FFE];
	[sflag:s23] =	ssyncadd.s32 $0xFFFFFFFF  }
0xa5: {  	s26 =	simm.s32 $execute0_lowered;
	[smem:$0x3FD2] =	sst s25  }
0xa6: {  	s4 =	sshll.u32 s26, $0x1;
	_ =	strace $0x80000046;
	[dreg:$0x1] =	wrdreg $0xFFFFFFFF  }
0xa7: {  	s28 =	simm.s32 $_size_execute0_lowered;
	s2 =	sadd.s32 s2, s4;
	[dreg:$0x0] =	wrdreg $0x0  }
0xa8: {  	s4 =	sshll.u32 s28, $0x1;
	[dreg:$0x2] =	wrdreg s2  }
0xa9: {  	[dreg:$0x3] =	wrdreg s4  }
0xaa: {  	[dreg:$0x4] =	wrdreg $0xC0  }
0xab: {  	_ =	task [dreg:s6], $0x5FFFF  }
0xac: {  	[dreg:$0x1] =	wrdreg $0xFFFFFFFF  }
0xad: {  	[dreg:$0x0] =	wrdreg $0x60  }
0xae: {  	[dreg:$0x2] =	wrdreg s24  }
0xaf: {  	[dreg:$0x3] =	wrdreg $0x9  }
0xb0: {  	_ =	task.clear_ibuf [dreg:s6], $0x4FFFF;
	_ =	strace $0x90000046  }
0xb1: {  	s29 =	simm.s32 $0x9;
	_ =	strace $0x80000048  }
0xb2: {  	_ =	swait.ge [sflag:s29], $0x1  }
0xb3: {  	[sflag:s29] =	ssyncadd.s32 $0xFFFFFFFF  }
0xb4: {  	_ =	strace $0x90000048  }
0xb5: {  	_ =	sfence  }
0xb6: {  	s30 =	sld [smem:$0x0];
	_ =	sdelay $0x2  }
0xb7: {  	s31 =	sshll.u32 s1, $0xD;
	s1 =	sshrl.u32 s1, $0x2  }
0xb8: {  	s3 =	sand.u32 $0x4000, s31;
	s1 =	sadd.s32 s1, s30  }
0xb9: {  	s0 =	sor.u32 s3, s0;
	s1 =	sshll.u32 s1, $0x11  }
0xba: {  	s0 =	sor.u32 s1, s0  }
0xbb: {  	s0 =	sadd.s32 $0x8F2B, s0  }
0xbc: {  	[sflag:s0] =	ssyncadd.remote.s32 $0x1  }
0xbd: {  	_ =	sfence.sel $0xFFFF  }
0xbe: {  	[dreg:$0x0] =	wrdreg $0xFFFFFFFF;
	(pc) =	sbr.abs _section_cstart, $3  }
0xbf: {  	[dreg:$0x1] =	wrdreg $0xFFFFFFFF  }
0xc0: {  	_ =	task.clear_ibuf [dreg:s6], $0x2FFFF;
	_ =	strace $0x9FFFFFFF  }
0xc1: {  	(tm) =	ssettm $0x7FFFFFFF  }
tec
execute0_lowered:
.L_overlay_start_1:
0x0: {  	(tag) =	ssettag $0x1  }
0x1: {  	v0 =	vimm.s32 $0xFEDCBA98  }
0x2: {  	v1 =	vimm.s32 $0x76543210;
	v2 =	vimm.s32 $0x3210FEDC;
	v3 =	vimm.s32 $0xBA987654  }
0x3: {  	v4 =	vimm.s32 $0x10FEDCBA;
	v5 =	vimm.s32 $0x98765432;
	v6 =	vimm.s32 $0xFEDCBA9  }
0x4: {  	s3 =	rddreg [dreg:$0x0];
	v7 =	vimm.s32 $0x87654321;
	v0 =	vunpack.c.l.s4.s8 v0;
	v1 =	vunpack.c.l.s4.s8 v1  }
0x5: {  	s0 =	rddreg [dreg:$0x1];
	s4 =	srdreg.scid;
	v2 =	vunpack.c.l.s4.s8 v2;
	v3 =	vunpack.c.l.s4.s8 v3;
	v4 =	vunpack.c.l.s4.s8 v4  }
0x6: {  	s2 =	simm.s32 $0x0;
	s1 =	stileid.u32;
	s4 =	sand.u32 $0x1, s4;
	v5 =	vunpack.c.l.s4.s8 v5;
	v6 =	vunpack.c.l.s4.s8 v6;
	v7 =	vunpack.c.l.s4.s8 v7  }
0x7: {  	s7 =	simm.s32 $0x80;
	s5 =	sshll.u32 s1, $0x5;
	s6 =	sshll.u32 s4, $0x4;
	v0 =	vunpack.c.0.s8.s32 v0;
	v1 =	vunpack.c.0.s8.s32 v1;
	v2 =	vunpack.c.0.s8.s32 v2  }
0x8: {  	s8 =	simm.s32 $0x0;
	s4 =	ssub.s32 $0x2, s4;
	s5 =	sor.u32 s6, s5;
	v3 =	vunpack.c.0.s8.s32 v3;
	v4 =	vunpack.c.0.s8.s32 v4;
	v5 =	vunpack.c.0.s8.s32 v5  }
0x9: {  	[smem:$0x7FF] =	sst s2;
	s31 =	sshrl.u32 s4, $0x1;
	v6 =	vunpack.c.0.s8.s32 v6;
	v7 =	vunpack.c.0.s8.s32 v7;
	s5 =	sadd.s32 s5, s3;
	v0 =	vand.u32 $0xF, v0  }
0xa: {  	_ =	strace $0x80000047;
	s6 =	ssub.s32 s4, s31;
	s3 =	sadd.s32 $0x1400, s5;
	v0 =	vcombine.low v0, v1;
	v1 =	vcombine.low v3, v2  }
0xb: {  	s4 =	sadd.s32 $0x1600, s5;
	s5 =	smax.u32 s6, $0x1;
	s6 =	simm.s32 $0x1;
	v2 =	vcombine.low v5, v4;
	v3 =	vlaneseq.u32;
	v4 =	vcombine.low v7, v6  }
.LBB2_1:
0xc: {  	[tilespmem:s2], [sflag:$0x1] =	stream.linear.gather [hbm4b:s3+s2], $0x80, $0x38;
	[tilespmem:$0x100] =	vst v63  }
0xd: {  	_ =	swait.ge [sflag:s6], $0x80  }
0xe: {  	[sflag:s6] =	ssyncset.done $0x0  }
0xf: {  	[sflag:s6] =	ssyncadd.s32 $0xFFFFFF80  }
0x10: {  	v6 =	vld [tilespmem:$0x0]  }
0x11: {  	v7 =	vld [tilespmem:$0x10]  }
0x12: {  	v8 =	vld [tilespmem:$0x30]  }
0x13: {  	v9 =	vld [tilespmem:$0x40]  }
0x14: {  	v10 =	vld [tilespmem:$0x50]  }
0x15: {  	v11 =	vld [tilespmem:$0x70]  }
0x16: {  	v12 =	vld [tilespmem:$0x60]  }
0x17: {  	v13 =	vld [tilespmem:$0x20];
	_ =	sdelay $0x1  }
0x18: {  	v15 =	vmov s2  }
0x19: {  	v5 =	vimm.s32 $0x0;
	v14 =	vsub.s32 v11, v15;
	v16 =	vsub.s32 v10, v15  }
0x1a: {  	v17 =	vsub.s32 v12, v15;
	v18 =	vsub.s32 v8, v15;
	v19 =	vsub.s32 v9, v15  }
0x1b: {  	v20 =	vsub.s32 v6, v15;
	v21 =	vsub.s32 v7, v15;
	v22 =	vsub.s32 v13, v15  }
0x1c: {  	v23 =	vsub.s32 $0x0, v17;
	v24 =	vsub.s32 $0x0, v14;
	v25 =	vsub.s32 $0x0, v19  }
0x1d: {  	v26 =	vsub.s32 $0x0, v16;
	v27 =	vsub.s32 $0x0, v20;
	v28 =	vsub.s32 $0x0, v22  }
0x1e: {  	v29 =	vsub.s32 $0x0, v18;
	v30 =	vsub.s32 $0x0, v21;
	v24 =	vmin.u32 v14, v24  }
0x1f: {  	v14 =	vmin.u32 v16, v26;
	v16 =	vmin.u32 v17, v23;
	v17 =	vmin.u32 v22, v28  }
0x20: {  	v18 =	vmin.u32 v18, v29;
	v20 =	vmin.u32 v20, v27;
	v21 =	vmin.u32 v21, v30  }
0x21: {  	v19 =	vmin.u32 v19, v25;
	vm0 =	vlt.s32 v20, $0x1;
	vm1 =	vlt.s32 v21, $0x1  }
0x22: {  	vm2 =	vlt.s32 v17, $0x1;
	v20 =	vnsel vm0, $0x1, v20;
	v21 =	vnsel vm1, $0x1, v21  }
0x23: {  	vm0 =	vlt.s32 v18, $0x1;
	v17 =	vnsel vm2, $0x1, v17;
	v20 =	vadd.s32 v20, v21  }
0x24: {  	vm1 =	vlt.s32 v19, $0x1;
	v18 =	vnsel vm0, $0x1, v18;
	v17 =	vadd.s32 v17, v20  }
0x25: {  	v19 =	vnsel vm1, $0x1, v19;
	vm0 =	vlt.s32 v14, $0x1;
	v17 =	vadd.s32 v18, v17  }
0x26: {  	v14 =	vnsel vm0, $0x1, v14;
	vm0 =	vlt.s32 v16, $0x1;
	v17 =	vadd.s32 v19, v17  }
0x27: {  	s9 =	simm.s32 $0x1;
	v16 =	vnsel vm0, $0x1, v16;
	vm0 =	vlt.s32 v24, $0x1;
	v17 =	vadd.s32 v14, v17  }
0x28: {  	v18 =	vnsel vm0, $0x1, v24;
	v14 =	vmov s9;
	v16 =	vadd.s32 v16, v17  }
0x29: {  	vm0 =	veq.s32 v15, v3;
	v17 =	vsub.s32 v11, v14;
	v16 =	vadd.s32 v18, v16  }
0x2a: {  	v23 =	vsub.s32 v10, v14;
	v30 =	vsub.s32 v12, v14;
	v15 =	vsub.s32 $0x8, v16  }
0x2b: {  	v19 =	vsub.s32 v8, v14;
	v21 =	vsub.s32 v6, v14;
	v16 =	vperm.xlane v15, v0  }
0x2c: {  	v22 =	vsub.s32 v7, v14;
	v24 =	vsub.s32 v13, v14;
	v18 =	vsub.s32 v9, v14  }
0x2d: {  	v31 =	vsub.s32 $0x0, v30;
	v20 =	vsub.s32 $0x0, v17;
	v16 =	vadd.s32 v15, v16  }
0x2e: {  	v32 =	vsub.s32 $0x0, v23;
	v26 =	vsub.s32 $0x0, v21;
	v33 =	vperm.xlane v16, v1  }
0x2f: {  	v28 =	vsub.s32 $0x0, v24;
	v29 =	vsub.s32 $0x0, v19;
	v27 =	vsub.s32 $0x0, v22  }
0x30: {  	v25 =	vsub.s32 $0x0, v18;
	v15 =	vmin.u32 v17, v20;
	v20 =	vadd.s32 v33, v16  }
0x31: {  	s9 =	simm.s32 $0x2;
	v17 =	vmin.u32 v23, v32;
	v16 =	vmin.u32 v30, v31;
	v23 =	vperm.xlane v20, v2  }
.LBB2_2:
0x32: {  	p0 =	sne.s32 s9, $0xF;
	v24 =	vmin.u32 v24, v28;
	v19 =	vmin.u32 v19, v29;
	v18 =	vmin.u32 v18, v25  }
0x33: {  	v21 =	vmin.u32 v21, v26;
	v22 =	vmin.u32 v22, v27;
	v20 =	vadd.s32 v23, v20  }
0x34: {  	vm1 =	vlt.s32 v19, $0x1;
	vm2 =	vlt.s32 v18, $0x1;
	v23 =	vperm.xlane v20, v4  }
0x35: {  	vm3 =	vlt.s32 v21, $0x1;
	vm4 =	vlt.s32 v22, $0x1;
	vm5 =	vlt.s32 v24, $0x1  }
0x36: {  	v21 =	vnsel vm3, $0x1, v21;
	v22 =	vnsel vm4, $0x1, v22;
	v20 =	vadd.s32 v23, v20  }
0x37: {  	v21 =	vadd.s32 v21, v22;
	v23 =	vnsel vm5, $0x1, v24;
	v20 =	vnsel vm0, $0x0, v20  }
0x38: {  	v19 =	vnsel vm1, $0x1, v19;
	v21 =	vadd.s32 v23, v21;
	v5 =	vadd.s32 v5, v20  }
0x39: {  	v18 =	vnsel vm2, $0x1, v18;
	vm0 =	vlt.s32 v17, $0x1;
	v19 =	vadd.s32 v19, v21  }
0x3a: {  	v17 =	vnsel vm0, $0x1, v17;
	vm0 =	vlt.s32 v16, $0x1;
	v18 =	vadd.s32 v18, v19  }
0x3b: {  	v16 =	vnsel vm0, $0x1, v16;
	vm0 =	vlt.s32 v15, $0x1;
	v17 =	vadd.s32 v17, v18  }
0x3c: {  	v18 =	vmov s9;
	v15 =	vnsel vm0, $0x1, v15;
	v16 =	vadd.s32 v16, v17  }
0x3d: {  	vm0 =	veq.s32 v14, v3;
	v17 =	vsub.s32 v11, v18;
	v14 =	vmovc v18;
	v15 =	vadd.s32 v15, v16  }
0x3e: {  	v16 =	vsub.s32 v10, v14;
	v23 =	vsub.s32 v12, v14;
	v15 =	vsub.s32 $0x8, v15  }
0x3f: {  	v19 =	vsub.s32 v8, v14;
	v18 =	vsub.s32 v9, v14;
	v20 =	vperm.xlane v15, v0  }
0x40: {  	v21 =	vsub.s32 v6, v14;
	v22 =	vsub.s32 v7, v14;
	v24 =	vsub.s32 v13, v14  }
.Ltmp0:
0x41: {  	v31 =	vsub.s32 $0x0, v17;
	v30 =	vsub.s32 $0x0, v23;
	v20 =	vadd.s32 v15, v20;
	(pc) =	sbr.rel @p0 .LBB2_2-.Ltmp0, $4  }
0x42: {  	v25 =	vsub.s32 $0x0, v18;
	v32 =	vsub.s32 $0x0, v16;
	v33 =	vperm.xlane v20, v1  }
0x43: {  	v26 =	vsub.s32 $0x0, v21;
	v28 =	vsub.s32 $0x0, v24;
	v29 =	vsub.s32 $0x0, v19  }
0x44: {  	v27 =	vsub.s32 $0x0, v22;
	v15 =	vmin.u32 v17, v31;
	v20 =	vadd.s32 v33, v20  }
0x45: {  	s9 =	sadd.s32 $0x1, s9;
	v17 =	vmin.u32 v16, v32;
	v16 =	vmin.u32 v23, v30;
	v23 =	vperm.xlane v20, v2  }
0x46: {  	v6 =	vmin.u32 v24, v28  }
0x47: {  	v7 =	vmin.u32 v19, v29;
	v8 =	vmin.u32 v21, v26;
	v9 =	vmin.u32 v22, v27  }
0x48: {  	v10 =	vmin.u32 v18, v25;
	vm1 =	vlt.s32 v8, $0x1;
	vm2 =	vlt.s32 v9, $0x1  }
0x49: {  	vm3 =	vlt.s32 v6, $0x1;
	v8 =	vnsel vm1, $0x1, v8;
	v9 =	vnsel vm2, $0x1, v9  }
0x4a: {  	vm10 =	vlt.s32 v7, $0x1;
	v6 =	vnsel vm3, $0x1, v6;
	v8 =	vadd.s32 v8, v9  }
0x4b: {  	vm11 =	vlt.s32 v10, $0x1;
	v7 =	vnsel vm10, $0x1, v7;
	v6 =	vadd.s32 v6, v8  }
0x4c: {  	vm12 =	vlt.s32 v17, $0x1;
	v60 =	vnsel vm11, $0x1, v10;
	v6 =	vadd.s32 v7, v6  }
0x4d: {  	vm13 =	vlt.s32 v16, $0x1;
	v7 =	vnsel vm12, $0x1, v17;
	v6 =	vadd.s32 v60, v6  }
0x4e: {  	vm14 =	vlt.s32 v15, $0x1;
	v61 =	vnsel vm13, $0x1, v16;
	v6 =	vadd.s32 v7, v6  }
0x4f: {  	v7 =	vnsel vm14, $0x1, v15;
	v6 =	vadd.s32 v61, v6  }
0x50: {  	v6 =	vadd.s32 v7, v6  }
0x51: {  	v6 =	vsub.s32 $0x8, v6  }
0x52: {  	v7 =	vperm.xlane v6, v0;
	_ =	sdelay $0x1  }
0x53: {  	v6 =	vadd.s32 v6, v7  }
0x54: {  	v7 =	vperm.xlane v6, v1;
	_ =	sdelay $0x1  }
0x55: {  	v6 =	vadd.s32 v7, v6  }
0x56: {  	v7 =	vperm.xlane v6, v2  }
0x57: {  	v62 =	vadd.s32 v23, v20  }
0x58: {  	v63 =	vperm.xlane v62, v4;
	v6 =	vadd.s32 v7, v6  }
0x59: {  	v7 =	vperm.xlane v6, v4  }
0x5a: {  	v8 =	vadd.s32 v63, v62  }
0x5b: {  	vm15 =	veq.s32 v14, v3;
	v8 =	vnsel vm0, $0x0, v8;
	v6 =	vadd.s32 v7, v6  }
0x5c: {  	s8 =	sadd.s32 $0x1, s8;
	v5 =	vadd.s32 v5, v8;
	v6 =	vnsel vm15, $0x0, v6  }
0x5d: {  	p0 =	sne.s32 s8, s5;
	v5 =	vadd.s32 v5, v6  }
.Ltmp1:
0x5e: {  	[tilespmem:$0x80] =	vst v5;
	(pc) =	sbr.rel @p0 .LBB2_1-.Ltmp1, $4  }
0x5f: {  	[hbm4b:s4+s2] =	stream.linear.scatter [tilespmem:s7], [sflag:$0x1], $0x80, $0x38;
	[tilespmem:$0x100] =	vst v63  }
0x60: {  	_ =	swait.ge [sflag:s6], $0x80  }
0x61: {  	[sflag:s6] =	ssyncset.done $0x0  }
0x62: {  	[sflag:s6] =	ssyncadd.s32 $0xFFFFFF80  }
0x63: {  	_ =	sfence.sel $0x180000  }
0x64: {  	[bflag:$0x0] =	sbarrier.arrive $0xFFFF  }
0x65: {  	p0 =	sne.s32 s1, $0x0;
	_ =	strace $0x90000047  }
0x66: {  	s0 =	sadd.s32 @!p0 $0x100000, s0;
	[bflag:$0x2] =	sbarrier.arrive $0xFFFF  }
0x67: {  	[sflag:s0] =	ssyncadd.tile.s32 @!p0 $0x1;
	_ =	shalt  }
.Lfunc_end2:
_tile_overlayer_lowered:
.L_overlay_start_2:
0x68: {  	(tag) =	ssettag $0x2  }
0x69: {  	s0 =	rddreg [dreg:$0x0];
	s2 =	stileid.u32  }
0x6a: {  	s1 =	rddreg [dreg:$0x1];
	p0 =	sne.s32 s2, $0x0  }
0x6b: {  	s3 =	rddreg [dreg:$0x2];
	[bflag:$0x3] =	sbarrier.arrive $0xFFFF;
	s2 =	simm.s32 @!p0 $0x1C01  }
0x6c: {  	[timem:s3], [sflag:s2] =	dma.local @!p0 [hbm:s0], s1  }
0x6d: {  	s0 =	simm.s32 @!p0 $0x1  }
0x6e: {  	_ =	swait.ge @!p0 [sflag:s0], s1  }
0x6f: {  	s1 =	ssub.s32 @!p0 $0x0, s1;
	[sflag:s0] =	ssyncset.done @!p0 $0x0  }
0x70: {  	[sflag:s0] =	ssyncadd.s32 @!p0 s1  }
0x71: {  	[bflag:$0x3] =	sbarrier.arrive $0xFFFF  }
0x72: {  	_ =	shalt  }

// kernel: kernel.9.cloned.1.call-start
scs
__scs_entry_jumppad:
0x0: {  	(pc) =	sbr.rel $0x88, $3  }
0x1: {  	(tag) =	ssettag $0x0;
	lr =	simm.s32 $0x1  }
0x2: {  	[smem:$0x3F9C] =	sst lr;
	_ =	strace $0xD0000000  }
0x3: {  	_ = 	snop  }
0x4: {  	_ = 	snop  }
0x5: {  	_ = 	snop  }
0x6: {  	_ = 	snop  }
0x7: {  	_ = 	snop  }
__scs_overlays_trampoline_lowered:
0x8: {  	[smem:$0x3FAB] =	sst s0  }
0x9: {  	[smem:$0x3FAC] =	sst s1  }
0xa: {  	[smem:$0x3FAD] =	sst s2  }
0xb: {  	[smem:$0x3FAE] =	sst s3  }
0xc: {  	[smem:$0x3FAF] =	sst s4  }
0xd: {  	[smem:$0x3FB0] =	sst s5  }
0xe: {  	[smem:$0x3FB1] =	sst s6  }
0xf: {  	[smem:$0x3FB2] =	sst s7  }
0x10: {  	[smem:$0x3FB3] =	sst s8  }
0x11: {  	[smem:$0x3FB4] =	sst s9;
	s0 =	simm.s32 @!p0 $0x0  }
0x12: {  	s1 =	sld [smem:$0x3F9A];
	s0 =	simm.s32 @p0 $0x1  }
0x13: {  	[smem:$0x3FB5] =	sst s0;
	s0 =	simm.s32 @!p1 $0x0  }
0x14: {  	s2 =	sld [smem:$0x3F99];
	s0 =	simm.s32 @p1 $0x1  }
0x15: {  	[smem:$0x3FB6] =	sst s0;
	s0 =	simm.s32 @!p2 $0x0  }
0x16: {  	s3 =	sld [smem:$0x3FDB];
	s0 =	simm.s32 @p2 $0x1  }
0x17: {  	s4 =	simm.s32 $0x1BF5;
	[smem:$0x3FB8] =	sst s0  }
0x18: {  	s0 =	sld [smem:$0x3F9B];
	_ =	swait.ge [sflag:s4], $0x0  }
0x19: {  	s7 =	sld [smem:$0x3F9C]  }
0x1a: {  	s8 =	sadd.s32 $0xFFFFE003, lr  }
0x1b: {  	s9 =	sadd.s32 $0xFFFFFEF7, lr;
	s5 =	simm.s32 $0xFFFFFFFF;
	p2 =	slt.u32 s8, $0xFFFFF086  }
0x1c: {  	p1 =	slt.u32 s9, $0xF7A;
	s5 =	simm.s32 @!p2 $0x0  }
0x1d: {  	s5 =	simm.s32 @p1 $0x1;
	p0 =	seq.s32 s7, s2  }
0x1e: {  	s7 =	smul.u32 @!p0 $0xF7A, s2;
	p2 =	seq.s32 @!p0 s5, $0x0  }
0x1f: {  	s9 =	smul.u32 $0xF7A, s1;
	s8 =	simm.s32 @!p0 $0x1BF5;
	p2 =	por !p2, p0  }
0x20: {  	[sflag:s8] =	ssyncset.s32 @!p0 $0xFFFFF086;
	s6 =	sadd.s32 @!p0 s3, s7;
	s7 =	simm.s32 @!p0 $0x108  }
0x21: {  	s3 =	sadd.s32 s3, s9;
	s6 =	sadd.s32 @!p0 $0x88, s6;
	s7 =	simm.s32 @p2 $0x1082  }
0x22: {  	[simem:s7], [sflag:s8] =	dma.local @!p0 [hbm:s6], $0xF7A  }
0x23: {  	s9 =	sor.u32 $0xD0000000, s2;
	s6 =	simm.s32 $0x108;
	_ =	swait.ge @!p0 [sflag:s8], $0x0  }
0x24: {  	s3 =	sadd.s32 $0x88, s3;
	s6 =	simm.s32 @!p1 $0x1082;
	[sflag:s4] =	ssyncset.s32 $0xFFFFF086  }
0x25: {  	[simem:s6], [sflag:s4] =	dma.local [hbm:s3], $0xF7A  }
0x26: {  	[smem:$0x3F9C] =	sst s1;
	(tag) =	ssettag s2;
	_ =	strace s9  }
0x27: {  	s1 =	sld [smem:$0x3FAC]  }
0x28: {  	s2 =	sld [smem:$0x3FAD]  }
0x29: {  	s4 =	sld [smem:$0x3FAF]  }
0x2a: {  	p0 =	seq.s32 s5, $0x0;
	s5 =	sld [smem:$0x3FB0]  }
0x2b: {  	s6 =	sld [smem:$0x3FB1]  }
0x2c: {  	s7 =	sld [smem:$0x3FB2]  }
0x2d: {  	s3 =	simm.s32 $0x108;
	s8 =	sld [smem:$0x3FB3]  }
0x2e: {  	s3 =	simm.s32 @!p0 $0x1082;
	s9 =	sld [smem:$0x3FB4]  }
0x2f: {  	lr =	sadd.s32 s0, s3;
	s0 =	sld [smem:$0x3FAB]  }
0x30: {  	s3 =	sld [smem:$0x3FAE]  }
0x31: {  	[smem:$0x3FB7] =	sst s10  }
0x32: {  	s10 =	sld [smem:$0x3FB5];
	_ =	sdelay $0x3  }
0x33: {  	p0 =	seq.s32 s10, $0x1;
	s10 =	sld [smem:$0x3FB7];
	_ =	sdelay $0x3  }
0x34: {  	[smem:$0x3FB7] =	sst s10  }
0x35: {  	s10 =	sld [smem:$0x3FB6];
	_ =	sdelay $0x3  }
0x36: {  	p1 =	seq.s32 s10, $0x1;
	s10 =	sld [smem:$0x3FB7];
	_ =	sdelay $0x3  }
0x37: {  	[smem:$0x3FB7] =	sst s10  }
0x38: {  	s10 =	sld [smem:$0x3FB8]  }
0x39: {  	_ = 	snop;
	(pc) =	sbr.ind lr, $3  }
0x3a: {  	_ = 	snop  }
0x3b: {  	_ = 	snop  }
0x3c: {  	p2 =	seq.s32 s10, $0x1;
	s10 =	sld [smem:$0x3FB7]  }
0x3d: {  	_ =	shalt  }
0x3e: {  	_ =	shalt  }
0x3f: {  	_ =	shalt  }
0x40: {  	_ =	shalt  }
0x41: {  	_ =	shalt  }
0x42: {  	_ =	shalt  }
0x43: {  	_ =	shalt  }
0x44: {  	_ =	shalt  }
0x45: {  	_ =	shalt  }
0x46: {  	_ =	shalt  }
0x47: {  	_ =	shalt  }
0x48: {  	_ =	shalt  }
0x49: {  	_ =	shalt  }
0x4a: {  	_ =	shalt  }
0x4b: {  	_ =	shalt  }
0x4c: {  	_ =	shalt  }
0x4d: {  	_ =	shalt  }
0x4e: {  	_ =	shalt  }
0x4f: {  	_ =	shalt  }
0x50: {  	_ =	shalt  }
0x51: {  	_ =	shalt  }
0x52: {  	_ =	shalt  }
0x53: {  	_ =	shalt  }
0x54: {  	_ =	shalt  }
0x55: {  	_ =	shalt  }
0x56: {  	_ =	shalt  }
0x57: {  	_ =	shalt  }
0x58: {  	_ =	shalt  }
0x59: {  	_ =	shalt  }
0x5a: {  	_ =	shalt  }
0x5b: {  	_ =	shalt  }
0x5c: {  	_ =	shalt  }
0x5d: {  	_ =	shalt  }
0x5e: {  	_ =	shalt  }
0x5f: {  	_ =	shalt  }
0x60: {  	_ =	shalt  }
0x61: {  	_ =	shalt  }
0x62: {  	_ =	shalt  }
0x63: {  	_ =	shalt  }
0x64: {  	_ =	shalt  }
0x65: {  	_ =	shalt  }
0x66: {  	_ =	shalt  }
0x67: {  	_ =	shalt  }
0x68: {  	_ =	shalt  }
0x69: {  	_ =	shalt  }
0x6a: {  	_ =	shalt  }
0x6b: {  	_ =	shalt  }
0x6c: {  	_ =	shalt  }
0x6d: {  	_ =	shalt  }
0x6e: {  	_ =	shalt  }
0x6f: {  	_ =	shalt  }
0x70: {  	_ =	shalt  }
0x71: {  	_ =	shalt  }
0x72: {  	_ =	shalt  }
0x73: {  	_ =	shalt  }
0x74: {  	_ =	shalt  }
0x75: {  	_ =	shalt  }
0x76: {  	_ =	shalt  }
0x77: {  	_ =	shalt  }
0x78: {  	_ =	shalt  }
0x79: {  	_ =	shalt  }
0x7a: {  	_ =	shalt  }
0x7b: {  	_ =	shalt  }
0x7c: {  	_ =	shalt  }
0x7d: {  	_ =	shalt  }
0x7e: {  	_ =	shalt  }
0x7f: {  	_ =	shalt  }
0x80: {  	_ =	shalt  }
0x81: {  	_ =	shalt  }
0x82: {  	_ =	shalt  }
0x83: {  	_ =	shalt  }
0x84: {  	_ =	shalt  }
0x85: {  	_ =	shalt  }
0x86: {  	_ =	shalt  }
0x87: {  	_ =	shalt  }
.Lfunc_end0:
.L_simem_size_0:
called_computation.1_lowered:
.L_overlay_start_0:
0x88: {  	s2 =	sld [smem:$0x3FD9]  }
0x89: {  	s3 =	sld [smem:$0x3FFE];
	_ =	sdelay $0x1  }
0x8a: {  	s1 =	srdreg.scid  }
0x8b: {  	s0 =	sand.u32 $0x1, s1  }
0x8c: {  	s17 =	sshll.u32 s0, $0xA;
	s2 =	sadd.s32 s3, s2  }
0x8d: {  	s2 =	sadd.s32 s2, s17  }
0x8e: {  	[smem:$0x3FC3] =	sst s2  }
0x8f: {  	_ = 	snop  }
0x90: {  	s2 =	sld [smem:$0x3FC9]  }
0x91: {  	s18 =	sld [smem:$0x3FD0];
	(tm) =	ssettm $0x1  }
0x92: {  	s4 =	sld [smem:$0x3FFB];
	_ =	sdelay $0x3  }
0x93: {  	_ =	strace s4  }
0x94: {  	s4 =	sld [smem:$0x3FFC];
	_ =	sdelay $0x3  }
0x95: {  	_ =	strace s4  }
0x96: {  	s4 =	sld [smem:$0x3FFD];
	_ =	sdelay $0x3  }
0x97: {  	_ =	strace s4  }
0x98: {  	_ =	strace $0x8FFFFFFF  }
0x99: {  	s19 =	sld [smem:$0x3FDB];
	_ =	sdelay $0x1  }
0x9a: {  	s5 =	simm.s32 $_scs_section_size  }
0x9b: {  	s6 =	simm.s32 $_size__tile_overlayer_lowered;
	s7 =	simm.s32 $_tile_overlayer_lowered  }
0x9c: {  	s22 =	simm.s32 $0x1BFF;
	s21 =	sshll.u32 s7, $0x1;
	s4 =	sadd.s32 s5, s19  }
0x9d: {  	s8 =	simm.s32 $0x0;
	s20 =	sshll.u32 s6, $0x1;
	s6 =	sadd.s32 s21, s4  }
0x9e: {  	[timem:s8], [sflag:s22] =	dma.local [hbm:s6], s20  }
0x9f: {  	_ =	swait.ge [sflag:s22], s20  }
0xa0: {  	s5 =	ssub.s32 $0x0, s20;
	[sflag:s22] =	ssyncset.done $0x0  }
0xa1: {  	[sflag:s22] =	ssyncadd.s32 s5;
	_ =	sdelay $0x1  }
0xa2: {  	s23 =	simm.s32 $0x1B8B  }
0xa3: {  	_ =	swait.ge [sflag:s23], $0x1  }
0xa4: {  	[sflag:s23] =	ssyncset.done $0x0  }
0xa5: {  	s25 =	simm.s32 $0x1B8E;
	s24 =	sld [smem:$0x3FFE];
	[sflag:s23] =	ssyncadd.s32 $0xFFFFFFFF  }
0xa6: {  	s26 =	simm.s32 $execute0_lowered;
	[smem:$0x3FD2] =	sst s25  }
0xa7: {  	s6 =	sshll.u32 s26, $0x1;
	_ =	strace $0x80000049;
	[dreg:$0x1] =	wrdreg $0xFFFFFFFF  }
0xa8: {  	s28 =	simm.s32 $_size_execute0_lowered;
	s4 =	sadd.s32 s4, s6;
	[dreg:$0x0] =	wrdreg $0x0  }
0xa9: {  	s6 =	sshll.u32 s28, $0x1;
	[dreg:$0x2] =	wrdreg s4  }
0xaa: {  	[dreg:$0x3] =	wrdreg s6  }
0xab: {  	[dreg:$0x4] =	wrdreg $0xC0  }
0xac: {  	_ =	task [dreg:s8], $0x5FFFF  }
0xad: {  	[dreg:$0x1] =	wrdreg $0xFFFFFFFF  }
0xae: {  	[dreg:$0x0] =	wrdreg $0x60  }
0xaf: {  	[dreg:$0x2] =	wrdreg s2  }
0xb0: {  	[dreg:$0x3] =	wrdreg s24  }
0xb1: {  	[dreg:$0x4] =	wrdreg s18  }
0xb2: {  	[dreg:$0x5] =	wrdreg $0x9  }
0xb3: {  	_ =	task.clear_ibuf [dreg:s8], $0x6FFFF;
	_ =	strace $0x90000049  }
0xb4: {  	s29 =	simm.s32 $0x9;
	_ =	strace $0x8000004B  }
0xb5: {  	_ =	swait.ge [sflag:s29], $0x1  }
0xb6: {  	[sflag:s29] =	ssyncadd.s32 $0xFFFFFFFF  }
0xb7: {  	_ =	strace $0x9000004B  }
0xb8: {  	_ =	sfence  }
0xb9: {  	s30 =	sld [smem:$0x0];
	_ =	sdelay $0x2  }
0xba: {  	s31 =	sshll.u32 s1, $0xD;
	s1 =	sshrl.u32 s1, $0x2  }
0xbb: {  	s3 =	sand.u32 $0x4000, s31;
	s1 =	sadd.s32 s1, s30  }
0xbc: {  	s0 =	sor.u32 s3, s0;
	s1 =	sshll.u32 s1, $0x11  }
0xbd: {  	s0 =	sor.u32 s1, s0  }
0xbe: {  	s0 =	sadd.s32 $0x8F2B, s0  }
0xbf: {  	[sflag:s0] =	ssyncadd.remote.s32 $0x1  }
0xc0: {  	_ =	sfence.sel $0xFFFF  }
0xc1: {  	[dreg:$0x0] =	wrdreg $0xFFFFFFFF;
	(pc) =	sbr.abs _section_cstart, $3  }
0xc2: {  	[dreg:$0x1] =	wrdreg $0xFFFFFFFF  }
0xc3: {  	_ =	task.clear_ibuf [dreg:s8], $0x2FFFF;
	_ =	strace $0x9FFFFFFF  }
0xc4: {  	(tm) =	ssettm $0x7FFFFFFF  }
0xc5: {  	_ =	shalt  }
tec
execute0_lowered:
.L_overlay_start_1:
0x0: {  	(tag) =	ssettag $0x1  }
0x1: {  	s0 =	srdreg.scid;
	s1 =	stileid.u32  }
0x2: {  	s0 =	sand.u32 $0x1, s0;
	s1 =	sshll.u32 s1, $0x1  }
0x3: {  	s1 =	sor.u32 s0, s1  }
0x4: {  	v14 =	vmov s1  }
0x5: {  	v0 =	vimm.s32 $0x0;
	vm0 =	veq.s32 v14, $0x1F  }
0x6: {  	v0 =	vsel vm0, $0xFFFFFFFF, v0  }
0x7: {  	vm0 =	vgt.u32 v14, $0x1D;
	[tilespmem:$0x1FEE0] =	vst v0;
	v0 =	vimm.s32 $0x0  }
0x8: {  	v0 =	vsel vm0, $0xFFFFFFFF, v0  }
0x9: {  	vm0 =	vgt.u32 v14, $0x1C;
	[tilespmem:$0x1FEF0] =	vst v0;
	v0 =	vimm.s32 $0x0  }
0xa: {  	v0 =	vsel vm0, $0xFFFFFFFF, v0  }
0xb: {  	vm0 =	vgt.u32 v14, $0x1B;
	[tilespmem:$0x1FF00] =	vst v0;
	v0 =	vimm.s32 $0x0  }
0xc: {  	v0 =	vsel vm0, $0xFFFFFFFF, v0  }
0xd: {  	vm0 =	vgt.u32 v14, $0x1A;
	[tilespmem:$0x1FF10] =	vst v0;
	v0 =	vimm.s32 $0x0  }
0xe: {  	v1 =	vimm.s32 $0x0;
	v0 =	vsel vm0, $0xFFFFFFFF, v0  }
0xf: {  	v2 =	vimm.s32 $0xFFFFFFFF;
	vm0 =	vgt.u32 v14, $0x19;
	[tilespmem:$0x1FF20] =	vst v0;
	v0 =	vimm.s32 $0x0  }
0x10: {  	v4 =	vimm.s32 $0x65432100;
	v6 =	vimm.s32 $0x7060504;
	v0 =	vsel vm0, $0xFFFFFFFF, v0  }
0x11: {  	v7 =	vimm.s32 $0x0;
	vm0 =	vgt.u32 v14, $0x18;
	[tilespmem:$0x1FF30] =	vst v0;
	v0 =	vimm.s32 $0x0  }
0x12: {  	v8 =	vimm.s32 $0xBA987654;
	v10 =	vimm.s32 $0xFDB97531;
	v0 =	vsel vm0, $0xFFFFFFFF, v0  }
0x13: {  	vm15 =	vcmask $0x1F00;
	vm0 =	vgt.u32 v14, $0x17;
	[tilespmem:$0x1FF40] =	vst v0;
	v0 =	vimm.s32 $0x0  }
0x14: {  	v4 =	vunpack.c.l.s4.s8 v4;
	v10 =	vunpack.c.l.s4.s8 v10;
	v0 =	vsel vm0, $0xFFFFFFFF, v0  }
0x15: {  	v6 =	vunpack.c.0.s8.s32 v6;
	vm0 =	vgt.u32 v14, $0x16;
	[tilespmem:$0x1FF50] =	vst v0;
	v0 =	vimm.s32 $0x0  }
0x16: {  	v4 =	vunpack.c.0.s8.s32 v4;
	v16 =	vunpack.c.0.s8.s32 v10;
	v0 =	vsel vm0, $0xFFFFFFFF, v0  }
0x17: {  	v10 =	vimm.s32 $0xF;
	vm0 =	vgt.u32 v14, $0x15;
	[tilespmem:$0x1FF60] =	vst v0;
	v0 =	vimm.s32 $0x0  }
0x18: {  	s2 =	rddreg [dreg:$0x0];
	s3 =	simm.s32 $0x0;
	vm1 =	vgt.u32 v14, $0x10;
	v0 =	vsel vm0, $0xFFFFFFFF, v0;
	vm0 =	vgt.u32 v14, $0x14  }
0x19: {  	[smem:$0x7FF] =	sst s3;
	vm2 =	vgt.u32 v14, $0xC;
	vm3 =	vgt.u32 v14, $0xB;
	[tilespmem:$0x1FF70] =	vst v0;
	v1 =	vsel vm0, $0xFFFFFFFF, v1  }
0x1a: {  	s4 =	rddreg [dreg:$0x1];
	v0 =	vimm.s32 $0xE40000;
	vm0 =	vgt.u32 v14, $0x13;
	_ =	strace $0x8000004A;
	[tilespmem:$0x1FF80] =	vst v1;
	v1 =	vimm.s32 $0x0  }
0x1b: {  	vm4 =	vgt.u32 v14, $0xA;
	v0 =	vunpack.c.l.s2.s4 v0;
	v1 =	vsel vm0, $0xFFFFFFFF, v1  }
0x1c: {  	vm5 =	vgt.u32 v14, $0x9;
	vm0 =	vgt.u32 v14, $0x12;
	[tilespmem:$0x1FF90] =	vst v1;
	v1 =	vimm.s32 $0x0  }
0x1d: {  	vm6 =	vgt.u32 v14, $0x8;
	v3 =	vunpack.c.l.s4.s8 v0;
	v1 =	vsel vm0, $0xFFFFFFFF, v1  }
0x1e: {  	v7 =	vsel vm1, $0xFFFFFFFF, v7;
	vm0 =	vgt.u32 v14, $0x11;
	[tilespmem:$0x1FFA0] =	vst v1;
	v1 =	vimm.s32 $0x0  }
0x1f: {  	s28 =	simm.s32 $0x2B80;
	s15 =	simm.s32 $0x3380;
	s29 =	simm.s32 $0x3B80;
	v3 =	vunpack.c.0.s8.s32 v3;
	v1 =	vsel vm0, $0xFFFFFFFF, v1;
	vm0 =	vcmask $0x300  }
0x20: {  	s30 =	simm.s32 $0x4380;
	s31 =	simm.s32 $0x4B80;
	[tilespmem:$0x1FFB0] =	vst v1;
	v1 =	vimm.s32 $0xEDCBA987;
	v0 =	vsel vm0, $0x0, v2;
	vm0 =	vcmask $0x700  }
0x21: {  	s18 =	simm.s32 $0x8380;
	s16 =	simm.s32 $0xA380;
	s17 =	simm.s32 $0xAB80;
	v5 =	vunpack.c.l.s4.s8 v1;
	v1 =	vsel vm0, $0x0, v2;
	vm0 =	vcmask $0xF00  }
0x22: {  	s5 =	sadd.s32 $0x1600, s4;
	s20 =	sadd.s32 $0x1E00, s4;
	s9 =	sadd.s32 $0x1C00, s4;
	v3 =	vand.u32 $0x3, v3;
	v2 =	vsel vm0, $0x0, v2;
	vm0 =	vcmask $0x3F30  }
0x23: {  	s24 =	sadd.s32 $0x1F00, s4;
	s19 =	sshll.u32 s1, $0x3;
	[dreg:$0x4] =	wrdreg s5;
	v3 =	vsel vm0, v6, v3;
	vm0 =	vgt.u32 v14, $0xF;
	v6 =	vimm.s32 $0x0  }
0x24: {  	s25 =	sadd.s32 $0x2000, s4;
	s6 =	sadd.s32 s19, s4;
	vm7 =	vgt.u32 v14, $0x7;
	[dreg:$0xc] =	wrdreg s20;
	[tilespmem:$0x1FFC0] =	vst v7;
	v5 =	vunpack.c.0.s8.s32 v5;
	v6 =	vsel vm0, $0xFFFFFFFF, v6  }
0x25: {  	s7 =	sshll.u32 s1, $0x4;
	vm8 =	vgt.u32 v14, $0x6;
	s21 =	sadd.s32 $0x1A00, s6;
	[dreg:$0x5] =	wrdreg s9;
	v7 =	vimm.s32 $0xDCBA9876;
	[tilespmem:$0x1FFD0] =	vst v6;
	v6 =	vimm.s32 $0x54321000  }
0x26: {  	s1 =	sshll.u32 s1, $0xD;
	s6 =	sadd.s32 $0x1800, s6;
	[dreg:$0x6] =	wrdreg s21;
	v7 =	vunpack.c.l.s4.s8 v7;
	v5 =	vand.u32 $0xF, v5;
	v6 =	vunpack.c.l.s4.s8 v6  }
0x27: {  	s7 =	sadd.s32 s7, s4;
	s1 =	sadd.s32 s2, s1;
	[dreg:$0x7] =	wrdreg s6;
	v4 =	vcombine.low v4, v5;
	v5 =	vunpack.c.l.s4.s8 v8;
	v8 =	vimm.s32 $0xECA86420  }
0x28: {  	s0 =	ssub.s32 $0x2, s0;
	vm9 =	vgt.u32 v14, $0x5;
	vm10 =	vgt.u32 v14, $0x4;
	s22 =	sadd.s32 $0x1400, s7;
	[dreg:$0x8] =	wrdreg s1;
	v8 =	vunpack.c.l.s4.s8 v8  }
0x29: {  	s8 =	sshrl.u32 s0, $0x1;
	s23 =	sadd.s32 $0x101E00, s7;
	[dreg:$0x9] =	wrdreg s22;
	v9 =	vunpack.c.0.s8.s32 v6;
	v6 =	vunpack.c.0.s8.s32 v7;
	v7 =	vimm.s32 $0x32100000  }
0x2a: {  	s26 =	sadd.s32 $0x2100, s4;
	s0 =	ssub.s32 s0, s8;
	vm11 =	vgt.u32 v14, $0x3;
	vm12 =	vgt.u32 v14, $0x2;
	[dreg:$0xa] =	wrdreg s23;
	v7 =	vunpack.c.l.s4.s8 v7  }
0x2b: {  	s4 =	simm.s32 $0x1280;
	vm13 =	vgt.u32 v14, $0x1;
	s2 =	simm.s32 $0x0;
	[dreg:$0xd] =	wrdreg s24;
	vm0 =	vgt.u32 v14, $0xE;
	v15 =	vunpack.c.0.s8.s32 v8  }
0x2c: {  	s8 =	simm.s32 $0xC380;
	s19 =	simm.s32 $0xCB80;
	[dreg:$0xe] =	wrdreg s25;
	v5 =	vunpack.c.0.s8.s32 v5;
	v11 =	vand.u32 $0xF, v6;
	v12 =	vunpack.c.0.s8.s32 v7  }
0x2d: {  	s0 =	smax.u32 s0, $0x1;
	s7 =	simm.s32 $0xBB80;
	[dreg:$0xf] =	wrdreg s26;
	v7 =	vcombine.low v9, v11;
	v11 =	vand.u32 $0xF, v15;
	v15 =	vimm.s32 $0x0  }
0x2e: {  	[dreg:$0xb] =	wrdreg s0;
	s26 =	simm.s32 $0x1300;
	s0 =	simm.s32 $0x1380;
	v13 =	vand.u32 $0xF, v5;
	v5 =	vlaneseq.u32;
	v15 =	vsel vm0, $0xFFFFFFFF, v15  }
0x2f: {  	s20 =	simm.s32 $0x6380;
	s21 =	simm.s32 $0x6B80;
	s22 =	simm.s32 $0x7380;
	v6 =	vshrl.u32 v5, $0x3;
	vm0 =	vgt.u32 v14, $0xD;
	[tilespmem:$0x1FFE0] =	vst v15;
	v15 =	vimm.s32 $0x0  }
0x30: {  	vm14 =	veq.s32 v14, $0x0;
	s24 =	simm.s32 $0x8B80;
	s25 =	simm.s32 $0x9380;
	s6 =	simm.s32 $0xB380;
	v9 =	vmul.u32 $0xFFFFFFFF, v6;
	v15 =	vsel vm0, $0xFFFFFFFF, v15  }
0x31: {  	s9 =	simm.s32 $0xD380;
	s5 =	simm.s32 $0xDB80;
	s23 =	simm.s32 $0xE380;
	v8 =	vcombine.low v12, v13;
	v12 =	vand.u32 $0xF, v16;
	v13 =	vimm.s32 $0x0;
	[tilespmem:$0x1FFF0] =	vst v15  }
.LBB2_1:
0x32: {  	s10 =	rddreg [dreg:$0x6]  }
0x33: {  	[tilespmem:s4], [sflag:$0x7] =	stream.linear.gather [hbm4b:s10+s3], $0x40, $0x38;
	[tilespmem:$0x11380] =	vst v63  }
0x34: {  	s1 =	rddreg [dreg:$0x7]  }
0x35: {  	[tilespmem:s26], [sflag:$0x8] =	stream.linear.gather [hbm4b:s1+s3], $0x40, $0x38;
	[tilespmem:$0x11380] =	vst v63  }
0x36: {  	s4 =	rddreg [dreg:$0x8]  }
0x37: {  	[tilespmem:s0], [sflag:$0x9] =	stream.linear.gather [hbm4b:s4+s3], $0x10000, $0x38;
	[tilespmem:$0x11380] =	vst v63  }
0x38: {  	s11 =	rddreg [dreg:$0x9];
	s1 =	simm.s32 $0xA  }
0x39: {  	[tilespmem:s3], [sflag:$0xA] =	stream.linear.gather [hbm4b:s11+s3], $0x80, $0x38;
	[tilespmem:$0x11380] =	vst v63  }
0x3a: {  	_ =	swait.ge [sflag:s1], $0x80  }
0x3b: {  	[sflag:s1] =	ssyncset.done $0x0  }
0x3c: {  	s11 =	simm.s32 $0x80;
	s12 =	rddreg [dreg:$0x4];
	[sflag:s1] =	ssyncadd.s32 $0xFFFFFF80  }
0x3d: {  	[tilespmem:s11], [sflag:$0xA] =	stream.linear.gather [hbm4b:s12+s3], $0x1000, $0x38;
	[tilespmem:$0x11380] =	vst v63  }
0x3e: {  	_ =	swait.ge [sflag:s1], $0x1000  }
0x3f: {  	[sflag:s1] =	ssyncset.done $0x0  }
0x40: {  	[sflag:s1] =	ssyncadd.s32 $0xFFFFF000  }
0x41: {  	v14 =	vld [tilespmem:$0x80]  }
0x42: {  	v15 =	vld [tilespmem:$0x100]  }
0x43: {  	v16 =	vld [tilespmem:$0x180]  }
0x44: {  	v17 =	vld [tilespmem:$0x200]  }
0x45: {  	v18 =	vld [tilespmem:$0x280]  }
0x46: {  	v19 =	vld [tilespmem:$0x300]  }
0x47: {  	v20 =	vld [tilespmem:$0x380];
	v22 =	vadd.s32 v15, v14;
	v14 =	vsel vm14, $0x0, v14;
	v15 =	vnsel vm13, $0x0, v15  }
0x48: {  	v21 =	vld [tilespmem:$0x400];
	v14 =	vadd.s32 v14, v15;
	v15 =	vnsel vm12, $0x0, v16  }
0x49: {  	v23 =	vld [tilespmem:$0x480];
	v14 =	vadd.s32 v15, v14;
	v15 =	vnsel vm11, $0x0, v17  }
0x4a: {  	v24 =	vld [tilespmem:$0x500];
	v14 =	vadd.s32 v15, v14;
	v15 =	vnsel vm10, $0x0, v18  }
0x4b: {  	v25 =	vld [tilespmem:$0x580];
	v14 =	vadd.s32 v15, v14;
	v15 =	vnsel vm9, $0x0, v19  }
0x4c: {  	v22 =	vadd.s32 v16, v22;
	v16 =	vld [tilespmem:$0x600];
	v14 =	vadd.s32 v15, v14;
	v15 =	vnsel vm8, $0x0, v20  }
0x4d: {  	v22 =	vadd.s32 v17, v22;
	v17 =	vld [tilespmem:$0x680];
	v14 =	vadd.s32 v15, v14;
	v15 =	vnsel vm7, $0x0, v21  }
0x4e: {  	v14 =	vadd.s32 v15, v14;
	v15 =	vnsel vm6, $0x0, v23  }
0x4f: {  	v14 =	vadd.s32 v15, v14;
	v15 =	vnsel vm5, $0x0, v24  }
0x50: {  	v14 =	vadd.s32 v15, v14;
	v15 =	vnsel vm4, $0x0, v25  }
0x51: {  	v14 =	vadd.s32 v15, v14;
	v15 =	vnsel vm3, $0x0, v16  }
0x52: {  	v14 =	vadd.s32 v15, v14;
	v15 =	vnsel vm2, $0x0, v17  }
0x53: {  	v14 =	vadd.s32 v15, v14;
	v15 =	vld [tilespmem:$0x1FFF0]  }
0x54: {  	v22 =	vadd.s32 v18, v22;
	v18 =	vld [tilespmem:$0x700];
	_ =	sdelay $0x3  }
0x55: {  	vm0 =	vnez.u8 v15  }
0x56: {  	v15 =	vnsel vm0, $0x0, v18  }
0x57: {  	v14 =	vadd.s32 v15, v14;
	v15 =	vld [tilespmem:$0x1FFE0]  }
0x58: {  	v22 =	vadd.s32 v19, v22;
	v19 =	vld [tilespmem:$0x780];
	_ =	sdelay $0x3  }
0x59: {  	vm0 =	vnez.u8 v15  }
0x5a: {  	v15 =	vnsel vm0, $0x0, v19  }
0x5b: {  	v14 =	vadd.s32 v15, v14;
	v15 =	vld [tilespmem:$0x1FFD0]  }
0x5c: {  	v22 =	vadd.s32 v20, v22;
	v20 =	vld [tilespmem:$0x800];
	_ =	sdelay $0x3  }
0x5d: {  	vm0 =	vnez.u8 v15  }
0x5e: {  	v15 =	vnsel vm0, $0x0, v20  }
0x5f: {  	v14 =	vadd.s32 v15, v14;
	v15 =	vld [tilespmem:$0x1FFC0]  }
0x60: {  	v22 =	vadd.s32 v21, v22;
	v21 =	vld [tilespmem:$0x880];
	_ =	sdelay $0x3  }
0x61: {  	vm0 =	vnez.u8 v15  }
0x62: {  	v15 =	vnsel vm0, $0x0, v21  }
0x63: {  	v14 =	vadd.s32 v15, v14;
	v15 =	vld [tilespmem:$0x1FFB0]  }
0x64: {  	v22 =	vadd.s32 v23, v22;
	v23 =	vld [tilespmem:$0x900];
	_ =	sdelay $0x3  }
0x65: {  	vm0 =	vnez.u8 v15  }
0x66: {  	v15 =	vnsel vm0, $0x0, v23  }
0x67: {  	v14 =	vadd.s32 v15, v14;
	v15 =	vld [tilespmem:$0x1FFA0]  }
0x68: {  	v22 =	vadd.s32 v24, v22;
	v24 =	vld [tilespmem:$0x980];
	_ =	sdelay $0x3  }
0x69: {  	vm0 =	vnez.u8 v15  }
0x6a: {  	v15 =	vnsel vm0, $0x0, v24  }
0x6b: {  	v14 =	vadd.s32 v15, v14;
	v15 =	vld [tilespmem:$0x1FF90]  }
0x6c: {  	v22 =	vadd.s32 v25, v22;
	v25 =	vld [tilespmem:$0xA00];
	_ =	sdelay $0x3  }
0x6d: {  	vm0 =	vnez.u8 v15  }
0x6e: {  	v15 =	vnsel vm0, $0x0, v25  }
0x6f: {  	v14 =	vadd.s32 v15, v14;
	v15 =	vld [tilespmem:$0x1FF80]  }
0x70: {  	v26 =	vld [tilespmem:$0xA80]  }
0x71: {  	v22 =	vadd.s32 v16, v22  }
0x72: {  	v22 =	vadd.s32 v17, v22  }
0x73: {  	v22 =	vadd.s32 v18, v22  }
0x74: {  	v27 =	vld [tilespmem:$0x1FF60];
	v16 =	vadd.s32 v19, v22;
	vm0 =	vnez.u8 v15  }
0x75: {  	v17 =	vld [tilespmem:$0xB00];
	v16 =	vadd.s32 v20, v16;
	v15 =	vnsel vm0, $0x0, v26  }
0x76: {  	v16 =	vadd.s32 v21, v16;
	v14 =	vadd.s32 v15, v14;
	v15 =	vld [tilespmem:$0x1FF70]  }
0x77: {  	v16 =	vadd.s32 v23, v16;
	v18 =	vld [tilespmem:$0xB80]  }
0x78: {  	v29 =	vld [tilespmem:$0x1FF50];
	v16 =	vadd.s32 v24, v16  }
0x79: {  	v16 =	vadd.s32 v25, v16;
	v19 =	vld [tilespmem:$0xC00]  }
0x7a: {  	v16 =	vadd.s32 v26, v16  }
0x7b: {  	v23 =	vadd.s32 v17, v16;
	vm0 =	vnez.u8 v15  }
0x7c: {  	v23 =	vadd.s32 v18, v23;
	v15 =	vnsel vm0, $0x0, v17;
	vm0 =	vnez.u8 v27  }
0x7d: {  	v14 =	vadd.s32 v15, v14;
	v18 =	vnsel vm0, $0x0, v18;
	vm0 =	vnez.u8 v29  }
0x7e: {  	v22 =	vld [tilespmem:$0xD80];
	v23 =	vadd.s32 v19, v23;
	v14 =	vadd.s32 v18, v14;
	v19 =	vnsel vm0, $0x0, v19  }
0x7f: {  	v14 =	vadd.s32 v19, v14;
	v19 =	vld [tilespmem:$0x1FF40]  }
0x80: {  	v20 =	vld [tilespmem:$0xC80]  }
0x81: {  	v21 =	vld [tilespmem:$0xD00]  }
0x82: {  	v16 =	vld [tilespmem:$0x0]  }
0x83: {  	v24 =	vld [tilespmem:$0xE00]  }
0x84: {  	vm1 =	vnez.u8 v19  }
0x85: {  	v23 =	vadd.s32 v20, v23;
	v19 =	vnsel vm1, $0x0, v20  }
0x86: {  	v23 =	vadd.s32 v21, v23;
	v26 =	vmov s3;
	v14 =	vadd.s32 v19, v14;
	v19 =	vld [tilespmem:$0x1FF30]  }
0x87: {  	v23 =	vadd.s32 v22, v23;
	v28 =	vsub.s32 v16, v26  }
0x88: {  	v18 =	vadd.s32 v24, v23;
	v23 =	vsub.s32 $0x0, v28  }
0x89: {  	v23 =	vmin.u32 v28, v23  }
0x8a: {  	vm0 =	vlt.s32 v23, $0x1  }
0x8b: {  	v20 =	vnsel vm0, $0x1, v23;
	vm0 =	vnez.u8 v19  }
0x8c: {  	v25 =	vld [tilespmem:$0xE80];
	v19 =	vnsel vm0, $0x0, v21  }
0x8d: {  	v14 =	vadd.s32 v19, v14;
	v19 =	vld [tilespmem:$0x1FF20]  }
0x8e: {  	v17 =	vld [tilespmem:$0xF00]  }
0x8f: {  	v15 =	vld [tilespmem:$0xF80]  }
0x90: {  	v27 =	vld [tilespmem:$0x1000];
	v23 =	vsub.s32 $0x1, v20  }
0x91: {  	v20 =	vperm.xlane v23, v4  }
0x92: {  	v18 =	vadd.s32 v25, v18;
	vm0 =	vnez.u8 v19  }
0x93: {  	v18 =	vadd.s32 v17, v18;
	v20 =	vand.u32 v0, v20;
	v19 =	vnsel vm0, $0x0, v22  }
0x94: {  	v18 =	vadd.s32 v15, v18;
	v14 =	vadd.s32 v19, v14;
	v19 =	vadd.s32 v23, v20;
	v20 =	vld [tilespmem:$0x1FF10]  }
0x95: {  	v18 =	vadd.s32 v27, v18  }
0x96: {  	v18 =	vadd.s32 $0xFF, v18  }
0x97: {  	v27 =	vld [tilespmem:$0x1FF00];
	v18 =	vand.u32 $0xFFFFFF00, v18  }
0x98: {  	v21 =	vperm.xlane v18, v4;
	v22 =	vperm.xlane v19, v7  }
0x99: {  	vm0 =	vnez.u8 v20  }
0x9a: {  	v21 =	vand.u32 v0, v21;
	v22 =	vand.u32 v1, v22;
	v20 =	vnsel vm0, $0x0, v24  }
0x9b: {  	s13 =	simm.s32 $0x1;
	v19 =	vadd.s32 v22, v19;
	v14 =	vadd.s32 v20, v14;
	v20 =	vadd.s32 v21, v18  }
0x9c: {  	vm0 =	vnez.u8 v27;
	v21 =	vmov s13;
	v24 =	vperm.xlane v20, v7  }
0x9d: {  	v28 =	vperm.xlane v19, v8;
	v25 =	vnsel vm0, $0x0, v25;
	v27 =	vsub.s32 v16, v21  }
0x9e: {  	v14 =	vadd.s32 v25, v14;
	v22 =	vand.u32 v1, v24;
	v24 =	vsub.s32 $0x0, v27  }
0x9f: {  	v25 =	vand.u32 v2, v28;
	v20 =	vadd.s32 v22, v20;
	v22 =	vmin.u32 v27, v24;
	v27 =	vld [tilespmem:$0x1FEF0]  }
0xa0: {  	v19 =	vadd.s32 v25, v19  }
0xa1: {  	v25 =	vperm.xlane v19, v3  }
0xa2: {  	v24 =	vperm.xlane v20, v8  }
0xa3: {  	vm0 =	vlt.s32 v22, $0x1;
	v25 =	vand.u32 v9, v25  }
0xa4: {  	v22 =	vnsel vm0, $0x1, v22;
	v24 =	vand.u32 v2, v24;
	vm1 =	vnez.u8 v27  }
0xa5: {  	s14 =	simm.s32 $0x2;
	v22 =	vsub.s32 $0x1, v22;
	v24 =	vadd.s32 v24, v20;
	v17 =	vnsel vm1, $0x0, v17  }
0xa6: {  	v20 =	vmov s14;
	v27 =	vperm.xlane v22, v4;
	v14 =	vadd.s32 v17, v14;
	v17 =	vld [tilespmem:$0x1FEE0]  }
0xa7: {  	v25 =	vadd.s32 v25, v19;
	v29 =	vsub.s32 v16, v20  }
0xa8: {  	v28 =	vperm.xlane v24, v3;
	v30 =	vsub.s32 $0x0, v29;
	v27 =	vand.u32 v0, v27  }
0xa9: {  	vm1 =	veq.s32 v26, v5;
	v19 =	vadd.s32 v22, v27;
	v27 =	vmin.u32 v29, v30  }
0xaa: {  	v29 =	vperm.xlane v25, v10;
	v25 =	vadd.s32 $0xFFFFFFFF, v25;
	vm0 =	vlt.s32 v27, $0x1  }
0xab: {  	v30 =	vperm.xlane v19, v7;
	v26 =	vnsel vm0, $0x1, v27;
	vm0 =	vnez.u8 v17  }
0xac: {  	v27 =	vnsel vm1, $0x0, v29;
	v17 =	vand.u32 v9, v28;
	v15 =	vnsel vm0, $0x0, v15  }
0xad: {  	v28 =	vand.u32 v1, v30;
	v29 =	vadd.s32 v15, v14;
	v14 =	vadd.s32 v17, v24  }
0xae: {  	v30 =	vadd.s32 v28, v19;
	v15 =	vsub.s32 v14, v18;
	v18 =	vand.u32 $0xF, v16  }
0xaf: {  	v28 =	vperm.xlane v30, v8;
	v24 =	vsub.s32 $0x1, v26;
	v17 =	vperm.xlane v15, v18  }
0xb0: {  	s26 =	simm.s32 $0x3;
	v26 =	vmul.u32 v23, v25;
	v19 =	vperm.xlane v29, v18;
	v18 =	vperm.xlane v24, v4  }
0xb1: {  	v23 =	vmov s26;
	v25 =	vadd.s32 v29, v27;
	v31 =	vand.u32 v2, v28  }
0xb2: {  	s10 =	simm.s32 $0x4;
	v27 =	vadd.s32 v31, v30;
	v28 =	vand.u32 v0, v18;
	v18 =	vimm.s32 $0x0  }
.LBB2_2:
0xb3: {  	p0 =	sne.s32 s10, $0xF;
	v29 =	vsub.s32 v16, v23;
	v28 =	vadd.s32 v24, v28;
	v30 =	vperm.xlane v27, v3  }
0xb4: {  	v18 =	vadd.s32 v18, v26;
	v31 =	vsub.s32 $0x0, v29;
	v32 =	vperm.xlane v28, v7  }
0xb5: {  	v26 =	vmin.u32 v29, v31;
	v29 =	vand.u32 v9, v30  }
0xb6: {  	vm0 =	vlt.s32 v26, $0x1;
	v30 =	vand.u32 v1, v32;
	v27 =	vadd.s32 v29, v27  }
.Ltmp0:
0xb7: {  	v26 =	vnsel vm0, $0x1, v26;
	v29 =	vadd.s32 v30, v28;
	v28 =	vperm.xlane v27, v10;
	(pc) =	sbr.rel @p0 .LBB2_2-.Ltmp0, $4  }
0xb8: {  	vm0 =	veq.s32 v21, v5;
	v21 =	vmovc v20;
	v20 =	vmovc v23;
	v30 =	vsub.s32 $0x1, v26;
	v26 =	vperm.xlane v29, v8  }
0xb9: {  	v23 =	vadd.s32 $0xFFFFFFFF, v27;
	v31 =	vperm.xlane v30, v4;
	v27 =	vnsel vm0, $0x0, v28  }
0xba: {  	v32 =	vand.u32 v2, v26;
	v26 =	vmul.u32 v22, v23;
	v25 =	vadd.s32 v25, v27;
	v22 =	vmovc v24  }
0xbb: {  	v23 =	vmov s10;
	s10 =	sadd.s32 $0x1, s10;
	v24 =	vmovc v30;
	v28 =	vand.u32 v0, v31;
	v27 =	vadd.s32 v32, v29  }
0xbc: {  	v16 =	vsub.s32 v16, v23  }
0xbd: {  	v29 =	vsub.s32 $0x0, v16  }
0xbe: {  	v28 =	vadd.s32 v24, v28;
	v16 =	vmin.u32 v16, v29  }
0xbf: {  	v29 =	vperm.xlane v28, v7;
	vm0 =	vlt.s32 v16, $0x1  }
0xc0: {  	v30 =	vperm.xlane v27, v3;
	v16 =	vnsel vm0, $0x1, v16  }
0xc1: {  	v29 =	vand.u32 v1, v29;
	v16 =	vsub.s32 $0x1, v16  }
0xc2: {  	v30 =	vand.u32 v9, v30;
	v28 =	vadd.s32 v29, v28;
	v31 =	vperm.xlane v16, v4  }
0xc3: {  	v26 =	vadd.s32 v18, v26;
	v18 =	vld [tilespmem:$0x10];
	v27 =	vadd.s32 v30, v27;
	v29 =	vperm.xlane v28, v8  }
0xc4: {  	vm0 =	veq.s32 v21, v5;
	v30 =	vand.u32 v0, v31;
	v31 =	vperm.xlane v27, v10  }
0xc5: {  	v27 =	vadd.s32 $0xFFFFFFFF, v27;
	v29 =	vand.u32 v2, v29;
	v21 =	vadd.s32 v16, v30  }
0xc6: {  	s10 =	simm.s32 $0x0;
	v22 =	vmul.u32 v22, v27;
	v27 =	vadd.s32 v29, v28;
	v30 =	vperm.xlane v21, v7  }
0xc7: {  	v28 =	vmov s10;
	v29 =	vperm.xlane v27, v3  }
0xc8: {  	v32 =	vsub.s32 v18, v28;
	v31 =	vnsel vm0, $0x0, v31;
	v30 =	vand.u32 v1, v30  }
0xc9: {  	v25 =	vadd.s32 v25, v31;
	v21 =	vadd.s32 v30, v21;
	v30 =	vsub.s32 $0x0, v32  }
0xca: {  	v29 =	vand.u32 v9, v29;
	v30 =	vmin.u32 v32, v30;
	v62 =	vperm.xlane v21, v8  }
0xcb: {  	v22 =	vadd.s32 v26, v22;
	v27 =	vadd.s32 v29, v27;
	vm0 =	vlt.s32 v30, $0x1  }
0xcc: {  	v29 =	vnsel vm0, $0x1, v30;
	v30 =	vperm.xlane v27, v10;
	v31 =	vand.u32 v2, v62  }
0xcd: {  	vm0 =	veq.s32 v20, v5;
	v20 =	vadd.s32 $0xFFFFFFFF, v27;
	v21 =	vadd.s32 v31, v21  }
0xce: {  	v20 =	vmul.u32 v24, v20;
	v27 =	vsub.s32 $0x1, v29;
	v24 =	vperm.xlane v21, v3  }
0xcf: {  	v26 =	vnsel vm0, $0x0, v30;
	v29 =	vperm.xlane v27, v4;
	vm0 =	veq.s32 v23, v5  }
0xd0: {  	s13 =	simm.s32 $0x1;
	v25 =	vadd.s32 v25, v26;
	v22 =	vadd.s32 v22, v20;
	v20 =	vand.u32 v9, v24  }
0xd1: {  	v24 =	vand.u32 v0, v29;
	v21 =	vadd.s32 v20, v21;
	v20 =	vmov s13  }
0xd2: {  	v24 =	vadd.s32 v27, v24;
	v26 =	vperm.xlane v21, v10;
	v29 =	vsub.s32 v18, v20  }
0xd3: {  	v30 =	vperm.xlane v24, v7;
	v21 =	vadd.s32 $0xFFFFFFFF, v21;
	v23 =	vsub.s32 $0x0, v29  }
0xd4: {  	v16 =	vmul.u32 v16, v21;
	v23 =	vmin.u32 v29, v23  }
0xd5: {  	v26 =	vnsel vm0, $0x0, v26;
	v21 =	vand.u32 v1, v30;
	vm0 =	vlt.s32 v23, $0x1  }
0xd6: {  	v17 =	vadd.s32 v17, v19;
	v24 =	vadd.s32 v21, v24;
	v23 =	vnsel vm0, $0x1, v23  }
0xd7: {  	s14 =	simm.s32 $0x2;
	v16 =	vadd.s32 v22, v16;
	v22 =	vperm.xlane v24, v8;
	v21 =	vsub.s32 $0x1, v23  }
0xd8: {  	v19 =	vmov s14;
	v29 =	vadd.s32 v25, v26;
	v25 =	vperm.xlane v21, v4  }
0xd9: {  	v30 =	vadd.s32 v16, v17;
	v23 =	vand.u32 $0xF, v18;
	v17 =	vand.u32 v2, v22  }
0xda: {  	v16 =	vperm.xlane v15, v23;
	v24 =	vadd.s32 v17, v24;
	v22 =	vand.u32 v0, v25  }
0xdb: {  	v25 =	vsub.s32 v18, v19;
	v26 =	vperm.xlane v24, v3;
	v22 =	vadd.s32 v21, v22  }
0xdc: {  	v17 =	vperm.xlane v29, v23;
	v23 =	vsub.s32 $0x0, v25;
	v31 =	vperm.xlane v22, v7  }
0xdd: {  	v23 =	vmin.u32 v25, v23;
	v25 =	vimm.s32 $0x0;
	v26 =	vand.u32 v9, v26  }
0xde: {  	v24 =	vadd.s32 v26, v24;
	vm0 =	vlt.s32 v23, $0x1;
	v26 =	vand.u32 v1, v31  }
0xdf: {  	v23 =	vnsel vm0, $0x1, v23;
	v31 =	vadd.s32 v26, v22;
	v26 =	vperm.xlane v24, v10  }
0xe0: {  	vm0 =	veq.s32 v28, v5;
	v22 =	vsub.s32 $0x1, v23;
	v23 =	vperm.xlane v31, v8  }
0xe1: {  	v24 =	vadd.s32 $0xFFFFFFFF, v24;
	v63 =	vperm.xlane v22, v4;
	v28 =	vnsel vm0, $0x0, v26  }
0xe2: {  	s26 =	simm.s32 $0x3;
	v26 =	vmul.u32 v27, v24;
	v33 =	vand.u32 v2, v23;
	v24 =	vadd.s32 v29, v28  }
0xe3: {  	s10 =	simm.s32 $0x4;
	[tilespmem:$0x1080] =	vst v30;
	v23 =	vmov s26;
	v28 =	vand.u32 v0, v63;
	v27 =	vadd.s32 v33, v31  }
.LBB2_4:
0xe4: {  	p0 =	sne.s32 s10, $0xF;
	v29 =	vsub.s32 v18, v23;
	v28 =	vadd.s32 v22, v28;
	v30 =	vperm.xlane v27, v3  }
0xe5: {  	v25 =	vadd.s32 v25, v26;
	v31 =	vsub.s32 $0x0, v29;
	v32 =	vperm.xlane v28, v7  }
0xe6: {  	v26 =	vmin.u32 v29, v31;
	v29 =	vand.u32 v9, v30  }
0xe7: {  	vm0 =	vlt.s32 v26, $0x1;
	v30 =	vand.u32 v1, v32;
	v27 =	vadd.s32 v29, v27  }
.Ltmp1:
0xe8: {  	v26 =	vnsel vm0, $0x1, v26;
	v29 =	vadd.s32 v30, v28;
	v28 =	vperm.xlane v27, v10;
	(pc) =	sbr.rel @p0 .LBB2_4-.Ltmp1, $4  }
0xe9: {  	vm0 =	veq.s32 v20, v5;
	v20 =	vmovc v19;
	v19 =	vmovc v23;
	v30 =	vsub.s32 $0x1, v26;
	v26 =	vperm.xlane v29, v8  }
0xea: {  	v23 =	vadd.s32 $0xFFFFFFFF, v27;
	v31 =	vperm.xlane v30, v4;
	v27 =	vnsel vm0, $0x0, v28  }
0xeb: {  	v32 =	vand.u32 v2, v26;
	v26 =	vmul.u32 v21, v23;
	v24 =	vadd.s32 v24, v27;
	v21 =	vmovc v22  }
0xec: {  	v23 =	vmov s10;
	s10 =	sadd.s32 $0x1, s10;
	v22 =	vmovc v30;
	v28 =	vand.u32 v0, v31;
	v27 =	vadd.s32 v32, v29  }
0xed: {  	v18 =	vsub.s32 v18, v23  }
0xee: {  	v29 =	vsub.s32 $0x0, v18  }
0xef: {  	v18 =	vmin.u32 v18, v29  }
0xf0: {  	v28 =	vadd.s32 v22, v28;
	vm0 =	vlt.s32 v18, $0x1  }
0xf1: {  	v30 =	vperm.xlane v27, v3;
	v29 =	vperm.xlane v28, v7;
	v18 =	vnsel vm0, $0x1, v18  }
0xf2: {  	v25 =	vadd.s32 v25, v26;
	v31 =	vsub.s32 $0x1, v18  }
0xf3: {  	v26 =	vand.u32 v9, v30;
	v18 =	vand.u32 v1, v29;
	v29 =	vperm.xlane v31, v4  }
0xf4: {  	v26 =	vadd.s32 v26, v27;
	v28 =	vadd.s32 v18, v28;
	v18 =	vld [tilespmem:$0x20]  }
0xf5: {  	v30 =	vperm.xlane v26, v10;
	v27 =	vperm.xlane v28, v8;
	v29 =	vand.u32 v0, v29  }
0xf6: {  	vm0 =	veq.s32 v20, v5;
	v26 =	vadd.s32 $0xFFFFFFFF, v26;
	v20 =	vadd.s32 v31, v29  }
0xf7: {  	s10 =	simm.s32 $0x0;
	v21 =	vmul.u32 v21, v26;
	v27 =	vand.u32 v2, v27;
	v29 =	vperm.xlane v20, v7  }
0xf8: {  	v30 =	vnsel vm0, $0x0, v30;
	v26 =	vadd.s32 v27, v28;
	v27 =	vmov s10  }
0xf9: {  	v28 =	vperm.xlane v26, v3;
	v32 =	vsub.s32 v18, v27;
	v29 =	vand.u32 v1, v29  }
0xfa: {  	v24 =	vadd.s32 v24, v30;
	v20 =	vadd.s32 v29, v20;
	v29 =	vsub.s32 $0x0, v32  }
0xfb: {  	v28 =	vand.u32 v9, v28;
	v29 =	vmin.u32 v32, v29;
	v62 =	vperm.xlane v20, v8  }
0xfc: {  	v21 =	vadd.s32 v25, v21;
	v26 =	vadd.s32 v28, v26;
	vm0 =	vlt.s32 v29, $0x1  }
0xfd: {  	v28 =	vnsel vm0, $0x1, v29;
	v29 =	vperm.xlane v26, v10;
	v30 =	vand.u32 v2, v62  }
0xfe: {  	vm0 =	veq.s32 v19, v5;
	v19 =	vadd.s32 $0xFFFFFFFF, v26;
	v20 =	vadd.s32 v30, v20  }
0xff: {  	v19 =	vmul.u32 v22, v19;
	v26 =	vsub.s32 $0x1, v28;
	v22 =	vperm.xlane v20, v3  }
0x100: {  	v25 =	vnsel vm0, $0x0, v29;
	v28 =	vperm.xlane v26, v4;
	vm0 =	veq.s32 v23, v5  }
0x101: {  	s13 =	simm.s32 $0x1;
	v24 =	vadd.s32 v24, v25;
	v21 =	vadd.s32 v21, v19;
	v19 =	vand.u32 v9, v22  }
0x102: {  	v22 =	vand.u32 v0, v28;
	v20 =	vadd.s32 v19, v20;
	v19 =	vmov s13  }
0x103: {  	v22 =	vadd.s32 v26, v22;
	v25 =	vperm.xlane v20, v10;
	v28 =	vsub.s32 v18, v19  }
0x104: {  	v29 =	vperm.xlane v22, v7;
	v20 =	vadd.s32 $0xFFFFFFFF, v20;
	v23 =	vsub.s32 $0x0, v28  }
0x105: {  	v20 =	vmul.u32 v31, v20;
	v23 =	vmin.u32 v28, v23  }
0x106: {  	v25 =	vnsel vm0, $0x0, v25;
	v28 =	vand.u32 v1, v29;
	vm0 =	vlt.s32 v23, $0x1  }
0x107: {  	v16 =	vadd.s32 v16, v17;
	v22 =	vadd.s32 v28, v22;
	v23 =	vnsel vm0, $0x1, v23  }
0x108: {  	v20 =	vadd.s32 v21, v20;
	v21 =	vsub.s32 $0x1, v23;
	v23 =	vperm.xlane v22, v8  }
0x109: {  	v17 =	vand.u32 $0xF, v18;
	v24 =	vadd.s32 v24, v25;
	v25 =	vperm.xlane v21, v4  }
0x10a: {  	s14 =	simm.s32 $0x2;
	v28 =	vadd.s32 v20, v16;
	v16 =	vperm.xlane v15, v17;
	v23 =	vand.u32 v2, v23  }
0x10b: {  	v20 =	vmov s14;
	v25 =	vand.u32 v0, v25;
	v22 =	vadd.s32 v23, v22  }
0x10c: {  	v23 =	vsub.s32 v18, v20;
	v29 =	vadd.s32 v21, v25;
	v30 =	vperm.xlane v22, v3  }
0x10d: {  	v17 =	vperm.xlane v24, v17;
	v25 =	vsub.s32 $0x0, v23;
	v31 =	vperm.xlane v29, v7  }
0x10e: {  	v23 =	vmin.u32 v23, v25;
	v25 =	vimm.s32 $0x0;
	v30 =	vand.u32 v9, v30  }
0x10f: {  	vm0 =	vlt.s32 v23, $0x1;
	v30 =	vadd.s32 v30, v22;
	v22 =	vand.u32 v1, v31  }
0x110: {  	v23 =	vnsel vm0, $0x1, v23;
	v29 =	vadd.s32 v22, v29;
	v31 =	vperm.xlane v30, v10  }
0x111: {  	vm0 =	veq.s32 v27, v5;
	v22 =	vsub.s32 $0x1, v23;
	v23 =	vperm.xlane v29, v8  }
0x112: {  	v30 =	vadd.s32 $0xFFFFFFFF, v30;
	v27 =	vnsel vm0, $0x0, v31;
	v31 =	vperm.xlane v22, v4  }
0x113: {  	s26 =	simm.s32 $0x3;
	v26 =	vmul.u32 v26, v30;
	v63 =	vand.u32 v2, v23;
	v24 =	vadd.s32 v24, v27  }
0x114: {  	s10 =	simm.s32 $0x4;
	[tilespmem:$0x1090] =	vst v28;
	v23 =	vmov s26;
	v28 =	vand.u32 v0, v31;
	v27 =	vadd.s32 v63, v29  }
.LBB2_6:
0x115: {  	p0 =	sne.s32 s10, $0xF;
	v29 =	vsub.s32 v18, v23;
	v28 =	vadd.s32 v22, v28;
	v30 =	vperm.xlane v27, v3  }
0x116: {  	v25 =	vadd.s32 v25, v26;
	v31 =	vsub.s32 $0x0, v29;
	v32 =	vperm.xlane v28, v7  }
0x117: {  	v26 =	vmin.u32 v29, v31;
	v29 =	vand.u32 v9, v30  }
0x118: {  	vm0 =	vlt.s32 v26, $0x1;
	v30 =	vand.u32 v1, v32;
	v27 =	vadd.s32 v29, v27  }
.Ltmp2:
0x119: {  	v26 =	vnsel vm0, $0x1, v26;
	v29 =	vadd.s32 v30, v28;
	v28 =	vperm.xlane v27, v10;
	(pc) =	sbr.rel @p0 .LBB2_6-.Ltmp2, $4  }
0x11a: {  	vm0 =	veq.s32 v19, v5;
	v19 =	vmovc v20;
	v20 =	vmovc v23;
	v30 =	vsub.s32 $0x1, v26;
	v26 =	vperm.xlane v29, v8  }
0x11b: {  	v23 =	vadd.s32 $0xFFFFFFFF, v27;
	v31 =	vperm.xlane v30, v4;
	v27 =	vnsel vm0, $0x0, v28  }
0x11c: {  	v32 =	vand.u32 v2, v26;
	v26 =	vmul.u32 v21, v23;
	v24 =	vadd.s32 v24, v27;
	v21 =	vmovc v22  }
0x11d: {  	v23 =	vmov s10;
	s10 =	sadd.s32 $0x1, s10;
	v22 =	vmovc v30;
	v28 =	vand.u32 v0, v31;
	v27 =	vadd.s32 v32, v29  }
0x11e: {  	v18 =	vsub.s32 v18, v23  }
0x11f: {  	v29 =	vsub.s32 $0x0, v18  }
0x120: {  	v18 =	vmin.u32 v18, v29  }
0x121: {  	v28 =	vadd.s32 v22, v28;
	vm0 =	vlt.s32 v18, $0x1  }
0x122: {  	v30 =	vperm.xlane v27, v3;
	v29 =	vperm.xlane v28, v7;
	v18 =	vnsel vm0, $0x1, v18  }
0x123: {  	v25 =	vadd.s32 v25, v26;
	v31 =	vsub.s32 $0x1, v18  }
0x124: {  	v26 =	vand.u32 v9, v30;
	v18 =	vand.u32 v1, v29;
	v29 =	vperm.xlane v31, v4  }
0x125: {  	v26 =	vadd.s32 v26, v27;
	v28 =	vadd.s32 v18, v28;
	v18 =	vld [tilespmem:$0x30]  }
0x126: {  	v30 =	vperm.xlane v26, v10;
	v27 =	vperm.xlane v28, v8;
	v29 =	vand.u32 v0, v29  }
0x127: {  	vm0 =	veq.s32 v19, v5;
	v26 =	vadd.s32 $0xFFFFFFFF, v26;
	v19 =	vadd.s32 v31, v29  }
0x128: {  	s10 =	simm.s32 $0x0;
	v21 =	vmul.u32 v21, v26;
	v27 =	vand.u32 v2, v27;
	v29 =	vperm.xlane v19, v7  }
0x129: {  	v30 =	vnsel vm0, $0x0, v30;
	v26 =	vadd.s32 v27, v28;
	v27 =	vmov s10  }
0x12a: {  	v28 =	vperm.xlane v26, v3;
	v32 =	vsub.s32 v18, v27;
	v29 =	vand.u32 v1, v29  }
0x12b: {  	v24 =	vadd.s32 v24, v30;
	v19 =	vadd.s32 v29, v19;
	v29 =	vsub.s32 $0x0, v32  }
0x12c: {  	v28 =	vand.u32 v9, v28;
	v29 =	vmin.u32 v32, v29;
	v62 =	vperm.xlane v19, v8  }
0x12d: {  	v21 =	vadd.s32 v25, v21;
	v26 =	vadd.s32 v28, v26;
	vm0 =	vlt.s32 v29, $0x1  }
0x12e: {  	v28 =	vnsel vm0, $0x1, v29;
	v29 =	vperm.xlane v26, v10;
	v30 =	vand.u32 v2, v62  }
0x12f: {  	vm0 =	veq.s32 v20, v5;
	v20 =	vadd.s32 $0xFFFFFFFF, v26;
	v19 =	vadd.s32 v30, v19  }
0x130: {  	v20 =	vmul.u32 v22, v20;
	v26 =	vsub.s32 $0x1, v28;
	v22 =	vperm.xlane v19, v3  }
0x131: {  	v25 =	vnsel vm0, $0x0, v29;
	v28 =	vperm.xlane v26, v4;
	vm0 =	veq.s32 v23, v5  }
0x132: {  	s13 =	simm.s32 $0x1;
	v24 =	vadd.s32 v24, v25;
	v20 =	vadd.s32 v21, v20;
	v21 =	vand.u32 v9, v22  }
0x133: {  	v22 =	vand.u32 v0, v28;
	v21 =	vadd.s32 v21, v19;
	v19 =	vmov s13  }
0x134: {  	v22 =	vadd.s32 v26, v22;
	v25 =	vperm.xlane v21, v10;
	v28 =	vsub.s32 v18, v19  }
0x135: {  	v29 =	vperm.xlane v22, v7;
	v21 =	vadd.s32 $0xFFFFFFFF, v21;
	v23 =	vsub.s32 $0x0, v28  }
0x136: {  	v21 =	vmul.u32 v31, v21;
	v23 =	vmin.u32 v28, v23  }
0x137: {  	v25 =	vnsel vm0, $0x0, v25;
	v28 =	vand.u32 v1, v29;
	vm0 =	vlt.s32 v23, $0x1  }
0x138: {  	v16 =	vadd.s32 v16, v17;
	v22 =	vadd.s32 v28, v22;
	v23 =	vnsel vm0, $0x1, v23  }
0x139: {  	v20 =	vadd.s32 v20, v21;
	v21 =	vsub.s32 $0x1, v23;
	v23 =	vperm.xlane v22, v8  }
0x13a: {  	v17 =	vand.u32 $0xF, v18;
	v24 =	vadd.s32 v24, v25;
	v25 =	vperm.xlane v21, v4  }
0x13b: {  	s14 =	simm.s32 $0x2;
	v28 =	vadd.s32 v20, v16;
	v16 =	vperm.xlane v15, v17;
	v23 =	vand.u32 v2, v23  }
0x13c: {  	v20 =	vmov s14;
	v25 =	vand.u32 v0, v25;
	v22 =	vadd.s32 v23, v22  }
0x13d: {  	v23 =	vsub.s32 v18, v20;
	v29 =	vadd.s32 v21, v25;
	v30 =	vperm.xlane v22, v3  }
0x13e: {  	v17 =	vperm.xlane v24, v17;
	v25 =	vsub.s32 $0x0, v23;
	v31 =	vperm.xlane v29, v7  }
0x13f: {  	v23 =	vmin.u32 v23, v25;
	v25 =	vimm.s32 $0x0;
	v30 =	vand.u32 v9, v30  }
0x140: {  	vm0 =	vlt.s32 v23, $0x1;
	v30 =	vadd.s32 v30, v22;
	v22 =	vand.u32 v1, v31  }
0x141: {  	v23 =	vnsel vm0, $0x1, v23;
	v29 =	vadd.s32 v22, v29;
	v31 =	vperm.xlane v30, v10  }
0x142: {  	vm0 =	veq.s32 v27, v5;
	v22 =	vsub.s32 $0x1, v23;
	v23 =	vperm.xlane v29, v8  }
0x143: {  	v30 =	vadd.s32 $0xFFFFFFFF, v30;
	v27 =	vnsel vm0, $0x0, v31;
	v31 =	vperm.xlane v22, v4  }
0x144: {  	s26 =	simm.s32 $0x3;
	v26 =	vmul.u32 v26, v30;
	v63 =	vand.u32 v2, v23;
	v24 =	vadd.s32 v24, v27  }
0x145: {  	s10 =	simm.s32 $0x4;
	[tilespmem:$0x10A0] =	vst v28;
	v23 =	vmov s26;
	v28 =	vand.u32 v0, v31;
	v27 =	vadd.s32 v63, v29  }
.LBB2_8:
0x146: {  	p0 =	sne.s32 s10, $0xF;
	v29 =	vsub.s32 v18, v23;
	v28 =	vadd.s32 v22, v28;
	v30 =	vperm.xlane v27, v3  }
0x147: {  	v25 =	vadd.s32 v25, v26;
	v31 =	vsub.s32 $0x0, v29;
	v32 =	vperm.xlane v28, v7  }
0x148: {  	v26 =	vmin.u32 v29, v31;
	v29 =	vand.u32 v9, v30  }
0x149: {  	vm0 =	vlt.s32 v26, $0x1;
	v30 =	vand.u32 v1, v32;
	v27 =	vadd.s32 v29, v27  }
.Ltmp3:
0x14a: {  	v26 =	vnsel vm0, $0x1, v26;
	v29 =	vadd.s32 v30, v28;
	v28 =	vperm.xlane v27, v10;
	(pc) =	sbr.rel @p0 .LBB2_8-.Ltmp3, $4  }
0x14b: {  	vm0 =	veq.s32 v19, v5;
	v19 =	vmovc v20;
	v20 =	vmovc v23;
	v30 =	vsub.s32 $0x1, v26;
	v26 =	vperm.xlane v29, v8  }
0x14c: {  	v23 =	vadd.s32 $0xFFFFFFFF, v27;
	v31 =	vperm.xlane v30, v4;
	v27 =	vnsel vm0, $0x0, v28  }
0x14d: {  	v32 =	vand.u32 v2, v26;
	v26 =	vmul.u32 v21, v23;
	v24 =	vadd.s32 v24, v27;
	v21 =	vmovc v22  }
0x14e: {  	v23 =	vmov s10;
	s10 =	sadd.s32 $0x1, s10;
	v22 =	vmovc v30;
	v28 =	vand.u32 v0, v31;
	v27 =	vadd.s32 v32, v29  }
0x14f: {  	v18 =	vsub.s32 v18, v23  }
0x150: {  	v29 =	vsub.s32 $0x0, v18  }
0x151: {  	v18 =	vmin.u32 v18, v29  }
0x152: {  	v28 =	vadd.s32 v22, v28;
	vm0 =	vlt.s32 v18, $0x1  }
0x153: {  	v30 =	vperm.xlane v27, v3;
	v29 =	vperm.xlane v28, v7;
	v18 =	vnsel vm0, $0x1, v18  }
0x154: {  	v25 =	vadd.s32 v25, v26;
	v31 =	vsub.s32 $0x1, v18  }
0x155: {  	v26 =	vand.u32 v9, v30;
	v18 =	vand.u32 v1, v29;
	v29 =	vperm.xlane v31, v4  }
0x156: {  	v26 =	vadd.s32 v26, v27;
	v28 =	vadd.s32 v18, v28;
	v18 =	vld [tilespmem:$0x40]  }
0x157: {  	v30 =	vperm.xlane v26, v10;
	v27 =	vperm.xlane v28, v8;
	v29 =	vand.u32 v0, v29  }
0x158: {  	vm0 =	veq.s32 v19, v5;
	v26 =	vadd.s32 $0xFFFFFFFF, v26;
	v19 =	vadd.s32 v31, v29  }
0x159: {  	s10 =	simm.s32 $0x0;
	v21 =	vmul.u32 v21, v26;
	v27 =	vand.u32 v2, v27;
	v29 =	vperm.xlane v19, v7  }
0x15a: {  	v30 =	vnsel vm0, $0x0, v30;
	v26 =	vadd.s32 v27, v28;
	v27 =	vmov s10  }
0x15b: {  	v28 =	vperm.xlane v26, v3;
	v32 =	vsub.s32 v18, v27;
	v29 =	vand.u32 v1, v29  }
0x15c: {  	v24 =	vadd.s32 v24, v30;
	v19 =	vadd.s32 v29, v19;
	v29 =	vsub.s32 $0x0, v32  }
0x15d: {  	v28 =	vand.u32 v9, v28;
	v29 =	vmin.u32 v32, v29;
	v62 =	vperm.xlane v19, v8  }
0x15e: {  	v21 =	vadd.s32 v25, v21;
	v26 =	vadd.s32 v28, v26;
	vm0 =	vlt.s32 v29, $0x1  }
0x15f: {  	v28 =	vnsel vm0, $0x1, v29;
	v29 =	vperm.xlane v26, v10;
	v30 =	vand.u32 v2, v62  }
0x160: {  	vm0 =	veq.s32 v20, v5;
	v20 =	vadd.s32 $0xFFFFFFFF, v26;
	v19 =	vadd.s32 v30, v19  }
0x161: {  	v20 =	vmul.u32 v22, v20;
	v26 =	vsub.s32 $0x1, v28;
	v22 =	vperm.xlane v19, v3  }
0x162: {  	v25 =	vnsel vm0, $0x0, v29;
	v28 =	vperm.xlane v26, v4;
	vm0 =	veq.s32 v23, v5  }
0x163: {  	s13 =	simm.s32 $0x1;
	v24 =	vadd.s32 v24, v25;
	v20 =	vadd.s32 v21, v20;
	v21 =	vand.u32 v9, v22  }
0x164: {  	v22 =	vand.u32 v0, v28;
	v21 =	vadd.s32 v21, v19;
	v19 =	vmov s13  }
0x165: {  	v22 =	vadd.s32 v26, v22;
	v25 =	vperm.xlane v21, v10;
	v28 =	vsub.s32 v18, v19  }
0x166: {  	v29 =	vperm.xlane v22, v7;
	v21 =	vadd.s32 $0xFFFFFFFF, v21;
	v23 =	vsub.s32 $0x0, v28  }
0x167: {  	v21 =	vmul.u32 v31, v21;
	v23 =	vmin.u32 v28, v23  }
0x168: {  	v25 =	vnsel vm0, $0x0, v25;
	v28 =	vand.u32 v1, v29;
	vm0 =	vlt.s32 v23, $0x1  }
0x169: {  	v16 =	vadd.s32 v16, v17;
	v22 =	vadd.s32 v28, v22;
	v23 =	vnsel vm0, $0x1, v23  }
0x16a: {  	v20 =	vadd.s32 v20, v21;
	v21 =	vsub.s32 $0x1, v23;
	v23 =	vperm.xlane v22, v8  }
0x16b: {  	v17 =	vand.u32 $0xF, v18;
	v24 =	vadd.s32 v24, v25;
	v25 =	vperm.xlane v21, v4  }
0x16c: {  	s14 =	simm.s32 $0x2;
	v28 =	vadd.s32 v20, v16;
	v16 =	vperm.xlane v15, v17;
	v23 =	vand.u32 v2, v23  }
0x16d: {  	v20 =	vmov s14;
	v25 =	vand.u32 v0, v25;
	v22 =	vadd.s32 v23, v22  }
0x16e: {  	v23 =	vsub.s32 v18, v20;
	v29 =	vadd.s32 v21, v25;
	v30 =	vperm.xlane v22, v3  }
0x16f: {  	v17 =	vperm.xlane v24, v17;
	v25 =	vsub.s32 $0x0, v23;
	v31 =	vperm.xlane v29, v7  }
0x170: {  	v23 =	vmin.u32 v23, v25;
	v25 =	vimm.s32 $0x0;
	v30 =	vand.u32 v9, v30  }
0x171: {  	vm0 =	vlt.s32 v23, $0x1;
	v30 =	vadd.s32 v30, v22;
	v22 =	vand.u32 v1, v31  }
0x172: {  	v23 =	vnsel vm0, $0x1, v23;
	v29 =	vadd.s32 v22, v29;
	v31 =	vperm.xlane v30, v10  }
0x173: {  	vm0 =	veq.s32 v27, v5;
	v22 =	vsub.s32 $0x1, v23;
	v23 =	vperm.xlane v29, v8  }
0x174: {  	v30 =	vadd.s32 $0xFFFFFFFF, v30;
	v27 =	vnsel vm0, $0x0, v31;
	v31 =	vperm.xlane v22, v4  }
0x175: {  	s26 =	simm.s32 $0x3;
	v26 =	vmul.u32 v26, v30;
	v63 =	vand.u32 v2, v23;
	v24 =	vadd.s32 v24, v27  }
0x176: {  	s10 =	simm.s32 $0x4;
	[tilespmem:$0x10B0] =	vst v28;
	v23 =	vmov s26;
	v28 =	vand.u32 v0, v31;
	v27 =	vadd.s32 v63, v29  }
.LBB2_10:
0x177: {  	p0 =	sne.s32 s10, $0xF;
	v29 =	vsub.s32 v18, v23;
	v28 =	vadd.s32 v22, v28;
	v30 =	vperm.xlane v27, v3  }
0x178: {  	v25 =	vadd.s32 v25, v26;
	v31 =	vsub.s32 $0x0, v29;
	v32 =	vperm.xlane v28, v7  }
0x179: {  	v26 =	vmin.u32 v29, v31;
	v29 =	vand.u32 v9, v30  }
0x17a: {  	vm0 =	vlt.s32 v26, $0x1;
	v30 =	vand.u32 v1, v32;
	v27 =	vadd.s32 v29, v27  }
.Ltmp4:
0x17b: {  	v26 =	vnsel vm0, $0x1, v26;
	v29 =	vadd.s32 v30, v28;
	v28 =	vperm.xlane v27, v10;
	(pc) =	sbr.rel @p0 .LBB2_10-.Ltmp4, $4  }
0x17c: {  	vm0 =	veq.s32 v19, v5;
	v19 =	vmovc v20;
	v20 =	vmovc v23;
	v30 =	vsub.s32 $0x1, v26;
	v26 =	vperm.xlane v29, v8  }
0x17d: {  	v23 =	vadd.s32 $0xFFFFFFFF, v27;
	v31 =	vperm.xlane v30, v4;
	v27 =	vnsel vm0, $0x0, v28  }
0x17e: {  	v32 =	vand.u32 v2, v26;
	v26 =	vmul.u32 v21, v23;
	v24 =	vadd.s32 v24, v27;
	v21 =	vmovc v22  }
0x17f: {  	v23 =	vmov s10;
	s10 =	sadd.s32 $0x1, s10;
	v22 =	vmovc v30;
	v28 =	vand.u32 v0, v31;
	v27 =	vadd.s32 v32, v29  }
0x180: {  	v18 =	vsub.s32 v18, v23  }
0x181: {  	v29 =	vsub.s32 $0x0, v18  }
0x182: {  	v18 =	vmin.u32 v18, v29  }
0x183: {  	v28 =	vadd.s32 v22, v28;
	vm0 =	vlt.s32 v18, $0x1  }
0x184: {  	v30 =	vperm.xlane v27, v3;
	v29 =	vperm.xlane v28, v7;
	v18 =	vnsel vm0, $0x1, v18  }
0x185: {  	v25 =	vadd.s32 v25, v26;
	v31 =	vsub.s32 $0x1, v18  }
0x186: {  	v26 =	vand.u32 v9, v30;
	v18 =	vand.u32 v1, v29;
	v29 =	vperm.xlane v31, v4  }
0x187: {  	v26 =	vadd.s32 v26, v27;
	v28 =	vadd.s32 v18, v28;
	v18 =	vld [tilespmem:$0x50]  }
0x188: {  	v30 =	vperm.xlane v26, v10;
	v27 =	vperm.xlane v28, v8;
	v29 =	vand.u32 v0, v29  }
0x189: {  	vm0 =	veq.s32 v19, v5;
	v26 =	vadd.s32 $0xFFFFFFFF, v26;
	v19 =	vadd.s32 v31, v29  }
0x18a: {  	s10 =	simm.s32 $0x0;
	v21 =	vmul.u32 v21, v26;
	v27 =	vand.u32 v2, v27;
	v29 =	vperm.xlane v19, v7  }
0x18b: {  	v30 =	vnsel vm0, $0x0, v30;
	v26 =	vadd.s32 v27, v28;
	v27 =	vmov s10  }
0x18c: {  	v28 =	vperm.xlane v26, v3;
	v32 =	vsub.s32 v18, v27;
	v29 =	vand.u32 v1, v29  }
0x18d: {  	v24 =	vadd.s32 v24, v30;
	v19 =	vadd.s32 v29, v19;
	v29 =	vsub.s32 $0x0, v32  }
0x18e: {  	v28 =	vand.u32 v9, v28;
	v29 =	vmin.u32 v32, v29;
	v62 =	vperm.xlane v19, v8  }
0x18f: {  	v21 =	vadd.s32 v25, v21;
	v26 =	vadd.s32 v28, v26;
	vm0 =	vlt.s32 v29, $0x1  }
0x190: {  	v28 =	vnsel vm0, $0x1, v29;
	v29 =	vperm.xlane v26, v10;
	v30 =	vand.u32 v2, v62  }
0x191: {  	vm0 =	veq.s32 v20, v5;
	v20 =	vadd.s32 $0xFFFFFFFF, v26;
	v19 =	vadd.s32 v30, v19  }
0x192: {  	v20 =	vmul.u32 v22, v20;
	v26 =	vsub.s32 $0x1, v28;
	v22 =	vperm.xlane v19, v3  }
0x193: {  	v25 =	vnsel vm0, $0x0, v29;
	v28 =	vperm.xlane v26, v4;
	vm0 =	veq.s32 v23, v5  }
0x194: {  	s13 =	simm.s32 $0x1;
	v24 =	vadd.s32 v24, v25;
	v20 =	vadd.s32 v21, v20;
	v21 =	vand.u32 v9, v22  }
0x195: {  	v22 =	vand.u32 v0, v28;
	v21 =	vadd.s32 v21, v19;
	v19 =	vmov s13  }
0x196: {  	v22 =	vadd.s32 v26, v22;
	v25 =	vperm.xlane v21, v10;
	v28 =	vsub.s32 v18, v19  }
0x197: {  	v29 =	vperm.xlane v22, v7;
	v21 =	vadd.s32 $0xFFFFFFFF, v21;
	v23 =	vsub.s32 $0x0, v28  }
0x198: {  	v21 =	vmul.u32 v31, v21;
	v23 =	vmin.u32 v28, v23  }
0x199: {  	v25 =	vnsel vm0, $0x0, v25;
	v28 =	vand.u32 v1, v29;
	vm0 =	vlt.s32 v23, $0x1  }
0x19a: {  	v16 =	vadd.s32 v16, v17;
	v22 =	vadd.s32 v28, v22;
	v23 =	vnsel vm0, $0x1, v23  }
0x19b: {  	v20 =	vadd.s32 v20, v21;
	v21 =	vsub.s32 $0x1, v23;
	v23 =	vperm.xlane v22, v8  }
0x19c: {  	v17 =	vand.u32 $0xF, v18;
	v24 =	vadd.s32 v24, v25;
	v25 =	vperm.xlane v21, v4  }
0x19d: {  	s14 =	simm.s32 $0x2;
	v28 =	vadd.s32 v20, v16;
	v16 =	vperm.xlane v15, v17;
	v23 =	vand.u32 v2, v23  }
0x19e: {  	v20 =	vmov s14;
	v25 =	vand.u32 v0, v25;
	v22 =	vadd.s32 v23, v22  }
0x19f: {  	v23 =	vsub.s32 v18, v20;
	v29 =	vadd.s32 v21, v25;
	v30 =	vperm.xlane v22, v3  }
0x1a0: {  	v17 =	vperm.xlane v24, v17;
	v25 =	vsub.s32 $0x0, v23;
	v31 =	vperm.xlane v29, v7  }
0x1a1: {  	v23 =	vmin.u32 v23, v25;
	v25 =	vimm.s32 $0x0;
	v30 =	vand.u32 v9, v30  }
0x1a2: {  	vm0 =	vlt.s32 v23, $0x1;
	v30 =	vadd.s32 v30, v22;
	v22 =	vand.u32 v1, v31  }
0x1a3: {  	v23 =	vnsel vm0, $0x1, v23;
	v29 =	vadd.s32 v22, v29;
	v31 =	vperm.xlane v30, v10  }
0x1a4: {  	vm0 =	veq.s32 v27, v5;
	v22 =	vsub.s32 $0x1, v23;
	v23 =	vperm.xlane v29, v8  }
0x1a5: {  	v30 =	vadd.s32 $0xFFFFFFFF, v30;
	v27 =	vnsel vm0, $0x0, v31;
	v31 =	vperm.xlane v22, v4  }
0x1a6: {  	s26 =	simm.s32 $0x3;
	v26 =	vmul.u32 v26, v30;
	v63 =	vand.u32 v2, v23;
	v24 =	vadd.s32 v24, v27  }
0x1a7: {  	s10 =	simm.s32 $0x4;
	[tilespmem:$0x10C0] =	vst v28;
	v23 =	vmov s26;
	v28 =	vand.u32 v0, v31;
	v27 =	vadd.s32 v63, v29  }
.LBB2_12:
0x1a8: {  	p0 =	sne.s32 s10, $0xF;
	v29 =	vsub.s32 v18, v23;
	v28 =	vadd.s32 v22, v28;
	v30 =	vperm.xlane v27, v3  }
0x1a9: {  	v25 =	vadd.s32 v25, v26;
	v31 =	vsub.s32 $0x0, v29;
	v32 =	vperm.xlane v28, v7  }
0x1aa: {  	v26 =	vmin.u32 v29, v31;
	v29 =	vand.u32 v9, v30  }
0x1ab: {  	vm0 =	vlt.s32 v26, $0x1;
	v30 =	vand.u32 v1, v32;
	v27 =	vadd.s32 v29, v27  }
.Ltmp5:
0x1ac: {  	v26 =	vnsel vm0, $0x1, v26;
	v29 =	vadd.s32 v30, v28;
	v28 =	vperm.xlane v27, v10;
	(pc) =	sbr.rel @p0 .LBB2_12-.Ltmp5, $4  }
0x1ad: {  	vm0 =	veq.s32 v19, v5;
	v19 =	vmovc v20;
	v20 =	vmovc v23;
	v30 =	vsub.s32 $0x1, v26;
	v26 =	vperm.xlane v29, v8  }
0x1ae: {  	v23 =	vadd.s32 $0xFFFFFFFF, v27;
	v31 =	vperm.xlane v30, v4;
	v27 =	vnsel vm0, $0x0, v28  }
0x1af: {  	v32 =	vand.u32 v2, v26;
	v26 =	vmul.u32 v21, v23;
	v24 =	vadd.s32 v24, v27;
	v21 =	vmovc v22  }
0x1b0: {  	v23 =	vmov s10;
	s10 =	sadd.s32 $0x1, s10;
	v22 =	vmovc v30;
	v28 =	vand.u32 v0, v31;
	v27 =	vadd.s32 v32, v29  }
0x1b1: {  	v18 =	vsub.s32 v18, v23  }
0x1b2: {  	v29 =	vsub.s32 $0x0, v18  }
0x1b3: {  	v18 =	vmin.u32 v18, v29  }
0x1b4: {  	v28 =	vadd.s32 v22, v28;
	vm0 =	vlt.s32 v18, $0x1  }
0x1b5: {  	v30 =	vperm.xlane v27, v3;
	v29 =	vperm.xlane v28, v7;
	v18 =	vnsel vm0, $0x1, v18  }
0x1b6: {  	v25 =	vadd.s32 v25, v26;
	v31 =	vsub.s32 $0x1, v18  }
0x1b7: {  	v26 =	vand.u32 v9, v30;
	v18 =	vand.u32 v1, v29;
	v29 =	vperm.xlane v31, v4  }
0x1b8: {  	v26 =	vadd.s32 v26, v27;
	v28 =	vadd.s32 v18, v28;
	v18 =	vld [tilespmem:$0x60]  }
0x1b9: {  	v30 =	vperm.xlane v26, v10;
	v27 =	vperm.xlane v28, v8;
	v29 =	vand.u32 v0, v29  }
0x1ba: {  	vm0 =	veq.s32 v19, v5;
	v26 =	vadd.s32 $0xFFFFFFFF, v26;
	v19 =	vadd.s32 v31, v29  }
0x1bb: {  	s10 =	simm.s32 $0x0;
	v21 =	vmul.u32 v21, v26;
	v27 =	vand.u32 v2, v27;
	v29 =	vperm.xlane v19, v7  }
0x1bc: {  	v30 =	vnsel vm0, $0x0, v30;
	v26 =	vadd.s32 v27, v28;
	v27 =	vmov s10  }
0x1bd: {  	v28 =	vperm.xlane v26, v3;
	v32 =	vsub.s32 v18, v27;
	v29 =	vand.u32 v1, v29  }
0x1be: {  	v24 =	vadd.s32 v24, v30;
	v19 =	vadd.s32 v29, v19;
	v29 =	vsub.s32 $0x0, v32  }
0x1bf: {  	v28 =	vand.u32 v9, v28;
	v29 =	vmin.u32 v32, v29;
	v62 =	vperm.xlane v19, v8  }
0x1c0: {  	v21 =	vadd.s32 v25, v21;
	v26 =	vadd.s32 v28, v26;
	vm0 =	vlt.s32 v29, $0x1  }
0x1c1: {  	v28 =	vnsel vm0, $0x1, v29;
	v29 =	vperm.xlane v26, v10;
	v30 =	vand.u32 v2, v62  }
0x1c2: {  	vm0 =	veq.s32 v20, v5;
	v20 =	vadd.s32 $0xFFFFFFFF, v26;
	v19 =	vadd.s32 v30, v19  }
0x1c3: {  	v20 =	vmul.u32 v22, v20;
	v26 =	vsub.s32 $0x1, v28;
	v22 =	vperm.xlane v19, v3  }
0x1c4: {  	v25 =	vnsel vm0, $0x0, v29;
	v28 =	vperm.xlane v26, v4;
	vm0 =	veq.s32 v23, v5  }
0x1c5: {  	s13 =	simm.s32 $0x1;
	v24 =	vadd.s32 v24, v25;
	v20 =	vadd.s32 v21, v20;
	v21 =	vand.u32 v9, v22  }
0x1c6: {  	v22 =	vand.u32 v0, v28;
	v21 =	vadd.s32 v21, v19;
	v19 =	vmov s13  }
0x1c7: {  	v22 =	vadd.s32 v26, v22;
	v25 =	vperm.xlane v21, v10;
	v28 =	vsub.s32 v18, v19  }
0x1c8: {  	v29 =	vperm.xlane v22, v7;
	v21 =	vadd.s32 $0xFFFFFFFF, v21;
	v23 =	vsub.s32 $0x0, v28  }
0x1c9: {  	v21 =	vmul.u32 v31, v21;
	v23 =	vmin.u32 v28, v23  }
0x1ca: {  	v25 =	vnsel vm0, $0x0, v25;
	v28 =	vand.u32 v1, v29;
	vm0 =	vlt.s32 v23, $0x1  }
0x1cb: {  	v16 =	vadd.s32 v16, v17;
	v22 =	vadd.s32 v28, v22;
	v23 =	vnsel vm0, $0x1, v23  }
0x1cc: {  	v20 =	vadd.s32 v20, v21;
	v21 =	vsub.s32 $0x1, v23;
	v23 =	vperm.xlane v22, v8  }
0x1cd: {  	v17 =	vand.u32 $0xF, v18;
	v24 =	vadd.s32 v24, v25;
	v25 =	vperm.xlane v21, v4  }
0x1ce: {  	s14 =	simm.s32 $0x2;
	v28 =	vadd.s32 v20, v16;
	v16 =	vperm.xlane v15, v17;
	v23 =	vand.u32 v2, v23  }
0x1cf: {  	v20 =	vmov s14;
	v25 =	vand.u32 v0, v25;
	v22 =	vadd.s32 v23, v22  }
0x1d0: {  	v23 =	vsub.s32 v18, v20;
	v29 =	vadd.s32 v21, v25;
	v30 =	vperm.xlane v22, v3  }
0x1d1: {  	v17 =	vperm.xlane v24, v17;
	v25 =	vsub.s32 $0x0, v23;
	v31 =	vperm.xlane v29, v7  }
0x1d2: {  	v23 =	vmin.u32 v23, v25;
	v25 =	vimm.s32 $0x0;
	v30 =	vand.u32 v9, v30  }
0x1d3: {  	vm0 =	vlt.s32 v23, $0x1;
	v30 =	vadd.s32 v30, v22;
	v22 =	vand.u32 v1, v31  }
0x1d4: {  	v23 =	vnsel vm0, $0x1, v23;
	v29 =	vadd.s32 v22, v29;
	v31 =	vperm.xlane v30, v10  }
0x1d5: {  	vm0 =	veq.s32 v27, v5;
	v22 =	vsub.s32 $0x1, v23;
	v23 =	vperm.xlane v29, v8  }
0x1d6: {  	v30 =	vadd.s32 $0xFFFFFFFF, v30;
	v27 =	vnsel vm0, $0x0, v31;
	v31 =	vperm.xlane v22, v4  }
0x1d7: {  	s26 =	simm.s32 $0x3;
	v26 =	vmul.u32 v26, v30;
	v63 =	vand.u32 v2, v23;
	v24 =	vadd.s32 v24, v27  }
0x1d8: {  	s10 =	simm.s32 $0x4;
	[tilespmem:$0x10D0] =	vst v28;
	v23 =	vmov s26;
	v28 =	vand.u32 v0, v31;
	v27 =	vadd.s32 v63, v29  }
.LBB2_14:
0x1d9: {  	p0 =	sne.s32 s10, $0xF;
	v29 =	vsub.s32 v18, v23;
	v28 =	vadd.s32 v22, v28;
	v30 =	vperm.xlane v27, v3  }
0x1da: {  	v25 =	vadd.s32 v25, v26;
	v31 =	vsub.s32 $0x0, v29;
	v32 =	vperm.xlane v28, v7  }
0x1db: {  	v26 =	vmin.u32 v29, v31;
	v29 =	vand.u32 v9, v30  }
0x1dc: {  	vm0 =	vlt.s32 v26, $0x1;
	v30 =	vand.u32 v1, v32;
	v27 =	vadd.s32 v29, v27  }
.Ltmp6:
0x1dd: {  	v26 =	vnsel vm0, $0x1, v26;
	v29 =	vadd.s32 v30, v28;
	v28 =	vperm.xlane v27, v10;
	(pc) =	sbr.rel @p0 .LBB2_14-.Ltmp6, $4  }
0x1de: {  	vm0 =	veq.s32 v19, v5;
	v19 =	vmovc v20;
	v20 =	vmovc v23;
	v30 =	vsub.s32 $0x1, v26;
	v26 =	vperm.xlane v29, v8  }
0x1df: {  	v23 =	vadd.s32 $0xFFFFFFFF, v27;
	v31 =	vperm.xlane v30, v4;
	v27 =	vnsel vm0, $0x0, v28  }
0x1e0: {  	v32 =	vand.u32 v2, v26;
	v26 =	vmul.u32 v21, v23;
	v24 =	vadd.s32 v24, v27;
	v21 =	vmovc v22  }
0x1e1: {  	v23 =	vmov s10;
	s10 =	sadd.s32 $0x1, s10;
	v22 =	vmovc v30;
	v28 =	vand.u32 v0, v31;
	v27 =	vadd.s32 v32, v29  }
0x1e2: {  	v18 =	vsub.s32 v18, v23  }
0x1e3: {  	v29 =	vsub.s32 $0x0, v18  }
0x1e4: {  	v28 =	vadd.s32 v22, v28;
	v18 =	vmin.u32 v18, v29  }
0x1e5: {  	v59 =	vperm.xlane v28, v7;
	vm0 =	vlt.s32 v18, $0x1  }
0x1e6: {  	v18 =	vnsel vm0, $0x1, v18  }
0x1e7: {  	v30 =	vsub.s32 $0x1, v18;
	v18 =	vand.u32 v1, v59  }
0x1e8: {  	v31 =	vperm.xlane v27, v3;
	v60 =	vperm.xlane v30, v4;
	v28 =	vadd.s32 v18, v28  }
0x1e9: {  	v18 =	vperm.xlane v28, v8  }
0x1ea: {  	v25 =	vadd.s32 v25, v26;
	v26 =	vand.u32 v9, v31;
	v29 =	vand.u32 v0, v60  }
0x1eb: {  	v26 =	vadd.s32 v26, v27;
	v29 =	vadd.s32 v30, v29;
	v27 =	vand.u32 v2, v18  }
0x1ec: {  	vm0 =	veq.s32 v19, v5;
	v18 =	vld [tilespmem:$0x70];
	v61 =	vperm.xlane v29, v7;
	v27 =	vadd.s32 v27, v28  }
0x1ed: {  	s10 =	simm.s32 $0x0;
	v19 =	vperm.xlane v26, v10;
	v26 =	vadd.s32 $0xFFFFFFFF, v26;
	v28 =	vperm.xlane v27, v3  }
0x1ee: {  	v62 =	vmov s10;
	v21 =	vmul.u32 v21, v26;
	v31 =	vand.u32 v1, v61  }
0x1ef: {  	v19 =	vnsel vm0, $0x0, v19;
	v26 =	vadd.s32 v31, v29;
	v28 =	vand.u32 v9, v28  }
0x1f0: {  	v19 =	vadd.s32 v24, v19;
	v29 =	vperm.xlane v26, v8;
	v24 =	vadd.s32 v28, v27  }
0x1f1: {  	vm0 =	veq.s32 v20, v5;
	v27 =	vsub.s32 v18, v62;
	v28 =	vperm.xlane v24, v10  }
0x1f2: {  	v31 =	vsub.s32 $0x0, v27;
	v24 =	vadd.s32 $0xFFFFFFFF, v24;
	v29 =	vand.u32 v2, v29  }
0x1f3: {  	v22 =	vmul.u32 v22, v24;
	v20 =	vadd.s32 v29, v26;
	v26 =	vmin.u32 v27, v31  }
0x1f4: {  	v27 =	vnsel vm0, $0x0, v28;
	v63 =	vperm.xlane v20, v3;
	vm0 =	vlt.s32 v26, $0x1  }
0x1f5: {  	v21 =	vadd.s32 v25, v21;
	v25 =	vnsel vm0, $0x1, v26  }
0x1f6: {  	v21 =	vadd.s32 v21, v22;
	v24 =	vand.u32 v9, v63;
	v26 =	vsub.s32 $0x1, v25  }
0x1f7: {  	s13 =	simm.s32 $0x1;
	vm0 =	veq.s32 v23, v5;
	v20 =	vadd.s32 v24, v20;
	v24 =	vperm.xlane v26, v4  }
0x1f8: {  	v23 =	vmov s13;
	v22 =	vperm.xlane v20, v10;
	v20 =	vadd.s32 $0xFFFFFFFF, v20  }
0x1f9: {  	v23 =	vsub.s32 v18, v23;
	v24 =	vand.u32 v0, v24;
	v20 =	vmul.u32 v30, v20  }
0x1fa: {  	v19 =	vadd.s32 v19, v27;
	v25 =	vsub.s32 $0x0, v23;
	v24 =	vadd.s32 v26, v24  }
0x1fb: {  	v27 =	vperm.xlane v24, v7;
	v20 =	vadd.s32 v21, v20;
	v21 =	vmin.u32 v23, v25  }
0x1fc: {  	v16 =	vadd.s32 v16, v17;
	v22 =	vnsel vm0, $0x0, v22;
	vm0 =	vlt.s32 v21, $0x1  }
0x1fd: {  	v23 =	vadd.s32 v20, v16;
	v17 =	vand.u32 v1, v27;
	v16 =	vnsel vm0, $0x1, v21  }
0x1fe: {  	v19 =	vadd.s32 v19, v22;
	v20 =	vadd.s32 v17, v24;
	v17 =	vsub.s32 $0x1, v16  }
0x1ff: {  	s14 =	simm.s32 $0x2;
	v21 =	vand.u32 $0xF, v18;
	v22 =	vperm.xlane v20, v8;
	v25 =	vperm.xlane v17, v4  }
0x200: {  	v15 =	vperm.xlane v15, v21;
	v24 =	vmov s14;
	v16 =	vperm.xlane v19, v21  }
0x201: {  	v19 =	vsub.s32 v18, v24;
	v21 =	vand.u32 v2, v22;
	v24 =	vand.u32 v0, v25  }
0x202: {  	v22 =	vsub.s32 $0x0, v19;
	v21 =	vadd.s32 v21, v20;
	v24 =	vadd.s32 v17, v24  }
0x203: {  	s26 =	simm.s32 $0x3;
	v20 =	vmin.u32 v19, v22;
	v22 =	vperm.xlane v21, v3;
	v25 =	vperm.xlane v24, v7  }
0x204: {  	v27 =	vmov s26;
	vm0 =	vlt.s32 v20, $0x1  }
0x205: {  	v20 =	vnsel vm0, $0x1, v20;
	v22 =	vand.u32 v9, v22;
	v25 =	vand.u32 v1, v25  }
0x206: {  	v20 =	vsub.s32 $0x1, v20;
	v21 =	vadd.s32 v22, v21;
	v22 =	vadd.s32 v25, v24  }
0x207: {  	[tilespmem:$0x10E0] =	vst v23;
	v24 =	vperm.xlane v20, v4;
	v21 =	vadd.s32 $0xFFFFFFFF, v21;
	v23 =	vperm.xlane v22, v8  }
0x208: {  	s10 =	simm.s32 $0x4;
	v19 =	vimm.s32 $0x0;
	v25 =	vsub.s32 v18, v27;
	v21 =	vmul.u32 v26, v21  }
.LBB2_16:
0x209: {  	p0 =	sne.s32 s10, $0xF;
	v26 =	vsub.s32 $0x0, v25;
	v24 =	vand.u32 v0, v24;
	v23 =	vand.u32 v2, v23  }
0x20a: {  	v24 =	vadd.s32 v20, v24;
	v23 =	vadd.s32 v23, v22;
	v19 =	vadd.s32 v19, v21  }
0x20b: {  	v21 =	vmin.u32 v25, v26;
	v22 =	vperm.xlane v24, v7;
	v25 =	vperm.xlane v23, v3  }
.Ltmp7:
0x20c: {  	v26 =	vmov s10;
	vm0 =	vlt.s32 v21, $0x1;
	(pc) =	sbr.rel @p0 .LBB2_16-.Ltmp7, $4  }
0x20d: {  	v21 =	vnsel vm0, $0x1, v21;
	v22 =	vand.u32 v1, v22;
	v25 =	vand.u32 v9, v25  }
0x20e: {  	v27 =	vsub.s32 $0x1, v21;
	v22 =	vadd.s32 v22, v24;
	v21 =	vadd.s32 v25, v23  }
0x20f: {  	v24 =	vperm.xlane v27, v4;
	v23 =	vperm.xlane v22, v8;
	v21 =	vadd.s32 $0xFFFFFFFF, v21  }
0x210: {  	s10 =	sadd.s32 $0x1, s10;
	v25 =	vsub.s32 v18, v26;
	v21 =	vmul.u32 v17, v21;
	v17 =	vmovc v20;
	v20 =	vmov v27  }
0x211: {  	v18 =	vsub.s32 $0x0, v25  }
0x212: {  	v18 =	vmin.u32 v25, v18  }
0x213: {  	vm0 =	vlt.s32 v18, $0x1  }
0x214: {  	v18 =	vnsel vm0, $0x1, v18  }
0x215: {  	v18 =	vsub.s32 $0x1, v18  }
0x216: {  	v35 =	vperm.xlane v18, v4  }
0x217: {  	v24 =	vand.u32 v0, v24  }
0x218: {  	v24 =	vadd.s32 v20, v24;
	v25 =	vand.u32 v0, v35  }
0x219: {  	v26 =	vperm.xlane v24, v7;
	v25 =	vadd.s32 v18, v25  }
0x21a: {  	v27 =	vperm.xlane v25, v7  }
0x21b: {  	v26 =	vand.u32 v1, v26  }
0x21c: {  	v24 =	vadd.s32 v26, v24;
	v36 =	vand.u32 v1, v27  }
0x21d: {  	v37 =	vperm.xlane v24, v8;
	v25 =	vadd.s32 v36, v25  }
0x21e: {  	v23 =	vand.u32 v2, v23;
	v26 =	vperm.xlane v25, v8  }
0x21f: {  	v22 =	vadd.s32 v23, v22;
	v38 =	vand.u32 v2, v37  }
0x220: {  	v39 =	vperm.xlane v22, v3;
	v23 =	vadd.s32 v38, v24;
	v40 =	vand.u32 v2, v26  }
0x221: {  	v41 =	vperm.xlane v23, v3;
	v24 =	vadd.s32 v40, v25  }
0x222: {  	v42 =	vand.u32 v9, v39;
	v43 =	vperm.xlane v24, v3  }
0x223: {  	v22 =	vadd.s32 v42, v22;
	v44 =	vand.u32 v9, v41  }
0x224: {  	v22 =	vadd.s32 $0xFFFFFFFF, v22;
	v23 =	vadd.s32 v44, v23;
	v45 =	vand.u32 v9, v43  }
0x225: {  	v17 =	vmul.u32 v17, v22;
	v46 =	vadd.s32 $0xFFFFFFFF, v23;
	v47 =	vadd.s32 v45, v24  }
0x226: {  	v19 =	vadd.s32 v19, v21;
	v20 =	vmul.u32 v20, v46;
	v48 =	vadd.s32 $0xFFFFFFFF, v47  }
0x227: {  	v17 =	vadd.s32 v19, v17;
	v18 =	vmul.u32 v18, v48  }
0x228: {  	v17 =	vadd.s32 v17, v20  }
0x229: {  	v15 =	vadd.s32 v15, v16;
	v17 =	vadd.s32 v17, v18  }
0x22a: {  	v15 =	vadd.s32 v17, v15  }
0x22b: {  	s10 =	simm.s32 $0x0;
	s11 =	rddreg [dreg:$0xa];
	s26 =	simm.s32 $0x1080;
	[tilespmem:$0x10F0] =	vst v15  }
0x22c: {  	[hbm4b:s11+s10] =	stream.linear.scatter [tilespmem:s26], [sflag:$0x5], $0x80, $0x38;
	[tilespmem:$0x11380] =	vst v63  }
0x22d: {  	v16 =	vld [tilespmem:$0x1080]  }
0x22e: {  	v17 =	vld [tilespmem:$0x1090]  }
0x22f: {  	v19 =	vld [tilespmem:$0x10A0]  }
0x230: {  	v50 =	vld [tilespmem:$0x10B0]  }
0x231: {  	v62 =	vmov s10;
	v55 =	vld [tilespmem:$0x10C0]  }
0x232: {  	v63 =	vperm.xlane v14, v62;
	vm0 =	vcmask $0x3F24;
	v15 =	vimm.s32 $0x0;
	v28 =	vld [tilespmem:$0x10D0]  }
0x233: {  	v49 =	vnsel vm0, $0x0, v11;
	v18 =	vnsel vm15, $0xF, v11;
	v53 =	vcombine.low v15, v12;
	v57 =	vld [tilespmem:$0x10E0]  }
0x234: {  	v52 =	vnsel vm15, $0xF, v12;
	v31 =	vld [tilespmem:$0x10F0];
	v20 =	vperm.xlane v16, v18;
	v51 =	vperm.xlane v17, v49  }
0x235: {  	v16 =	vperm.xlane v16, v52;
	v17 =	vperm.xlane v17, v53  }
0x236: {  	v56 =	vperm.xlane v19, v18;
	v29 =	vperm.xlane v50, v49  }
0x237: {  	v30 =	vperm.xlane v55, v18;
	v32 =	vperm.xlane v28, v49  }
0x238: {  	v27 =	vperm.xlane v55, v52;
	v28 =	vperm.xlane v28, v53  }
0x239: {  	v54 =	vadd.s32 $0xFFFFFFFF, v6;
	v18 =	vperm.xlane v57, v18;
	v21 =	vperm.xlane v31, v49  }
0x23a: {  	v61 =	vperm.xlane v31, v53;
	v20 =	vand.u32 v54, v20;
	v23 =	vand.u32 v9, v51  }
0x23b: {  	v16 =	vand.u32 v54, v16;
	v17 =	vand.u32 v9, v17;
	v29 =	vand.u32 v9, v29  }
0x23c: {  	v59 =	vand.u32 v54, v27;
	v60 =	vand.u32 v9, v28;
	v20 =	vadd.s32 v20, v23  }
0x23d: {  	v16 =	vadd.s32 v16, v17;
	v17 =	vperm.xlane v19, v52;
	v19 =	vperm.xlane v50, v53  }
0x23e: {  	v58 =	vand.u32 v9, v32;
	v23 =	vand.u32 v54, v56;
	v22 =	vadd.s32 v59, v60;
	[tilespmem:$0x1180] =	vst v20  }
0x23f: {  	v23 =	vadd.s32 v23, v29;
	[tilespmem:$0x1200] =	vst v16;
	v17 =	vand.u32 v54, v17;
	v19 =	vand.u32 v9, v19  }
0x240: {  	v20 =	vperm.xlane v57, v52;
	v16 =	vmul.u32 $0x100, v5;
	[tilespmem:$0x1220] =	vst v22;
	v17 =	vadd.s32 v17, v19  }
0x241: {  	v19 =	vand.u32 v54, v30;
	[tilespmem:$0x1210] =	vst v17;
	v17 =	vand.u32 v54, v18;
	v18 =	vand.u32 v9, v21  }
0x242: {  	[tilespmem:$0x1190] =	vst v23;
	v19 =	vadd.s32 v19, v58;
	v18 =	vadd.s32 v17, v18;
	v17 =	vor.u32 $0x1, v16  }
0x243: {  	[tilespmem:$0x11A0] =	vst v19;
	v19 =	vand.u32 v54, v20;
	v20 =	vand.u32 v9, v61;
	v21 =	vsub.s32 v17, v63  }
0x244: {  	v19 =	vadd.s32 v19, v20;
	[tilespmem:$0x11B0] =	vst v18;
	vm0 =	vgt.s32 v21, $0x0  }
0x245: {  	s10 =	simm.s32 $0x1;
	[tilespmem:$0x1230] =	vst v19;
	v18 =	vsel vm0, $0x1, v13  }
.LBB2_18:
0x246: {  	v19 =	vmov s10;
	p0 =	sne.s32 s10, $0xF;
	s10 =	sadd.s32 $0x1, s10;
	v15 =	vadd.s32 v18, v15  }
.Ltmp8:
0x247: {  	v18 =	vperm.xlane v14, v19;
	(pc) =	sbr.rel @p0 .LBB2_18-.Ltmp8, $4  }
0x248: {  	_ = 	snop  }
0x249: {  	v18 =	vsub.s32 v17, v18  }
0x24a: {  	vm0 =	vgt.s32 v18, $0x0  }
0x24b: {  	v18 =	vsel vm0, $0x1, v13  }
0x24c: {  	s10 =	simm.s32 $0x0  }
0x24d: {  	v17 =	vmov s10  }
0x24e: {  	v17 =	vperm.xlane v14, v17  }
0x24f: {  	v18 =	vadd.s32 v18, v15;
	v15 =	vor.u32 $0x1001, v16  }
0x250: {  	vm0 =	vlt.s32 v18, $0xF;
	v16 =	vsub.s32 v15, v17  }
0x251: {  	v17 =	vnsel vm0, $0xF, v18;
	vm0 =	vgt.s32 v16, $0x0  }
0x252: {  	[dreg:$0x10] =	wrdreg s2;
	s10 =	simm.s32 $0x1;
	[tilespmem:$0x1100] =	vst v17;
	v16 =	vimm.s32 $0x0;
	v17 =	vsel vm0, $0x1, v13  }
.LBB2_20:
0x253: {  	v18 =	vmov s10;
	p0 =	sne.s32 s10, $0xF;
	s10 =	sadd.s32 $0x1, s10;
	v16 =	vadd.s32 v17, v16  }
.Ltmp9:
0x254: {  	v17 =	vperm.xlane v14, v18;
	(pc) =	sbr.rel @p0 .LBB2_20-.Ltmp9, $4  }
0x255: {  	_ = 	snop  }
0x256: {  	v17 =	vsub.s32 v15, v17  }
0x257: {  	vm0 =	vgt.s32 v17, $0x0  }
0x258: {  	v17 =	vsel vm0, $0x1, v13  }
0x259: {  	v14 =	vadd.s32 v17, v16  }
0x25a: {  	vm0 =	vlt.s32 v14, $0xF  }
0x25b: {  	v14 =	vnsel vm0, $0xF, v14  }
0x25c: {  	s10 =	rddreg [dreg:$0x5];
	s26 =	simm.s32 $0x1100;
	s1 =	simm.s32 $0x7;
	[tilespmem:$0x1110] =	vst v14  }
0x25d: {  	[hbm4b:s10+s3] =	stream.linear.scatter [tilespmem:s26], [sflag:$0x6], $0x80, $0x38;
	[tilespmem:$0x11380] =	vst v63  }
0x25e: {  	_ =	swait.ge [sflag:s1], $0x40  }
0x25f: {  	[sflag:s1] =	ssyncset.done $0x0  }
0x260: {  	s26 =	simm.s32 $0x8;
	[sflag:s1] =	ssyncadd.s32 $0xFFFFFFC0  }
0x261: {  	_ =	swait.ge [sflag:s26], $0x40  }
0x262: {  	[sflag:s26] =	ssyncset.done $0x0  }
0x263: {  	s2 =	simm.s32 $0x9;
	[sflag:s26] =	ssyncadd.s32 $0xFFFFFFC0  }
0x264: {  	_ =	swait.ge [sflag:s2], $0x10000  }
0x265: {  	[sflag:s2] =	ssyncset.done $0x0  }
0x266: {  	[sflag:s2] =	ssyncadd.s32 $0xFFFF0000  }
0x267: {  	v14 =	vld [tilespmem:$0x1180];
	_ =	sdelay $0x4  }
0x268: {  	v15 =	vshll.u32 v14, $0x3  }
0x269: {  	v14 =	vand.u32 $0x7, v14;
	v15 =	vand.u32 $0xFFFFFFC0, v15  }
0x26a: {  	v14 =	vor.u32 v14, v15;
	v15 =	vand.u32 $0x7, v5  }
0x26b: {  	v56 =	vmul.u32 $0x8, v6;
	v55 =	vperm.xlane v14, v15;
	_ =	sdelay $0x1  }
0x26c: {  	v16 =	vadd.s32 v56, v55;
	_ =	sdelay $0x3  }
0x26d: {  	vm0 =	vmmov $0xffff;
	s12 =	rddreg [dreg:$0xc]  }
0x26e: {  	v18 =	vor.u32 $0x8, v5;
	[hbm4b:s12+s3] =	stream.indirect_vreg.scatter [tilespmem:s0], [sflag:$0x1], $0x80, v16, vm0, $0xb8;
	[tilespmem:$0x11380] =	vst v63  }
0x26f: {  	s10 =	simm.s32 $0x1B80;
	s13 =	rddreg [dreg:$0xd];
	v14 =	vperm.xlane v14, v18  }
0x270: {  	[hbm4b:s13+s3] =	stream.indirect_vreg.scatter [tilespmem:s10], [sflag:$0x1], $0x80, v16, vm0, $0xb8;
	[tilespmem:$0x11380] =	vst v63  }
0x271: {  	s26 =	simm.s32 $0x2380;
	s14 =	rddreg [dreg:$0xe];
	v14 =	vadd.s32 v56, v14  }
0x272: {  	[hbm4b:s14+s3] =	stream.indirect_vreg.scatter [tilespmem:s26], [sflag:$0x1], $0x80, v16, vm0, $0xb8;
	[tilespmem:$0x11380] =	vst v63  }
0x273: {  	s11 =	rddreg [dreg:$0xf]  }
0x274: {  	[hbm4b:s11+s3] =	stream.indirect_vreg.scatter [tilespmem:s28], [sflag:$0x1], $0x80, v16, vm0, $0xb8;
	[tilespmem:$0x11380] =	vst v63  }
0x275: {  	_ = 	snop  }
0x276: {  	[hbm4b:s12+s3] =	stream.indirect_vreg.scatter [tilespmem:s15], [sflag:$0x1], $0x80, v14, vm0, $0xb8;
	[tilespmem:$0x11380] =	vst v63  }
0x277: {  	_ = 	snop  }
0x278: {  	[hbm4b:s13+s3] =	stream.indirect_vreg.scatter [tilespmem:s29], [sflag:$0x1], $0x80, v14, vm0, $0xb8;
	[tilespmem:$0x11380] =	vst v63  }
0x279: {  	_ = 	snop  }
0x27a: {  	[hbm4b:s14+s3] =	stream.indirect_vreg.scatter [tilespmem:s30], [sflag:$0x1], $0x80, v14, vm0, $0xb8;
	[tilespmem:$0x11380] =	vst v63  }
0x27b: {  	_ = 	snop  }
0x27c: {  	[hbm4b:s11+s3] =	stream.indirect_vreg.scatter [tilespmem:s31], [sflag:$0x1], $0x80, v14, vm0, $0xb8;
	[tilespmem:$0x11380] =	vst v63  }
0x27d: {  	v14 =	vld [tilespmem:$0x1190];
	_ =	sdelay $0x4  }
0x27e: {  	v57 =	vshll.u32 v14, $0x3  }
0x27f: {  	v14 =	vand.u32 $0x7, v14;
	v16 =	vand.u32 $0xFFFFFFC0, v57  }
0x280: {  	v14 =	vor.u32 v14, v16  }
0x281: {  	v16 =	vperm.xlane v14, v15;
	_ =	sdelay $0x1  }
0x282: {  	v16 =	vadd.s32 v56, v16;
	_ =	sdelay $0x3  }
0x283: {  	s1 =	simm.s32 $0x5380  }
0x284: {  	[hbm4b:s12+s3] =	stream.indirect_vreg.scatter [tilespmem:s1], [sflag:$0x1], $0x80, v16, vm0, $0xb8;
	[tilespmem:$0x11380] =	vst v63  }
0x285: {  	s4 =	simm.s32 $0x5B80;
	v14 =	vperm.xlane v14, v18  }
0x286: {  	[hbm4b:s13+s3] =	stream.indirect_vreg.scatter [tilespmem:s4], [sflag:$0x1], $0x80, v16, vm0, $0xb8;
	[tilespmem:$0x11380] =	vst v63  }
0x287: {  	v14 =	vadd.s32 v56, v14  }
0x288: {  	[hbm4b:s14+s3] =	stream.indirect_vreg.scatter [tilespmem:s20], [sflag:$0x1], $0x80, v16, vm0, $0xb8;
	[tilespmem:$0x11380] =	vst v63  }
0x289: {  	_ = 	snop  }
0x28a: {  	[hbm4b:s11+s3] =	stream.indirect_vreg.scatter [tilespmem:s21], [sflag:$0x1], $0x80, v16, vm0, $0xb8;
	[tilespmem:$0x11380] =	vst v63  }
0x28b: {  	_ = 	snop  }
0x28c: {  	[hbm4b:s12+s3] =	stream.indirect_vreg.scatter [tilespmem:s22], [sflag:$0x1], $0x80, v14, vm0, $0xb8;
	[tilespmem:$0x11380] =	vst v63  }
0x28d: {  	s2 =	simm.s32 $0x7B80  }
0x28e: {  	[hbm4b:s13+s3] =	stream.indirect_vreg.scatter [tilespmem:s2], [sflag:$0x1], $0x80, v14, vm0, $0xb8;
	[tilespmem:$0x11380] =	vst v63  }
0x28f: {  	_ = 	snop  }
0x290: {  	[hbm4b:s14+s3] =	stream.indirect_vreg.scatter [tilespmem:s18], [sflag:$0x1], $0x80, v14, vm0, $0xb8;
	[tilespmem:$0x11380] =	vst v63  }
0x291: {  	_ = 	snop  }
0x292: {  	[hbm4b:s11+s3] =	stream.indirect_vreg.scatter [tilespmem:s24], [sflag:$0x1], $0x80, v14, vm0, $0xb8;
	[tilespmem:$0x11380] =	vst v63  }
0x293: {  	v14 =	vld [tilespmem:$0x11A0];
	_ =	sdelay $0x4  }
0x294: {  	v58 =	vshll.u32 v14, $0x3  }
0x295: {  	v14 =	vand.u32 $0x7, v14;
	v16 =	vand.u32 $0xFFFFFFC0, v58  }
0x296: {  	v14 =	vor.u32 v14, v16  }
0x297: {  	v16 =	vperm.xlane v14, v15;
	_ =	sdelay $0x1  }
0x298: {  	v16 =	vadd.s32 v56, v16;
	_ =	sdelay $0x4  }
0x299: {  	[hbm4b:s12+s3] =	stream.indirect_vreg.scatter [tilespmem:s25], [sflag:$0x1], $0x80, v16, vm0, $0xb8;
	[tilespmem:$0x11380] =	vst v63  }
0x29a: {  	s4 =	simm.s32 $0x9B80;
	v14 =	vperm.xlane v14, v18  }
0x29b: {  	[hbm4b:s13+s3] =	stream.indirect_vreg.scatter [tilespmem:s4], [sflag:$0x1], $0x80, v16, vm0, $0xb8;
	[tilespmem:$0x11380] =	vst v63  }
0x29c: {  	v14 =	vadd.s32 v56, v14  }
0x29d: {  	[hbm4b:s14+s3] =	stream.indirect_vreg.scatter [tilespmem:s16], [sflag:$0x1], $0x80, v16, vm0, $0xb8;
	[tilespmem:$0x11380] =	vst v63  }
0x29e: {  	_ = 	snop  }
0x29f: {  	[hbm4b:s11+s3] =	stream.indirect_vreg.scatter [tilespmem:s17], [sflag:$0x1], $0x80, v16, vm0, $0xb8;
	[tilespmem:$0x11380] =	vst v63  }
0x2a0: {  	_ = 	snop  }
0x2a1: {  	[hbm4b:s12+s3] =	stream.indirect_vreg.scatter [tilespmem:s6], [sflag:$0x1], $0x80, v14, vm0, $0xb8;
	[tilespmem:$0x11380] =	vst v63  }
0x2a2: {  	_ = 	snop  }
0x2a3: {  	[hbm4b:s13+s3] =	stream.indirect_vreg.scatter [tilespmem:s7], [sflag:$0x1], $0x80, v14, vm0, $0xb8;
	[tilespmem:$0x11380] =	vst v63  }
0x2a4: {  	_ = 	snop  }
0x2a5: {  	[hbm4b:s14+s3] =	stream.indirect_vreg.scatter [tilespmem:s8], [sflag:$0x1], $0x80, v14, vm0, $0xb8;
	[tilespmem:$0x11380] =	vst v63  }
0x2a6: {  	_ = 	snop  }
0x2a7: {  	[hbm4b:s11+s3] =	stream.indirect_vreg.scatter [tilespmem:s19], [sflag:$0x1], $0x80, v14, vm0, $0xb8;
	[tilespmem:$0x11380] =	vst v63  }
0x2a8: {  	v14 =	vld [tilespmem:$0x11B0];
	_ =	sdelay $0x4  }
0x2a9: {  	v59 =	vshll.u32 v14, $0x3  }
0x2aa: {  	v14 =	vand.u32 $0x7, v14;
	v16 =	vand.u32 $0xFFFFFFC0, v59  }
0x2ab: {  	v14 =	vor.u32 v14, v16  }
0x2ac: {  	v16 =	vperm.xlane v14, v15;
	_ =	sdelay $0x1  }
0x2ad: {  	v16 =	vadd.s32 v56, v16;
	_ =	sdelay $0x4  }
0x2ae: {  	[hbm4b:s12+s3] =	stream.indirect_vreg.scatter [tilespmem:s9], [sflag:$0x1], $0x80, v16, vm0, $0xb8;
	[tilespmem:$0x11380] =	vst v63  }
0x2af: {  	v14 =	vperm.xlane v14, v18  }
0x2b0: {  	[hbm4b:s13+s3] =	stream.indirect_vreg.scatter [tilespmem:s5], [sflag:$0x1], $0x80, v16, vm0, $0xb8;
	[tilespmem:$0x11380] =	vst v63  }
0x2b1: {  	v14 =	vadd.s32 v56, v14  }
0x2b2: {  	[hbm4b:s14+s3] =	stream.indirect_vreg.scatter [tilespmem:s23], [sflag:$0x1], $0x80, v16, vm0, $0xb8;
	[tilespmem:$0x11380] =	vst v63  }
0x2b3: {  	s0 =	simm.s32 $0xEB80  }
0x2b4: {  	[hbm4b:s11+s3] =	stream.indirect_vreg.scatter [tilespmem:s0], [sflag:$0x1], $0x80, v16, vm0, $0xb8;
	[tilespmem:$0x11380] =	vst v63  }
0x2b5: {  	s0 =	simm.s32 $0xF380  }
0x2b6: {  	[hbm4b:s12+s3] =	stream.indirect_vreg.scatter [tilespmem:s0], [sflag:$0x1], $0x80, v14, vm0, $0xb8;
	[tilespmem:$0x11380] =	vst v63  }
0x2b7: {  	s0 =	simm.s32 $0xFB80  }
0x2b8: {  	[hbm4b:s13+s3] =	stream.indirect_vreg.scatter [tilespmem:s0], [sflag:$0x1], $0x80, v14, vm0, $0xb8;
	[tilespmem:$0x11380] =	vst v63  }
0x2b9: {  	s0 =	simm.s32 $0x10380  }
0x2ba: {  	[hbm4b:s14+s3] =	stream.indirect_vreg.scatter [tilespmem:s0], [sflag:$0x1], $0x80, v14, vm0, $0xb8;
	[tilespmem:$0x11380] =	vst v63  }
0x2bb: {  	s0 =	simm.s32 $0x10B80  }
0x2bc: {  	[hbm4b:s11+s3] =	stream.indirect_vreg.scatter [tilespmem:s0], [sflag:$0x1], $0x80, v14, vm0, $0xb8;
	[tilespmem:$0x11380] =	vst v63  }
0x2bd: {  	v14 =	vld [tilespmem:$0x1200];
	_ =	sdelay $0x4  }
0x2be: {  	v60 =	vshll.u32 v14, $0x3  }
0x2bf: {  	v14 =	vand.u32 $0x7, v14;
	v16 =	vand.u32 $0xFFFFFFC0, v60  }
0x2c0: {  	v14 =	vor.u32 v14, v16  }
0x2c1: {  	v16 =	vperm.xlane v14, v15;
	_ =	sdelay $0x1  }
0x2c2: {  	v16 =	vadd.s32 v56, v16;
	_ =	sdelay $0x3  }
0x2c3: {  	s0 =	simm.s32 $0x1380  }
0x2c4: {  	[hbm4b:s12+s3] =	stream.indirect_vreg.scatter [tilespmem:s0], [sflag:$0x2], $0x80, v16, vm0, $0xb8;
	[tilespmem:$0x11380] =	vst v63  }
0x2c5: {  	v14 =	vperm.xlane v14, v18  }
0x2c6: {  	[hbm4b:s13+s3] =	stream.indirect_vreg.scatter [tilespmem:s10], [sflag:$0x2], $0x80, v16, vm0, $0xb8;
	[tilespmem:$0x11380] =	vst v63  }
0x2c7: {  	v14 =	vadd.s32 v56, v14  }
0x2c8: {  	[hbm4b:s14+s3] =	stream.indirect_vreg.scatter [tilespmem:s26], [sflag:$0x2], $0x80, v16, vm0, $0xb8;
	[tilespmem:$0x11380] =	vst v63  }
0x2c9: {  	_ = 	snop  }
0x2ca: {  	[hbm4b:s11+s3] =	stream.indirect_vreg.scatter [tilespmem:s28], [sflag:$0x2], $0x80, v16, vm0, $0xb8;
	[tilespmem:$0x11380] =	vst v63  }
0x2cb: {  	_ = 	snop  }
0x2cc: {  	[hbm4b:s12+s3] =	stream.indirect_vreg.scatter [tilespmem:s15], [sflag:$0x2], $0x80, v14, vm0, $0xb8;
	[tilespmem:$0x11380] =	vst v63  }
0x2cd: {  	_ = 	snop  }
0x2ce: {  	[hbm4b:s13+s3] =	stream.indirect_vreg.scatter [tilespmem:s29], [sflag:$0x2], $0x80, v14, vm0, $0xb8;
	[tilespmem:$0x11380] =	vst v63  }
0x2cf: {  	_ = 	snop  }
0x2d0: {  	[hbm4b:s14+s3] =	stream.indirect_vreg.scatter [tilespmem:s30], [sflag:$0x2], $0x80, v14, vm0, $0xb8;
	[tilespmem:$0x11380] =	vst v63  }
0x2d1: {  	_ = 	snop  }
0x2d2: {  	[hbm4b:s11+s3] =	stream.indirect_vreg.scatter [tilespmem:s31], [sflag:$0x2], $0x80, v14, vm0, $0xb8;
	[tilespmem:$0x11380] =	vst v63  }
0x2d3: {  	v14 =	vld [tilespmem:$0x1210];
	_ =	sdelay $0x4  }
0x2d4: {  	v61 =	vshll.u32 v14, $0x3  }
0x2d5: {  	v14 =	vand.u32 $0x7, v14;
	v16 =	vand.u32 $0xFFFFFFC0, v61  }
0x2d6: {  	v14 =	vor.u32 v14, v16  }
0x2d7: {  	v16 =	vperm.xlane v14, v15;
	_ =	sdelay $0x1  }
0x2d8: {  	v16 =	vadd.s32 v56, v16;
	_ =	sdelay $0x4  }
0x2d9: {  	[hbm4b:s12+s3] =	stream.indirect_vreg.scatter [tilespmem:s1], [sflag:$0x2], $0x80, v16, vm0, $0xb8;
	[tilespmem:$0x11380] =	vst v63  }
0x2da: {  	s10 =	simm.s32 $0x5B80;
	v14 =	vperm.xlane v14, v18  }
0x2db: {  	[hbm4b:s13+s3] =	stream.indirect_vreg.scatter [tilespmem:s10], [sflag:$0x2], $0x80, v16, vm0, $0xb8;
	[tilespmem:$0x11380] =	vst v63  }
0x2dc: {  	v14 =	vadd.s32 v56, v14  }
0x2dd: {  	[hbm4b:s14+s3] =	stream.indirect_vreg.scatter [tilespmem:s20], [sflag:$0x2], $0x80, v16, vm0, $0xb8;
	[tilespmem:$0x11380] =	vst v63  }
0x2de: {  	_ = 	snop  }
0x2df: {  	[hbm4b:s11+s3] =	stream.indirect_vreg.scatter [tilespmem:s21], [sflag:$0x2], $0x80, v16, vm0, $0xb8;
	[tilespmem:$0x11380] =	vst v63  }
0x2e0: {  	_ = 	snop  }
0x2e1: {  	[hbm4b:s12+s3] =	stream.indirect_vreg.scatter [tilespmem:s22], [sflag:$0x2], $0x80, v14, vm0, $0xb8;
	[tilespmem:$0x11380] =	vst v63  }
0x2e2: {  	_ = 	snop  }
0x2e3: {  	[hbm4b:s13+s3] =	stream.indirect_vreg.scatter [tilespmem:s2], [sflag:$0x2], $0x80, v14, vm0, $0xb8;
	[tilespmem:$0x11380] =	vst v63  }
0x2e4: {  	_ = 	snop  }
0x2e5: {  	[hbm4b:s14+s3] =	stream.indirect_vreg.scatter [tilespmem:s18], [sflag:$0x2], $0x80, v14, vm0, $0xb8;
	[tilespmem:$0x11380] =	vst v63  }
0x2e6: {  	_ = 	snop  }
0x2e7: {  	[hbm4b:s11+s3] =	stream.indirect_vreg.scatter [tilespmem:s24], [sflag:$0x2], $0x80, v14, vm0, $0xb8;
	[tilespmem:$0x11380] =	vst v63  }
0x2e8: {  	v14 =	vld [tilespmem:$0x1220];
	_ =	sdelay $0x4  }
0x2e9: {  	v62 =	vshll.u32 v14, $0x3  }
0x2ea: {  	v14 =	vand.u32 $0x7, v14;
	v16 =	vand.u32 $0xFFFFFFC0, v62  }
0x2eb: {  	v14 =	vor.u32 v14, v16  }
0x2ec: {  	v16 =	vperm.xlane v14, v15;
	_ =	sdelay $0x1  }
0x2ed: {  	v16 =	vadd.s32 v56, v16;
	_ =	sdelay $0x4  }
0x2ee: {  	[hbm4b:s12+s3] =	stream.indirect_vreg.scatter [tilespmem:s25], [sflag:$0x2], $0x80, v16, vm0, $0xb8;
	[tilespmem:$0x11380] =	vst v63  }
0x2ef: {  	v14 =	vperm.xlane v14, v18  }
0x2f0: {  	[hbm4b:s13+s3] =	stream.indirect_vreg.scatter [tilespmem:s4], [sflag:$0x2], $0x80, v16, vm0, $0xb8;
	[tilespmem:$0x11380] =	vst v63  }
0x2f1: {  	v14 =	vadd.s32 v56, v14  }
0x2f2: {  	[hbm4b:s14+s3] =	stream.indirect_vreg.scatter [tilespmem:s16], [sflag:$0x2], $0x80, v16, vm0, $0xb8;
	[tilespmem:$0x11380] =	vst v63  }
0x2f3: {  	_ = 	snop  }
0x2f4: {  	[hbm4b:s11+s3] =	stream.indirect_vreg.scatter [tilespmem:s17], [sflag:$0x2], $0x80, v16, vm0, $0xb8;
	[tilespmem:$0x11380] =	vst v63  }
0x2f5: {  	_ = 	snop  }
0x2f6: {  	[hbm4b:s12+s3] =	stream.indirect_vreg.scatter [tilespmem:s6], [sflag:$0x2], $0x80, v14, vm0, $0xb8;
	[tilespmem:$0x11380] =	vst v63  }
0x2f7: {  	_ = 	snop  }
0x2f8: {  	[hbm4b:s13+s3] =	stream.indirect_vreg.scatter [tilespmem:s7], [sflag:$0x2], $0x80, v14, vm0, $0xb8;
	[tilespmem:$0x11380] =	vst v63  }
0x2f9: {  	_ = 	snop  }
0x2fa: {  	[hbm4b:s14+s3] =	stream.indirect_vreg.scatter [tilespmem:s8], [sflag:$0x2], $0x80, v14, vm0, $0xb8;
	[tilespmem:$0x11380] =	vst v63  }
0x2fb: {  	_ = 	snop  }
0x2fc: {  	[hbm4b:s11+s3] =	stream.indirect_vreg.scatter [tilespmem:s19], [sflag:$0x2], $0x80, v14, vm0, $0xb8;
	[tilespmem:$0x11380] =	vst v63  }
0x2fd: {  	v14 =	vld [tilespmem:$0x1230];
	_ =	sdelay $0x4  }
0x2fe: {  	v63 =	vshll.u32 v14, $0x3  }
0x2ff: {  	v14 =	vand.u32 $0x7, v14;
	v16 =	vand.u32 $0xFFFFFFC0, v63  }
0x300: {  	v14 =	vor.u32 v14, v16  }
0x301: {  	v15 =	vperm.xlane v14, v15;
	_ =	sdelay $0x1  }
0x302: {  	v15 =	vadd.s32 v56, v15;
	_ =	sdelay $0x4  }
0x303: {  	[hbm4b:s12+s3] =	stream.indirect_vreg.scatter [tilespmem:s9], [sflag:$0x2], $0x80, v15, vm0, $0xb8;
	[tilespmem:$0x11380] =	vst v63  }
0x304: {  	v14 =	vperm.xlane v14, v18  }
0x305: {  	[hbm4b:s13+s3] =	stream.indirect_vreg.scatter [tilespmem:s5], [sflag:$0x2], $0x80, v15, vm0, $0xb8;
	[tilespmem:$0x11380] =	vst v63  }
0x306: {  	v14 =	vadd.s32 v56, v14  }
0x307: {  	[hbm4b:s14+s3] =	stream.indirect_vreg.scatter [tilespmem:s23], [sflag:$0x2], $0x80, v15, vm0, $0xb8;
	[tilespmem:$0x11380] =	vst v63  }
0x308: {  	s26 =	simm.s32 $0xEB80  }
0x309: {  	[hbm4b:s11+s3] =	stream.indirect_vreg.scatter [tilespmem:s26], [sflag:$0x2], $0x80, v15, vm0, $0xb8;
	[tilespmem:$0x11380] =	vst v63  }
0x30a: {  	s2 =	simm.s32 $0xF380  }
0x30b: {  	[hbm4b:s12+s3] =	stream.indirect_vreg.scatter [tilespmem:s2], [sflag:$0x2], $0x80, v14, vm0, $0xb8;
	[tilespmem:$0x11380] =	vst v63  }
0x30c: {  	s4 =	simm.s32 $0xFB80  }
0x30d: {  	[hbm4b:s13+s3] =	stream.indirect_vreg.scatter [tilespmem:s4], [sflag:$0x2], $0x80, v14, vm0, $0xb8;
	[tilespmem:$0x11380] =	vst v63  }
0x30e: {  	s10 =	simm.s32 $0x10380  }
0x30f: {  	[hbm4b:s14+s3] =	stream.indirect_vreg.scatter [tilespmem:s10], [sflag:$0x2], $0x80, v14, vm0, $0xb8;
	[tilespmem:$0x11380] =	vst v63  }
0x310: {  	s12 =	simm.s32 $0x10B80;
	s13 =	rddreg [dreg:$0x2]  }
0x311: {  	[hbm4b:s11+s3] =	stream.indirect_vreg.scatter [tilespmem:s12], [sflag:$0x2], $0x80, v14, vm0, $0xb8;
	[tilespmem:$0x11380] =	vst v63  }
0x312: {  	s4 =	simm.s32 $0x1280;
	s14 =	simm.s32 $0x40;
	s11 =	simm.s32 $0x1180  }
0x313: {  	[hbm4b:s13+s14] =	stream.indirect.scatter [tilespmem:s4], [sflag:$0x3], $0x1, s11, s14, $0xb8;
	[tilespmem:$0x11380] =	vst v63  }
0x314: {  	s26 =	simm.s32 $0x1300;
	s12 =	simm.s32 $0x1200  }
0x315: {  	[hbm4b:s13+s14] =	stream.indirect.scatter [tilespmem:s26], [sflag:$0x4], $0x1, s12, s14, $0xb8;
	[tilespmem:$0x11380] =	vst v63  }
0x316: {  	s13 =	simm.s32 $0x1  }
0x317: {  	_ =	swait.ge [sflag:s13], $0x10000  }
0x318: {  	[sflag:s13] =	ssyncset.done $0x0  }
0x319: {  	s14 =	simm.s32 $0x2;
	[sflag:s13] =	ssyncadd.s32 $0xFFFF0000  }
0x31a: {  	_ =	swait.ge [sflag:s14], $0x10000  }
0x31b: {  	[sflag:s14] =	ssyncset.done $0x0  }
0x31c: {  	s2 =	simm.s32 $0x3;
	[sflag:s14] =	ssyncadd.s32 $0xFFFF0000  }
0x31d: {  	_ =	swait.ge [sflag:s2], $0x40  }
0x31e: {  	[sflag:s2] =	ssyncset.done $0x0  }
0x31f: {  	s10 =	simm.s32 $0x4;
	[sflag:s2] =	ssyncadd.s32 $0xFFFFFFC0  }
0x320: {  	_ =	swait.ge [sflag:s10], $0x40  }
0x321: {  	[sflag:s10] =	ssyncset.done $0x0  }
0x322: {  	s11 =	simm.s32 $0x5;
	[sflag:s10] =	ssyncadd.s32 $0xFFFFFFC0  }
0x323: {  	_ =	swait.ge [sflag:s11], $0x80  }
0x324: {  	[sflag:s11] =	ssyncset.done $0x0  }
0x325: {  	s12 =	simm.s32 $0x6;
	[sflag:s11] =	ssyncadd.s32 $0xFFFFFF80  }
0x326: {  	_ =	swait.ge [sflag:s12], $0x80  }
0x327: {  	s13 =	rddreg [dreg:$0x10]  }
0x328: {  	s14 =	rddreg [dreg:$0xb];
	s2 =	sadd.s32 $0x1, s13  }
0x329: {  	p0 =	sne.s32 s2, s14  }
.Ltmp10:
0x32a: {  	_ = 	snop;
	(pc) =	sbr.rel @p0 .LBB2_1-.Ltmp10, $3  }
0x32b: {  	_ =	sdelay $0x1  }
0x32c: {  	[sflag:s12] =	ssyncset.done $0x0  }
0x32d: {  	s0 =	simm.s32 $0x1380;
	[sflag:s12] =	ssyncadd.s32 $0xFFFFFF80  }
0x32e: {  	_ =	sfence.sel $0x180000  }
0x32f: {  	[bflag:$0x0] =	sbarrier.arrive $0xFFFF  }
0x330: {  	_ =	strace $0x9000004A  }
0x331: {  	s0 =	stileid.u32;
	[bflag:$0x2] =	sbarrier.arrive $0xFFFF  }
0x332: {  	p0 =	sne.s32 s0, $0x0;
	s0 =	rddreg [dreg:$0x3]  }
0x333: {  	s0 =	sadd.s32 @!p0 $0x100000, s0  }
0x334: {  	[sflag:s0] =	ssyncadd.tile.s32 @!p0 $0x1;
	_ =	shalt  }
.Lfunc_end2:
_tile_overlayer_lowered:
.L_overlay_start_2:
0x335: {  	(tag) =	ssettag $0x2  }
0x336: {  	s0 =	rddreg [dreg:$0x0];
	s2 =	stileid.u32  }
0x337: {  	s1 =	rddreg [dreg:$0x1];
	p0 =	sne.s32 s2, $0x0  }
0x338: {  	s3 =	rddreg [dreg:$0x2];
	[bflag:$0x3] =	sbarrier.arrive $0xFFFF;
	s2 =	simm.s32 @!p0 $0x1C0A  }
0x339: {  	[timem:s3], [sflag:s2] =	dma.local @!p0 [hbm:s0], s1  }
0x33a: {  	s0 =	simm.s32 @!p0 $0xA  }
0x33b: {  	_ =	swait.ge @!p0 [sflag:s0], s1  }
0x33c: {  	s1 =	ssub.s32 @!p0 $0x0, s1;
	[sflag:s0] =	ssyncset.done @!p0 $0x0  }
0x33d: {  	[sflag:s0] =	ssyncadd.s32 @!p0 s1  }
0x33e: {  	[bflag:$0x3] =	sbarrier.arrive $0xFFFF  }
0x33f: {  	_ =	shalt  }

</sc_bundles>
